<compile_context>
chip_gen: v7x
topology: tpu7x:2x2x1
jax: 0.10.2.dev20260603
libtpu: 0.0.44.dev20260713+nightly
codegen_flags: <defaults>
</compile_context>

<pallas_src>
import functools

import jax
import jax.numpy as jnp
from jax import lax
from jax.experimental import pallas as pl
from jax.experimental.pallas import tpu as pltpu
from jax.experimental.pallas import tpu_sc as plsc

N = 20000
LANES = 128
ROWS = 160
NPAD = ROWS * LANES
K = 2000
KPAD = 2048
BLK = 256
NCH = 16
POST = 100
NEG = -3.0e38
NW = 32
EPW = NPAD // NW
R_OFF = KPAD + 8
DUMP_T = R_OFF + KPAD + 8
DUMP_R = DUMP_T + NPAD
OUT_ROWS = DUMP_R + NPAD

f32 = jnp.float32
i32 = jnp.int32
u32 = jnp.uint32

C_XG, C_YG, C_ZG, C_WG, C_LG, C_HG, C_RG, C_RW = 0, 1, 2, 3, 4, 5, 6, 7
C_X2, C_Y2, C_RA, C_ST, C_SR, C_IDX = 8, 9, 10, 11, 12, 13


def _sortkey(s, valid):
    u = lax.bitcast_convert_type(s, u32)
    key = jnp.where(u >= u32(0x80000000), ~u, u | u32(0x80000000))
    return jnp.where(valid, key, u32(0))


def _kth_key2(key_a, key_b, kwant):
    ta = u32(0)
    tb = u32(0)
    for b in range(31, -1, -1):
        ca = ta | u32(1 << b)
        cb = tb | u32(1 << b)
        cnta = jnp.sum((key_a >= ca).astype(i32))
        cntb = jnp.sum((key_b >= cb).astype(i32))
        ta = jnp.where(cnta >= kwant, ca, ta)
        tb = jnp.where(cntb >= kwant, cb, tb)
    return ta, tb


def _excl_cumsum(x, l_incl, l_strict_rows):
    incl = jnp.dot(x, l_incl, preferred_element_type=f32)
    rowtot = jnp.sum(x, axis=1, keepdims=True)
    prev_rows = jnp.dot(l_strict_rows, rowtot, preferred_element_type=f32)
    return incl - x + prev_rows


def _dest_of(key, t, l_incl, l_strict_rows, base, dump, flat):
    gt = key > t
    eq = key == t
    c_gt = jnp.sum(gt.astype(f32))
    need = f32(K) - c_gt
    tie_rank = _excl_cumsum(eq.astype(f32), l_incl, l_strict_rows)
    sel = gt | (eq & (tie_rank < need))
    pos = _excl_cumsum(sel.astype(f32), l_incl, l_strict_rows).astype(i32)
    return jnp.where(sel, pos + i32(base), flat + i32(dump))


def _prep_body(resid_ref, logit_ref, res_ref, reg_ref, anc_ref,
               table_ref, destt_ref, destr_ref):
    resid = resid_ref[0, 0]
    logit = logit_ref[...]
    res = res_ref[...]
    xa, ya, za = anc_ref[0], anc_ref[1], anc_ref[2]
    wa, la, ha, ra = anc_ref[3], anc_ref[4], anc_ref[5], anc_ref[6]
    r0, r1, r2 = reg_ref[0], reg_ref[1], reg_ref[2]
    r3, r4, r5, r6 = reg_ref[3], reg_ref[4], reg_ref[5], reg_ref[6]

    diag = jnp.sqrt(la * la + wa * wa)
    xg = r0 / 10.0 * diag + xa
    yg = r1 / 10.0 * diag + ya
    zg = r2 / 10.0 * ha + za
    wg = jnp.exp(r3 / 5.0) * wa
    lg = jnp.exp(r4 / 5.0) * la
    hg = jnp.exp(r5 / 5.0) * ha
    rg = r6 / 10.0 + ra
    rw = jnp.arctan2(jnp.sin(rg), jnp.cos(rg))
    x2 = r0 / 10.0 * wa + xa
    y2 = r1 / 10.0 * la + ya

    score_t = jax.nn.sigmoid(jax.nn.sigmoid(logit)) + resid
    score_r = res + resid

    row_i = lax.broadcasted_iota(i32, (ROWS, LANES), 0)
    lane_i = lax.broadcasted_iota(i32, (ROWS, LANES), 1)
    flat = row_i * LANES + lane_i
    valid = flat < N
    flat_f = flat.astype(f32)

    for c, v in ((C_XG, xg), (C_YG, yg), (C_ZG, zg), (C_WG, wg), (C_LG, lg),
                 (C_HG, hg), (C_RG, rg), (C_RW, rw), (C_X2, x2), (C_Y2, y2),
                 (C_RA, ra), (C_ST, score_t), (C_SR, score_r), (C_IDX, flat_f),
                 (14, jnp.zeros((ROWS, LANES), f32)),
                 (15, jnp.zeros((ROWS, LANES), f32))):
        table_ref[c] = v

    li_r = lax.broadcasted_iota(i32, (LANES, LANES), 0)
    li_c = lax.broadcasted_iota(i32, (LANES, LANES), 1)
    l_incl = (li_r <= li_c).astype(f32)
    rr = lax.broadcasted_iota(i32, (ROWS, ROWS), 0)
    rc = lax.broadcasted_iota(i32, (ROWS, ROWS), 1)
    l_strict = (rc < rr).astype(f32)

    key_t = _sortkey(score_t, valid)
    key_r = _sortkey(score_r, valid)
    tt, tr = _kth_key2(key_t, key_r, K)
    destt_ref[...] = _dest_of(key_t, tt, l_incl, l_strict, 0, DUMP_T, flat)
    destr_ref[...] = _dest_of(key_r, tr, l_incl, l_strict, R_OFF, DUMP_R,
                              flat)


def _prep(resid, logit, res, reg, anc):
    return pl.pallas_call(
        _prep_body,
        out_shape=[
            jax.ShapeDtypeStruct((NCH, ROWS, LANES), f32),
            jax.ShapeDtypeStruct((ROWS, LANES), i32),
            jax.ShapeDtypeStruct((ROWS, LANES), i32),
        ],
    )(resid, logit, res, reg, anc)


def _scatter_rows(table2d, destt, destr):
    mesh = plsc.VectorSubcoreMesh(core_axis_name="c", subcore_axis_name="s")
    nchunk = EPW // LANES

    @functools.partial(
        pl.kernel, mesh=mesh,
        out_type=jax.ShapeDtypeStruct((OUT_ROWS, NCH), f32),
        compiler_params=pltpu.CompilerParams(use_tc_tiling_on_sc=False),
        scratch_types=[
            pltpu.VMEM((EPW, NCH), f32),
            pltpu.VMEM((nchunk, LANES), i32),
            pltpu.VMEM((nchunk, LANES), i32),
            pltpu.SemaphoreType.DMA,
        ],
    )
    def k(table_hbm, dt_hbm, dr_hbm, out_hbm, rows_v, dt_v, dr_v, sem):
        wid = lax.axis_index("s") * 2 + lax.axis_index("c")
        base = wid * EPW
        pltpu.sync_copy(table_hbm.at[pl.ds(base, EPW)], rows_v)
        pltpu.sync_copy(dt_hbm.at[wid], dt_v)
        pltpu.sync_copy(dr_hbm.at[wid], dr_v)
        copies = []
        for c in range(nchunk):
            rows_c = rows_v.at[pl.ds(c * LANES, LANES)]
            copies.append(pltpu.async_copy(rows_c, out_hbm.at[dt_v.at[c]],
                                           sem))
            copies.append(pltpu.async_copy(rows_c, out_hbm.at[dr_v.at[c]],
                                           sem))
        for cp in copies:
            cp.wait()

    return k(table2d, destt, destr)


def _row(t, c):
    return t[c:c + 1, :]


def _iou_prec_block(colT, rowpre, blk):
    x1j, x2j, y1j, y2j, areaj, sj, ij = rowpre
    sl = slice(blk * BLK, (blk + 1) * BLK)
    xi = colT[sl, 0:1]
    yi = colT[sl, 1:2]
    wi = colT[sl, 2:3]
    li = colT[sl, 3:4]
    si = colT[sl, 4:5]
    ii = colT[sl, 5:6]
    x1i = xi - wi * 0.5
    x2i = xi + wi * 0.5
    y1i = yi - li * 0.5
    y2i = yi + li * 0.5
    areai = (x2i - x1i) * (y2i - y1i)
    ix1 = jnp.maximum(x1i, x1j)
    iy1 = jnp.maximum(y1i, y1j)
    ix2 = jnp.minimum(x2i, x2j)
    iy2 = jnp.minimum(y2i, y2j)
    inter = jnp.clip(ix2 - ix1, 0.0) * jnp.clip(iy2 - iy1, 0.0)
    union = areai + areaj - inter
    iou = inter / jnp.maximum(union, 1e-8)
    prec = (si > sj) | ((si == sj) & (ii < ij))
    vi = (lax.broadcasted_iota(i32, (BLK, 1), 0) + blk * BLK) < K
    return ((iou > 0.01) & prec & vi).astype(jnp.bfloat16)


def _nms_fixpoint(M_ref, keep_ref):
    keep_ref[...] = jnp.ones((1, KPAD), jnp.bfloat16)

    def cond(c):
        return c > 0

    def body(c):
        kv = keep_ref[...]
        supp = jnp.dot(kv, M_ref[...], preferred_element_type=f32)
        knew = (supp < 0.5).astype(jnp.bfloat16)
        changed = jnp.sum(jnp.abs((knew - kv).astype(f32)))
        keep_ref[...] = knew
        return (changed > 0.0).astype(i32)

    lax.while_loop(cond, body, i32(1))
    return keep_ref[...].astype(f32)


def _rank_of(colsub, rowsub, k_row, valid_row):
    s_row, i_row = rowsub
    m_row = jnp.where((k_row > 0.5) & valid_row, s_row, NEG)
    rank = jnp.zeros((1, KPAD), f32)
    for blk in range(KPAD // BLK):
        sl = slice(blk * BLK, (blk + 1) * BLK)
        eye = (lax.broadcasted_iota(i32, (BLK, BLK), 0)
               == lax.broadcasted_iota(i32, (BLK, BLK), 1))
        k_col = jnp.sum(jnp.where(eye, k_row[:, sl], 0.0), axis=1,
                        keepdims=True)
        v_col = (lax.broadcasted_iota(i32, (BLK, 1), 0) + blk * BLK) < K
        s_col = colsub[sl, 0:1]
        i_col = colsub[sl, 1:2]
        m_col = jnp.where((k_col > 0.5) & v_col, s_col, NEG)
        gt = (m_col > m_row) | ((m_col == m_row) & (i_col < i_row))
        rank = rank + jnp.sum(gt.astype(f32), axis=0, keepdims=True)
    return rank, m_row


def _emit(out_ref, p, rowT, chans, rank, mask_row):
    sel = (lax.broadcasted_iota(i32, (POST + 28, KPAD), 0).astype(f32)
           == rank).astype(f32)
    cols = []
    for c in chans:
        d = jnp.where(mask_row > 0.5, _row(rowT, c), 0.0)
        cols.append(jnp.sum(sel * d, axis=1, keepdims=True))
    out_ref[p] = jnp.concatenate(cols, axis=1)


def _nms_body(tc_ref, tr_ref, rc_ref, rr_ref, out_ref, M_ref, keep_ref):
    valid_row = lax.broadcasted_iota(i32, (1, KPAD), 1) < K

    def run(colT_full, rowT, xch, ych, sch, outs):
        colsubM = jnp.concatenate(
            [colT_full[:, xch:xch + 1], colT_full[:, ych:ych + 1],
             colT_full[:, C_WG:C_WG + 1], colT_full[:, C_LG:C_LG + 1],
             colT_full[:, sch:sch + 1], colT_full[:, C_IDX:C_IDX + 1]],
            axis=1)
        xj = _row(rowT, xch)
        yj = _row(rowT, ych)
        wj = _row(rowT, C_WG)
        lj = _row(rowT, C_LG)
        sj = _row(rowT, sch)
        ij = _row(rowT, C_IDX)
        x1j = xj - wj * 0.5
        x2j = xj + wj * 0.5
        y1j = yj - lj * 0.5
        y2j = yj + lj * 0.5
        areaj = (x2j - x1j) * (y2j - y1j)
        rowpre = (x1j, x2j, y1j, y2j, areaj, sj, ij)
        for blk in range(KPAD // BLK):
            sl = slice(blk * BLK, (blk + 1) * BLK)
            M_ref[sl, :] = _iou_prec_block(colsubM, rowpre, blk)
        k_row = _nms_fixpoint(M_ref, keep_ref)
        colsubR = jnp.concatenate(
            [colT_full[:, sch:sch + 1], colT_full[:, C_IDX:C_IDX + 1]], axis=1)
        rank, _ = _rank_of(colsubR, (sj, ij), k_row, valid_row)
        zj = _row(rowT, C_ZG)
        in_rng = ((xj >= 0.0) & (xj <= 70.4) & (yj >= -40.0) & (yj <= 40.0)
                  & (zj >= -2.2) & (zj <= 0.8))
        mask_row = (in_rng & (k_row > 0.5) & valid_row).astype(f32)
        for p, ang in outs:
            _emit(out_ref, p, rowT,
                  (xch, ych, C_ZG, C_WG, C_LG, C_HG, ang, sch), rank, mask_row)

    tc = tc_ref[...]
    rc = rc_ref[...]
    run(tc, tr_ref[...], C_XG, C_YG, C_ST, ((0, C_RG), (2, C_RW)))
    run(tc, tr_ref[...], C_X2, C_Y2, C_ST, ((1, C_RA),))
    run(rc, rr_ref[...], C_XG, C_YG, C_SR, ((3, C_RW),))


def _nms(tc, tr, rc, rr):
    return pl.pallas_call(
        _nms_body,
        out_shape=jax.ShapeDtypeStruct((4, POST + 28, 8), f32),
        scratch_shapes=[
            pltpu.VMEM((KPAD, KPAD), jnp.bfloat16),
            pltpu.VMEM((1, KPAD), jnp.bfloat16),
        ],
    )(tc, tr, rc, rr)


def kernel(class_logits, box_regression, anchors, res_scores,
           post_max_into_pre_max):
    resid = (jnp.asarray(post_max_into_pre_max, f32) - 2000.0).reshape(1, 1)
    pad = NPAD - N
    logit = jnp.pad(class_logits[:, 0], (0, pad)).reshape(ROWS, LANES)
    res = jnp.pad(res_scores, (0, pad)).reshape(ROWS, LANES)
    reg = jnp.pad(box_regression, ((0, pad), (0, 0))).T.reshape(7, ROWS, LANES)
    anc = jnp.pad(anchors, ((0, pad), (0, 0))).T.reshape(7, ROWS, LANES)

    table, destt, destr = _prep(resid, logit, res, reg, anc)
    table2d = table.reshape(NCH, NPAD).T
    rows = _scatter_rows(table2d,
                         destt.reshape(NW, EPW // LANES, LANES),
                         destr.reshape(NW, EPW // LANES, LANES))

    tcol = rows[:KPAD]
    rcol = rows[R_OFF:R_OFF + KPAD]
    out = _nms(tcol, tcol.T, rcol, rcol.T)
    return out[:, :POST, :]

# --- scband reference (transcript-rebuilt; emitter-appended) ---
"""Pipeline reference for scband-post-processor-33784212750804 (READ-ONLY COPY).

The authoritative reference and input builder live on the scoring server;
editing this copy changes nothing except your own understanding.
"""

import jax, jax.numpy as jnp
import numpy as np

WEIGHTS = (10.0, 10.0, 10.0, 5.0, 5.0, 5.0, 10.0)


def _split_anchors(anchors):
    return [anchors[:, i] for i in range(7)]


def decode_ori(rel, anchors):
    xa, ya, za, wa, la, ha, ra = _split_anchors(anchors)
    wx, wy, wz, ww, wl, wh, wr = WEIGHTS
    diag = jnp.sqrt(la * la + wa * wa)
    xg = rel[:, 0] / wx * diag + xa
    yg = rel[:, 1] / wy * diag + ya
    zg = rel[:, 2] / wz * ha + za
    wg = jnp.exp(rel[:, 3] / ww) * wa
    lg = jnp.exp(rel[:, 4] / wl) * la
    hg = jnp.exp(rel[:, 5] / wh) * ha
    rg = rel[:, 6] / wr + ra
    return jnp.stack([xg, yg, zg, wg, lg, hg, rg], axis=1)


def decode2(rel, anchors):
    xa, ya, za, wa, la, ha, ra = _split_anchors(anchors)
    wx, wy, wz, ww, wl, wh, wr = WEIGHTS
    xg = rel[:, 0] / wx * wa + xa
    yg = rel[:, 1] / wy * la + ya
    zg = rel[:, 2] / wz * ha + za
    wg = jnp.exp(rel[:, 3] / ww) * wa
    lg = jnp.exp(rel[:, 4] / wl) * la
    hg = jnp.exp(rel[:, 5] / wh) * ha
    rg = ra
    return jnp.stack([xg, yg, zg, wg, lg, hg, rg], axis=1)


def decode3_ori(rel, anchors):
    b = decode_ori(rel, anchors)
    rg = jnp.arctan2(jnp.sin(b[:, 6]), jnp.cos(b[:, 6]))
    return b.at[:, 6].set(rg)


def _pairwise_iou(b):
    x1 = b[:, 0] - b[:, 2] * 0.5
    y1 = b[:, 1] - b[:, 3] * 0.5
    x2 = b[:, 0] + b[:, 2] * 0.5
    y2 = b[:, 1] + b[:, 3] * 0.5
    area = (x2 - x1) * (y2 - y1)
    ix1 = jnp.maximum(x1[:, None], x1[None, :])
    iy1 = jnp.maximum(y1[:, None], y1[None, :])
    ix2 = jnp.minimum(x2[:, None], x2[None, :])
    iy2 = jnp.minimum(y2[:, None], y2[None, :])
    inter = jnp.clip(ix2 - ix1, 0.0) * jnp.clip(iy2 - iy1, 0.0)
    union = area[:, None] + area[None, :] - inter
    return inter / jnp.maximum(union, 1e-8)


def rotate_nms(boxes5, scores, pre_max_size, post_max_size, iou_threshold):
    K = min(int(pre_max_size), int(scores.shape[0]))
    s_ng = jax.lax.stop_gradient(scores)
    b_ng = jax.lax.stop_gradient(boxes5)
    vals, idx = jax.lax.top_k(s_ng, K)
    b = b_ng[idx]
    iou = _pairwise_iou(b)
    order = jnp.arange(K)

    def body(i, keep):
        sup = (iou[i] > iou_threshold) & keep[i] & (order > i)
        return keep & (~sup)

    keep = jax.lax.fori_loop(0, K, body, jnp.ones((K,), dtype=bool))
    masked = jnp.where(keep, vals, -jnp.inf)
    _, sel_local = jax.lax.top_k(masked, post_max_size)
    sel = idx[sel_local]
    valid = keep[sel_local]
    return sel, valid


def _nms_path(box_preds, scores, pre_max, pcr):
    cols = jnp.array([0, 1, 3, 4, 6])
    sel, valid = rotate_nms(box_preds[:, cols], scores, pre_max, 100, 0.01)
    sb = box_preds[sel]
    ss = scores[sel]
    mask = jnp.all(sb[:, :3] >= pcr[:3], axis=1) & jnp.all(sb[:, :3] <= pcr[3:], axis=1) & valid
    m = mask.astype(sb.dtype)
    return jnp.concatenate([sb * m[:, None], (ss * m)[:, None]], axis=1)


def reference(class_logits, box_regression, anchors, res_scores, post_max_into_pre_max):
    class_prob = jax.nn.sigmoid(class_logits)
    proposals = decode_ori(box_regression, anchors)
    proposals2 = decode2(box_regression, anchors)
    proposals3 = decode3_ori(box_regression, anchors)
    proposals4 = decode3_ori(box_regression, anchors)
    total_scores = jax.nn.sigmoid(class_prob)
    top_scores = total_scores[:, 0]
    pcr = jnp.array([0.0, -40.0, -2.2, 70.4, 40.0, 0.8], dtype=jnp.float32)
    pre_max = 2000
    residual = jnp.asarray(post_max_into_pre_max, dtype=top_scores.dtype) - pre_max
    top_scores = top_scores + residual
    res_scores = res_scores + residual.astype(res_scores.dtype)
    out1 = _nms_path(proposals, top_scores, pre_max, pcr)
    out2 = _nms_path(proposals2, top_scores, pre_max, pcr)
    out3 = _nms_path(proposals3, top_scores, pre_max, pcr)
    out_old = _nms_path(proposals4, res_scores, pre_max, pcr)
    return jnp.stack([out1, out2, out3, out_old], axis=0)


def setup_inputs(seed: int = 0) -> dict:
    key = jax.random.key(seed)
    k1, k2, k3, k4 = jax.random.split(key, 4)
    N = 20000
    class_logits = jax.random.normal(k1, (N, 1), dtype=jnp.float32)
    box_regression = jax.random.normal(k2, (N, 7), dtype=jnp.float32) * 0.5
    u = jax.random.uniform(k3, (N, 7), dtype=jnp.float32)
    xa = u[:, 0] * 70.4
    ya = u[:, 1] * 80.0 - 40.0
    za = u[:, 2] * 3.0 - 2.2
    wa = 1.6 + u[:, 3] * 0.5
    la = 3.9 + u[:, 4] * 1.0
    ha = 1.56 + u[:, 5] * 0.5
    ra = (u[:, 6] * 2.0 - 1.0) * np.pi
    anchors = jnp.stack([xa, ya, za, wa, la, ha, ra], axis=1)
    res_scores = jax.random.uniform(k4, (N,), dtype=jnp.float32)
    return {
        "class_logits": class_logits,
        "box_regression": box_regression,
        "anchors": anchors,
        "res_scores": res_scores,
        "post_max_into_pre_max": 2000,
    }

if __name__ == "__main__":
    import jax
    _d = setup_inputs()
    print(jax.jit(kernel)(*tuple(_d.values())))

</pallas_src>

<mosaic_0001>
#map = affine_map<(d0, d1) -> (0, 0)>
#map1 = affine_map<(d0, d1) -> (0, 0, 0)>
module attributes {stable_mosaic.version = 14 : i64} {
  func.func @k(%arg0: i32, %arg1: i32, %arg2: memref<20480x16xf32, #tpu.memory_space<hbm>>, %arg3: memref<32x5x128xi32, #tpu.memory_space<hbm>>, %arg4: memref<32x5x128xi32, #tpu.memory_space<hbm>>, %arg5: memref<45072x16xf32, #tpu.memory_space<hbm>>, %arg6: memref<640x16xf32, #tpu.memory_space<vmem>>, %arg7: memref<5x128xi32, #tpu.memory_space<vmem>>, %arg8: memref<5x128xi32, #tpu.memory_space<vmem>>, %arg9: memref<!tpu.dma_semaphore, #tpu.memory_space<semaphore_mem>>) attributes {dimension_semantics = [#tpu.dimension_semantics<core_parallel>, #tpu.dimension_semantics<subcore_parallel>], iteration_bounds = array<i64: 2, 16>, scalar_prefetch = 0 : i64, scratch_operands = 4 : i64, tpu.core_type = #tpu.core_type<sc_vector_subcore>, window_params = [{transform_indices = #map}, {transform_indices = #map1}, {transform_indices = #map1}, {transform_indices = #map}]} {
    %mul3A = arith.constant 2 : i32
    %mul3A_0 = arith.muli %arg1, %mul3A : i32
    %add3A = arith.addi %mul3A_0, %arg0 : i32
    %mul3A_1 = arith.constant 640 : i32
    %mul3A_2 = arith.muli %add3A, %mul3A_1 : i32
    "tpu.region"() ({
      %run_scoped3A = tpu.sem_alloc : memref<!tpu.dma_semaphore, #tpu.memory_space<semaphore_mem>>
      %dma_start3A_201 = arith.constant 0 : i32
      %dma_start3A_202 = tpu.memref_slice %arg2[%mul3A_2, %dma_start3A_201] : memref<20480x16xf32, #tpu.memory_space<hbm>> -> memref<640x16xf32, #tpu.memory_space<hbm>>
      %dma_start3A_203 = arith.constant 0 : i32
      %dma_start3A_204 = tpu.memref_slice %arg2[%mul3A_2, %dma_start3A_203] : memref<20480x16xf32, #tpu.memory_space<hbm>> -> memref<640x16xf32, #tpu.memory_space<hbm>>
      tpu.enqueue_dma source(%dma_start3A_204 : memref<640x16xf32, #tpu.memory_space<hbm>>) target(%arg6 : memref<640x16xf32, #tpu.memory_space<vmem>>) target_semaphore(%run_scoped3A : memref<!tpu.dma_semaphore, #tpu.memory_space<semaphore_mem>>)
      %dma_wait3A_205 = arith.constant 0 : i32
      %dma_wait3A_206 = tpu.memref_slice %arg2[%mul3A_2, %dma_wait3A_205] : memref<20480x16xf32, #tpu.memory_space<hbm>> -> memref<640x16xf32, #tpu.memory_space<hbm>>
      %dma_wait3A_207 = arith.constant 0 : i32
      %dma_wait3A_208 = tpu.memref_slice %arg2[%mul3A_2, %dma_wait3A_207] : memref<20480x16xf32, #tpu.memory_space<hbm>> -> memref<640x16xf32, #tpu.memory_space<hbm>>
      tpu.wait_dma2 semaphore(%run_scoped3A : memref<!tpu.dma_semaphore, #tpu.memory_space<semaphore_mem>>) src(%dma_wait3A_208 : memref<640x16xf32, #tpu.memory_space<hbm>>) dst(%arg6 : memref<640x16xf32, #tpu.memory_space<vmem>>)
      tpu.yield
    }) : () -> ()
    "tpu.region"() ({
      %run_scoped3A = tpu.sem_alloc : memref<!tpu.dma_semaphore, #tpu.memory_space<semaphore_mem>>
      %dma_start3A_201 = arith.constant 0 : i32
      %dma_start3A_202 = arith.constant 0 : i32
      %dma_start3A_203 = tpu.memref_slice %arg3[%add3A, %dma_start3A_201, %dma_start3A_202] : memref<32x5x128xi32, #tpu.memory_space<hbm>> -> memref<1x5x128xi32, #tpu.memory_space<hbm>>
      %dma_start3A_204 = tpu.memref_squeeze %dma_start3A_203 : memref<1x5x128xi32, #tpu.memory_space<hbm>> -> memref<5x128xi32, #tpu.memory_space<hbm>>
      %dma_start3A_205 = arith.constant 0 : i32
      %dma_start3A_206 = arith.constant 0 : i32
      %dma_start3A_207 = tpu.memref_slice %arg3[%add3A, %dma_start3A_205, %dma_start3A_206] : memref<32x5x128xi32, #tpu.memory_space<hbm>> -> memref<1x5x128xi32, #tpu.memory_space<hbm>>
      %dma_start3A_208 = tpu.memref_squeeze %dma_start3A_207 : memref<1x5x128xi32, #tpu.memory_space<hbm>> -> memref<5x128xi32, #tpu.memory_space<hbm>>
      tpu.enqueue_dma source(%dma_start3A_208 : memref<5x128xi32, #tpu.memory_space<hbm>>) target(%arg7 : memref<5x128xi32, #tpu.memory_space<vmem>>) target_semaphore(%run_scoped3A : memref<!tpu.dma_semaphore, #tpu.memory_space<semaphore_mem>>)
      %dma_wait3A_209 = arith.constant 0 : i32
      %dma_wait3A_210 = arith.constant 0 : i32
      %dma_wait3A_211 = tpu.memref_slice %arg3[%add3A, %dma_wait3A_209, %dma_wait3A_210] : memref<32x5x128xi32, #tpu.memory_space<hbm>> -> memref<1x5x128xi32, #tpu.memory_space<hbm>>
      %dma_wait3A_212 = tpu.memref_squeeze %dma_wait3A_211 : memref<1x5x128xi32, #tpu.memory_space<hbm>> -> memref<5x128xi32, #tpu.memory_space<hbm>>
      %dma_wait3A_213 = arith.constant 0 : i32
      %dma_wait3A_214 = arith.constant 0 : i32
      %dma_wait3A_215 = tpu.memref_slice %arg3[%add3A, %dma_wait3A_213, %dma_wait3A_214] : memref<32x5x128xi32, #tpu.memory_space<hbm>> -> memref<1x5x128xi32, #tpu.memory_space<hbm>>
      %dma_wait3A_216 = tpu.memref_squeeze %dma_wait3A_215 : memref<1x5x128xi32, #tpu.memory_space<hbm>> -> memref<5x128xi32, #tpu.memory_space<hbm>>
      tpu.wait_dma2 semaphore(%run_scoped3A : memref<!tpu.dma_semaphore, #tpu.memory_space<semaphore_mem>>) src(%dma_wait3A_216 : memref<5x128xi32, #tpu.memory_space<hbm>>) dst(%arg7 : memref<5x128xi32, #tpu.memory_space<vmem>>)
      tpu.yield
    }) : () -> ()
    "tpu.region"() ({
      %run_scoped3A = tpu.sem_alloc : memref<!tpu.dma_semaphore, #tpu.memory_space<semaphore_mem>>
      %dma_start3A_201 = arith.constant 0 : i32
      %dma_start3A_202 = arith.constant 0 : i32
      %dma_start3A_203 = tpu.memref_slice %arg4[%add3A, %dma_start3A_201, %dma_start3A_202] : memref<32x5x128xi32, #tpu.memory_space<hbm>> -> memref<1x5x128xi32, #tpu.memory_space<hbm>>
      %dma_start3A_204 = tpu.memref_squeeze %dma_start3A_203 : memref<1x5x128xi32, #tpu.memory_space<hbm>> -> memref<5x128xi32, #tpu.memory_space<hbm>>
      %dma_start3A_205 = arith.constant 0 : i32
      %dma_start3A_206 = arith.constant 0 : i32
      %dma_start3A_207 = tpu.memref_slice %arg4[%add3A, %dma_start3A_205, %dma_start3A_206] : memref<32x5x128xi32, #tpu.memory_space<hbm>> -> memref<1x5x128xi32, #tpu.memory_space<hbm>>
      %dma_start3A_208 = tpu.memref_squeeze %dma_start3A_207 : memref<1x5x128xi32, #tpu.memory_space<hbm>> -> memref<5x128xi32, #tpu.memory_space<hbm>>
      tpu.enqueue_dma source(%dma_start3A_208 : memref<5x128xi32, #tpu.memory_space<hbm>>) target(%arg8 : memref<5x128xi32, #tpu.memory_space<vmem>>) target_semaphore(%run_scoped3A : memref<!tpu.dma_semaphore, #tpu.memory_space<semaphore_mem>>)
      %dma_wait3A_209 = arith.constant 0 : i32
      %dma_wait3A_210 = arith.constant 0 : i32
      %dma_wait3A_211 = tpu.memref_slice %arg4[%add3A, %dma_wait3A_209, %dma_wait3A_210] : memref<32x5x128xi32, #tpu.memory_space<hbm>> -> memref<1x5x128xi32, #tpu.memory_space<hbm>>
      %dma_wait3A_212 = tpu.memref_squeeze %dma_wait3A_211 : memref<1x5x128xi32, #tpu.memory_space<hbm>> -> memref<5x128xi32, #tpu.memory_space<hbm>>
      %dma_wait3A_213 = arith.constant 0 : i32
      %dma_wait3A_214 = arith.constant 0 : i32
      %dma_wait3A_215 = tpu.memref_slice %arg4[%add3A, %dma_wait3A_213, %dma_wait3A_214] : memref<32x5x128xi32, #tpu.memory_space<hbm>> -> memref<1x5x128xi32, #tpu.memory_space<hbm>>
      %dma_wait3A_216 = tpu.memref_squeeze %dma_wait3A_215 : memref<1x5x128xi32, #tpu.memory_space<hbm>> -> memref<5x128xi32, #tpu.memory_space<hbm>>
      tpu.wait_dma2 semaphore(%run_scoped3A : memref<!tpu.dma_semaphore, #tpu.memory_space<semaphore_mem>>) src(%dma_wait3A_216 : memref<5x128xi32, #tpu.memory_space<hbm>>) dst(%arg8 : memref<5x128xi32, #tpu.memory_space<vmem>>)
      tpu.yield
    }) : () -> ()
    %dma_start3A = arith.constant 0 : i32
    %dma_start3A_3 = arith.constant 0 : i32
    %dma_start3A_4 = arith.constant 0 : i32
    %dma_start3A_5 = tpu.memref_slice %arg6[%dma_start3A_3, %dma_start3A_4] : memref<640x16xf32, #tpu.memory_space<vmem>> -> memref<128x16xf32, #tpu.memory_space<vmem>>
    %dma_start3A_6 = arith.constant 0 : i32
    %dma_start3A_7 = tpu.memref_slice %arg7[%dma_start3A, %dma_start3A_6] : memref<5x128xi32, #tpu.memory_space<vmem>> -> memref<1x128xi32, #tpu.memory_space<vmem>>
    %dma_start3A_8 = tpu.memref_squeeze %dma_start3A_7 : memref<1x128xi32, #tpu.memory_space<vmem>> -> memref<128xi32, #tpu.memory_space<vmem>>
    %dma_start3A_9 = arith.constant 0 : i32
    %dma_start3A_10 = arith.constant 0 : i32
    %dma_start3A_11 = tpu.memref_slice %arg5[%dma_start3A_9, %dma_start3A_10] : memref<45072x16xf32, #tpu.memory_space<hbm>> -> memref<45072x16xf32, #tpu.memory_space<hbm>>
    tpu.enqueue_indirect_dma source(%dma_start3A_5 : memref<128x16xf32, #tpu.memory_space<vmem>>) target(%dma_start3A_11 : memref<45072x16xf32, #tpu.memory_space<hbm>>) offsets(%dma_start3A_8 : memref<128xi32, #tpu.memory_space<vmem>>) semaphore(%arg9 : memref<!tpu.dma_semaphore, #tpu.memory_space<semaphore_mem>>)
    %dma_start3A_12 = arith.constant 0 : i32
    %dma_start3A_13 = arith.constant 0 : i32
    %dma_start3A_14 = arith.constant 0 : i32
    %dma_start3A_15 = tpu.memref_slice %arg6[%dma_start3A_13, %dma_start3A_14] : memref<640x16xf32, #tpu.memory_space<vmem>> -> memref<128x16xf32, #tpu.memory_space<vmem>>
    %dma_start3A_16 = arith.constant 0 : i32
    %dma_start3A_17 = tpu.memref_slice %arg8[%dma_start3A_12, %dma_start3A_16] : memref<5x128xi32, #tpu.memory_space<vmem>> -> memref<1x128xi32, #tpu.memory_space<vmem>>
    %dma_start3A_18 = tpu.memref_squeeze %dma_start3A_17 : memref<1x128xi32, #tpu.memory_space<vmem>> -> memref<128xi32, #tpu.memory_space<vmem>>
    %dma_start3A_19 = arith.constant 0 : i32
    %dma_start3A_20 = arith.constant 0 : i32
    %dma_start3A_21 = tpu.memref_slice %arg5[%dma_start3A_19, %dma_start3A_20] : memref<45072x16xf32, #tpu.memory_space<hbm>> -> memref<45072x16xf32, #tpu.memory_space<hbm>>
    tpu.enqueue_indirect_dma source(%dma_start3A_15 : memref<128x16xf32, #tpu.memory_space<vmem>>) target(%dma_start3A_21 : memref<45072x16xf32, #tpu.memory_space<hbm>>) offsets(%dma_start3A_18 : memref<128xi32, #tpu.memory_space<vmem>>) semaphore(%arg9 : memref<!tpu.dma_semaphore, #tpu.memory_space<semaphore_mem>>)
    %dma_start3A_22 = arith.constant 1 : i32
    %dma_start3A_23 = arith.constant 128 : i32
    %dma_start3A_24 = arith.constant 0 : i32
    %dma_start3A_25 = tpu.memref_slice %arg6[%dma_start3A_23, %dma_start3A_24] : memref<640x16xf32, #tpu.memory_space<vmem>> -> memref<128x16xf32, #tpu.memory_space<vmem>>
    %dma_start3A_26 = arith.constant 0 : i32
    %dma_start3A_27 = tpu.memref_slice %arg7[%dma_start3A_22, %dma_start3A_26] : memref<5x128xi32, #tpu.memory_space<vmem>> -> memref<1x128xi32, #tpu.memory_space<vmem>>
    %dma_start3A_28 = tpu.memref_squeeze %dma_start3A_27 : memref<1x128xi32, #tpu.memory_space<vmem>> -> memref<128xi32, #tpu.memory_space<vmem>>
    %dma_start3A_29 = arith.constant 0 : i32
    %dma_start3A_30 = arith.constant 0 : i32
    %dma_start3A_31 = tpu.memref_slice %arg5[%dma_start3A_29, %dma_start3A_30] : memref<45072x16xf32, #tpu.memory_space<hbm>> -> memref<45072x16xf32, #tpu.memory_space<hbm>>
    tpu.enqueue_indirect_dma source(%dma_start3A_25 : memref<128x16xf32, #tpu.memory_space<vmem>>) target(%dma_start3A_31 : memref<45072x16xf32, #tpu.memory_space<hbm>>) offsets(%dma_start3A_28 : memref<128xi32, #tpu.memory_space<vmem>>) semaphore(%arg9 : memref<!tpu.dma_semaphore, #tpu.memory_space<semaphore_mem>>)
    %dma_start3A_32 = arith.constant 1 : i32
    %dma_start3A_33 = arith.constant 128 : i32
    %dma_start3A_34 = arith.constant 0 : i32
    %dma_start3A_35 = tpu.memref_slice %arg6[%dma_start3A_33, %dma_start3A_34] : memref<640x16xf32, #tpu.memory_space<vmem>> -> memref<128x16xf32, #tpu.memory_space<vmem>>
    %dma_start3A_36 = arith.constant 0 : i32
    %dma_start3A_37 = tpu.memref_slice %arg8[%dma_start3A_32, %dma_start3A_36] : memref<5x128xi32, #tpu.memory_space<vmem>> -> memref<1x128xi32, #tpu.memory_space<vmem>>
    %dma_start3A_38 = tpu.memref_squeeze %dma_start3A_37 : memref<1x128xi32, #tpu.memory_space<vmem>> -> memref<128xi32, #tpu.memory_space<vmem>>
    %dma_start3A_39 = arith.constant 0 : i32
    %dma_start3A_40 = arith.constant 0 : i32
    %dma_start3A_41 = tpu.memref_slice %arg5[%dma_start3A_39, %dma_start3A_40] : memref<45072x16xf32, #tpu.memory_space<hbm>> -> memref<45072x16xf32, #tpu.memory_space<hbm>>
    tpu.enqueue_indirect_dma source(%dma_start3A_35 : memref<128x16xf32, #tpu.memory_space<vmem>>) target(%dma_start3A_41 : memref<45072x16xf32, #tpu.memory_space<hbm>>) offsets(%dma_start3A_38 : memref<128xi32, #tpu.memory_space<vmem>>) semaphore(%arg9 : memref<!tpu.dma_semaphore, #tpu.memory_space<semaphore_mem>>)
    %dma_start3A_42 = arith.constant 2 : i32
    %dma_start3A_43 = arith.constant 256 : i32
    %dma_start3A_44 = arith.constant 0 : i32
    %dma_start3A_45 = tpu.memref_slice %arg6[%dma_start3A_43, %dma_start3A_44] : memref<640x16xf32, #tpu.memory_space<vmem>> -> memref<128x16xf32, #tpu.memory_space<vmem>>
    %dma_start3A_46 = arith.constant 0 : i32
    %dma_start3A_47 = tpu.memref_slice %arg7[%dma_start3A_42, %dma_start3A_46] : memref<5x128xi32, #tpu.memory_space<vmem>> -> memref<1x128xi32, #tpu.memory_space<vmem>>
    %dma_start3A_48 = tpu.memref_squeeze %dma_start3A_47 : memref<1x128xi32, #tpu.memory_space<vmem>> -> memref<128xi32, #tpu.memory_space<vmem>>
    %dma_start3A_49 = arith.constant 0 : i32
    %dma_start3A_50 = arith.constant 0 : i32
    %dma_start3A_51 = tpu.memref_slice %arg5[%dma_start3A_49, %dma_start3A_50] : memref<45072x16xf32, #tpu.memory_space<hbm>> -> memref<45072x16xf32, #tpu.memory_space<hbm>>
    tpu.enqueue_indirect_dma source(%dma_start3A_45 : memref<128x16xf32, #tpu.memory_space<vmem>>) target(%dma_start3A_51 : memref<45072x16xf32, #tpu.memory_space<hbm>>) offsets(%dma_start3A_48 : memref<128xi32, #tpu.memory_space<vmem>>) semaphore(%arg9 : memref<!tpu.dma_semaphore, #tpu.memory_space<semaphore_mem>>)
    %dma_start3A_52 = arith.constant 2 : i32
    %dma_start3A_53 = arith.constant 256 : i32
    %dma_start3A_54 = arith.constant 0 : i32
    %dma_start3A_55 = tpu.memref_slice %arg6[%dma_start3A_53, %dma_start3A_54] : memref<640x16xf32, #tpu.memory_space<vmem>> -> memref<128x16xf32, #tpu.memory_space<vmem>>
    %dma_start3A_56 = arith.constant 0 : i32
    %dma_start3A_57 = tpu.memref_slice %arg8[%dma_start3A_52, %dma_start3A_56] : memref<5x128xi32, #tpu.memory_space<vmem>> -> memref<1x128xi32, #tpu.memory_space<vmem>>
    %dma_start3A_58 = tpu.memref_squeeze %dma_start3A_57 : memref<1x128xi32, #tpu.memory_space<vmem>> -> memref<128xi32, #tpu.memory_space<vmem>>
    %dma_start3A_59 = arith.constant 0 : i32
    %dma_start3A_60 = arith.constant 0 : i32
    %dma_start3A_61 = tpu.memref_slice %arg5[%dma_start3A_59, %dma_start3A_60] : memref<45072x16xf32, #tpu.memory_space<hbm>> -> memref<45072x16xf32, #tpu.memory_space<hbm>>
    tpu.enqueue_indirect_dma source(%dma_start3A_55 : memref<128x16xf32, #tpu.memory_space<vmem>>) target(%dma_start3A_61 : memref<45072x16xf32, #tpu.memory_space<hbm>>) offsets(%dma_start3A_58 : memref<128xi32, #tpu.memory_space<vmem>>) semaphore(%arg9 : memref<!tpu.dma_semaphore, #tpu.memory_space<semaphore_mem>>)
    %dma_start3A_62 = arith.constant 3 : i32
    %dma_start3A_63 = arith.constant 384 : i32
    %dma_start3A_64 = arith.constant 0 : i32
    %dma_start3A_65 = tpu.memref_slice %arg6[%dma_start3A_63, %dma_start3A_64] : memref<640x16xf32, #tpu.memory_space<vmem>> -> memref<128x16xf32, #tpu.memory_space<vmem>>
    %dma_start3A_66 = arith.constant 0 : i32
    %dma_start3A_67 = tpu.memref_slice %arg7[%dma_start3A_62, %dma_start3A_66] : memref<5x128xi32, #tpu.memory_space<vmem>> -> memref<1x128xi32, #tpu.memory_space<vmem>>
    %dma_start3A_68 = tpu.memref_squeeze %dma_start3A_67 : memref<1x128xi32, #tpu.memory_space<vmem>> -> memref<128xi32, #tpu.memory_space<vmem>>
    %dma_start3A_69 = arith.constant 0 : i32
    %dma_start3A_70 = arith.constant 0 : i32
    %dma_start3A_71 = tpu.memref_slice %arg5[%dma_start3A_69, %dma_start3A_70] : memref<45072x16xf32, #tpu.memory_space<hbm>> -> memref<45072x16xf32, #tpu.memory_space<hbm>>
    tpu.enqueue_indirect_dma source(%dma_start3A_65 : memref<128x16xf32, #tpu.memory_space<vmem>>) target(%dma_start3A_71 : memref<45072x16xf32, #tpu.memory_space<hbm>>) offsets(%dma_start3A_68 : memref<128xi32, #tpu.memory_space<vmem>>) semaphore(%arg9 : memref<!tpu.dma_semaphore, #tpu.memory_space<semaphore_mem>>)
    %dma_start3A_72 = arith.constant 3 : i32
    %dma_start3A_73 = arith.constant 384 : i32
    %dma_start3A_74 = arith.constant 0 : i32
    %dma_start3A_75 = tpu.memref_slice %arg6[%dma_start3A_73, %dma_start3A_74] : memref<640x16xf32, #tpu.memory_space<vmem>> -> memref<128x16xf32, #tpu.memory_space<vmem>>
    %dma_start3A_76 = arith.constant 0 : i32
    %dma_start3A_77 = tpu.memref_slice %arg8[%dma_start3A_72, %dma_start3A_76] : memref<5x128xi32, #tpu.memory_space<vmem>> -> memref<1x128xi32, #tpu.memory_space<vmem>>
    %dma_start3A_78 = tpu.memref_squeeze %dma_start3A_77 : memref<1x128xi32, #tpu.memory_space<vmem>> -> memref<128xi32, #tpu.memory_space<vmem>>
    %dma_start3A_79 = arith.constant 0 : i32
    %dma_start3A_80 = arith.constant 0 : i32
    %dma_start3A_81 = tpu.memref_slice %arg5[%dma_start3A_79, %dma_start3A_80] : memref<45072x16xf32, #tpu.memory_space<hbm>> -> memref<45072x16xf32, #tpu.memory_space<hbm>>
    tpu.enqueue_indirect_dma source(%dma_start3A_75 : memref<128x16xf32, #tpu.memory_space<vmem>>) target(%dma_start3A_81 : memref<45072x16xf32, #tpu.memory_space<hbm>>) offsets(%dma_start3A_78 : memref<128xi32, #tpu.memory_space<vmem>>) semaphore(%arg9 : memref<!tpu.dma_semaphore, #tpu.memory_space<semaphore_mem>>)
    %dma_start3A_82 = arith.constant 4 : i32
    %dma_start3A_83 = arith.constant 512 : i32
    %dma_start3A_84 = arith.constant 0 : i32
    %dma_start3A_85 = tpu.memref_slice %arg6[%dma_start3A_83, %dma_start3A_84] : memref<640x16xf32, #tpu.memory_space<vmem>> -> memref<128x16xf32, #tpu.memory_space<vmem>>
    %dma_start3A_86 = arith.constant 0 : i32
    %dma_start3A_87 = tpu.memref_slice %arg7[%dma_start3A_82, %dma_start3A_86] : memref<5x128xi32, #tpu.memory_space<vmem>> -> memref<1x128xi32, #tpu.memory_space<vmem>>
    %dma_start3A_88 = tpu.memref_squeeze %dma_start3A_87 : memref<1x128xi32, #tpu.memory_space<vmem>> -> memref<128xi32, #tpu.memory_space<vmem>>
    %dma_start3A_89 = arith.constant 0 : i32
    %dma_start3A_90 = arith.constant 0 : i32
    %dma_start3A_91 = tpu.memref_slice %arg5[%dma_start3A_89, %dma_start3A_90] : memref<45072x16xf32, #tpu.memory_space<hbm>> -> memref<45072x16xf32, #tpu.memory_space<hbm>>
    tpu.enqueue_indirect_dma source(%dma_start3A_85 : memref<128x16xf32, #tpu.memory_space<vmem>>) target(%dma_start3A_91 : memref<45072x16xf32, #tpu.memory_space<hbm>>) offsets(%dma_start3A_88 : memref<128xi32, #tpu.memory_space<vmem>>) semaphore(%arg9 : memref<!tpu.dma_semaphore, #tpu.memory_space<semaphore_mem>>)
    %dma_start3A_92 = arith.constant 4 : i32
    %dma_start3A_93 = arith.constant 512 : i32
    %dma_start3A_94 = arith.constant 0 : i32
    %dma_start3A_95 = tpu.memref_slice %arg6[%dma_start3A_93, %dma_start3A_94] : memref<640x16xf32, #tpu.memory_space<vmem>> -> memref<128x16xf32, #tpu.memory_space<vmem>>
    %dma_start3A_96 = arith.constant 0 : i32
    %dma_start3A_97 = tpu.memref_slice %arg8[%dma_start3A_92, %dma_start3A_96] : memref<5x128xi32, #tpu.memory_space<vmem>> -> memref<1x128xi32, #tpu.memory_space<vmem>>
    %dma_start3A_98 = tpu.memref_squeeze %dma_start3A_97 : memref<1x128xi32, #tpu.memory_space<vmem>> -> memref<128xi32, #tpu.memory_space<vmem>>
    %dma_start3A_99 = arith.constant 0 : i32
    %dma_start3A_100 = arith.constant 0 : i32
    %dma_start3A_101 = tpu.memref_slice %arg5[%dma_start3A_99, %dma_start3A_100] : memref<45072x16xf32, #tpu.memory_space<hbm>> -> memref<45072x16xf32, #tpu.memory_space<hbm>>
    tpu.enqueue_indirect_dma source(%dma_start3A_95 : memref<128x16xf32, #tpu.memory_space<vmem>>) target(%dma_start3A_101 : memref<45072x16xf32, #tpu.memory_space<hbm>>) offsets(%dma_start3A_98 : memref<128xi32, #tpu.memory_space<vmem>>) semaphore(%arg9 : memref<!tpu.dma_semaphore, #tpu.memory_space<semaphore_mem>>)
    %dma_wait3A = arith.constant 0 : i32
    %dma_wait3A_102 = arith.constant 0 : i32
    %dma_wait3A_103 = arith.constant 0 : i32
    %dma_wait3A_104 = tpu.memref_slice %arg6[%dma_wait3A_102, %dma_wait3A_103] : memref<640x16xf32, #tpu.memory_space<vmem>> -> memref<128x16xf32, #tpu.memory_space<vmem>>
    %dma_wait3A_105 = arith.constant 0 : i32
    %dma_wait3A_106 = tpu.memref_slice %arg7[%dma_wait3A, %dma_wait3A_105] : memref<5x128xi32, #tpu.memory_space<vmem>> -> memref<1x128xi32, #tpu.memory_space<vmem>>
    %dma_wait3A_107 = tpu.memref_squeeze %dma_wait3A_106 : memref<1x128xi32, #tpu.memory_space<vmem>> -> memref<128xi32, #tpu.memory_space<vmem>>
    %dma_wait3A_108 = arith.constant 0 : i32
    %dma_wait3A_109 = arith.constant 0 : i32
    %dma_wait3A_110 = tpu.memref_slice %arg5[%dma_wait3A_108, %dma_wait3A_109] : memref<45072x16xf32, #tpu.memory_space<hbm>> -> memref<45072x16xf32, #tpu.memory_space<hbm>>
    tpu.wait_indirect_dma semaphore(%arg9 : memref<!tpu.dma_semaphore, #tpu.memory_space<semaphore_mem>>) src(%dma_wait3A_104 : memref<128x16xf32, #tpu.memory_space<vmem>>) dst(%dma_wait3A_110 : memref<45072x16xf32, #tpu.memory_space<hbm>>)
    %dma_wait3A_111 = arith.constant 0 : i32
    %dma_wait3A_112 = arith.constant 0 : i32
    %dma_wait3A_113 = arith.constant 0 : i32
    %dma_wait3A_114 = tpu.memref_slice %arg6[%dma_wait3A_112, %dma_wait3A_113] : memref<640x16xf32, #tpu.memory_space<vmem>> -> memref<128x16xf32, #tpu.memory_space<vmem>>
    %dma_wait3A_115 = arith.constant 0 : i32
    %dma_wait3A_116 = tpu.memref_slice %arg8[%dma_wait3A_111, %dma_wait3A_115] : memref<5x128xi32, #tpu.memory_space<vmem>> -> memref<1x128xi32, #tpu.memory_space<vmem>>
    %dma_wait3A_117 = tpu.memref_squeeze %dma_wait3A_116 : memref<1x128xi32, #tpu.memory_space<vmem>> -> memref<128xi32, #tpu.memory_space<vmem>>
    %dma_wait3A_118 = arith.constant 0 : i32
    %dma_wait3A_119 = arith.constant 0 : i32
    %dma_wait3A_120 = tpu.memref_slice %arg5[%dma_wait3A_118, %dma_wait3A_119] : memref<45072x16xf32, #tpu.memory_space<hbm>> -> memref<45072x16xf32, #tpu.memory_space<hbm>>
    tpu.wait_indirect_dma semaphore(%arg9 : memref<!tpu.dma_semaphore, #tpu.memory_space<semaphore_mem>>) src(%dma_wait3A_114 : memref<128x16xf32, #tpu.memory_space<vmem>>) dst(%dma_wait3A_120 : memref<45072x16xf32, #tpu.memory_space<hbm>>)
    %dma_wait3A_121 = arith.constant 1 : i32
    %dma_wait3A_122 = arith.constant 128 : i32
    %dma_wait3A_123 = arith.constant 0 : i32
    %dma_wait3A_124 = tpu.memref_slice %arg6[%dma_wait3A_122, %dma_wait3A_123] : memref<640x16xf32, #tpu.memory_space<vmem>> -> memref<128x16xf32, #tpu.memory_space<vmem>>
    %dma_wait3A_125 = arith.constant 0 : i32
    %dma_wait3A_126 = tpu.memref_slice %arg7[%dma_wait3A_121, %dma_wait3A_125] : memref<5x128xi32, #tpu.memory_space<vmem>> -> memref<1x128xi32, #tpu.memory_space<vmem>>
    %dma_wait3A_127 = tpu.memref_squeeze %dma_wait3A_126 : memref<1x128xi32, #tpu.memory_space<vmem>> -> memref<128xi32, #tpu.memory_space<vmem>>
    %dma_wait3A_128 = arith.constant 0 : i32
    %dma_wait3A_129 = arith.constant 0 : i32
    %dma_wait3A_130 = tpu.memref_slice %arg5[%dma_wait3A_128, %dma_wait3A_129] : memref<45072x16xf32, #tpu.memory_space<hbm>> -> memref<45072x16xf32, #tpu.memory_space<hbm>>
    tpu.wait_indirect_dma semaphore(%arg9 : memref<!tpu.dma_semaphore, #tpu.memory_space<semaphore_mem>>) src(%dma_wait3A_124 : memref<128x16xf32, #tpu.memory_space<vmem>>) dst(%dma_wait3A_130 : memref<45072x16xf32, #tpu.memory_space<hbm>>)
    %dma_wait3A_131 = arith.constant 1 : i32
    %dma_wait3A_132 = arith.constant 128 : i32
    %dma_wait3A_133 = arith.constant 0 : i32
    %dma_wait3A_134 = tpu.memref_slice %arg6[%dma_wait3A_132, %dma_wait3A_133] : memref<640x16xf32, #tpu.memory_space<vmem>> -> memref<128x16xf32, #tpu.memory_space<vmem>>
    %dma_wait3A_135 = arith.constant 0 : i32
    %dma_wait3A_136 = tpu.memref_slice %arg8[%dma_wait3A_131, %dma_wait3A_135] : memref<5x128xi32, #tpu.memory_space<vmem>> -> memref<1x128xi32, #tpu.memory_space<vmem>>
    %dma_wait3A_137 = tpu.memref_squeeze %dma_wait3A_136 : memref<1x128xi32, #tpu.memory_space<vmem>> -> memref<128xi32, #tpu.memory_space<vmem>>
    %dma_wait3A_138 = arith.constant 0 : i32
    %dma_wait3A_139 = arith.constant 0 : i32
    %dma_wait3A_140 = tpu.memref_slice %arg5[%dma_wait3A_138, %dma_wait3A_139] : memref<45072x16xf32, #tpu.memory_space<hbm>> -> memref<45072x16xf32, #tpu.memory_space<hbm>>
    tpu.wait_indirect_dma semaphore(%arg9 : memref<!tpu.dma_semaphore, #tpu.memory_space<semaphore_mem>>) src(%dma_wait3A_134 : memref<128x16xf32, #tpu.memory_space<vmem>>) dst(%dma_wait3A_140 : memref<45072x16xf32, #tpu.memory_space<hbm>>)
    %dma_wait3A_141 = arith.constant 2 : i32
    %dma_wait3A_142 = arith.constant 256 : i32
    %dma_wait3A_143 = arith.constant 0 : i32
    %dma_wait3A_144 = tpu.memref_slice %arg6[%dma_wait3A_142, %dma_wait3A_143] : memref<640x16xf32, #tpu.memory_space<vmem>> -> memref<128x16xf32, #tpu.memory_space<vmem>>
    %dma_wait3A_145 = arith.constant 0 : i32
    %dma_wait3A_146 = tpu.memref_slice %arg7[%dma_wait3A_141, %dma_wait3A_145] : memref<5x128xi32, #tpu.memory_space<vmem>> -> memref<1x128xi32, #tpu.memory_space<vmem>>
    %dma_wait3A_147 = tpu.memref_squeeze %dma_wait3A_146 : memref<1x128xi32, #tpu.memory_space<vmem>> -> memref<128xi32, #tpu.memory_space<vmem>>
    %dma_wait3A_148 = arith.constant 0 : i32
    %dma_wait3A_149 = arith.constant 0 : i32
    %dma_wait3A_150 = tpu.memref_slice %arg5[%dma_wait3A_148, %dma_wait3A_149] : memref<45072x16xf32, #tpu.memory_space<hbm>> -> memref<45072x16xf32, #tpu.memory_space<hbm>>
    tpu.wait_indirect_dma semaphore(%arg9 : memref<!tpu.dma_semaphore, #tpu.memory_space<semaphore_mem>>) src(%dma_wait3A_144 : memref<128x16xf32, #tpu.memory_space<vmem>>) dst(%dma_wait3A_150 : memref<45072x16xf32, #tpu.memory_space<hbm>>)
    %dma_wait3A_151 = arith.constant 2 : i32
    %dma_wait3A_152 = arith.constant 256 : i32
    %dma_wait3A_153 = arith.constant 0 : i32
    %dma_wait3A_154 = tpu.memref_slice %arg6[%dma_wait3A_152, %dma_wait3A_153] : memref<640x16xf32, #tpu.memory_space<vmem>> -> memref<128x16xf32, #tpu.memory_space<vmem>>
    %dma_wait3A_155 = arith.constant 0 : i32
    %dma_wait3A_156 = tpu.memref_slice %arg8[%dma_wait3A_151, %dma_wait3A_155] : memref<5x128xi32, #tpu.memory_space<vmem>> -> memref<1x128xi32, #tpu.memory_space<vmem>>
    %dma_wait3A_157 = tpu.memref_squeeze %dma_wait3A_156 : memref<1x128xi32, #tpu.memory_space<vmem>> -> memref<128xi32, #tpu.memory_space<vmem>>
    %dma_wait3A_158 = arith.constant 0 : i32
    %dma_wait3A_159 = arith.constant 0 : i32
    %dma_wait3A_160 = tpu.memref_slice %arg5[%dma_wait3A_158, %dma_wait3A_159] : memref<45072x16xf32, #tpu.memory_space<hbm>> -> memref<45072x16xf32, #tpu.memory_space<hbm>>
    tpu.wait_indirect_dma semaphore(%arg9 : memref<!tpu.dma_semaphore, #tpu.memory_space<semaphore_mem>>) src(%dma_wait3A_154 : memref<128x16xf32, #tpu.memory_space<vmem>>) dst(%dma_wait3A_160 : memref<45072x16xf32, #tpu.memory_space<hbm>>)
    %dma_wait3A_161 = arith.constant 3 : i32
    %dma_wait3A_162 = arith.constant 384 : i32
    %dma_wait3A_163 = arith.constant 0 : i32
    %dma_wait3A_164 = tpu.memref_slice %arg6[%dma_wait3A_162, %dma_wait3A_163] : memref<640x16xf32, #tpu.memory_space<vmem>> -> memref<128x16xf32, #tpu.memory_space<vmem>>
    %dma_wait3A_165 = arith.constant 0 : i32
    %dma_wait3A_166 = tpu.memref_slice %arg7[%dma_wait3A_161, %dma_wait3A_165] : memref<5x128xi32, #tpu.memory_space<vmem>> -> memref<1x128xi32, #tpu.memory_space<vmem>>
    %dma_wait3A_167 = tpu.memref_squeeze %dma_wait3A_166 : memref<1x128xi32, #tpu.memory_space<vmem>> -> memref<128xi32, #tpu.memory_space<vmem>>
    %dma_wait3A_168 = arith.constant 0 : i32
    %dma_wait3A_169 = arith.constant 0 : i32
    %dma_wait3A_170 = tpu.memref_slice %arg5[%dma_wait3A_168, %dma_wait3A_169] : memref<45072x16xf32, #tpu.memory_space<hbm>> -> memref<45072x16xf32, #tpu.memory_space<hbm>>
    tpu.wait_indirect_dma semaphore(%arg9 : memref<!tpu.dma_semaphore, #tpu.memory_space<semaphore_mem>>) src(%dma_wait3A_164 : memref<128x16xf32, #tpu.memory_space<vmem>>) dst(%dma_wait3A_170 : memref<45072x16xf32, #tpu.memory_space<hbm>>)
    %dma_wait3A_171 = arith.constant 3 : i32
    %dma_wait3A_172 = arith.constant 384 : i32
    %dma_wait3A_173 = arith.constant 0 : i32
    %dma_wait3A_174 = tpu.memref_slice %arg6[%dma_wait3A_172, %dma_wait3A_173] : memref<640x16xf32, #tpu.memory_space<vmem>> -> memref<128x16xf32, #tpu.memory_space<vmem>>
    %dma_wait3A_175 = arith.constant 0 : i32
    %dma_wait3A_176 = tpu.memref_slice %arg8[%dma_wait3A_171, %dma_wait3A_175] : memref<5x128xi32, #tpu.memory_space<vmem>> -> memref<1x128xi32, #tpu.memory_space<vmem>>
    %dma_wait3A_177 = tpu.memref_squeeze %dma_wait3A_176 : memref<1x128xi32, #tpu.memory_space<vmem>> -> memref<128xi32, #tpu.memory_space<vmem>>
    %dma_wait3A_178 = arith.constant 0 : i32
    %dma_wait3A_179 = arith.constant 0 : i32
    %dma_wait3A_180 = tpu.memref_slice %arg5[%dma_wait3A_178, %dma_wait3A_179] : memref<45072x16xf32, #tpu.memory_space<hbm>> -> memref<45072x16xf32, #tpu.memory_space<hbm>>
    tpu.wait_indirect_dma semaphore(%arg9 : memref<!tpu.dma_semaphore, #tpu.memory_space<semaphore_mem>>) src(%dma_wait3A_174 : memref<128x16xf32, #tpu.memory_space<vmem>>) dst(%dma_wait3A_180 : memref<45072x16xf32, #tpu.memory_space<hbm>>)
    %dma_wait3A_181 = arith.constant 4 : i32
    %dma_wait3A_182 = arith.constant 512 : i32
    %dma_wait3A_183 = arith.constant 0 : i32
    %dma_wait3A_184 = tpu.memref_slice %arg6[%dma_wait3A_182, %dma_wait3A_183] : memref<640x16xf32, #tpu.memory_space<vmem>> -> memref<128x16xf32, #tpu.memory_space<vmem>>
    %dma_wait3A_185 = arith.constant 0 : i32
    %dma_wait3A_186 = tpu.memref_slice %arg7[%dma_wait3A_181, %dma_wait3A_185] : memref<5x128xi32, #tpu.memory_space<vmem>> -> memref<1x128xi32, #tpu.memory_space<vmem>>
    %dma_wait3A_187 = tpu.memref_squeeze %dma_wait3A_186 : memref<1x128xi32, #tpu.memory_space<vmem>> -> memref<128xi32, #tpu.memory_space<vmem>>
    %dma_wait3A_188 = arith.constant 0 : i32
    %dma_wait3A_189 = arith.constant 0 : i32
    %dma_wait3A_190 = tpu.memref_slice %arg5[%dma_wait3A_188, %dma_wait3A_189] : memref<45072x16xf32, #tpu.memory_space<hbm>> -> memref<45072x16xf32, #tpu.memory_space<hbm>>
    tpu.wait_indirect_dma semaphore(%arg9 : memref<!tpu.dma_semaphore, #tpu.memory_space<semaphore_mem>>) src(%dma_wait3A_184 : memref<128x16xf32, #tpu.memory_space<vmem>>) dst(%dma_wait3A_190 : memref<45072x16xf32, #tpu.memory_space<hbm>>)
    %dma_wait3A_191 = arith.constant 4 : i32
    %dma_wait3A_192 = arith.constant 512 : i32
    %dma_wait3A_193 = arith.constant 0 : i32
    %dma_wait3A_194 = tpu.memref_slice %arg6[%dma_wait3A_192, %dma_wait3A_193] : memref<640x16xf32, #tpu.memory_space<vmem>> -> memref<128x16xf32, #tpu.memory_space<vmem>>
    %dma_wait3A_195 = arith.constant 0 : i32
    %dma_wait3A_196 = tpu.memref_slice %arg8[%dma_wait3A_191, %dma_wait3A_195] : memref<5x128xi32, #tpu.memory_space<vmem>> -> memref<1x128xi32, #tpu.memory_space<vmem>>
    %dma_wait3A_197 = tpu.memref_squeeze %dma_wait3A_196 : memref<1x128xi32, #tpu.memory_space<vmem>> -> memref<128xi32, #tpu.memory_space<vmem>>
    %dma_wait3A_198 = arith.constant 0 : i32
    %dma_wait3A_199 = arith.constant 0 : i32
    %dma_wait3A_200 = tpu.memref_slice %arg5[%dma_wait3A_198, %dma_wait3A_199] : memref<45072x16xf32, #tpu.memory_space<hbm>> -> memref<45072x16xf32, #tpu.memory_space<hbm>>
    tpu.wait_indirect_dma semaphore(%arg9 : memref<!tpu.dma_semaphore, #tpu.memory_space<semaphore_mem>>) src(%dma_wait3A_194 : memref<128x16xf32, #tpu.memory_space<vmem>>) dst(%dma_wait3A_200 : memref<45072x16xf32, #tpu.memory_space<hbm>>)
    return
  }
}

module attributes {stable_mosaic.version = 14 : i64} {
  func.func @_prep_body(%arg0: memref<1x1xf32, #tpu.memory_space<vmem>>, %arg1: memref<160x128xf32, #tpu.memory_space<vmem>>, %arg2: memref<160x128xf32, #tpu.memory_space<vmem>>, %arg3: memref<7x160x128xf32, #tpu.memory_space<vmem>>, %arg4: memref<7x160x128xf32, #tpu.memory_space<vmem>>, %arg5: memref<16x160x128xf32, #tpu.memory_space<vmem>>, %arg6: memref<160x128xi32, #tpu.memory_space<vmem>>, %arg7: memref<160x128xi32, #tpu.memory_space<vmem>>) attributes {dimension_semantics = [], scalar_prefetch = 0 : i64, scratch_operands = 0 : i64, tpu.core_type = #tpu.core_type<tc>} {
    %get3A = arith.constant 0 : index
    %get3A_0 = arith.constant 0 : index
    %get3A_1 = vector.load %arg0[%get3A, %get3A_0] : memref<1x1xf32, #tpu.memory_space<vmem>>, vector<1x1xf32>
    %get3A_2 = vector.extract %get3A_1[0, 0] : f32 from vector<1x1xf32>
    %get3A_3 = arith.constant 0 : index
    %get3A_4 = arith.constant 0 : index
    %get3A_5 = vector.load %arg1[%get3A_3, %get3A_4] : memref<160x128xf32, #tpu.memory_space<vmem>>, vector<160x128xf32>
    %get3A_6 = arith.constant 0 : index
    %get3A_7 = arith.constant 0 : index
    %get3A_8 = vector.load %arg2[%get3A_6, %get3A_7] : memref<160x128xf32, #tpu.memory_space<vmem>>, vector<160x128xf32>
    %get3A_9 = arith.constant 0 : index
    %get3A_10 = arith.constant 0 : index
    %get3A_11 = arith.constant 0 : index
    %get3A_12 = vector.load %arg4[%get3A_9, %get3A_10, %get3A_11] : memref<7x160x128xf32, #tpu.memory_space<vmem>>, vector<1x160x128xf32>
    %get3A_13 = vector.shape_cast %get3A_12 : vector<1x160x128xf32> to vector<160x128xf32>
    %get3A_14 = arith.constant 1 : index
    %get3A_15 = arith.constant 0 : index
    %get3A_16 = arith.constant 0 : index
    %get3A_17 = vector.load %arg4[%get3A_14, %get3A_15, %get3A_16] : memref<7x160x128xf32, #tpu.memory_space<vmem>>, vector<1x160x128xf32>
    %get3A_18 = vector.shape_cast %get3A_17 : vector<1x160x128xf32> to vector<160x128xf32>
    %get3A_19 = arith.constant 2 : index
    %get3A_20 = arith.constant 0 : index
    %get3A_21 = arith.constant 0 : index
    %get3A_22 = vector.load %arg4[%get3A_19, %get3A_20, %get3A_21] : memref<7x160x128xf32, #tpu.memory_space<vmem>>, vector<1x160x128xf32>
    %get3A_23 = vector.shape_cast %get3A_22 : vector<1x160x128xf32> to vector<160x128xf32>
    %get3A_24 = arith.constant 3 : index
    %get3A_25 = arith.constant 0 : index
    %get3A_26 = arith.constant 0 : index
    %get3A_27 = vector.load %arg4[%get3A_24, %get3A_25, %get3A_26] : memref<7x160x128xf32, #tpu.memory_space<vmem>>, vector<1x160x128xf32>
    %get3A_28 = vector.shape_cast %get3A_27 : vector<1x160x128xf32> to vector<160x128xf32>
    %get3A_29 = arith.constant 4 : index
    %get3A_30 = arith.constant 0 : index
    %get3A_31 = arith.constant 0 : index
    %get3A_32 = vector.load %arg4[%get3A_29, %get3A_30, %get3A_31] : memref<7x160x128xf32, #tpu.memory_space<vmem>>, vector<1x160x128xf32>
    %get3A_33 = vector.shape_cast %get3A_32 : vector<1x160x128xf32> to vector<160x128xf32>
    %get3A_34 = arith.constant 5 : index
    %get3A_35 = arith.constant 0 : index
    %get3A_36 = arith.constant 0 : index
    %get3A_37 = vector.load %arg4[%get3A_34, %get3A_35, %get3A_36] : memref<7x160x128xf32, #tpu.memory_space<vmem>>, vector<1x160x128xf32>
    %get3A_38 = vector.shape_cast %get3A_37 : vector<1x160x128xf32> to vector<160x128xf32>
    %get3A_39 = arith.constant 6 : index
    %get3A_40 = arith.constant 0 : index
    %get3A_41 = arith.constant 0 : index
    %get3A_42 = vector.load %arg4[%get3A_39, %get3A_40, %get3A_41] : memref<7x160x128xf32, #tpu.memory_space<vmem>>, vector<1x160x128xf32>
    %get3A_43 = vector.shape_cast %get3A_42 : vector<1x160x128xf32> to vector<160x128xf32>
    %get3A_44 = arith.constant 0 : index
    %get3A_45 = arith.constant 0 : index
    %get3A_46 = arith.constant 0 : index
    %get3A_47 = vector.load %arg3[%get3A_44, %get3A_45, %get3A_46] : memref<7x160x128xf32, #tpu.memory_space<vmem>>, vector<1x160x128xf32>
    %get3A_48 = vector.shape_cast %get3A_47 : vector<1x160x128xf32> to vector<160x128xf32>
    %get3A_49 = arith.constant 1 : index
    %get3A_50 = arith.constant 0 : index
    %get3A_51 = arith.constant 0 : index
    %get3A_52 = vector.load %arg3[%get3A_49, %get3A_50, %get3A_51] : memref<7x160x128xf32, #tpu.memory_space<vmem>>, vector<1x160x128xf32>
    %get3A_53 = vector.shape_cast %get3A_52 : vector<1x160x128xf32> to vector<160x128xf32>
    %get3A_54 = arith.constant 2 : index
    %get3A_55 = arith.constant 0 : index
    %get3A_56 = arith.constant 0 : index
    %get3A_57 = vector.load %arg3[%get3A_54, %get3A_55, %get3A_56] : memref<7x160x128xf32, #tpu.memory_space<vmem>>, vector<1x160x128xf32>
    %get3A_58 = vector.shape_cast %get3A_57 : vector<1x160x128xf32> to vector<160x128xf32>
    %get3A_59 = arith.constant 3 : index
    %get3A_60 = arith.constant 0 : index
    %get3A_61 = arith.constant 0 : index
    %get3A_62 = vector.load %arg3[%get3A_59, %get3A_60, %get3A_61] : memref<7x160x128xf32, #tpu.memory_space<vmem>>, vector<1x160x128xf32>
    %get3A_63 = vector.shape_cast %get3A_62 : vector<1x160x128xf32> to vector<160x128xf32>
    %get3A_64 = arith.constant 4 : index
    %get3A_65 = arith.constant 0 : index
    %get3A_66 = arith.constant 0 : index
    %get3A_67 = vector.load %arg3[%get3A_64, %get3A_65, %get3A_66] : memref<7x160x128xf32, #tpu.memory_space<vmem>>, vector<1x160x128xf32>
    %get3A_68 = vector.shape_cast %get3A_67 : vector<1x160x128xf32> to vector<160x128xf32>
    %get3A_69 = arith.constant 5 : index
    %get3A_70 = arith.constant 0 : index
    %get3A_71 = arith.constant 0 : index
    %get3A_72 = vector.load %arg3[%get3A_69, %get3A_70, %get3A_71] : memref<7x160x128xf32, #tpu.memory_space<vmem>>, vector<1x160x128xf32>
    %get3A_73 = vector.shape_cast %get3A_72 : vector<1x160x128xf32> to vector<160x128xf32>
    %get3A_74 = arith.constant 6 : index
    %get3A_75 = arith.constant 0 : index
    %get3A_76 = arith.constant 0 : index
    %get3A_77 = vector.load %arg3[%get3A_74, %get3A_75, %get3A_76] : memref<7x160x128xf32, #tpu.memory_space<vmem>>, vector<1x160x128xf32>
    %get3A_78 = vector.shape_cast %get3A_77 : vector<1x160x128xf32> to vector<160x128xf32>
    %mul3A = arith.mulf %get3A_33, %get3A_33 : vector<160x128xf32>
    %mul3A_79 = arith.mulf %get3A_28, %get3A_28 : vector<160x128xf32>
    %add3A = arith.addf %mul3A, %mul3A_79 : vector<160x128xf32>
    %sqrt3A = math.sqrt %add3A : vector<160x128xf32>
    %div3A = arith.constant 1.000000e+01 : f32
    %div3A_80 = vector.broadcast %div3A : f32 to vector<160x128xf32>
    %div3A_81 = arith.divf %get3A_48, %div3A_80 : vector<160x128xf32>
    %mul3A_82 = arith.mulf %div3A_81, %sqrt3A : vector<160x128xf32>
    %add3A_83 = arith.addf %mul3A_82, %get3A_13 : vector<160x128xf32>
    %div3A_84 = arith.constant 1.000000e+01 : f32
    %div3A_85 = vector.broadcast %div3A_84 : f32 to vector<160x128xf32>
    %div3A_86 = arith.divf %get3A_53, %div3A_85 : vector<160x128xf32>
    %mul3A_87 = arith.mulf %div3A_86, %sqrt3A : vector<160x128xf32>
    %add3A_88 = arith.addf %mul3A_87, %get3A_18 : vector<160x128xf32>
    %div3A_89 = arith.constant 1.000000e+01 : f32
    %div3A_90 = vector.broadcast %div3A_89 : f32 to vector<160x128xf32>
    %div3A_91 = arith.divf %get3A_58, %div3A_90 : vector<160x128xf32>
    %mul3A_92 = arith.mulf %div3A_91, %get3A_38 : vector<160x128xf32>
    %add3A_93 = arith.addf %mul3A_92, %get3A_23 : vector<160x128xf32>
    %div3A_94 = arith.constant 5.000000e+00 : f32
    %div3A_95 = vector.broadcast %div3A_94 : f32 to vector<160x128xf32>
    %div3A_96 = arith.divf %get3A_63, %div3A_95 : vector<160x128xf32>
    %exp3A = math.exp %div3A_96 : vector<160x128xf32>
    %mul3A_97 = arith.mulf %exp3A, %get3A_28 : vector<160x128xf32>
    %div3A_98 = arith.constant 5.000000e+00 : f32
    %div3A_99 = vector.broadcast %div3A_98 : f32 to vector<160x128xf32>
    %div3A_100 = arith.divf %get3A_68, %div3A_99 : vector<160x128xf32>
    %exp3A_101 = math.exp %div3A_100 : vector<160x128xf32>
    %mul3A_102 = arith.mulf %exp3A_101, %get3A_33 : vector<160x128xf32>
    %div3A_103 = arith.constant 5.000000e+00 : f32
    %div3A_104 = vector.broadcast %div3A_103 : f32 to vector<160x128xf32>
    %div3A_105 = arith.divf %get3A_73, %div3A_104 : vector<160x128xf32>
    %exp3A_106 = math.exp %div3A_105 : vector<160x128xf32>
    %mul3A_107 = arith.mulf %exp3A_106, %get3A_38 : vector<160x128xf32>
    %div3A_108 = arith.constant 1.000000e+01 : f32
    %div3A_109 = vector.broadcast %div3A_108 : f32 to vector<160x128xf32>
    %div3A_110 = arith.divf %get3A_78, %div3A_109 : vector<160x128xf32>
    %add3A_111 = arith.addf %div3A_110, %get3A_43 : vector<160x128xf32>
    %sin3A = math.sin %add3A_111 : vector<160x128xf32>
    %cos3A = math.cos %add3A_111 : vector<160x128xf32>
    %atan23A = math.atan2 %sin3A, %cos3A : vector<160x128xf32>
    %div3A_112 = arith.constant 1.000000e+01 : f32
    %div3A_113 = vector.broadcast %div3A_112 : f32 to vector<160x128xf32>
    %div3A_114 = arith.divf %get3A_48, %div3A_113 : vector<160x128xf32>
    %mul3A_115 = arith.mulf %div3A_114, %get3A_28 : vector<160x128xf32>
    %add3A_116 = arith.addf %mul3A_115, %get3A_13 : vector<160x128xf32>
    %div3A_117 = arith.constant 1.000000e+01 : f32
    %div3A_118 = vector.broadcast %div3A_117 : f32 to vector<160x128xf32>
    %div3A_119 = arith.divf %get3A_53, %div3A_118 : vector<160x128xf32>
    %mul3A_120 = arith.mulf %div3A_119, %get3A_33 : vector<160x128xf32>
    %add3A_121 = arith.addf %mul3A_120, %get3A_18 : vector<160x128xf32>
    %logistic3A = arith.negf %get3A_5 : vector<160x128xf32>
    %logistic3A_122 = math.exp %logistic3A : vector<160x128xf32>
    %logistic3A_123 = arith.constant 1.000000e+00 : f32
    %logistic3A_124 = vector.broadcast %logistic3A_123 : f32 to vector<160x128xf32>
    %logistic3A_125 = arith.addf %logistic3A_124, %logistic3A_122 : vector<160x128xf32>
    %logistic3A_126 = arith.divf %logistic3A_124, %logistic3A_125 : vector<160x128xf32>
    %logistic3A_127 = arith.negf %logistic3A_126 : vector<160x128xf32>
    %logistic3A_128 = math.exp %logistic3A_127 : vector<160x128xf32>
    %logistic3A_129 = arith.constant 1.000000e+00 : f32
    %logistic3A_130 = vector.broadcast %logistic3A_129 : f32 to vector<160x128xf32>
    %logistic3A_131 = arith.addf %logistic3A_130, %logistic3A_128 : vector<160x128xf32>
    %logistic3A_132 = arith.divf %logistic3A_130, %logistic3A_131 : vector<160x128xf32>
    %add3A_133 = vector.broadcast %get3A_2 : f32 to vector<160x128xf32>
    %add3A_134 = arith.addf %logistic3A_132, %add3A_133 : vector<160x128xf32>
    %add3A_135 = vector.broadcast %get3A_2 : f32 to vector<160x128xf32>
    %add3A_136 = arith.addf %get3A_8, %add3A_135 : vector<160x128xf32>
    %iota3A = tpu.iota {dimensions = array<i32: 0>} : vector<160x128xi32>
    %iota3A_137 = tpu.iota {dimensions = array<i32: 1>} : vector<160x128xi32>
    %mul3A_138 = arith.constant 128 : i32
    %mul3A_139 = vector.broadcast %mul3A_138 : i32 to vector<160x128xi32>
    %mul3A_140 = arith.muli %iota3A, %mul3A_139 : vector<160x128xi32>
    %add3A_141 = arith.addi %mul3A_140, %iota3A_137 : vector<160x128xi32>
    %lt3A = arith.constant 20000 : i32
    %lt3A_142 = vector.broadcast %lt3A : i32 to vector<160x128xi32>
    %lt3A_143 = arith.cmpi slt, %add3A_141, %lt3A_142 : vector<160x128xi32>
    %convert_element_type3A = arith.sitofp %add3A_141 : vector<160x128xi32> to vector<160x128xf32>
    %broadcast_in_dim3A = arith.constant 0.000000e+00 : f32
    %broadcast_in_dim3A_144 = vector.broadcast %broadcast_in_dim3A : f32 to vector<160x128xf32>
    %broadcast_in_dim3A_145 = arith.constant 0.000000e+00 : f32
    %broadcast_in_dim3A_146 = vector.broadcast %broadcast_in_dim3A_145 : f32 to vector<160x128xf32>
    %swap3A = arith.constant 0 : index
    %swap3A_147 = arith.constant 0 : index
    %swap3A_148 = arith.constant 0 : index
    %swap3A_149 = vector.load %arg5[%swap3A, %swap3A_147, %swap3A_148] : memref<16x160x128xf32, #tpu.memory_space<vmem>>, vector<1x160x128xf32>
    %swap3A_150 = vector.shape_cast %swap3A_149 : vector<1x160x128xf32> to vector<160x128xf32>
    %swap3A_151 = vector.shape_cast %add3A_83 : vector<160x128xf32> to vector<1x160x128xf32>
    tpu.vector_store %arg5[%swap3A, %swap3A_147, %swap3A_148], %swap3A_151 {strides = array<i32>} : memref<16x160x128xf32, #tpu.memory_space<vmem>>, vector<1x160x128xf32>,
    %swap3A_152 = arith.constant 1 : index
    %swap3A_153 = arith.constant 0 : index
    %swap3A_154 = arith.constant 0 : index
    %swap3A_155 = vector.load %arg5[%swap3A_152, %swap3A_153, %swap3A_154] : memref<16x160x128xf32, #tpu.memory_space<vmem>>, vector<1x160x128xf32>
    %swap3A_156 = vector.shape_cast %swap3A_155 : vector<1x160x128xf32> to vector<160x128xf32>
    %swap3A_157 = vector.shape_cast %add3A_88 : vector<160x128xf32> to vector<1x160x128xf32>
    tpu.vector_store %arg5[%swap3A_152, %swap3A_153, %swap3A_154], %swap3A_157 {strides = array<i32>} : memref<16x160x128xf32, #tpu.memory_space<vmem>>, vector<1x160x128xf32>,
    %swap3A_158 = arith.constant 2 : index
    %swap3A_159 = arith.constant 0 : index
    %swap3A_160 = arith.constant 0 : index
    %swap3A_161 = vector.load %arg5[%swap3A_158, %swap3A_159, %swap3A_160] : memref<16x160x128xf32, #tpu.memory_space<vmem>>, vector<1x160x128xf32>
    %swap3A_162 = vector.shape_cast %swap3A_161 : vector<1x160x128xf32> to vector<160x128xf32>
    %swap3A_163 = vector.shape_cast %add3A_93 : vector<160x128xf32> to vector<1x160x128xf32>
    tpu.vector_store %arg5[%swap3A_158, %swap3A_159, %swap3A_160], %swap3A_163 {strides = array<i32>} : memref<16x160x128xf32, #tpu.memory_space<vmem>>, vector<1x160x128xf32>,
    %swap3A_164 = arith.constant 3 : index
    %swap3A_165 = arith.constant 0 : index
    %swap3A_166 = arith.constant 0 : index
    %swap3A_167 = vector.load %arg5[%swap3A_164, %swap3A_165, %swap3A_166] : memref<16x160x128xf32, #tpu.memory_space<vmem>>, vector<1x160x128xf32>
    %swap3A_168 = vector.shape_cast %swap3A_167 : vector<1x160x128xf32> to vector<160x128xf32>
    %swap3A_169 = vector.shape_cast %mul3A_97 : vector<160x128xf32> to vector<1x160x128xf32>
    tpu.vector_store %arg5[%swap3A_164, %swap3A_165, %swap3A_166], %swap3A_169 {strides = array<i32>} : memref<16x160x128xf32, #tpu.memory_space<vmem>>, vector<1x160x128xf32>,
    %swap3A_170 = arith.constant 4 : index
    %swap3A_171 = arith.constant 0 : index
    %swap3A_172 = arith.constant 0 : index
    %swap3A_173 = vector.load %arg5[%swap3A_170, %swap3A_171, %swap3A_172] : memref<16x160x128xf32, #tpu.memory_space<vmem>>, vector<1x160x128xf32>
    %swap3A_174 = vector.shape_cast %swap3A_173 : vector<1x160x128xf32> to vector<160x128xf32>
    %swap3A_175 = vector.shape_cast %mul3A_102 : vector<160x128xf32> to vector<1x160x128xf32>
    tpu.vector_store %arg5[%swap3A_170, %swap3A_171, %swap3A_172], %swap3A_175 {strides = array<i32>} : memref<16x160x128xf32, #tpu.memory_space<vmem>>, vector<1x160x128xf32>,
    %swap3A_176 = arith.constant 5 : index
    %swap3A_177 = arith.constant 0 : index
    %swap3A_178 = arith.constant 0 : index
    %swap3A_179 = vector.load %arg5[%swap3A_176, %swap3A_177, %swap3A_178] : memref<16x160x128xf32, #tpu.memory_space<vmem>>, vector<1x160x128xf32>
    %swap3A_180 = vector.shape_cast %swap3A_179 : vector<1x160x128xf32> to vector<160x128xf32>
    %swap3A_181 = vector.shape_cast %mul3A_107 : vector<160x128xf32> to vector<1x160x128xf32>
    tpu.vector_store %arg5[%swap3A_176, %swap3A_177, %swap3A_178], %swap3A_181 {strides = array<i32>} : memref<16x160x128xf32, #tpu.memory_space<vmem>>, vector<1x160x128xf32>,
    %swap3A_182 = arith.constant 6 : index
    %swap3A_183 = arith.constant 0 : index
    %swap3A_184 = arith.constant 0 : index
    %swap3A_185 = vector.load %arg5[%swap3A_182, %swap3A_183, %swap3A_184] : memref<16x160x128xf32, #tpu.memory_space<vmem>>, vector<1x160x128xf32>
    %swap3A_186 = vector.shape_cast %swap3A_185 : vector<1x160x128xf32> to vector<160x128xf32>
    %swap3A_187 = vector.shape_cast %add3A_111 : vector<160x128xf32> to vector<1x160x128xf32>
    tpu.vector_store %arg5[%swap3A_182, %swap3A_183, %swap3A_184], %swap3A_187 {strides = array<i32>} : memref<16x160x128xf32, #tpu.memory_space<vmem>>, vector<1x160x128xf32>,
    %swap3A_188 = arith.constant 7 : index
    %swap3A_189 = arith.constant 0 : index
    %swap3A_190 = arith.constant 0 : index
    %swap3A_191 = vector.load %arg5[%swap3A_188, %swap3A_189, %swap3A_190] : memref<16x160x128xf32, #tpu.memory_space<vmem>>, vector<1x160x128xf32>
    %swap3A_192 = vector.shape_cast %swap3A_191 : vector<1x160x128xf32> to vector<160x128xf32>
    %swap3A_193 = vector.shape_cast %atan23A : vector<160x128xf32> to vector<1x160x128xf32>
    tpu.vector_store %arg5[%swap3A_188, %swap3A_189, %swap3A_190], %swap3A_193 {strides = array<i32>} : memref<16x160x128xf32, #tpu.memory_space<vmem>>, vector<1x160x128xf32>,
    %swap3A_194 = arith.constant 8 : index
    %swap3A_195 = arith.constant 0 : index
    %swap3A_196 = arith.constant 0 : index
    %swap3A_197 = vector.load %arg5[%swap3A_194, %swap3A_195, %swap3A_196] : memref<16x160x128xf32, #tpu.memory_space<vmem>>, vector<1x160x128xf32>
    %swap3A_198 = vector.shape_cast %swap3A_197 : vector<1x160x128xf32> to vector<160x128xf32>
    %swap3A_199 = vector.shape_cast %add3A_116 : vector<160x128xf32> to vector<1x160x128xf32>
    tpu.vector_store %arg5[%swap3A_194, %swap3A_195, %swap3A_196], %swap3A_199 {strides = array<i32>} : memref<16x160x128xf32, #tpu.memory_space<vmem>>, vector<1x160x128xf32>,
    %swap3A_200 = arith.constant 9 : index
    %swap3A_201 = arith.constant 0 : index
    %swap3A_202 = arith.constant 0 : index
    %swap3A_203 = vector.load %arg5[%swap3A_200, %swap3A_201, %swap3A_202] : memref<16x160x128xf32, #tpu.memory_space<vmem>>, vector<1x160x128xf32>
    %swap3A_204 = vector.shape_cast %swap3A_203 : vector<1x160x128xf32> to vector<160x128xf32>
    %swap3A_205 = vector.shape_cast %add3A_121 : vector<160x128xf32> to vector<1x160x128xf32>
    tpu.vector_store %arg5[%swap3A_200, %swap3A_201, %swap3A_202], %swap3A_205 {strides = array<i32>} : memref<16x160x128xf32, #tpu.memory_space<vmem>>, vector<1x160x128xf32>,
    %swap3A_206 = arith.constant 10 : index
    %swap3A_207 = arith.constant 0 : index
    %swap3A_208 = arith.constant 0 : index
    %swap3A_209 = vector.load %arg5[%swap3A_206, %swap3A_207, %swap3A_208] : memref<16x160x128xf32, #tpu.memory_space<vmem>>, vector<1x160x128xf32>
    %swap3A_210 = vector.shape_cast %swap3A_209 : vector<1x160x128xf32> to vector<160x128xf32>
    %swap3A_211 = vector.shape_cast %get3A_43 : vector<160x128xf32> to vector<1x160x128xf32>
    tpu.vector_store %arg5[%swap3A_206, %swap3A_207, %swap3A_208], %swap3A_211 {strides = array<i32>} : memref<16x160x128xf32, #tpu.memory_space<vmem>>, vector<1x160x128xf32>,
    %swap3A_212 = arith.constant 11 : index
    %swap3A_213 = arith.constant 0 : index
    %swap3A_214 = arith.constant 0 : index
    %swap3A_215 = vector.load %arg5[%swap3A_212, %swap3A_213, %swap3A_214] : memref<16x160x128xf32, #tpu.memory_space<vmem>>, vector<1x160x128xf32>
    %swap3A_216 = vector.shape_cast %swap3A_215 : vector<1x160x128xf32> to vector<160x128xf32>
    %swap3A_217 = vector.shape_cast %add3A_134 : vector<160x128xf32> to vector<1x160x128xf32>
    tpu.vector_store %arg5[%swap3A_212, %swap3A_213, %swap3A_214], %swap3A_217 {strides = array<i32>} : memref<16x160x128xf32, #tpu.memory_space<vmem>>, vector<1x160x128xf32>,
    %swap3A_218 = arith.constant 12 : index
    %swap3A_219 = arith.constant 0 : index
    %swap3A_220 = arith.constant 0 : index
    %swap3A_221 = vector.load %arg5[%swap3A_218, %swap3A_219, %swap3A_220] : memref<16x160x128xf32, #tpu.memory_space<vmem>>, vector<1x160x128xf32>
    %swap3A_222 = vector.shape_cast %swap3A_221 : vector<1x160x128xf32> to vector<160x128xf32>
    %swap3A_223 = vector.shape_cast %add3A_136 : vector<160x128xf32> to vector<1x160x128xf32>
    tpu.vector_store %arg5[%swap3A_218, %swap3A_219, %swap3A_220], %swap3A_223 {strides = array<i32>} : memref<16x160x128xf32, #tpu.memory_space<vmem>>, vector<1x160x128xf32>,
    %swap3A_224 = arith.constant 13 : index
    %swap3A_225 = arith.constant 0 : index
    %swap3A_226 = arith.constant 0 : index
    %swap3A_227 = vector.load %arg5[%swap3A_224, %swap3A_225, %swap3A_226] : memref<16x160x128xf32, #tpu.memory_space<vmem>>, vector<1x160x128xf32>
    %swap3A_228 = vector.shape_cast %swap3A_227 : vector<1x160x128xf32> to vector<160x128xf32>
    %swap3A_229 = vector.shape_cast %convert_element_type3A : vector<160x128xf32> to vector<1x160x128xf32>
    tpu.vector_store %arg5[%swap3A_224, %swap3A_225, %swap3A_226], %swap3A_229 {strides = array<i32>} : memref<16x160x128xf32, #tpu.memory_space<vmem>>, vector<1x160x128xf32>,
    %swap3A_230 = arith.constant 14 : index
    %swap3A_231 = arith.constant 0 : index
    %swap3A_232 = arith.constant 0 : index
    %swap3A_233 = vector.load %arg5[%swap3A_230, %swap3A_231, %swap3A_232] : memref<16x160x128xf32, #tpu.memory_space<vmem>>, vector<1x160x128xf32>
    %swap3A_234 = vector.shape_cast %swap3A_233 : vector<1x160x128xf32> to vector<160x128xf32>
    %swap3A_235 = vector.shape_cast %broadcast_in_dim3A_144 : vector<160x128xf32> to vector<1x160x128xf32>
    tpu.vector_store %arg5[%swap3A_230, %swap3A_231, %swap3A_232], %swap3A_235 {strides = array<i32>} : memref<16x160x128xf32, #tpu.memory_space<vmem>>, vector<1x160x128xf32>,
    %swap3A_236 = arith.constant 15 : index
    %swap3A_237 = arith.constant 0 : index
    %swap3A_238 = arith.constant 0 : index
    %swap3A_239 = vector.load %arg5[%swap3A_236, %swap3A_237, %swap3A_238] : memref<16x160x128xf32, #tpu.memory_space<vmem>>, vector<1x160x128xf32>
    %swap3A_240 = vector.shape_cast %swap3A_239 : vector<1x160x128xf32> to vector<160x128xf32>
    %swap3A_241 = vector.shape_cast %broadcast_in_dim3A_146 : vector<160x128xf32> to vector<1x160x128xf32>
    tpu.vector_store %arg5[%swap3A_236, %swap3A_237, %swap3A_238], %swap3A_241 {strides = array<i32>} : memref<16x160x128xf32, #tpu.memory_space<vmem>>, vector<1x160x128xf32>,
    %iota3A_242 = tpu.iota {dimensions = array<i32: 0>} : vector<128x128xi32>
    %iota3A_243 = tpu.iota {dimensions = array<i32: 1>} : vector<128x128xi32>
    %le3A = arith.cmpi sle, %iota3A_242, %iota3A_243 : vector<128x128xi32>
    %convert_element_type3A_244 = arith.extui %le3A : vector<128x128xi1> to vector<128x128xi32>
    %convert_element_type3A_245 = arith.sitofp %convert_element_type3A_244 : vector<128x128xi32> to vector<128x128xf32>
    %iota3A_246 = tpu.iota {dimensions = array<i32: 0>} : vector<160x160xi32>
    %iota3A_247 = tpu.iota {dimensions = array<i32: 1>} : vector<160x160xi32>
    %lt3A_248 = arith.cmpi slt, %iota3A_247, %iota3A_246 : vector<160x160xi32>
    %convert_element_type3A_249 = arith.extui %lt3A_248 : vector<160x160xi1> to vector<160x160xi32>
    %convert_element_type3A_250 = arith.sitofp %convert_element_type3A_249 : vector<160x160xi32> to vector<160x160xf32>
    %bitcast_convert_type3A = tpu.bitcast %add3A_134 : vector<160x128xf32> -> vector<160x128xi32>
    %ge3A = arith.constant -2147483648 : i32
    %ge3A_251 = vector.broadcast %ge3A : i32 to vector<160x128xi32>
    %ge3A_252 = arith.cmpi uge, %bitcast_convert_type3A, %ge3A_251 : vector<160x128xi32>
    %not3A = arith.constant dense<-1> : vector<160x128xi32>
    %not3A_253 = arith.xori %bitcast_convert_type3A, %not3A : vector<160x128xi32>
    %or3A = arith.constant -2147483648 : i32
    %or3A_254 = vector.broadcast %or3A : i32 to vector<160x128xi32>
    %or3A_255 = arith.ori %bitcast_convert_type3A, %or3A_254 : vector<160x128xi32>
    %select_n3A = arith.select %ge3A_252, %not3A_253, %or3A_255 : vector<160x128xi1>, vector<160x128xi32>
    %jit3A = arith.constant 0 : i32
    %broadcast_in_dim3A_256 = vector.broadcast %jit3A : i32 to vector<160x128xi32>
    %select_n3A_257 = arith.select %lt3A_143, %select_n3A, %broadcast_in_dim3A_256 : vector<160x128xi1>, vector<160x128xi32>
    %bitcast_convert_type3A_258 = tpu.bitcast %add3A_136 : vector<160x128xf32> -> vector<160x128xi32>
    %ge3A_259 = arith.constant -2147483648 : i32
    %ge3A_260 = vector.broadcast %ge3A_259 : i32 to vector<160x128xi32>
    %ge3A_261 = arith.cmpi uge, %bitcast_convert_type3A_258, %ge3A_260 : vector<160x128xi32>
    %not3A_262 = arith.constant dense<-1> : vector<160x128xi32>
    %not3A_263 = arith.xori %bitcast_convert_type3A_258, %not3A_262 : vector<160x128xi32>
    %or3A_264 = arith.constant -2147483648 : i32
    %or3A_265 = vector.broadcast %or3A_264 : i32 to vector<160x128xi32>
    %or3A_266 = arith.ori %bitcast_convert_type3A_258, %or3A_265 : vector<160x128xi32>
    %select_n3A_267 = arith.select %ge3A_261, %not3A_263, %or3A_266 : vector<160x128xi1>, vector<160x128xi32>
    %jit3A_268 = arith.constant 0 : i32
    %broadcast_in_dim3A_269 = vector.broadcast %jit3A_268 : i32 to vector<160x128xi32>
    %select_n3A_270 = arith.select %lt3A_143, %select_n3A_267, %broadcast_in_dim3A_269 : vector<160x128xi1>, vector<160x128xi32>
    %or3A_271 = arith.constant 0 : i32
    %or3A_272 = arith.constant -2147483648 : i32
    %or3A_273 = arith.ori %or3A_271, %or3A_272 : i32
    %or3A_274 = arith.constant 0 : i32
    %or3A_275 = arith.constant -2147483648 : i32
    %or3A_276 = arith.ori %or3A_274, %or3A_275 : i32
    %ge3A_277 = vector.broadcast %or3A_273 : i32 to vector<160x128xi32>
    %ge3A_278 = arith.cmpi uge, %select_n3A_257, %ge3A_277 : vector<160x128xi32>
    %convert_element_type3A_279 = arith.extui %ge3A_278 : vector<160x128xi1> to vector<160x128xi32>
    %reduce_sum3A = vector.shape_cast %convert_element_type3A_279 : vector<160x128xi32> to vector<1x160x128xi32>
    %reduce_sum3A_280 = arith.constant dense<0> : vector<1xi32>
    %reduce_sum3A_281 = vector.multi_reduction <add>, %reduce_sum3A, %reduce_sum3A_280 [1, 2] : vector<1x160x128xi32> to vector<1xi32>
    %reduce_sum3A_282 = vector.shape_cast %reduce_sum3A_281 : vector<1xi32> to vector<1x1x1xi32>
    %reduce_sum3A_283 = vector.extract %reduce_sum3A_282[0, 0, 0] : i32 from vector<1x1x1xi32>
    %ge3A_284 = vector.broadcast %or3A_276 : i32 to vector<160x128xi32>
    %ge3A_285 = arith.cmpi uge, %select_n3A_270, %ge3A_284 : vector<160x128xi32>
    %convert_element_type3A_286 = arith.extui %ge3A_285 : vector<160x128xi1> to vector<160x128xi32>
    %reduce_sum3A_287 = vector.shape_cast %convert_element_type3A_286 : vector<160x128xi32> to vector<1x160x128xi32>
    %reduce_sum3A_288 = arith.constant dense<0> : vector<1xi32>
    %reduce_sum3A_289 = vector.multi_reduction <add>, %reduce_sum3A_287, %reduce_sum3A_288 [1, 2] : vector<1x160x128xi32> to vector<1xi32>
    %reduce_sum3A_290 = vector.shape_cast %reduce_sum3A_289 : vector<1xi32> to vector<1x1x1xi32>
    %reduce_sum3A_291 = vector.extract %reduce_sum3A_290[0, 0, 0] : i32 from vector<1x1x1xi32>
    %ge3A_292 = arith.constant 2000 : i32
    %ge3A_293 = arith.cmpi sge, %reduce_sum3A_283, %ge3A_292 : i32
    %jit3A_294 = arith.constant 0 : i32
    %select_n3A_295 = arith.select %ge3A_293, %or3A_273, %jit3A_294 : i32
    %ge3A_296 = arith.constant 2000 : i32
    %ge3A_297 = arith.cmpi sge, %reduce_sum3A_291, %ge3A_296 : i32
    %jit3A_298 = arith.constant 0 : i32
    %select_n3A_299 = arith.select %ge3A_297, %or3A_276, %jit3A_298 : i32
    %or3A_300 = arith.constant 1073741824 : i32
    %or3A_301 = arith.ori %select_n3A_295, %or3A_300 : i32
    %or3A_302 = arith.constant 1073741824 : i32
    %or3A_303 = arith.ori %select_n3A_299, %or3A_302 : i32
    %ge3A_304 = vector.broadcast %or3A_301 : i32 to vector<160x128xi32>
    %ge3A_305 = arith.cmpi uge, %select_n3A_257, %ge3A_304 : vector<160x128xi32>
    %convert_element_type3A_306 = arith.extui %ge3A_305 : vector<160x128xi1> to vector<160x128xi32>
    %reduce_sum3A_307 = vector.shape_cast %convert_element_type3A_306 : vector<160x128xi32> to vector<1x160x128xi32>
    %reduce_sum3A_308 = arith.constant dense<0> : vector<1xi32>
    %reduce_sum3A_309 = vector.multi_reduction <add>, %reduce_sum3A_307, %reduce_sum3A_308 [1, 2] : vector<1x160x128xi32> to vector<1xi32>
    %reduce_sum3A_310 = vector.shape_cast %reduce_sum3A_309 : vector<1xi32> to vector<1x1x1xi32>
    %reduce_sum3A_311 = vector.extract %reduce_sum3A_310[0, 0, 0] : i32 from vector<1x1x1xi32>
    %ge3A_312 = vector.broadcast %or3A_303 : i32 to vector<160x128xi32>
    %ge3A_313 = arith.cmpi uge, %select_n3A_270, %ge3A_312 : vector<160x128xi32>
    %convert_element_type3A_314 = arith.extui %ge3A_313 : vector<160x128xi1> to vector<160x128xi32>
    %reduce_sum3A_315 = vector.shape_cast %convert_element_type3A_314 : vector<160x128xi32> to vector<1x160x128xi32>
    %reduce_sum3A_316 = arith.constant dense<0> : vector<1xi32>
    %reduce_sum3A_317 = vector.multi_reduction <add>, %reduce_sum3A_315, %reduce_sum3A_316 [1, 2] : vector<1x160x128xi32> to vector<1xi32>
    %reduce_sum3A_318 = vector.shape_cast %reduce_sum3A_317 : vector<1xi32> to vector<1x1x1xi32>
    %reduce_sum3A_319 = vector.extract %reduce_sum3A_318[0, 0, 0] : i32 from vector<1x1x1xi32>
    %ge3A_320 = arith.constant 2000 : i32
    %ge3A_321 = arith.cmpi sge, %reduce_sum3A_311, %ge3A_320 : i32
    %select_n3A_322 = arith.select %ge3A_321, %or3A_301, %select_n3A_295 : i32
    %ge3A_323 = arith.constant 2000 : i32
    %ge3A_324 = arith.cmpi sge, %reduce_sum3A_319, %ge3A_323 : i32
    %select_n3A_325 = arith.select %ge3A_324, %or3A_303, %select_n3A_299 : i32
    %or3A_326 = arith.constant 536870912 : i32
    %or3A_327 = arith.ori %select_n3A_322, %or3A_326 : i32
    %or3A_328 = arith.constant 536870912 : i32
    %or3A_329 = arith.ori %select_n3A_325, %or3A_328 : i32
    %ge3A_330 = vector.broadcast %or3A_327 : i32 to vector<160x128xi32>
    %ge3A_331 = arith.cmpi uge, %select_n3A_257, %ge3A_330 : vector<160x128xi32>
    %convert_element_type3A_332 = arith.extui %ge3A_331 : vector<160x128xi1> to vector<160x128xi32>
    %reduce_sum3A_333 = vector.shape_cast %convert_element_type3A_332 : vector<160x128xi32> to vector<1x160x128xi32>
    %reduce_sum3A_334 = arith.constant dense<0> : vector<1xi32>
    %reduce_sum3A_335 = vector.multi_reduction <add>, %reduce_sum3A_333, %reduce_sum3A_334 [1, 2] : vector<1x160x128xi32> to vector<1xi32>
    %reduce_sum3A_336 = vector.shape_cast %reduce_sum3A_335 : vector<1xi32> to vector<1x1x1xi32>
    %reduce_sum3A_337 = vector.extract %reduce_sum3A_336[0, 0, 0] : i32 from vector<1x1x1xi32>
    %ge3A_338 = vector.broadcast %or3A_329 : i32 to vector<160x128xi32>
    %ge3A_339 = arith.cmpi uge, %select_n3A_270, %ge3A_338 : vector<160x128xi32>
    %convert_element_type3A_340 = arith.extui %ge3A_339 : vector<160x128xi1> to vector<160x128xi32>
    %reduce_sum3A_341 = vector.shape_cast %convert_element_type3A_340 : vector<160x128xi32> to vector<1x160x128xi32>
    %reduce_sum3A_342 = arith.constant dense<0> : vector<1xi32>
    %reduce_sum3A_343 = vector.multi_reduction <add>, %reduce_sum3A_341, %reduce_sum3A_342 [1, 2] : vector<1x160x128xi32> to vector<1xi32>
    %reduce_sum3A_344 = vector.shape_cast %reduce_sum3A_343 : vector<1xi32> to vector<1x1x1xi32>
    %reduce_sum3A_345 = vector.extract %reduce_sum3A_344[0, 0, 0] : i32 from vector<1x1x1xi32>
    %ge3A_346 = arith.constant 2000 : i32
    %ge3A_347 = arith.cmpi sge, %reduce_sum3A_337, %ge3A_346 : i32
    %select_n3A_348 = arith.select %ge3A_347, %or3A_327, %select_n3A_322 : i32
    %ge3A_349 = arith.constant 2000 : i32
    %ge3A_350 = arith.cmpi sge, %reduce_sum3A_345, %ge3A_349 : i32
    %select_n3A_351 = arith.select %ge3A_350, %or3A_329, %select_n3A_325 : i32
    %or3A_352 = arith.constant 268435456 : i32
    %or3A_353 = arith.ori %select_n3A_348, %or3A_352 : i32
    %or3A_354 = arith.constant 268435456 : i32
    %or3A_355 = arith.ori %select_n3A_351, %or3A_354 : i32
    %ge3A_356 = vector.broadcast %or3A_353 : i32 to vector<160x128xi32>
    %ge3A_357 = arith.cmpi uge, %select_n3A_257, %ge3A_356 : vector<160x128xi32>
    %convert_element_type3A_358 = arith.extui %ge3A_357 : vector<160x128xi1> to vector<160x128xi32>
    %reduce_sum3A_359 = vector.shape_cast %convert_element_type3A_358 : vector<160x128xi32> to vector<1x160x128xi32>
    %reduce_sum3A_360 = arith.constant dense<0> : vector<1xi32>
    %reduce_sum3A_361 = vector.multi_reduction <add>, %reduce_sum3A_359, %reduce_sum3A_360 [1, 2] : vector<1x160x128xi32> to vector<1xi32>
    %reduce_sum3A_362 = vector.shape_cast %reduce_sum3A_361 : vector<1xi32> to vector<1x1x1xi32>
    %reduce_sum3A_363 = vector.extract %reduce_sum3A_362[0, 0, 0] : i32 from vector<1x1x1xi32>
    %ge3A_364 = vector.broadcast %or3A_355 : i32 to vector<160x128xi32>
    %ge3A_365 = arith.cmpi uge, %select_n3A_270, %ge3A_364 : vector<160x128xi32>
    %convert_element_type3A_366 = arith.extui %ge3A_365 : vector<160x128xi1> to vector<160x128xi32>
    %reduce_sum3A_367 = vector.shape_cast %convert_element_type3A_366 : vector<160x128xi32> to vector<1x160x128xi32>
    %reduce_sum3A_368 = arith.constant dense<0> : vector<1xi32>
    %reduce_sum3A_369 = vector.multi_reduction <add>, %reduce_sum3A_367, %reduce_sum3A_368 [1, 2] : vector<1x160x128xi32> to vector<1xi32>
    %reduce_sum3A_370 = vector.shape_cast %reduce_sum3A_369 : vector<1xi32> to vector<1x1x1xi32>
    %reduce_sum3A_371 = vector.extract %reduce_sum3A_370[0, 0, 0] : i32 from vector<1x1x1xi32>
    %ge3A_372 = arith.constant 2000 : i32
    %ge3A_373 = arith.cmpi sge, %reduce_sum3A_363, %ge3A_372 : i32
    %select_n3A_374 = arith.select %ge3A_373, %or3A_353, %select_n3A_348 : i32
    %ge3A_375 = arith.constant 2000 : i32
    %ge3A_376 = arith.cmpi sge, %reduce_sum3A_371, %ge3A_375 : i32
    %select_n3A_377 = arith.select %ge3A_376, %or3A_355, %select_n3A_351 : i32
    %or3A_378 = arith.constant 134217728 : i32
    %or3A_379 = arith.ori %select_n3A_374, %or3A_378 : i32
    %or3A_380 = arith.constant 134217728 : i32
    %or3A_381 = arith.ori %select_n3A_377, %or3A_380 : i32
    %ge3A_382 = vector.broadcast %or3A_379 : i32 to vector<160x128xi32>
    %ge3A_383 = arith.cmpi uge, %select_n3A_257, %ge3A_382 : vector<160x128xi32>
    %convert_element_type3A_384 = arith.extui %ge3A_383 : vector<160x128xi1> to vector<160x128xi32>
    %reduce_sum3A_385 = vector.shape_cast %convert_element_type3A_384 : vector<160x128xi32> to vector<1x160x128xi32>
    %reduce_sum3A_386 = arith.constant dense<0> : vector<1xi32>
    %reduce_sum3A_387 = vector.multi_reduction <add>, %reduce_sum3A_385, %reduce_sum3A_386 [1, 2] : vector<1x160x128xi32> to vector<1xi32>
    %reduce_sum3A_388 = vector.shape_cast %reduce_sum3A_387 : vector<1xi32> to vector<1x1x1xi32>
    %reduce_sum3A_389 = vector.extract %reduce_sum3A_388[0, 0, 0] : i32 from vector<1x1x1xi32>
    %ge3A_390 = vector.broadcast %or3A_381 : i32 to vector<160x128xi32>
    %ge3A_391 = arith.cmpi uge, %select_n3A_270, %ge3A_390 : vector<160x128xi32>
    %convert_element_type3A_392 = arith.extui %ge3A_391 : vector<160x128xi1> to vector<160x128xi32>
    %reduce_sum3A_393 = vector.shape_cast %convert_element_type3A_392 : vector<160x128xi32> to vector<1x160x128xi32>
    %reduce_sum3A_394 = arith.constant dense<0> : vector<1xi32>
    %reduce_sum3A_395 = vector.multi_reduction <add>, %reduce_sum3A_393, %reduce_sum3A_394 [1, 2] : vector<1x160x128xi32> to vector<1xi32>
    %reduce_sum3A_396 = vector.shape_cast %reduce_sum3A_395 : vector<1xi32> to vector<1x1x1xi32>
    %reduce_sum3A_397 = vector.extract %reduce_sum3A_396[0, 0, 0] : i32 from vector<1x1x1xi32>
    %ge3A_398 = arith.constant 2000 : i32
    %ge3A_399 = arith.cmpi sge, %reduce_sum3A_389, %ge3A_398 : i32
    %select_n3A_400 = arith.select %ge3A_399, %or3A_379, %select_n3A_374 : i32
    %ge3A_401 = arith.constant 2000 : i32
    %ge3A_402 = arith.cmpi sge, %reduce_sum3A_397, %ge3A_401 : i32
    %select_n3A_403 = arith.select %ge3A_402, %or3A_381, %select_n3A_377 : i32
    %or3A_404 = arith.constant 67108864 : i32
    %or3A_405 = arith.ori %select_n3A_400, %or3A_404 : i32
    %or3A_406 = arith.constant 67108864 : i32
    %or3A_407 = arith.ori %select_n3A_403, %or3A_406 : i32
    %ge3A_408 = vector.broadcast %or3A_405 : i32 to vector<160x128xi32>
    %ge3A_409 = arith.cmpi uge, %select_n3A_257, %ge3A_408 : vector<160x128xi32>
    %convert_element_type3A_410 = arith.extui %ge3A_409 : vector<160x128xi1> to vector<160x128xi32>
    %reduce_sum3A_411 = vector.shape_cast %convert_element_type3A_410 : vector<160x128xi32> to vector<1x160x128xi32>
    %reduce_sum3A_412 = arith.constant dense<0> : vector<1xi32>
    %reduce_sum3A_413 = vector.multi_reduction <add>, %reduce_sum3A_411, %reduce_sum3A_412 [1, 2] : vector<1x160x128xi32> to vector<1xi32>
    %reduce_sum3A_414 = vector.shape_cast %reduce_sum3A_413 : vector<1xi32> to vector<1x1x1xi32>
    %reduce_sum3A_415 = vector.extract %reduce_sum3A_414[0, 0, 0] : i32 from vector<1x1x1xi32>
    %ge3A_416 = vector.broadcast %or3A_407 : i32 to vector<160x128xi32>
    %ge3A_417 = arith.cmpi uge, %select_n3A_270, %ge3A_416 : vector<160x128xi32>
    %convert_element_type3A_418 = arith.extui %ge3A_417 : vector<160x128xi1> to vector<160x128xi32>
    %reduce_sum3A_419 = vector.shape_cast %convert_element_type3A_418 : vector<160x128xi32> to vector<1x160x128xi32>
    %reduce_sum3A_420 = arith.constant dense<0> : vector<1xi32>
    %reduce_sum3A_421 = vector.multi_reduction <add>, %reduce_sum3A_419, %reduce_sum3A_420 [1, 2] : vector<1x160x128xi32> to vector<1xi32>
    %reduce_sum3A_422 = vector.shape_cast %reduce_sum3A_421 : vector<1xi32> to vector<1x1x1xi32>
    %reduce_sum3A_423 = vector.extract %reduce_sum3A_422[0, 0, 0] : i32 from vector<1x1x1xi32>
    %ge3A_424 = arith.constant 2000 : i32
    %ge3A_425 = arith.cmpi sge, %reduce_sum3A_415, %ge3A_424 : i32
    %select_n3A_426 = arith.select %ge3A_425, %or3A_405, %select_n3A_400 : i32
    %ge3A_427 = arith.constant 2000 : i32
    %ge3A_428 = arith.cmpi sge, %reduce_sum3A_423, %ge3A_427 : i32
    %select_n3A_429 = arith.select %ge3A_428, %or3A_407, %select_n3A_403 : i32
    %or3A_430 = arith.constant 33554432 : i32
    %or3A_431 = arith.ori %select_n3A_426, %or3A_430 : i32
    %or3A_432 = arith.constant 33554432 : i32
    %or3A_433 = arith.ori %select_n3A_429, %or3A_432 : i32
    %ge3A_434 = vector.broadcast %or3A_431 : i32 to vector<160x128xi32>
    %ge3A_435 = arith.cmpi uge, %select_n3A_257, %ge3A_434 : vector<160x128xi32>
    %convert_element_type3A_436 = arith.extui %ge3A_435 : vector<160x128xi1> to vector<160x128xi32>
    %reduce_sum3A_437 = vector.shape_cast %convert_element_type3A_436 : vector<160x128xi32> to vector<1x160x128xi32>
    %reduce_sum3A_438 = arith.constant dense<0> : vector<1xi32>
    %reduce_sum3A_439 = vector.multi_reduction <add>, %reduce_sum3A_437, %reduce_sum3A_438 [1, 2] : vector<1x160x128xi32> to vector<1xi32>
    %reduce_sum3A_440 = vector.shape_cast %reduce_sum3A_439 : vector<1xi32> to vector<1x1x1xi32>
    %reduce_sum3A_441 = vector.extract %reduce_sum3A_440[0, 0, 0] : i32 from vector<1x1x1xi32>
    %ge3A_442 = vector.broadcast %or3A_433 : i32 to vector<160x128xi32>
    %ge3A_443 = arith.cmpi uge, %select_n3A_270, %ge3A_442 : vector<160x128xi32>
    %convert_element_type3A_444 = arith.extui %ge3A_443 : vector<160x128xi1> to vector<160x128xi32>
    %reduce_sum3A_445 = vector.shape_cast %convert_element_type3A_444 : vector<160x128xi32> to vector<1x160x128xi32>
    %reduce_sum3A_446 = arith.constant dense<0> : vector<1xi32>
    %reduce_sum3A_447 = vector.multi_reduction <add>, %reduce_sum3A_445, %reduce_sum3A_446 [1, 2] : vector<1x160x128xi32> to vector<1xi32>
    %reduce_sum3A_448 = vector.shape_cast %reduce_sum3A_447 : vector<1xi32> to vector<1x1x1xi32>
    %reduce_sum3A_449 = vector.extract %reduce_sum3A_448[0, 0, 0] : i32 from vector<1x1x1xi32>
    %ge3A_450 = arith.constant 2000 : i32
    %ge3A_451 = arith.cmpi sge, %reduce_sum3A_441, %ge3A_450 : i32
    %select_n3A_452 = arith.select %ge3A_451, %or3A_431, %select_n3A_426 : i32
    %ge3A_453 = arith.constant 2000 : i32
    %ge3A_454 = arith.cmpi sge, %reduce_sum3A_449, %ge3A_453 : i32
    %select_n3A_455 = arith.select %ge3A_454, %or3A_433, %select_n3A_429 : i32
    %or3A_456 = arith.constant 16777216 : i32
    %or3A_457 = arith.ori %select_n3A_452, %or3A_456 : i32
    %or3A_458 = arith.constant 16777216 : i32
    %or3A_459 = arith.ori %select_n3A_455, %or3A_458 : i32
    %ge3A_460 = vector.broadcast %or3A_457 : i32 to vector<160x128xi32>
    %ge3A_461 = arith.cmpi uge, %select_n3A_257, %ge3A_460 : vector<160x128xi32>
    %convert_element_type3A_462 = arith.extui %ge3A_461 : vector<160x128xi1> to vector<160x128xi32>
    %reduce_sum3A_463 = vector.shape_cast %convert_element_type3A_462 : vector<160x128xi32> to vector<1x160x128xi32>
    %reduce_sum3A_464 = arith.constant dense<0> : vector<1xi32>
    %reduce_sum3A_465 = vector.multi_reduction <add>, %reduce_sum3A_463, %reduce_sum3A_464 [1, 2] : vector<1x160x128xi32> to vector<1xi32>
    %reduce_sum3A_466 = vector.shape_cast %reduce_sum3A_465 : vector<1xi32> to vector<1x1x1xi32>
    %reduce_sum3A_467 = vector.extract %reduce_sum3A_466[0, 0, 0] : i32 from vector<1x1x1xi32>
    %ge3A_468 = vector.broadcast %or3A_459 : i32 to vector<160x128xi32>
    %ge3A_469 = arith.cmpi uge, %select_n3A_270, %ge3A_468 : vector<160x128xi32>
    %convert_element_type3A_470 = arith.extui %ge3A_469 : vector<160x128xi1> to vector<160x128xi32>
    %reduce_sum3A_471 = vector.shape_cast %convert_element_type3A_470 : vector<160x128xi32> to vector<1x160x128xi32>
    %reduce_sum3A_472 = arith.constant dense<0> : vector<1xi32>
    %reduce_sum3A_473 = vector.multi_reduction <add>, %reduce_sum3A_471, %reduce_sum3A_472 [1, 2] : vector<1x160x128xi32> to vector<1xi32>
    %reduce_sum3A_474 = vector.shape_cast %reduce_sum3A_473 : vector<1xi32> to vector<1x1x1xi32>
    %reduce_sum3A_475 = vector.extract %reduce_sum3A_474[0, 0, 0] : i32 from vector<1x1x1xi32>
    %ge3A_476 = arith.constant 2000 : i32
    %ge3A_477 = arith.cmpi sge, %reduce_sum3A_467, %ge3A_476 : i32
    %select_n3A_478 = arith.select %ge3A_477, %or3A_457, %select_n3A_452 : i32
    %ge3A_479 = arith.constant 2000 : i32
    %ge3A_480 = arith.cmpi sge, %reduce_sum3A_475, %ge3A_479 : i32
    %select_n3A_481 = arith.select %ge3A_480, %or3A_459, %select_n3A_455 : i32
    %or3A_482 = arith.constant 8388608 : i32
    %or3A_483 = arith.ori %select_n3A_478, %or3A_482 : i32
    %or3A_484 = arith.constant 8388608 : i32
    %or3A_485 = arith.ori %select_n3A_481, %or3A_484 : i32
    %ge3A_486 = vector.broadcast %or3A_483 : i32 to vector<160x128xi32>
    %ge3A_487 = arith.cmpi uge, %select_n3A_257, %ge3A_486 : vector<160x128xi32>
    %convert_element_type3A_488 = arith.extui %ge3A_487 : vector<160x128xi1> to vector<160x128xi32>
    %reduce_sum3A_489 = vector.shape_cast %convert_element_type3A_488 : vector<160x128xi32> to vector<1x160x128xi32>
    %reduce_sum3A_490 = arith.constant dense<0> : vector<1xi32>
    %reduce_sum3A_491 = vector.multi_reduction <add>, %reduce_sum3A_489, %reduce_sum3A_490 [1, 2] : vector<1x160x128xi32> to vector<1xi32>
    %reduce_sum3A_492 = vector.shape_cast %reduce_sum3A_491 : vector<1xi32> to vector<1x1x1xi32>
    %reduce_sum3A_493 = vector.extract %reduce_sum3A_492[0, 0, 0] : i32 from vector<1x1x1xi32>
    %ge3A_494 = vector.broadcast %or3A_485 : i32 to vector<160x128xi32>
    %ge3A_495 = arith.cmpi uge, %select_n3A_270, %ge3A_494 : vector<160x128xi32>
    %convert_element_type3A_496 = arith.extui %ge3A_495 : vector<160x128xi1> to vector<160x128xi32>
    %reduce_sum3A_497 = vector.shape_cast %convert_element_type3A_496 : vector<160x128xi32> to vector<1x160x128xi32>
    %reduce_sum3A_498 = arith.constant dense<0> : vector<1xi32>
    %reduce_sum3A_499 = vector.multi_reduction <add>, %reduce_sum3A_497, %reduce_sum3A_498 [1, 2] : vector<1x160x128xi32> to vector<1xi32>
    %reduce_sum3A_500 = vector.shape_cast %reduce_sum3A_499 : vector<1xi32> to vector<1x1x1xi32>
    %reduce_sum3A_501 = vector.extract %reduce_sum3A_500[0, 0, 0] : i32 from vector<1x1x1xi32>
    %ge3A_502 = arith.constant 2000 : i32
    %ge3A_503 = arith.cmpi sge, %reduce_sum3A_493, %ge3A_502 : i32
    %select_n3A_504 = arith.select %ge3A_503, %or3A_483, %select_n3A_478 : i32
    %ge3A_505 = arith.constant 2000 : i32
    %ge3A_506 = arith.cmpi sge, %reduce_sum3A_501, %ge3A_505 : i32
    %select_n3A_507 = arith.select %ge3A_506, %or3A_485, %select_n3A_481 : i32
    %or3A_508 = arith.constant 4194304 : i32
    %or3A_509 = arith.ori %select_n3A_504, %or3A_508 : i32
    %or3A_510 = arith.constant 4194304 : i32
    %or3A_511 = arith.ori %select_n3A_507, %or3A_510 : i32
    %ge3A_512 = vector.broadcast %or3A_509 : i32 to vector<160x128xi32>
    %ge3A_513 = arith.cmpi uge, %select_n3A_257, %ge3A_512 : vector<160x128xi32>
    %convert_element_type3A_514 = arith.extui %ge3A_513 : vector<160x128xi1> to vector<160x128xi32>
    %reduce_sum3A_515 = vector.shape_cast %convert_element_type3A_514 : vector<160x128xi32> to vector<1x160x128xi32>
    %reduce_sum3A_516 = arith.constant dense<0> : vector<1xi32>
    %reduce_sum3A_517 = vector.multi_reduction <add>, %reduce_sum3A_515, %reduce_sum3A_516 [1, 2] : vector<1x160x128xi32> to vector<1xi32>
    %reduce_sum3A_518 = vector.shape_cast %reduce_sum3A_517 : vector<1xi32> to vector<1x1x1xi32>
    %reduce_sum3A_519 = vector.extract %reduce_sum3A_518[0, 0, 0] : i32 from vector<1x1x1xi32>
    %ge3A_520 = vector.broadcast %or3A_511 : i32 to vector<160x128xi32>
    %ge3A_521 = arith.cmpi uge, %select_n3A_270, %ge3A_520 : vector<160x128xi32>
    %convert_element_type3A_522 = arith.extui %ge3A_521 : vector<160x128xi1> to vector<160x128xi32>
    %reduce_sum3A_523 = vector.shape_cast %convert_element_type3A_522 : vector<160x128xi32> to vector<1x160x128xi32>
    %reduce_sum3A_524 = arith.constant dense<0> : vector<1xi32>
    %reduce_sum3A_525 = vector.multi_reduction <add>, %reduce_sum3A_523, %reduce_sum3A_524 [1, 2] : vector<1x160x128xi32> to vector<1xi32>
    %reduce_sum3A_526 = vector.shape_cast %reduce_sum3A_525 : vector<1xi32> to vector<1x1x1xi32>
    %reduce_sum3A_527 = vector.extract %reduce_sum3A_526[0, 0, 0] : i32 from vector<1x1x1xi32>
    %ge3A_528 = arith.constant 2000 : i32
    %ge3A_529 = arith.cmpi sge, %reduce_sum3A_519, %ge3A_528 : i32
    %select_n3A_530 = arith.select %ge3A_529, %or3A_509, %select_n3A_504 : i32
    %ge3A_531 = arith.constant 2000 : i32
    %ge3A_532 = arith.cmpi sge, %reduce_sum3A_527, %ge3A_531 : i32
    %select_n3A_533 = arith.select %ge3A_532, %or3A_511, %select_n3A_507 : i32
    %or3A_534 = arith.constant 2097152 : i32
    %or3A_535 = arith.ori %select_n3A_530, %or3A_534 : i32
    %or3A_536 = arith.constant 2097152 : i32
    %or3A_537 = arith.ori %select_n3A_533, %or3A_536 : i32
    %ge3A_538 = vector.broadcast %or3A_535 : i32 to vector<160x128xi32>
    %ge3A_539 = arith.cmpi uge, %select_n3A_257, %ge3A_538 : vector<160x128xi32>
    %convert_element_type3A_540 = arith.extui %ge3A_539 : vector<160x128xi1> to vector<160x128xi32>
    %reduce_sum3A_541 = vector.shape_cast %convert_element_type3A_540 : vector<160x128xi32> to vector<1x160x128xi32>
    %reduce_sum3A_542 = arith.constant dense<0> : vector<1xi32>
    %reduce_sum3A_543 = vector.multi_reduction <add>, %reduce_sum3A_541, %reduce_sum3A_542 [1, 2] : vector<1x160x128xi32> to vector<1xi32>
    %reduce_sum3A_544 = vector.shape_cast %reduce_sum3A_543 : vector<1xi32> to vector<1x1x1xi32>
    %reduce_sum3A_545 = vector.extract %reduce_sum3A_544[0, 0, 0] : i32 from vector<1x1x1xi32>
    %ge3A_546 = vector.broadcast %or3A_537 : i32 to vector<160x128xi32>
    %ge3A_547 = arith.cmpi uge, %select_n3A_270, %ge3A_546 : vector<160x128xi32>
    %convert_element_type3A_548 = arith.extui %ge3A_547 : vector<160x128xi1> to vector<160x128xi32>
    %reduce_sum3A_549 = vector.shape_cast %convert_element_type3A_548 : vector<160x128xi32> to vector<1x160x128xi32>
    %reduce_sum3A_550 = arith.constant dense<0> : vector<1xi32>
    %reduce_sum3A_551 = vector.multi_reduction <add>, %reduce_sum3A_549, %reduce_sum3A_550 [1, 2] : vector<1x160x128xi32> to vector<1xi32>
    %reduce_sum3A_552 = vector.shape_cast %reduce_sum3A_551 : vector<1xi32> to vector<1x1x1xi32>
    %reduce_sum3A_553 = vector.extract %reduce_sum3A_552[0, 0, 0] : i32 from vector<1x1x1xi32>
    %ge3A_554 = arith.constant 2000 : i32
    %ge3A_555 = arith.cmpi sge, %reduce_sum3A_545, %ge3A_554 : i32
    %select_n3A_556 = arith.select %ge3A_555, %or3A_535, %select_n3A_530 : i32
    %ge3A_557 = arith.constant 2000 : i32
    %ge3A_558 = arith.cmpi sge, %reduce_sum3A_553, %ge3A_557 : i32
    %select_n3A_559 = arith.select %ge3A_558, %or3A_537, %select_n3A_533 : i32
    %or3A_560 = arith.constant 1048576 : i32
    %or3A_561 = arith.ori %select_n3A_556, %or3A_560 : i32
    %or3A_562 = arith.constant 1048576 : i32
    %or3A_563 = arith.ori %select_n3A_559, %or3A_562 : i32
    %ge3A_564 = vector.broadcast %or3A_561 : i32 to vector<160x128xi32>
    %ge3A_565 = arith.cmpi uge, %select_n3A_257, %ge3A_564 : vector<160x128xi32>
    %convert_element_type3A_566 = arith.extui %ge3A_565 : vector<160x128xi1> to vector<160x128xi32>
    %reduce_sum3A_567 = vector.shape_cast %convert_element_type3A_566 : vector<160x128xi32> to vector<1x160x128xi32>
    %reduce_sum3A_568 = arith.constant dense<0> : vector<1xi32>
    %reduce_sum3A_569 = vector.multi_reduction <add>, %reduce_sum3A_567, %reduce_sum3A_568 [1, 2] : vector<1x160x128xi32> to vector<1xi32>
    %reduce_sum3A_570 = vector.shape_cast %reduce_sum3A_569 : vector<1xi32> to vector<1x1x1xi32>
    %reduce_sum3A_571 = vector.extract %reduce_sum3A_570[0, 0, 0] : i32 from vector<1x1x1xi32>
    %ge3A_572 = vector.broadcast %or3A_563 : i32 to vector<160x128xi32>
    %ge3A_573 = arith.cmpi uge, %select_n3A_270, %ge3A_572 : vector<160x128xi32>
    %convert_element_type3A_574 = arith.extui %ge3A_573 : vector<160x128xi1> to vector<160x128xi32>
    %reduce_sum3A_575 = vector.shape_cast %convert_element_type3A_574 : vector<160x128xi32> to vector<1x160x128xi32>
    %reduce_sum3A_576 = arith.constant dense<0> : vector<1xi32>
    %reduce_sum3A_577 = vector.multi_reduction <add>, %reduce_sum3A_575, %reduce_sum3A_576 [1, 2] : vector<1x160x128xi32> to vector<1xi32>
    %reduce_sum3A_578 = vector.shape_cast %reduce_sum3A_577 : vector<1xi32> to vector<1x1x1xi32>
    %reduce_sum3A_579 = vector.extract %reduce_sum3A_578[0, 0, 0] : i32 from vector<1x1x1xi32>
    %ge3A_580 = arith.constant 2000 : i32
    %ge3A_581 = arith.cmpi sge, %reduce_sum3A_571, %ge3A_580 : i32
    %select_n3A_582 = arith.select %ge3A_581, %or3A_561, %select_n3A_556 : i32
    %ge3A_583 = arith.constant 2000 : i32
    %ge3A_584 = arith.cmpi sge, %reduce_sum3A_579, %ge3A_583 : i32
    %select_n3A_585 = arith.select %ge3A_584, %or3A_563, %select_n3A_559 : i32
    %or3A_586 = arith.constant 524288 : i32
    %or3A_587 = arith.ori %select_n3A_582, %or3A_586 : i32
    %or3A_588 = arith.constant 524288 : i32
    %or3A_589 = arith.ori %select_n3A_585, %or3A_588 : i32
    %ge3A_590 = vector.broadcast %or3A_587 : i32 to vector<160x128xi32>
    %ge3A_591 = arith.cmpi uge, %select_n3A_257, %ge3A_590 : vector<160x128xi32>
    %convert_element_type3A_592 = arith.extui %ge3A_591 : vector<160x128xi1> to vector<160x128xi32>
    %reduce_sum3A_593 = vector.shape_cast %convert_element_type3A_592 : vector<160x128xi32> to vector<1x160x128xi32>
    %reduce_sum3A_594 = arith.constant dense<0> : vector<1xi32>
    %reduce_sum3A_595 = vector.multi_reduction <add>, %reduce_sum3A_593, %reduce_sum3A_594 [1, 2] : vector<1x160x128xi32> to vector<1xi32>
    %reduce_sum3A_596 = vector.shape_cast %reduce_sum3A_595 : vector<1xi32> to vector<1x1x1xi32>
    %reduce_sum3A_597 = vector.extract %reduce_sum3A_596[0, 0, 0] : i32 from vector<1x1x1xi32>
    %ge3A_598 = vector.broadcast %or3A_589 : i32 to vector<160x128xi32>
    %ge3A_599 = arith.cmpi uge, %select_n3A_270, %ge3A_598 : vector<160x128xi32>
    %convert_element_type3A_600 = arith.extui %ge3A_599 : vector<160x128xi1> to vector<160x128xi32>
    %reduce_sum3A_601 = vector.shape_cast %convert_element_type3A_600 : vector<160x128xi32> to vector<1x160x128xi32>
    %reduce_sum3A_602 = arith.constant dense<0> : vector<1xi32>
    %reduce_sum3A_603 = vector.multi_reduction <add>, %reduce_sum3A_601, %reduce_sum3A_602 [1, 2] : vector<1x160x128xi32> to vector<1xi32>
    %reduce_sum3A_604 = vector.shape_cast %reduce_sum3A_603 : vector<1xi32> to vector<1x1x1xi32>
    %reduce_sum3A_605 = vector.extract %reduce_sum3A_604[0, 0, 0] : i32 from vector<1x1x1xi32>
    %ge3A_606 = arith.constant 2000 : i32
    %ge3A_607 = arith.cmpi sge, %reduce_sum3A_597, %ge3A_606 : i32
    %select_n3A_608 = arith.select %ge3A_607, %or3A_587, %select_n3A_582 : i32
    %ge3A_609 = arith.constant 2000 : i32
    %ge3A_610 = arith.cmpi sge, %reduce_sum3A_605, %ge3A_609 : i32
    %select_n3A_611 = arith.select %ge3A_610, %or3A_589, %select_n3A_585 : i32
    %or3A_612 = arith.constant 262144 : i32
    %or3A_613 = arith.ori %select_n3A_608, %or3A_612 : i32
    %or3A_614 = arith.constant 262144 : i32
    %or3A_615 = arith.ori %select_n3A_611, %or3A_614 : i32
    %ge3A_616 = vector.broadcast %or3A_613 : i32 to vector<160x128xi32>
    %ge3A_617 = arith.cmpi uge, %select_n3A_257, %ge3A_616 : vector<160x128xi32>
    %convert_element_type3A_618 = arith.extui %ge3A_617 : vector<160x128xi1> to vector<160x128xi32>
    %reduce_sum3A_619 = vector.shape_cast %convert_element_type3A_618 : vector<160x128xi32> to vector<1x160x128xi32>
    %reduce_sum3A_620 = arith.constant dense<0> : vector<1xi32>
    %reduce_sum3A_621 = vector.multi_reduction <add>, %reduce_sum3A_619, %reduce_sum3A_620 [1, 2] : vector<1x160x128xi32> to vector<1xi32>
    %reduce_sum3A_622 = vector.shape_cast %reduce_sum3A_621 : vector<1xi32> to vector<1x1x1xi32>
    %reduce_sum3A_623 = vector.extract %reduce_sum3A_622[0, 0, 0] : i32 from vector<1x1x1xi32>
    %ge3A_624 = vector.broadcast %or3A_615 : i32 to vector<160x128xi32>
    %ge3A_625 = arith.cmpi uge, %select_n3A_270, %ge3A_624 : vector<160x128xi32>
    %convert_element_type3A_626 = arith.extui %ge3A_625 : vector<160x128xi1> to vector<160x128xi32>
    %reduce_sum3A_627 = vector.shape_cast %convert_element_type3A_626 : vector<160x128xi32> to vector<1x160x128xi32>
    %reduce_sum3A_628 = arith.constant dense<0> : vector<1xi32>
    %reduce_sum3A_629 = vector.multi_reduction <add>, %reduce_sum3A_627, %reduce_sum3A_628 [1, 2] : vector<1x160x128xi32> to vector<1xi32>
    %reduce_sum3A_630 = vector.shape_cast %reduce_sum3A_629 : vector<1xi32> to vector<1x1x1xi32>
    %reduce_sum3A_631 = vector.extract %reduce_sum3A_630[0, 0, 0] : i32 from vector<1x1x1xi32>
    %ge3A_632 = arith.constant 2000 : i32
    %ge3A_633 = arith.cmpi sge, %reduce_sum3A_623, %ge3A_632 : i32
    %select_n3A_634 = arith.select %ge3A_633, %or3A_613, %select_n3A_608 : i32
    %ge3A_635 = arith.constant 2000 : i32
    %ge3A_636 = arith.cmpi sge, %reduce_sum3A_631, %ge3A_635 : i32
    %select_n3A_637 = arith.select %ge3A_636, %or3A_615, %select_n3A_611 : i32
    %or3A_638 = arith.constant 131072 : i32
    %or3A_639 = arith.ori %select_n3A_634, %or3A_638 : i32
    %or3A_640 = arith.constant 131072 : i32
    %or3A_641 = arith.ori %select_n3A_637, %or3A_640 : i32
    %ge3A_642 = vector.broadcast %or3A_639 : i32 to vector<160x128xi32>
    %ge3A_643 = arith.cmpi uge, %select_n3A_257, %ge3A_642 : vector<160x128xi32>
    %convert_element_type3A_644 = arith.extui %ge3A_643 : vector<160x128xi1> to vector<160x128xi32>
    %reduce_sum3A_645 = vector.shape_cast %convert_element_type3A_644 : vector<160x128xi32> to vector<1x160x128xi32>
    %reduce_sum3A_646 = arith.constant dense<0> : vector<1xi32>
    %reduce_sum3A_647 = vector.multi_reduction <add>, %reduce_sum3A_645, %reduce_sum3A_646 [1, 2] : vector<1x160x128xi32> to vector<1xi32>
    %reduce_sum3A_648 = vector.shape_cast %reduce_sum3A_647 : vector<1xi32> to vector<1x1x1xi32>
    %reduce_sum3A_649 = vector.extract %reduce_sum3A_648[0, 0, 0] : i32 from vector<1x1x1xi32>
    %ge3A_650 = vector.broadcast %or3A_641 : i32 to vector<160x128xi32>
    %ge3A_651 = arith.cmpi uge, %select_n3A_270, %ge3A_650 : vector<160x128xi32>
    %convert_element_type3A_652 = arith.extui %ge3A_651 : vector<160x128xi1> to vector<160x128xi32>
    %reduce_sum3A_653 = vector.shape_cast %convert_element_type3A_652 : vector<160x128xi32> to vector<1x160x128xi32>
    %reduce_sum3A_654 = arith.constant dense<0> : vector<1xi32>
    %reduce_sum3A_655 = vector.multi_reduction <add>, %reduce_sum3A_653, %reduce_sum3A_654 [1, 2] : vector<1x160x128xi32> to vector<1xi32>
    %reduce_sum3A_656 = vector.shape_cast %reduce_sum3A_655 : vector<1xi32> to vector<1x1x1xi32>
    %reduce_sum3A_657 = vector.extract %reduce_sum3A_656[0, 0, 0] : i32 from vector<1x1x1xi32>
    %ge3A_658 = arith.constant 2000 : i32
    %ge3A_659 = arith.cmpi sge, %reduce_sum3A_649, %ge3A_658 : i32
    %select_n3A_660 = arith.select %ge3A_659, %or3A_639, %select_n3A_634 : i32
    %ge3A_661 = arith.constant 2000 : i32
    %ge3A_662 = arith.cmpi sge, %reduce_sum3A_657, %ge3A_661 : i32
    %select_n3A_663 = arith.select %ge3A_662, %or3A_641, %select_n3A_637 : i32
    %or3A_664 = arith.constant 65536 : i32
    %or3A_665 = arith.ori %select_n3A_660, %or3A_664 : i32
    %or3A_666 = arith.constant 65536 : i32
    %or3A_667 = arith.ori %select_n3A_663, %or3A_666 : i32
    %ge3A_668 = vector.broadcast %or3A_665 : i32 to vector<160x128xi32>
    %ge3A_669 = arith.cmpi uge, %select_n3A_257, %ge3A_668 : vector<160x128xi32>
    %convert_element_type3A_670 = arith.extui %ge3A_669 : vector<160x128xi1> to vector<160x128xi32>
    %reduce_sum3A_671 = vector.shape_cast %convert_element_type3A_670 : vector<160x128xi32> to vector<1x160x128xi32>
    %reduce_sum3A_672 = arith.constant dense<0> : vector<1xi32>
    %reduce_sum3A_673 = vector.multi_reduction <add>, %reduce_sum3A_671, %reduce_sum3A_672 [1, 2] : vector<1x160x128xi32> to vector<1xi32>
    %reduce_sum3A_674 = vector.shape_cast %reduce_sum3A_673 : vector<1xi32> to vector<1x1x1xi32>
    %reduce_sum3A_675 = vector.extract %reduce_sum3A_674[0, 0, 0] : i32 from vector<1x1x1xi32>
    %ge3A_676 = vector.broadcast %or3A_667 : i32 to vector<160x128xi32>
    %ge3A_677 = arith.cmpi uge, %select_n3A_270, %ge3A_676 : vector<160x128xi32>
    %convert_element_type3A_678 = arith.extui %ge3A_677 : vector<160x128xi1> to vector<160x128xi32>
    %reduce_sum3A_679 = vector.shape_cast %convert_element_type3A_678 : vector<160x128xi32> to vector<1x160x128xi32>
    %reduce_sum3A_680 = arith.constant dense<0> : vector<1xi32>
    %reduce_sum3A_681 = vector.multi_reduction <add>, %reduce_sum3A_679, %reduce_sum3A_680 [1, 2] : vector<1x160x128xi32> to vector<1xi32>
    %reduce_sum3A_682 = vector.shape_cast %reduce_sum3A_681 : vector<1xi32> to vector<1x1x1xi32>
    %reduce_sum3A_683 = vector.extract %reduce_sum3A_682[0, 0, 0] : i32 from vector<1x1x1xi32>
    %ge3A_684 = arith.constant 2000 : i32
    %ge3A_685 = arith.cmpi sge, %reduce_sum3A_675, %ge3A_684 : i32
    %select_n3A_686 = arith.select %ge3A_685, %or3A_665, %select_n3A_660 : i32
    %ge3A_687 = arith.constant 2000 : i32
    %ge3A_688 = arith.cmpi sge, %reduce_sum3A_683, %ge3A_687 : i32
    %select_n3A_689 = arith.select %ge3A_688, %or3A_667, %select_n3A_663 : i32
    %or3A_690 = arith.constant 32768 : i32
    %or3A_691 = arith.ori %select_n3A_686, %or3A_690 : i32
    %or3A_692 = arith.constant 32768 : i32
    %or3A_693 = arith.ori %select_n3A_689, %or3A_692 : i32
    %ge3A_694 = vector.broadcast %or3A_691 : i32 to vector<160x128xi32>
    %ge3A_695 = arith.cmpi uge, %select_n3A_257, %ge3A_694 : vector<160x128xi32>
    %convert_element_type3A_696 = arith.extui %ge3A_695 : vector<160x128xi1> to vector<160x128xi32>
    %reduce_sum3A_697 = vector.shape_cast %convert_element_type3A_696 : vector<160x128xi32> to vector<1x160x128xi32>
    %reduce_sum3A_698 = arith.constant dense<0> : vector<1xi32>
    %reduce_sum3A_699 = vector.multi_reduction <add>, %reduce_sum3A_697, %reduce_sum3A_698 [1, 2] : vector<1x160x128xi32> to vector<1xi32>
    %reduce_sum3A_700 = vector.shape_cast %reduce_sum3A_699 : vector<1xi32> to vector<1x1x1xi32>
    %reduce_sum3A_701 = vector.extract %reduce_sum3A_700[0, 0, 0] : i32 from vector<1x1x1xi32>
    %ge3A_702 = vector.broadcast %or3A_693 : i32 to vector<160x128xi32>
    %ge3A_703 = arith.cmpi uge, %select_n3A_270, %ge3A_702 : vector<160x128xi32>
    %convert_element_type3A_704 = arith.extui %ge3A_703 : vector<160x128xi1> to vector<160x128xi32>
    %reduce_sum3A_705 = vector.shape_cast %convert_element_type3A_704 : vector<160x128xi32> to vector<1x160x128xi32>
    %reduce_sum3A_706 = arith.constant dense<0> : vector<1xi32>
    %reduce_sum3A_707 = vector.multi_reduction <add>, %reduce_sum3A_705, %reduce_sum3A_706 [1, 2] : vector<1x160x128xi32> to vector<1xi32>
    %reduce_sum3A_708 = vector.shape_cast %reduce_sum3A_707 : vector<1xi32> to vector<1x1x1xi32>
    %reduce_sum3A_709 = vector.extract %reduce_sum3A_708[0, 0, 0] : i32 from vector<1x1x1xi32>
    %ge3A_710 = arith.constant 2000 : i32
    %ge3A_711 = arith.cmpi sge, %reduce_sum3A_701, %ge3A_710 : i32
    %select_n3A_712 = arith.select %ge3A_711, %or3A_691, %select_n3A_686 : i32
    %ge3A_713 = arith.constant 2000 : i32
    %ge3A_714 = arith.cmpi sge, %reduce_sum3A_709, %ge3A_713 : i32
    %select_n3A_715 = arith.select %ge3A_714, %or3A_693, %select_n3A_689 : i32
    %or3A_716 = arith.constant 16384 : i32
    %or3A_717 = arith.ori %select_n3A_712, %or3A_716 : i32
    %or3A_718 = arith.constant 16384 : i32
    %or3A_719 = arith.ori %select_n3A_715, %or3A_718 : i32
    %ge3A_720 = vector.broadcast %or3A_717 : i32 to vector<160x128xi32>
    %ge3A_721 = arith.cmpi uge, %select_n3A_257, %ge3A_720 : vector<160x128xi32>
    %convert_element_type3A_722 = arith.extui %ge3A_721 : vector<160x128xi1> to vector<160x128xi32>
    %reduce_sum3A_723 = vector.shape_cast %convert_element_type3A_722 : vector<160x128xi32> to vector<1x160x128xi32>
    %reduce_sum3A_724 = arith.constant dense<0> : vector<1xi32>
    %reduce_sum3A_725 = vector.multi_reduction <add>, %reduce_sum3A_723, %reduce_sum3A_724 [1, 2] : vector<1x160x128xi32> to vector<1xi32>
    %reduce_sum3A_726 = vector.shape_cast %reduce_sum3A_725 : vector<1xi32> to vector<1x1x1xi32>
    %reduce_sum3A_727 = vector.extract %reduce_sum3A_726[0, 0, 0] : i32 from vector<1x1x1xi32>
    %ge3A_728 = vector.broadcast %or3A_719 : i32 to vector<160x128xi32>
    %ge3A_729 = arith.cmpi uge, %select_n3A_270, %ge3A_728 : vector<160x128xi32>
    %convert_element_type3A_730 = arith.extui %ge3A_729 : vector<160x128xi1> to vector<160x128xi32>
    %reduce_sum3A_731 = vector.shape_cast %convert_element_type3A_730 : vector<160x128xi32> to vector<1x160x128xi32>
    %reduce_sum3A_732 = arith.constant dense<0> : vector<1xi32>
    %reduce_sum3A_733 = vector.multi_reduction <add>, %reduce_sum3A_731, %reduce_sum3A_732 [1, 2] : vector<1x160x128xi32> to vector<1xi32>
    %reduce_sum3A_734 = vector.shape_cast %reduce_sum3A_733 : vector<1xi32> to vector<1x1x1xi32>
    %reduce_sum3A_735 = vector.extract %reduce_sum3A_734[0, 0, 0] : i32 from vector<1x1x1xi32>
    %ge3A_736 = arith.constant 2000 : i32
    %ge3A_737 = arith.cmpi sge, %reduce_sum3A_727, %ge3A_736 : i32
    %select_n3A_738 = arith.select %ge3A_737, %or3A_717, %select_n3A_712 : i32
    %ge3A_739 = arith.constant 2000 : i32
    %ge3A_740 = arith.cmpi sge, %reduce_sum3A_735, %ge3A_739 : i32
    %select_n3A_741 = arith.select %ge3A_740, %or3A_719, %select_n3A_715 : i32
    %or3A_742 = arith.constant 8192 : i32
    %or3A_743 = arith.ori %select_n3A_738, %or3A_742 : i32
    %or3A_744 = arith.constant 8192 : i32
    %or3A_745 = arith.ori %select_n3A_741, %or3A_744 : i32
    %ge3A_746 = vector.broadcast %or3A_743 : i32 to vector<160x128xi32>
    %ge3A_747 = arith.cmpi uge, %select_n3A_257, %ge3A_746 : vector<160x128xi32>
    %convert_element_type3A_748 = arith.extui %ge3A_747 : vector<160x128xi1> to vector<160x128xi32>
    %reduce_sum3A_749 = vector.shape_cast %convert_element_type3A_748 : vector<160x128xi32> to vector<1x160x128xi32>
    %reduce_sum3A_750 = arith.constant dense<0> : vector<1xi32>
    %reduce_sum3A_751 = vector.multi_reduction <add>, %reduce_sum3A_749, %reduce_sum3A_750 [1, 2] : vector<1x160x128xi32> to vector<1xi32>
    %reduce_sum3A_752 = vector.shape_cast %reduce_sum3A_751 : vector<1xi32> to vector<1x1x1xi32>
    %reduce_sum3A_753 = vector.extract %reduce_sum3A_752[0, 0, 0] : i32 from vector<1x1x1xi32>
    %ge3A_754 = vector.broadcast %or3A_745 : i32 to vector<160x128xi32>
    %ge3A_755 = arith.cmpi uge, %select_n3A_270, %ge3A_754 : vector<160x128xi32>
    %convert_element_type3A_756 = arith.extui %ge3A_755 : vector<160x128xi1> to vector<160x128xi32>
    %reduce_sum3A_757 = vector.shape_cast %convert_element_type3A_756 : vector<160x128xi32> to vector<1x160x128xi32>
    %reduce_sum3A_758 = arith.constant dense<0> : vector<1xi32>
    %reduce_sum3A_759 = vector.multi_reduction <add>, %reduce_sum3A_757, %reduce_sum3A_758 [1, 2] : vector<1x160x128xi32> to vector<1xi32>
    %reduce_sum3A_760 = vector.shape_cast %reduce_sum3A_759 : vector<1xi32> to vector<1x1x1xi32>
    %reduce_sum3A_761 = vector.extract %reduce_sum3A_760[0, 0, 0] : i32 from vector<1x1x1xi32>
    %ge3A_762 = arith.constant 2000 : i32
    %ge3A_763 = arith.cmpi sge, %reduce_sum3A_753, %ge3A_762 : i32
    %select_n3A_764 = arith.select %ge3A_763, %or3A_743, %select_n3A_738 : i32
    %ge3A_765 = arith.constant 2000 : i32
    %ge3A_766 = arith.cmpi sge, %reduce_sum3A_761, %ge3A_765 : i32
    %select_n3A_767 = arith.select %ge3A_766, %or3A_745, %select_n3A_741 : i32
    %or3A_768 = arith.constant 4096 : i32
    %or3A_769 = arith.ori %select_n3A_764, %or3A_768 : i32
    %or3A_770 = arith.constant 4096 : i32
    %or3A_771 = arith.ori %select_n3A_767, %or3A_770 : i32
    %ge3A_772 = vector.broadcast %or3A_769 : i32 to vector<160x128xi32>
    %ge3A_773 = arith.cmpi uge, %select_n3A_257, %ge3A_772 : vector<160x128xi32>
    %convert_element_type3A_774 = arith.extui %ge3A_773 : vector<160x128xi1> to vector<160x128xi32>
    %reduce_sum3A_775 = vector.shape_cast %convert_element_type3A_774 : vector<160x128xi32> to vector<1x160x128xi32>
    %reduce_sum3A_776 = arith.constant dense<0> : vector<1xi32>
    %reduce_sum3A_777 = vector.multi_reduction <add>, %reduce_sum3A_775, %reduce_sum3A_776 [1, 2] : vector<1x160x128xi32> to vector<1xi32>
    %reduce_sum3A_778 = vector.shape_cast %reduce_sum3A_777 : vector<1xi32> to vector<1x1x1xi32>
    %reduce_sum3A_779 = vector.extract %reduce_sum3A_778[0, 0, 0] : i32 from vector<1x1x1xi32>
    %ge3A_780 = vector.broadcast %or3A_771 : i32 to vector<160x128xi32>
    %ge3A_781 = arith.cmpi uge, %select_n3A_270, %ge3A_780 : vector<160x128xi32>
    %convert_element_type3A_782 = arith.extui %ge3A_781 : vector<160x128xi1> to vector<160x128xi32>
    %reduce_sum3A_783 = vector.shape_cast %convert_element_type3A_782 : vector<160x128xi32> to vector<1x160x128xi32>
    %reduce_sum3A_784 = arith.constant dense<0> : vector<1xi32>
    %reduce_sum3A_785 = vector.multi_reduction <add>, %reduce_sum3A_783, %reduce_sum3A_784 [1, 2] : vector<1x160x128xi32> to vector<1xi32>
    %reduce_sum3A_786 = vector.shape_cast %reduce_sum3A_785 : vector<1xi32> to vector<1x1x1xi32>
    %reduce_sum3A_787 = vector.extract %reduce_sum3A_786[0, 0, 0] : i32 from vector<1x1x1xi32>
    %ge3A_788 = arith.constant 2000 : i32
    %ge3A_789 = arith.cmpi sge, %reduce_sum3A_779, %ge3A_788 : i32
    %select_n3A_790 = arith.select %ge3A_789, %or3A_769, %select_n3A_764 : i32
    %ge3A_791 = arith.constant 2000 : i32
    %ge3A_792 = arith.cmpi sge, %reduce_sum3A_787, %ge3A_791 : i32
    %select_n3A_793 = arith.select %ge3A_792, %or3A_771, %select_n3A_767 : i32
    %or3A_794 = arith.constant 2048 : i32
    %or3A_795 = arith.ori %select_n3A_790, %or3A_794 : i32
    %or3A_796 = arith.constant 2048 : i32
    %or3A_797 = arith.ori %select_n3A_793, %or3A_796 : i32
    %ge3A_798 = vector.broadcast %or3A_795 : i32 to vector<160x128xi32>
    %ge3A_799 = arith.cmpi uge, %select_n3A_257, %ge3A_798 : vector<160x128xi32>
    %convert_element_type3A_800 = arith.extui %ge3A_799 : vector<160x128xi1> to vector<160x128xi32>
    %reduce_sum3A_801 = vector.shape_cast %convert_element_type3A_800 : vector<160x128xi32> to vector<1x160x128xi32>
    %reduce_sum3A_802 = arith.constant dense<0> : vector<1xi32>
    %reduce_sum3A_803 = vector.multi_reduction <add>, %reduce_sum3A_801, %reduce_sum3A_802 [1, 2] : vector<1x160x128xi32> to vector<1xi32>
    %reduce_sum3A_804 = vector.shape_cast %reduce_sum3A_803 : vector<1xi32> to vector<1x1x1xi32>
    %reduce_sum3A_805 = vector.extract %reduce_sum3A_804[0, 0, 0] : i32 from vector<1x1x1xi32>
    %ge3A_806 = vector.broadcast %or3A_797 : i32 to vector<160x128xi32>
    %ge3A_807 = arith.cmpi uge, %select_n3A_270, %ge3A_806 : vector<160x128xi32>
    %convert_element_type3A_808 = arith.extui %ge3A_807 : vector<160x128xi1> to vector<160x128xi32>
    %reduce_sum3A_809 = vector.shape_cast %convert_element_type3A_808 : vector<160x128xi32> to vector<1x160x128xi32>
    %reduce_sum3A_810 = arith.constant dense<0> : vector<1xi32>
    %reduce_sum3A_811 = vector.multi_reduction <add>, %reduce_sum3A_809, %reduce_sum3A_810 [1, 2] : vector<1x160x128xi32> to vector<1xi32>
    %reduce_sum3A_812 = vector.shape_cast %reduce_sum3A_811 : vector<1xi32> to vector<1x1x1xi32>
    %reduce_sum3A_813 = vector.extract %reduce_sum3A_812[0, 0, 0] : i32 from vector<1x1x1xi32>
    %ge3A_814 = arith.constant 2000 : i32
    %ge3A_815 = arith.cmpi sge, %reduce_sum3A_805, %ge3A_814 : i32
    %select_n3A_816 = arith.select %ge3A_815, %or3A_795, %select_n3A_790 : i32
    %ge3A_817 = arith.constant 2000 : i32
    %ge3A_818 = arith.cmpi sge, %reduce_sum3A_813, %ge3A_817 : i32
    %select_n3A_819 = arith.select %ge3A_818, %or3A_797, %select_n3A_793 : i32
    %or3A_820 = arith.constant 1024 : i32
    %or3A_821 = arith.ori %select_n3A_816, %or3A_820 : i32
    %or3A_822 = arith.constant 1024 : i32
    %or3A_823 = arith.ori %select_n3A_819, %or3A_822 : i32
    %ge3A_824 = vector.broadcast %or3A_821 : i32 to vector<160x128xi32>
    %ge3A_825 = arith.cmpi uge, %select_n3A_257, %ge3A_824 : vector<160x128xi32>
    %convert_element_type3A_826 = arith.extui %ge3A_825 : vector<160x128xi1> to vector<160x128xi32>
    %reduce_sum3A_827 = vector.shape_cast %convert_element_type3A_826 : vector<160x128xi32> to vector<1x160x128xi32>
    %reduce_sum3A_828 = arith.constant dense<0> : vector<1xi32>
    %reduce_sum3A_829 = vector.multi_reduction <add>, %reduce_sum3A_827, %reduce_sum3A_828 [1, 2] : vector<1x160x128xi32> to vector<1xi32>
    %reduce_sum3A_830 = vector.shape_cast %reduce_sum3A_829 : vector<1xi32> to vector<1x1x1xi32>
    %reduce_sum3A_831 = vector.extract %reduce_sum3A_830[0, 0, 0] : i32 from vector<1x1x1xi32>
    %ge3A_832 = vector.broadcast %or3A_823 : i32 to vector<160x128xi32>
    %ge3A_833 = arith.cmpi uge, %select_n3A_270, %ge3A_832 : vector<160x128xi32>
    %convert_element_type3A_834 = arith.extui %ge3A_833 : vector<160x128xi1> to vector<160x128xi32>
    %reduce_sum3A_835 = vector.shape_cast %convert_element_type3A_834 : vector<160x128xi32> to vector<1x160x128xi32>
    %reduce_sum3A_836 = arith.constant dense<0> : vector<1xi32>
    %reduce_sum3A_837 = vector.multi_reduction <add>, %reduce_sum3A_835, %reduce_sum3A_836 [1, 2] : vector<1x160x128xi32> to vector<1xi32>
    %reduce_sum3A_838 = vector.shape_cast %reduce_sum3A_837 : vector<1xi32> to vector<1x1x1xi32>
    %reduce_sum3A_839 = vector.extract %reduce_sum3A_838[0, 0, 0] : i32 from vector<1x1x1xi32>
    %ge3A_840 = arith.constant 2000 : i32
    %ge3A_841 = arith.cmpi sge, %reduce_sum3A_831, %ge3A_840 : i32
    %select_n3A_842 = arith.select %ge3A_841, %or3A_821, %select_n3A_816 : i32
    %ge3A_843 = arith.constant 2000 : i32
    %ge3A_844 = arith.cmpi sge, %reduce_sum3A_839, %ge3A_843 : i32
    %select_n3A_845 = arith.select %ge3A_844, %or3A_823, %select_n3A_819 : i32
    %or3A_846 = arith.constant 512 : i32
    %or3A_847 = arith.ori %select_n3A_842, %or3A_846 : i32
    %or3A_848 = arith.constant 512 : i32
    %or3A_849 = arith.ori %select_n3A_845, %or3A_848 : i32
    %ge3A_850 = vector.broadcast %or3A_847 : i32 to vector<160x128xi32>
    %ge3A_851 = arith.cmpi uge, %select_n3A_257, %ge3A_850 : vector<160x128xi32>
    %convert_element_type3A_852 = arith.extui %ge3A_851 : vector<160x128xi1> to vector<160x128xi32>
    %reduce_sum3A_853 = vector.shape_cast %convert_element_type3A_852 : vector<160x128xi32> to vector<1x160x128xi32>
    %reduce_sum3A_854 = arith.constant dense<0> : vector<1xi32>
    %reduce_sum3A_855 = vector.multi_reduction <add>, %reduce_sum3A_853, %reduce_sum3A_854 [1, 2] : vector<1x160x128xi32> to vector<1xi32>
    %reduce_sum3A_856 = vector.shape_cast %reduce_sum3A_855 : vector<1xi32> to vector<1x1x1xi32>
    %reduce_sum3A_857 = vector.extract %reduce_sum3A_856[0, 0, 0] : i32 from vector<1x1x1xi32>
    %ge3A_858 = vector.broadcast %or3A_849 : i32 to vector<160x128xi32>
    %ge3A_859 = arith.cmpi uge, %select_n3A_270, %ge3A_858 : vector<160x128xi32>
    %convert_element_type3A_860 = arith.extui %ge3A_859 : vector<160x128xi1> to vector<160x128xi32>
    %reduce_sum3A_861 = vector.shape_cast %convert_element_type3A_860 : vector<160x128xi32> to vector<1x160x128xi32>
    %reduce_sum3A_862 = arith.constant dense<0> : vector<1xi32>
    %reduce_sum3A_863 = vector.multi_reduction <add>, %reduce_sum3A_861, %reduce_sum3A_862 [1, 2] : vector<1x160x128xi32> to vector<1xi32>
    %reduce_sum3A_864 = vector.shape_cast %reduce_sum3A_863 : vector<1xi32> to vector<1x1x1xi32>
    %reduce_sum3A_865 = vector.extract %reduce_sum3A_864[0, 0, 0] : i32 from vector<1x1x1xi32>
    %ge3A_866 = arith.constant 2000 : i32
    %ge3A_867 = arith.cmpi sge, %reduce_sum3A_857, %ge3A_866 : i32
    %select_n3A_868 = arith.select %ge3A_867, %or3A_847, %select_n3A_842 : i32
    %ge3A_869 = arith.constant 2000 : i32
    %ge3A_870 = arith.cmpi sge, %reduce_sum3A_865, %ge3A_869 : i32
    %select_n3A_871 = arith.select %ge3A_870, %or3A_849, %select_n3A_845 : i32
    %or3A_872 = arith.constant 256 : i32
    %or3A_873 = arith.ori %select_n3A_868, %or3A_872 : i32
    %or3A_874 = arith.constant 256 : i32
    %or3A_875 = arith.ori %select_n3A_871, %or3A_874 : i32
    %ge3A_876 = vector.broadcast %or3A_873 : i32 to vector<160x128xi32>
    %ge3A_877 = arith.cmpi uge, %select_n3A_257, %ge3A_876 : vector<160x128xi32>
    %convert_element_type3A_878 = arith.extui %ge3A_877 : vector<160x128xi1> to vector<160x128xi32>
    %reduce_sum3A_879 = vector.shape_cast %convert_element_type3A_878 : vector<160x128xi32> to vector<1x160x128xi32>
    %reduce_sum3A_880 = arith.constant dense<0> : vector<1xi32>
    %reduce_sum3A_881 = vector.multi_reduction <add>, %reduce_sum3A_879, %reduce_sum3A_880 [1, 2] : vector<1x160x128xi32> to vector<1xi32>
    %reduce_sum3A_882 = vector.shape_cast %reduce_sum3A_881 : vector<1xi32> to vector<1x1x1xi32>
    %reduce_sum3A_883 = vector.extract %reduce_sum3A_882[0, 0, 0] : i32 from vector<1x1x1xi32>
    %ge3A_884 = vector.broadcast %or3A_875 : i32 to vector<160x128xi32>
    %ge3A_885 = arith.cmpi uge, %select_n3A_270, %ge3A_884 : vector<160x128xi32>
    %convert_element_type3A_886 = arith.extui %ge3A_885 : vector<160x128xi1> to vector<160x128xi32>
    %reduce_sum3A_887 = vector.shape_cast %convert_element_type3A_886 : vector<160x128xi32> to vector<1x160x128xi32>
    %reduce_sum3A_888 = arith.constant dense<0> : vector<1xi32>
    %reduce_sum3A_889 = vector.multi_reduction <add>, %reduce_sum3A_887, %reduce_sum3A_888 [1, 2] : vector<1x160x128xi32> to vector<1xi32>
    %reduce_sum3A_890 = vector.shape_cast %reduce_sum3A_889 : vector<1xi32> to vector<1x1x1xi32>
    %reduce_sum3A_891 = vector.extract %reduce_sum3A_890[0, 0, 0] : i32 from vector<1x1x1xi32>
    %ge3A_892 = arith.constant 2000 : i32
    %ge3A_893 = arith.cmpi sge, %reduce_sum3A_883, %ge3A_892 : i32
    %select_n3A_894 = arith.select %ge3A_893, %or3A_873, %select_n3A_868 : i32
    %ge3A_895 = arith.constant 2000 : i32
    %ge3A_896 = arith.cmpi sge, %reduce_sum3A_891, %ge3A_895 : i32
    %select_n3A_897 = arith.select %ge3A_896, %or3A_875, %select_n3A_871 : i32
    %or3A_898 = arith.constant 128 : i32
    %or3A_899 = arith.ori %select_n3A_894, %or3A_898 : i32
    %or3A_900 = arith.constant 128 : i32
    %or3A_901 = arith.ori %select_n3A_897, %or3A_900 : i32
    %ge3A_902 = vector.broadcast %or3A_899 : i32 to vector<160x128xi32>
    %ge3A_903 = arith.cmpi uge, %select_n3A_257, %ge3A_902 : vector<160x128xi32>
    %convert_element_type3A_904 = arith.extui %ge3A_903 : vector<160x128xi1> to vector<160x128xi32>
    %reduce_sum3A_905 = vector.shape_cast %convert_element_type3A_904 : vector<160x128xi32> to vector<1x160x128xi32>
    %reduce_sum3A_906 = arith.constant dense<0> : vector<1xi32>
    %reduce_sum3A_907 = vector.multi_reduction <add>, %reduce_sum3A_905, %reduce_sum3A_906 [1, 2] : vector<1x160x128xi32> to vector<1xi32>
    %reduce_sum3A_908 = vector.shape_cast %reduce_sum3A_907 : vector<1xi32> to vector<1x1x1xi32>
    %reduce_sum3A_909 = vector.extract %reduce_sum3A_908[0, 0, 0] : i32 from vector<1x1x1xi32>
    %ge3A_910 = vector.broadcast %or3A_901 : i32 to vector<160x128xi32>
    %ge3A_911 = arith.cmpi uge, %select_n3A_270, %ge3A_910 : vector<160x128xi32>
    %convert_element_type3A_912 = arith.extui %ge3A_911 : vector<160x128xi1> to vector<160x128xi32>
    %reduce_sum3A_913 = vector.shape_cast %convert_element_type3A_912 : vector<160x128xi32> to vector<1x160x128xi32>
    %reduce_sum3A_914 = arith.constant dense<0> : vector<1xi32>
    %reduce_sum3A_915 = vector.multi_reduction <add>, %reduce_sum3A_913, %reduce_sum3A_914 [1, 2] : vector<1x160x128xi32> to vector<1xi32>
    %reduce_sum3A_916 = vector.shape_cast %reduce_sum3A_915 : vector<1xi32> to vector<1x1x1xi32>
    %reduce_sum3A_917 = vector.extract %reduce_sum3A_916[0, 0, 0] : i32 from vector<1x1x1xi32>
    %ge3A_918 = arith.constant 2000 : i32
    %ge3A_919 = arith.cmpi sge, %reduce_sum3A_909, %ge3A_918 : i32
    %select_n3A_920 = arith.select %ge3A_919, %or3A_899, %select_n3A_894 : i32
    %ge3A_921 = arith.constant 2000 : i32
    %ge3A_922 = arith.cmpi sge, %reduce_sum3A_917, %ge3A_921 : i32
    %select_n3A_923 = arith.select %ge3A_922, %or3A_901, %select_n3A_897 : i32
    %or3A_924 = arith.constant 64 : i32
    %or3A_925 = arith.ori %select_n3A_920, %or3A_924 : i32
    %or3A_926 = arith.constant 64 : i32
    %or3A_927 = arith.ori %select_n3A_923, %or3A_926 : i32
    %ge3A_928 = vector.broadcast %or3A_925 : i32 to vector<160x128xi32>
    %ge3A_929 = arith.cmpi uge, %select_n3A_257, %ge3A_928 : vector<160x128xi32>
    %convert_element_type3A_930 = arith.extui %ge3A_929 : vector<160x128xi1> to vector<160x128xi32>
    %reduce_sum3A_931 = vector.shape_cast %convert_element_type3A_930 : vector<160x128xi32> to vector<1x160x128xi32>
    %reduce_sum3A_932 = arith.constant dense<0> : vector<1xi32>
    %reduce_sum3A_933 = vector.multi_reduction <add>, %reduce_sum3A_931, %reduce_sum3A_932 [1, 2] : vector<1x160x128xi32> to vector<1xi32>
    %reduce_sum3A_934 = vector.shape_cast %reduce_sum3A_933 : vector<1xi32> to vector<1x1x1xi32>
    %reduce_sum3A_935 = vector.extract %reduce_sum3A_934[0, 0, 0] : i32 from vector<1x1x1xi32>
    %ge3A_936 = vector.broadcast %or3A_927 : i32 to vector<160x128xi32>
    %ge3A_937 = arith.cmpi uge, %select_n3A_270, %ge3A_936 : vector<160x128xi32>
    %convert_element_type3A_938 = arith.extui %ge3A_937 : vector<160x128xi1> to vector<160x128xi32>
    %reduce_sum3A_939 = vector.shape_cast %convert_element_type3A_938 : vector<160x128xi32> to vector<1x160x128xi32>
    %reduce_sum3A_940 = arith.constant dense<0> : vector<1xi32>
    %reduce_sum3A_941 = vector.multi_reduction <add>, %reduce_sum3A_939, %reduce_sum3A_940 [1, 2] : vector<1x160x128xi32> to vector<1xi32>
    %reduce_sum3A_942 = vector.shape_cast %reduce_sum3A_941 : vector<1xi32> to vector<1x1x1xi32>
    %reduce_sum3A_943 = vector.extract %reduce_sum3A_942[0, 0, 0] : i32 from vector<1x1x1xi32>
    %ge3A_944 = arith.constant 2000 : i32
    %ge3A_945 = arith.cmpi sge, %reduce_sum3A_935, %ge3A_944 : i32
    %select_n3A_946 = arith.select %ge3A_945, %or3A_925, %select_n3A_920 : i32
    %ge3A_947 = arith.constant 2000 : i32
    %ge3A_948 = arith.cmpi sge, %reduce_sum3A_943, %ge3A_947 : i32
    %select_n3A_949 = arith.select %ge3A_948, %or3A_927, %select_n3A_923 : i32
    %or3A_950 = arith.constant 32 : i32
    %or3A_951 = arith.ori %select_n3A_946, %or3A_950 : i32
    %or3A_952 = arith.constant 32 : i32
    %or3A_953 = arith.ori %select_n3A_949, %or3A_952 : i32
    %ge3A_954 = vector.broadcast %or3A_951 : i32 to vector<160x128xi32>
    %ge3A_955 = arith.cmpi uge, %select_n3A_257, %ge3A_954 : vector<160x128xi32>
    %convert_element_type3A_956 = arith.extui %ge3A_955 : vector<160x128xi1> to vector<160x128xi32>
    %reduce_sum3A_957 = vector.shape_cast %convert_element_type3A_956 : vector<160x128xi32> to vector<1x160x128xi32>
    %reduce_sum3A_958 = arith.constant dense<0> : vector<1xi32>
    %reduce_sum3A_959 = vector.multi_reduction <add>, %reduce_sum3A_957, %reduce_sum3A_958 [1, 2] : vector<1x160x128xi32> to vector<1xi32>
    %reduce_sum3A_960 = vector.shape_cast %reduce_sum3A_959 : vector<1xi32> to vector<1x1x1xi32>
    %reduce_sum3A_961 = vector.extract %reduce_sum3A_960[0, 0, 0] : i32 from vector<1x1x1xi32>
    %ge3A_962 = vector.broadcast %or3A_953 : i32 to vector<160x128xi32>
    %ge3A_963 = arith.cmpi uge, %select_n3A_270, %ge3A_962 : vector<160x128xi32>
    %convert_element_type3A_964 = arith.extui %ge3A_963 : vector<160x128xi1> to vector<160x128xi32>
    %reduce_sum3A_965 = vector.shape_cast %convert_element_type3A_964 : vector<160x128xi32> to vector<1x160x128xi32>
    %reduce_sum3A_966 = arith.constant dense<0> : vector<1xi32>
    %reduce_sum3A_967 = vector.multi_reduction <add>, %reduce_sum3A_965, %reduce_sum3A_966 [1, 2] : vector<1x160x128xi32> to vector<1xi32>
    %reduce_sum3A_968 = vector.shape_cast %reduce_sum3A_967 : vector<1xi32> to vector<1x1x1xi32>
    %reduce_sum3A_969 = vector.extract %reduce_sum3A_968[0, 0, 0] : i32 from vector<1x1x1xi32>
    %ge3A_970 = arith.constant 2000 : i32
    %ge3A_971 = arith.cmpi sge, %reduce_sum3A_961, %ge3A_970 : i32
    %select_n3A_972 = arith.select %ge3A_971, %or3A_951, %select_n3A_946 : i32
    %ge3A_973 = arith.constant 2000 : i32
    %ge3A_974 = arith.cmpi sge, %reduce_sum3A_969, %ge3A_973 : i32
    %select_n3A_975 = arith.select %ge3A_974, %or3A_953, %select_n3A_949 : i32
    %or3A_976 = arith.constant 16 : i32
    %or3A_977 = arith.ori %select_n3A_972, %or3A_976 : i32
    %or3A_978 = arith.constant 16 : i32
    %or3A_979 = arith.ori %select_n3A_975, %or3A_978 : i32
    %ge3A_980 = vector.broadcast %or3A_977 : i32 to vector<160x128xi32>
    %ge3A_981 = arith.cmpi uge, %select_n3A_257, %ge3A_980 : vector<160x128xi32>
    %convert_element_type3A_982 = arith.extui %ge3A_981 : vector<160x128xi1> to vector<160x128xi32>
    %reduce_sum3A_983 = vector.shape_cast %convert_element_type3A_982 : vector<160x128xi32> to vector<1x160x128xi32>
    %reduce_sum3A_984 = arith.constant dense<0> : vector<1xi32>
    %reduce_sum3A_985 = vector.multi_reduction <add>, %reduce_sum3A_983, %reduce_sum3A_984 [1, 2] : vector<1x160x128xi32> to vector<1xi32>
    %reduce_sum3A_986 = vector.shape_cast %reduce_sum3A_985 : vector<1xi32> to vector<1x1x1xi32>
    %reduce_sum3A_987 = vector.extract %reduce_sum3A_986[0, 0, 0] : i32 from vector<1x1x1xi32>
    %ge3A_988 = vector.broadcast %or3A_979 : i32 to vector<160x128xi32>
    %ge3A_989 = arith.cmpi uge, %select_n3A_270, %ge3A_988 : vector<160x128xi32>
    %convert_element_type3A_990 = arith.extui %ge3A_989 : vector<160x128xi1> to vector<160x128xi32>
    %reduce_sum3A_991 = vector.shape_cast %convert_element_type3A_990 : vector<160x128xi32> to vector<1x160x128xi32>
    %reduce_sum3A_992 = arith.constant dense<0> : vector<1xi32>
    %reduce_sum3A_993 = vector.multi_reduction <add>, %reduce_sum3A_991, %reduce_sum3A_992 [1, 2] : vector<1x160x128xi32> to vector<1xi32>
    %reduce_sum3A_994 = vector.shape_cast %reduce_sum3A_993 : vector<1xi32> to vector<1x1x1xi32>
    %reduce_sum3A_995 = vector.extract %reduce_sum3A_994[0, 0, 0] : i32 from vector<1x1x1xi32>
    %ge3A_996 = arith.constant 2000 : i32
    %ge3A_997 = arith.cmpi sge, %reduce_sum3A_987, %ge3A_996 : i32
    %select_n3A_998 = arith.select %ge3A_997, %or3A_977, %select_n3A_972 : i32
    %ge3A_999 = arith.constant 2000 : i32
    %ge3A_1000 = arith.cmpi sge, %reduce_sum3A_995, %ge3A_999 : i32
    %select_n3A_1001 = arith.select %ge3A_1000, %or3A_979, %select_n3A_975 : i32
    %or3A_1002 = arith.constant 8 : i32
    %or3A_1003 = arith.ori %select_n3A_998, %or3A_1002 : i32
    %or3A_1004 = arith.constant 8 : i32
    %or3A_1005 = arith.ori %select_n3A_1001, %or3A_1004 : i32
    %ge3A_1006 = vector.broadcast %or3A_1003 : i32 to vector<160x128xi32>
    %ge3A_1007 = arith.cmpi uge, %select_n3A_257, %ge3A_1006 : vector<160x128xi32>
    %convert_element_type3A_1008 = arith.extui %ge3A_1007 : vector<160x128xi1> to vector<160x128xi32>
    %reduce_sum3A_1009 = vector.shape_cast %convert_element_type3A_1008 : vector<160x128xi32> to vector<1x160x128xi32>
    %reduce_sum3A_1010 = arith.constant dense<0> : vector<1xi32>
    %reduce_sum3A_1011 = vector.multi_reduction <add>, %reduce_sum3A_1009, %reduce_sum3A_1010 [1, 2] : vector<1x160x128xi32> to vector<1xi32>
    %reduce_sum3A_1012 = vector.shape_cast %reduce_sum3A_1011 : vector<1xi32> to vector<1x1x1xi32>
    %reduce_sum3A_1013 = vector.extract %reduce_sum3A_1012[0, 0, 0] : i32 from vector<1x1x1xi32>
    %ge3A_1014 = vector.broadcast %or3A_1005 : i32 to vector<160x128xi32>
    %ge3A_1015 = arith.cmpi uge, %select_n3A_270, %ge3A_1014 : vector<160x128xi32>
    %convert_element_type3A_1016 = arith.extui %ge3A_1015 : vector<160x128xi1> to vector<160x128xi32>
    %reduce_sum3A_1017 = vector.shape_cast %convert_element_type3A_1016 : vector<160x128xi32> to vector<1x160x128xi32>
    %reduce_sum3A_1018 = arith.constant dense<0> : vector<1xi32>
    %reduce_sum3A_1019 = vector.multi_reduction <add>, %reduce_sum3A_1017, %reduce_sum3A_1018 [1, 2] : vector<1x160x128xi32> to vector<1xi32>
    %reduce_sum3A_1020 = vector.shape_cast %reduce_sum3A_1019 : vector<1xi32> to vector<1x1x1xi32>
    %reduce_sum3A_1021 = vector.extract %reduce_sum3A_1020[0, 0, 0] : i32 from vector<1x1x1xi32>
    %ge3A_1022 = arith.constant 2000 : i32
    %ge3A_1023 = arith.cmpi sge, %reduce_sum3A_1013, %ge3A_1022 : i32
    %select_n3A_1024 = arith.select %ge3A_1023, %or3A_1003, %select_n3A_998 : i32
    %ge3A_1025 = arith.constant 2000 : i32
    %ge3A_1026 = arith.cmpi sge, %reduce_sum3A_1021, %ge3A_1025 : i32
    %select_n3A_1027 = arith.select %ge3A_1026, %or3A_1005, %select_n3A_1001 : i32
    %or3A_1028 = arith.constant 4 : i32
    %or3A_1029 = arith.ori %select_n3A_1024, %or3A_1028 : i32
    %or3A_1030 = arith.constant 4 : i32
    %or3A_1031 = arith.ori %select_n3A_1027, %or3A_1030 : i32
    %ge3A_1032 = vector.broadcast %or3A_1029 : i32 to vector<160x128xi32>
    %ge3A_1033 = arith.cmpi uge, %select_n3A_257, %ge3A_1032 : vector<160x128xi32>
    %convert_element_type3A_1034 = arith.extui %ge3A_1033 : vector<160x128xi1> to vector<160x128xi32>
    %reduce_sum3A_1035 = vector.shape_cast %convert_element_type3A_1034 : vector<160x128xi32> to vector<1x160x128xi32>
    %reduce_sum3A_1036 = arith.constant dense<0> : vector<1xi32>
    %reduce_sum3A_1037 = vector.multi_reduction <add>, %reduce_sum3A_1035, %reduce_sum3A_1036 [1, 2] : vector<1x160x128xi32> to vector<1xi32>
    %reduce_sum3A_1038 = vector.shape_cast %reduce_sum3A_1037 : vector<1xi32> to vector<1x1x1xi32>
    %reduce_sum3A_1039 = vector.extract %reduce_sum3A_1038[0, 0, 0] : i32 from vector<1x1x1xi32>
    %ge3A_1040 = vector.broadcast %or3A_1031 : i32 to vector<160x128xi32>
    %ge3A_1041 = arith.cmpi uge, %select_n3A_270, %ge3A_1040 : vector<160x128xi32>
    %convert_element_type3A_1042 = arith.extui %ge3A_1041 : vector<160x128xi1> to vector<160x128xi32>
    %reduce_sum3A_1043 = vector.shape_cast %convert_element_type3A_1042 : vector<160x128xi32> to vector<1x160x128xi32>
    %reduce_sum3A_1044 = arith.constant dense<0> : vector<1xi32>
    %reduce_sum3A_1045 = vector.multi_reduction <add>, %reduce_sum3A_1043, %reduce_sum3A_1044 [1, 2] : vector<1x160x128xi32> to vector<1xi32>
    %reduce_sum3A_1046 = vector.shape_cast %reduce_sum3A_1045 : vector<1xi32> to vector<1x1x1xi32>
    %reduce_sum3A_1047 = vector.extract %reduce_sum3A_1046[0, 0, 0] : i32 from vector<1x1x1xi32>
    %ge3A_1048 = arith.constant 2000 : i32
    %ge3A_1049 = arith.cmpi sge, %reduce_sum3A_1039, %ge3A_1048 : i32
    %select_n3A_1050 = arith.select %ge3A_1049, %or3A_1029, %select_n3A_1024 : i32
    %ge3A_1051 = arith.constant 2000 : i32
    %ge3A_1052 = arith.cmpi sge, %reduce_sum3A_1047, %ge3A_1051 : i32
    %select_n3A_1053 = arith.select %ge3A_1052, %or3A_1031, %select_n3A_1027 : i32
    %or3A_1054 = arith.constant 2 : i32
    %or3A_1055 = arith.ori %select_n3A_1050, %or3A_1054 : i32
    %or3A_1056 = arith.constant 2 : i32
    %or3A_1057 = arith.ori %select_n3A_1053, %or3A_1056 : i32
    %ge3A_1058 = vector.broadcast %or3A_1055 : i32 to vector<160x128xi32>
    %ge3A_1059 = arith.cmpi uge, %select_n3A_257, %ge3A_1058 : vector<160x128xi32>
    %convert_element_type3A_1060 = arith.extui %ge3A_1059 : vector<160x128xi1> to vector<160x128xi32>
    %reduce_sum3A_1061 = vector.shape_cast %convert_element_type3A_1060 : vector<160x128xi32> to vector<1x160x128xi32>
    %reduce_sum3A_1062 = arith.constant dense<0> : vector<1xi32>
    %reduce_sum3A_1063 = vector.multi_reduction <add>, %reduce_sum3A_1061, %reduce_sum3A_1062 [1, 2] : vector<1x160x128xi32> to vector<1xi32>
    %reduce_sum3A_1064 = vector.shape_cast %reduce_sum3A_1063 : vector<1xi32> to vector<1x1x1xi32>
    %reduce_sum3A_1065 = vector.extract %reduce_sum3A_1064[0, 0, 0] : i32 from vector<1x1x1xi32>
    %ge3A_1066 = vector.broadcast %or3A_1057 : i32 to vector<160x128xi32>
    %ge3A_1067 = arith.cmpi uge, %select_n3A_270, %ge3A_1066 : vector<160x128xi32>
    %convert_element_type3A_1068 = arith.extui %ge3A_1067 : vector<160x128xi1> to vector<160x128xi32>
    %reduce_sum3A_1069 = vector.shape_cast %convert_element_type3A_1068 : vector<160x128xi32> to vector<1x160x128xi32>
    %reduce_sum3A_1070 = arith.constant dense<0> : vector<1xi32>
    %reduce_sum3A_1071 = vector.multi_reduction <add>, %reduce_sum3A_1069, %reduce_sum3A_1070 [1, 2] : vector<1x160x128xi32> to vector<1xi32>
    %reduce_sum3A_1072 = vector.shape_cast %reduce_sum3A_1071 : vector<1xi32> to vector<1x1x1xi32>
    %reduce_sum3A_1073 = vector.extract %reduce_sum3A_1072[0, 0, 0] : i32 from vector<1x1x1xi32>
    %ge3A_1074 = arith.constant 2000 : i32
    %ge3A_1075 = arith.cmpi sge, %reduce_sum3A_1065, %ge3A_1074 : i32
    %select_n3A_1076 = arith.select %ge3A_1075, %or3A_1055, %select_n3A_1050 : i32
    %ge3A_1077 = arith.constant 2000 : i32
    %ge3A_1078 = arith.cmpi sge, %reduce_sum3A_1073, %ge3A_1077 : i32
    %select_n3A_1079 = arith.select %ge3A_1078, %or3A_1057, %select_n3A_1053 : i32
    %or3A_1080 = arith.constant 1 : i32
    %or3A_1081 = arith.ori %select_n3A_1076, %or3A_1080 : i32
    %or3A_1082 = arith.constant 1 : i32
    %or3A_1083 = arith.ori %select_n3A_1079, %or3A_1082 : i32
    %ge3A_1084 = vector.broadcast %or3A_1081 : i32 to vector<160x128xi32>
    %ge3A_1085 = arith.cmpi uge, %select_n3A_257, %ge3A_1084 : vector<160x128xi32>
    %convert_element_type3A_1086 = arith.extui %ge3A_1085 : vector<160x128xi1> to vector<160x128xi32>
    %reduce_sum3A_1087 = vector.shape_cast %convert_element_type3A_1086 : vector<160x128xi32> to vector<1x160x128xi32>
    %reduce_sum3A_1088 = arith.constant dense<0> : vector<1xi32>
    %reduce_sum3A_1089 = vector.multi_reduction <add>, %reduce_sum3A_1087, %reduce_sum3A_1088 [1, 2] : vector<1x160x128xi32> to vector<1xi32>
    %reduce_sum3A_1090 = vector.shape_cast %reduce_sum3A_1089 : vector<1xi32> to vector<1x1x1xi32>
    %reduce_sum3A_1091 = vector.extract %reduce_sum3A_1090[0, 0, 0] : i32 from vector<1x1x1xi32>
    %ge3A_1092 = vector.broadcast %or3A_1083 : i32 to vector<160x128xi32>
    %ge3A_1093 = arith.cmpi uge, %select_n3A_270, %ge3A_1092 : vector<160x128xi32>
    %convert_element_type3A_1094 = arith.extui %ge3A_1093 : vector<160x128xi1> to vector<160x128xi32>
    %reduce_sum3A_1095 = vector.shape_cast %convert_element_type3A_1094 : vector<160x128xi32> to vector<1x160x128xi32>
    %reduce_sum3A_1096 = arith.constant dense<0> : vector<1xi32>
    %reduce_sum3A_1097 = vector.multi_reduction <add>, %reduce_sum3A_1095, %reduce_sum3A_1096 [1, 2] : vector<1x160x128xi32> to vector<1xi32>
    %reduce_sum3A_1098 = vector.shape_cast %reduce_sum3A_1097 : vector<1xi32> to vector<1x1x1xi32>
    %reduce_sum3A_1099 = vector.extract %reduce_sum3A_1098[0, 0, 0] : i32 from vector<1x1x1xi32>
    %ge3A_1100 = arith.constant 2000 : i32
    %ge3A_1101 = arith.cmpi sge, %reduce_sum3A_1091, %ge3A_1100 : i32
    %select_n3A_1102 = arith.select %ge3A_1101, %or3A_1081, %select_n3A_1076 : i32
    %ge3A_1103 = arith.constant 2000 : i32
    %ge3A_1104 = arith.cmpi sge, %reduce_sum3A_1099, %ge3A_1103 : i32
    %select_n3A_1105 = arith.select %ge3A_1104, %or3A_1083, %select_n3A_1079 : i32
    %gt3A = vector.broadcast %select_n3A_1102 : i32 to vector<160x128xi32>
    %gt3A_1106 = arith.cmpi ugt, %select_n3A_257, %gt3A : vector<160x128xi32>
    %eq3A = vector.broadcast %select_n3A_1102 : i32 to vector<160x128xi32>
    %eq3A_1107 = arith.cmpi eq, %select_n3A_257, %eq3A : vector<160x128xi32>
    %convert_element_type3A_1108 = arith.extui %gt3A_1106 : vector<160x128xi1> to vector<160x128xi32>
    %convert_element_type3A_1109 = arith.sitofp %convert_element_type3A_1108 : vector<160x128xi32> to vector<160x128xf32>
    %reduce_sum3A_1110 = vector.shape_cast %convert_element_type3A_1109 : vector<160x128xf32> to vector<1x160x128xf32>
    %reduce_sum3A_1111 = arith.constant dense<0.000000e+00> : vector<1xf32>
    %reduce_sum3A_1112 = vector.multi_reduction <add>, %reduce_sum3A_1110, %reduce_sum3A_1111 [1, 2] : vector<1x160x128xf32> to vector<1xf32>
    %reduce_sum3A_1113 = vector.shape_cast %reduce_sum3A_1112 : vector<1xf32> to vector<1x1x1xf32>
    %reduce_sum3A_1114 = vector.extract %reduce_sum3A_1113[0, 0, 0] : f32 from vector<1x1x1xf32>
    %sub3A = arith.constant 2.000000e+03 : f32
    %sub3A_1115 = arith.subf %sub3A, %reduce_sum3A_1114 : f32
    %convert_element_type3A_1116 = arith.extui %eq3A_1107 : vector<160x128xi1> to vector<160x128xi32>
    %convert_element_type3A_1117 = arith.sitofp %convert_element_type3A_1116 : vector<160x128xi32> to vector<160x128xf32>
    %dot_general3A = arith.constant dense<0.000000e+00> : vector<160x128xf32>
    %dot_general3A_1118 = tpu.matmul %convert_element_type3A_1117, %convert_element_type3A_245, %dot_general3A {dimension_numbers = #tpu.dot_dimension_numbers<[1], [0], [0], [1], [0, 0, 1, 1], [], []>, transpose_lhs_hint = false} : vector<160x128xf32>, vector<128x128xf32>, vector<160x128xf32> -> vector<160x128xf32>
    %reduce_sum3A_1119 = arith.constant dense<0.000000e+00> : vector<160xf32>
    %reduce_sum3A_1120 = vector.multi_reduction <add>, %convert_element_type3A_1117, %reduce_sum3A_1119 [1] : vector<160x128xf32> to vector<160xf32>
    %broadcast_in_dim3A_1121 = vector.shape_cast %reduce_sum3A_1120 : vector<160xf32> to vector<160x1xf32>
    %dot_general3A_1122 = arith.constant dense<0.000000e+00> : vector<160x1xf32>
    %dot_general3A_1123 = tpu.matmul %convert_element_type3A_250, %broadcast_in_dim3A_1121, %dot_general3A_1122 {dimension_numbers = #tpu.dot_dimension_numbers<[1], [0], [0], [1], [0, 0, 1, 1], [], []>, transpose_lhs_hint = false} : vector<160x160xf32>, vector<160x1xf32>, vector<160x1xf32> -> vector<160x1xf32>
    %sub3A_1124 = arith.subf %dot_general3A_1118, %convert_element_type3A_1117 : vector<160x128xf32>
    %add3A_1125 = vector.broadcast %dot_general3A_1123 : vector<160x1xf32> to vector<160x128xf32>
    %add3A_1126 = arith.addf %sub3A_1124, %add3A_1125 : vector<160x128xf32>
    %lt3A_1127 = vector.broadcast %sub3A_1115 : f32 to vector<160x128xf32>
    %lt3A_1128 = arith.cmpf olt, %add3A_1126, %lt3A_1127 : vector<160x128xf32>
    %and3A = arith.andi %eq3A_1107, %lt3A_1128 : vector<160x128xi1>
    %or3A_1129 = arith.ori %gt3A_1106, %and3A : vector<160x128xi1>
    %convert_element_type3A_1130 = arith.extui %or3A_1129 : vector<160x128xi1> to vector<160x128xi32>
    %convert_element_type3A_1131 = arith.sitofp %convert_element_type3A_1130 : vector<160x128xi32> to vector<160x128xf32>
    %dot_general3A_1132 = arith.constant dense<0.000000e+00> : vector<160x128xf32>
    %dot_general3A_1133 = tpu.matmul %convert_element_type3A_1131, %convert_element_type3A_245, %dot_general3A_1132 {dimension_numbers = #tpu.dot_dimension_numbers<[1], [0], [0], [1], [0, 0, 1, 1], [], []>, transpose_lhs_hint = false} : vector<160x128xf32>, vector<128x128xf32>, vector<160x128xf32> -> vector<160x128xf32>
    %reduce_sum3A_1134 = arith.constant dense<0.000000e+00> : vector<160xf32>
    %reduce_sum3A_1135 = vector.multi_reduction <add>, %convert_element_type3A_1131, %reduce_sum3A_1134 [1] : vector<160x128xf32> to vector<160xf32>
    %broadcast_in_dim3A_1136 = vector.shape_cast %reduce_sum3A_1135 : vector<160xf32> to vector<160x1xf32>
    %dot_general3A_1137 = arith.constant dense<0.000000e+00> : vector<160x1xf32>
    %dot_general3A_1138 = tpu.matmul %convert_element_type3A_250, %broadcast_in_dim3A_1136, %dot_general3A_1137 {dimension_numbers = #tpu.dot_dimension_numbers<[1], [0], [0], [1], [0, 0, 1, 1], [], []>, transpose_lhs_hint = false} : vector<160x160xf32>, vector<160x1xf32>, vector<160x1xf32> -> vector<160x1xf32>
    %sub3A_1139 = arith.subf %dot_general3A_1133, %convert_element_type3A_1131 : vector<160x128xf32>
    %add3A_1140 = vector.broadcast %dot_general3A_1138 : vector<160x1xf32> to vector<160x128xf32>
    %add3A_1141 = arith.addf %sub3A_1139, %add3A_1140 : vector<160x128xf32>
    %convert_element_type3A_1142 = arith.fptosi %add3A_1141 : vector<160x128xf32> to vector<160x128xi32>
    %add3A_1143 = arith.constant 0 : i32
    %add3A_1144 = vector.broadcast %add3A_1143 : i32 to vector<160x128xi32>
    %add3A_1145 = arith.addi %convert_element_type3A_1142, %add3A_1144 : vector<160x128xi32>
    %add3A_1146 = arith.constant 4112 : i32
    %add3A_1147 = vector.broadcast %add3A_1146 : i32 to vector<160x128xi32>
    %add3A_1148 = arith.addi %add3A_141, %add3A_1147 : vector<160x128xi32>
    %select_n3A_1149 = arith.select %or3A_1129, %add3A_1145, %add3A_1148 : vector<160x128xi1>, vector<160x128xi32>
    %swap3A_1150 = arith.constant 0 : index
    %swap3A_1151 = arith.constant 0 : index
    %swap3A_1152 = vector.load %arg6[%swap3A_1150, %swap3A_1151] : memref<160x128xi32, #tpu.memory_space<vmem>>, vector<160x128xi32>
    tpu.vector_store %arg6[%swap3A_1150, %swap3A_1151], %select_n3A_1149 {strides = array<i32>} : memref<160x128xi32, #tpu.memory_space<vmem>>, vector<160x128xi32>,
    %gt3A_1153 = vector.broadcast %select_n3A_1105 : i32 to vector<160x128xi32>
    %gt3A_1154 = arith.cmpi ugt, %select_n3A_270, %gt3A_1153 : vector<160x128xi32>
    %eq3A_1155 = vector.broadcast %select_n3A_1105 : i32 to vector<160x128xi32>
    %eq3A_1156 = arith.cmpi eq, %select_n3A_270, %eq3A_1155 : vector<160x128xi32>
    %convert_element_type3A_1157 = arith.extui %gt3A_1154 : vector<160x128xi1> to vector<160x128xi32>
    %convert_element_type3A_1158 = arith.sitofp %convert_element_type3A_1157 : vector<160x128xi32> to vector<160x128xf32>
    %reduce_sum3A_1159 = vector.shape_cast %convert_element_type3A_1158 : vector<160x128xf32> to vector<1x160x128xf32>
    %reduce_sum3A_1160 = arith.constant dense<0.000000e+00> : vector<1xf32>
    %reduce_sum3A_1161 = vector.multi_reduction <add>, %reduce_sum3A_1159, %reduce_sum3A_1160 [1, 2] : vector<1x160x128xf32> to vector<1xf32>
    %reduce_sum3A_1162 = vector.shape_cast %reduce_sum3A_1161 : vector<1xf32> to vector<1x1x1xf32>
    %reduce_sum3A_1163 = vector.extract %reduce_sum3A_1162[0, 0, 0] : f32 from vector<1x1x1xf32>
    %sub3A_1164 = arith.constant 2.000000e+03 : f32
    %sub3A_1165 = arith.subf %sub3A_1164, %reduce_sum3A_1163 : f32
    %convert_element_type3A_1166 = arith.extui %eq3A_1156 : vector<160x128xi1> to vector<160x128xi32>
    %convert_element_type3A_1167 = arith.sitofp %convert_element_type3A_1166 : vector<160x128xi32> to vector<160x128xf32>
    %dot_general3A_1168 = arith.constant dense<0.000000e+00> : vector<160x128xf32>
    %dot_general3A_1169 = tpu.matmul %convert_element_type3A_1167, %convert_element_type3A_245, %dot_general3A_1168 {dimension_numbers = #tpu.dot_dimension_numbers<[1], [0], [0], [1], [0, 0, 1, 1], [], []>, transpose_lhs_hint = false} : vector<160x128xf32>, vector<128x128xf32>, vector<160x128xf32> -> vector<160x128xf32>
    %reduce_sum3A_1170 = arith.constant dense<0.000000e+00> : vector<160xf32>
    %reduce_sum3A_1171 = vector.multi_reduction <add>, %convert_element_type3A_1167, %reduce_sum3A_1170 [1] : vector<160x128xf32> to vector<160xf32>
    %broadcast_in_dim3A_1172 = vector.shape_cast %reduce_sum3A_1171 : vector<160xf32> to vector<160x1xf32>
    %dot_general3A_1173 = arith.constant dense<0.000000e+00> : vector<160x1xf32>
    %dot_general3A_1174 = tpu.matmul %convert_element_type3A_250, %broadcast_in_dim3A_1172, %dot_general3A_1173 {dimension_numbers = #tpu.dot_dimension_numbers<[1], [0], [0], [1], [0, 0, 1, 1], [], []>, transpose_lhs_hint = false} : vector<160x160xf32>, vector<160x1xf32>, vector<160x1xf32> -> vector<160x1xf32>
    %sub3A_1175 = arith.subf %dot_general3A_1169, %convert_element_type3A_1167 : vector<160x128xf32>
    %add3A_1176 = vector.broadcast %dot_general3A_1174 : vector<160x1xf32> to vector<160x128xf32>
    %add3A_1177 = arith.addf %sub3A_1175, %add3A_1176 : vector<160x128xf32>
    %lt3A_1178 = vector.broadcast %sub3A_1165 : f32 to vector<160x128xf32>
    %lt3A_1179 = arith.cmpf olt, %add3A_1177, %lt3A_1178 : vector<160x128xf32>
    %and3A_1180 = arith.andi %eq3A_1156, %lt3A_1179 : vector<160x128xi1>
    %or3A_1181 = arith.ori %gt3A_1154, %and3A_1180 : vector<160x128xi1>
    %convert_element_type3A_1182 = arith.extui %or3A_1181 : vector<160x128xi1> to vector<160x128xi32>
    %convert_element_type3A_1183 = arith.sitofp %convert_element_type3A_1182 : vector<160x128xi32> to vector<160x128xf32>
    %dot_general3A_1184 = arith.constant dense<0.000000e+00> : vector<160x128xf32>
    %dot_general3A_1185 = tpu.matmul %convert_element_type3A_1183, %convert_element_type3A_245, %dot_general3A_1184 {dimension_numbers = #tpu.dot_dimension_numbers<[1], [0], [0], [1], [0, 0, 1, 1], [], []>, transpose_lhs_hint = false} : vector<160x128xf32>, vector<128x128xf32>, vector<160x128xf32> -> vector<160x128xf32>
    %reduce_sum3A_1186 = arith.constant dense<0.000000e+00> : vector<160xf32>
    %reduce_sum3A_1187 = vector.multi_reduction <add>, %convert_element_type3A_1183, %reduce_sum3A_1186 [1] : vector<160x128xf32> to vector<160xf32>
    %broadcast_in_dim3A_1188 = vector.shape_cast %reduce_sum3A_1187 : vector<160xf32> to vector<160x1xf32>
    %dot_general3A_1189 = arith.constant dense<0.000000e+00> : vector<160x1xf32>
    %dot_general3A_1190 = tpu.matmul %convert_element_type3A_250, %broadcast_in_dim3A_1188, %dot_general3A_1189 {dimension_numbers = #tpu.dot_dimension_numbers<[1], [0], [0], [1], [0, 0, 1, 1], [], []>, transpose_lhs_hint = false} : vector<160x160xf32>, vector<160x1xf32>, vector<160x1xf32> -> vector<160x1xf32>
    %sub3A_1191 = arith.subf %dot_general3A_1185, %convert_element_type3A_1183 : vector<160x128xf32>
    %add3A_1192 = vector.broadcast %dot_general3A_1190 : vector<160x1xf32> to vector<160x128xf32>
    %add3A_1193 = arith.addf %sub3A_1191, %add3A_1192 : vector<160x128xf32>
    %convert_element_type3A_1194 = arith.fptosi %add3A_1193 : vector<160x128xf32> to vector<160x128xi32>
    %add3A_1195 = arith.constant 2056 : i32
    %add3A_1196 = vector.broadcast %add3A_1195 : i32 to vector<160x128xi32>
    %add3A_1197 = arith.addi %convert_element_type3A_1194, %add3A_1196 : vector<160x128xi32>
    %add3A_1198 = arith.constant 24592 : i32
    %add3A_1199 = vector.broadcast %add3A_1198 : i32 to vector<160x128xi32>
    %add3A_1200 = arith.addi %add3A_141, %add3A_1199 : vector<160x128xi32>
    %select_n3A_1201 = arith.select %or3A_1181, %add3A_1197, %add3A_1200 : vector<160x128xi1>, vector<160x128xi32>
    %swap3A_1202 = arith.constant 0 : index
    %swap3A_1203 = arith.constant 0 : index
    %swap3A_1204 = vector.load %arg7[%swap3A_1202, %swap3A_1203] : memref<160x128xi32, #tpu.memory_space<vmem>>, vector<160x128xi32>
    tpu.vector_store %arg7[%swap3A_1202, %swap3A_1203], %select_n3A_1201 {strides = array<i32>} : memref<160x128xi32, #tpu.memory_space<vmem>>, vector<160x128xi32>,
    return
  }
}

module attributes {stable_mosaic.version = 14 : i64} {
  func.func @_nms_body(%arg0: memref<2048x16xf32, #tpu.memory_space<vmem>>, %arg1: memref<16x2048xf32, #tpu.memory_space<vmem>>, %arg2: memref<2048x16xf32, #tpu.memory_space<vmem>>, %arg3: memref<16x2048xf32, #tpu.memory_space<vmem>>, %arg4: memref<4x128x8xf32, #tpu.memory_space<vmem>>, %arg5: memref<2048x2048xbf16, #tpu.memory_space<vmem>>, %arg6: memref<1x2048xbf16, #tpu.memory_space<vmem>>) attributes {dimension_semantics = [], scalar_prefetch = 0 : i64, scratch_operands = 2 : i64, tpu.core_type = #tpu.core_type<tc>} {
    %iota3A = tpu.iota {dimensions = array<i32: 1>} : vector<1x2048xi32>
    %lt3A = arith.constant 2000 : i32
    %lt3A_0 = vector.broadcast %lt3A : i32 to vector<1x2048xi32>
    %lt3A_1 = arith.cmpi slt, %iota3A, %lt3A_0 : vector<1x2048xi32>
    %get3A = arith.constant 0 : index
    %get3A_2 = arith.constant 0 : index
    %get3A_3 = vector.load %arg0[%get3A, %get3A_2] : memref<2048x16xf32, #tpu.memory_space<vmem>>, vector<2048x16xf32>
    %get3A_4 = arith.constant 0 : index
    %get3A_5 = arith.constant 0 : index
    %get3A_6 = vector.load %arg2[%get3A_4, %get3A_5] : memref<2048x16xf32, #tpu.memory_space<vmem>>, vector<2048x16xf32>
    %get3A_7 = arith.constant 0 : index
    %get3A_8 = arith.constant 0 : index
    %get3A_9 = vector.load %arg1[%get3A_7, %get3A_8] : memref<16x2048xf32, #tpu.memory_space<vmem>>, vector<16x2048xf32>
    %slice3A = vector.extract_strided_slice %get3A_3 {offsets = [0, 0], sizes = [2048, 1], strides = [1, 1]} : vector<2048x16xf32> to vector<2048x1xf32>
    %slice3A_10 = vector.extract_strided_slice %get3A_3 {offsets = [0, 1], sizes = [2048, 1], strides = [1, 1]} : vector<2048x16xf32> to vector<2048x1xf32>
    %slice3A_11 = vector.extract_strided_slice %get3A_3 {offsets = [0, 3], sizes = [2048, 1], strides = [1, 1]} : vector<2048x16xf32> to vector<2048x1xf32>
    %slice3A_12 = vector.extract_strided_slice %get3A_3 {offsets = [0, 4], sizes = [2048, 1], strides = [1, 1]} : vector<2048x16xf32> to vector<2048x1xf32>
    %slice3A_13 = vector.extract_strided_slice %get3A_3 {offsets = [0, 11], sizes = [2048, 1], strides = [1, 1]} : vector<2048x16xf32> to vector<2048x1xf32>
    %slice3A_14 = vector.extract_strided_slice %get3A_3 {offsets = [0, 13], sizes = [2048, 1], strides = [1, 1]} : vector<2048x16xf32> to vector<2048x1xf32>
    %concatenate3A = tpu.concatenate %slice3A, %slice3A_10, %slice3A_11, %slice3A_12, %slice3A_13, %slice3A_14 in 1 : vector<2048x1xf32>, vector<2048x1xf32>, vector<2048x1xf32>, vector<2048x1xf32>, vector<2048x1xf32>, vector<2048x1xf32> -> vector<2048x6xf32>
    %slice3A_15 = vector.extract_strided_slice %get3A_9 {offsets = [0, 0], sizes = [1, 2048], strides = [1, 1]} : vector<16x2048xf32> to vector<1x2048xf32>
    %slice3A_16 = vector.extract_strided_slice %get3A_9 {offsets = [1, 0], sizes = [1, 2048], strides = [1, 1]} : vector<16x2048xf32> to vector<1x2048xf32>
    %slice3A_17 = vector.extract_strided_slice %get3A_9 {offsets = [3, 0], sizes = [1, 2048], strides = [1, 1]} : vector<16x2048xf32> to vector<1x2048xf32>
    %slice3A_18 = vector.extract_strided_slice %get3A_9 {offsets = [4, 0], sizes = [1, 2048], strides = [1, 1]} : vector<16x2048xf32> to vector<1x2048xf32>
    %slice3A_19 = vector.extract_strided_slice %get3A_9 {offsets = [11, 0], sizes = [1, 2048], strides = [1, 1]} : vector<16x2048xf32> to vector<1x2048xf32>
    %slice3A_20 = vector.extract_strided_slice %get3A_9 {offsets = [13, 0], sizes = [1, 2048], strides = [1, 1]} : vector<16x2048xf32> to vector<1x2048xf32>
    %mul3A = arith.constant 5.000000e-01 : f32
    %mul3A_21 = vector.broadcast %mul3A : f32 to vector<1x2048xf32>
    %mul3A_22 = arith.mulf %slice3A_17, %mul3A_21 : vector<1x2048xf32>
    %sub3A = arith.subf %slice3A_15, %mul3A_22 : vector<1x2048xf32>
    %mul3A_23 = arith.constant 5.000000e-01 : f32
    %mul3A_24 = vector.broadcast %mul3A_23 : f32 to vector<1x2048xf32>
    %mul3A_25 = arith.mulf %slice3A_17, %mul3A_24 : vector<1x2048xf32>
    %add3A = arith.addf %slice3A_15, %mul3A_25 : vector<1x2048xf32>
    %mul3A_26 = arith.constant 5.000000e-01 : f32
    %mul3A_27 = vector.broadcast %mul3A_26 : f32 to vector<1x2048xf32>
    %mul3A_28 = arith.mulf %slice3A_18, %mul3A_27 : vector<1x2048xf32>
    %sub3A_29 = arith.subf %slice3A_16, %mul3A_28 : vector<1x2048xf32>
    %mul3A_30 = arith.constant 5.000000e-01 : f32
    %mul3A_31 = vector.broadcast %mul3A_30 : f32 to vector<1x2048xf32>
    %mul3A_32 = arith.mulf %slice3A_18, %mul3A_31 : vector<1x2048xf32>
    %add3A_33 = arith.addf %slice3A_16, %mul3A_32 : vector<1x2048xf32>
    %sub3A_34 = arith.subf %add3A, %sub3A : vector<1x2048xf32>
    %sub3A_35 = arith.subf %add3A_33, %sub3A_29 : vector<1x2048xf32>
    %mul3A_36 = arith.mulf %sub3A_34, %sub3A_35 : vector<1x2048xf32>
    %slice3A_37 = vector.extract_strided_slice %concatenate3A {offsets = [0, 0], sizes = [256, 1], strides = [1, 1]} : vector<2048x6xf32> to vector<256x1xf32>
    %slice3A_38 = vector.extract_strided_slice %concatenate3A {offsets = [0, 1], sizes = [256, 1], strides = [1, 1]} : vector<2048x6xf32> to vector<256x1xf32>
    %slice3A_39 = vector.extract_strided_slice %concatenate3A {offsets = [0, 2], sizes = [256, 1], strides = [1, 1]} : vector<2048x6xf32> to vector<256x1xf32>
    %slice3A_40 = vector.extract_strided_slice %concatenate3A {offsets = [0, 3], sizes = [256, 1], strides = [1, 1]} : vector<2048x6xf32> to vector<256x1xf32>
    %slice3A_41 = vector.extract_strided_slice %concatenate3A {offsets = [0, 4], sizes = [256, 1], strides = [1, 1]} : vector<2048x6xf32> to vector<256x1xf32>
    %slice3A_42 = vector.extract_strided_slice %concatenate3A {offsets = [0, 5], sizes = [256, 1], strides = [1, 1]} : vector<2048x6xf32> to vector<256x1xf32>
    %mul3A_43 = arith.constant 5.000000e-01 : f32
    %mul3A_44 = vector.broadcast %mul3A_43 : f32 to vector<256x1xf32>
    %mul3A_45 = arith.mulf %slice3A_39, %mul3A_44 : vector<256x1xf32>
    %sub3A_46 = arith.subf %slice3A_37, %mul3A_45 : vector<256x1xf32>
    %mul3A_47 = arith.constant 5.000000e-01 : f32
    %mul3A_48 = vector.broadcast %mul3A_47 : f32 to vector<256x1xf32>
    %mul3A_49 = arith.mulf %slice3A_39, %mul3A_48 : vector<256x1xf32>
    %add3A_50 = arith.addf %slice3A_37, %mul3A_49 : vector<256x1xf32>
    %mul3A_51 = arith.constant 5.000000e-01 : f32
    %mul3A_52 = vector.broadcast %mul3A_51 : f32 to vector<256x1xf32>
    %mul3A_53 = arith.mulf %slice3A_40, %mul3A_52 : vector<256x1xf32>
    %sub3A_54 = arith.subf %slice3A_38, %mul3A_53 : vector<256x1xf32>
    %mul3A_55 = arith.constant 5.000000e-01 : f32
    %mul3A_56 = vector.broadcast %mul3A_55 : f32 to vector<256x1xf32>
    %mul3A_57 = arith.mulf %slice3A_40, %mul3A_56 : vector<256x1xf32>
    %add3A_58 = arith.addf %slice3A_38, %mul3A_57 : vector<256x1xf32>
    %sub3A_59 = arith.subf %add3A_50, %sub3A_46 : vector<256x1xf32>
    %sub3A_60 = arith.subf %add3A_58, %sub3A_54 : vector<256x1xf32>
    %mul3A_61 = arith.mulf %sub3A_59, %sub3A_60 : vector<256x1xf32>
    %max3A = vector.broadcast %sub3A_46 : vector<256x1xf32> to vector<256x2048xf32>
    %max3A_62 = vector.broadcast %sub3A : vector<1x2048xf32> to vector<256x2048xf32>
    %max3A_63 = arith.maximumf %max3A, %max3A_62 : vector<256x2048xf32>
    %max3A_64 = vector.broadcast %sub3A_54 : vector<256x1xf32> to vector<256x2048xf32>
    %max3A_65 = vector.broadcast %sub3A_29 : vector<1x2048xf32> to vector<256x2048xf32>
    %max3A_66 = arith.maximumf %max3A_64, %max3A_65 : vector<256x2048xf32>
    %min3A = vector.broadcast %add3A_50 : vector<256x1xf32> to vector<256x2048xf32>
    %min3A_67 = vector.broadcast %add3A : vector<1x2048xf32> to vector<256x2048xf32>
    %min3A_68 = arith.minimumf %min3A, %min3A_67 : vector<256x2048xf32>
    %min3A_69 = vector.broadcast %add3A_58 : vector<256x1xf32> to vector<256x2048xf32>
    %min3A_70 = vector.broadcast %add3A_33 : vector<1x2048xf32> to vector<256x2048xf32>
    %min3A_71 = arith.minimumf %min3A_69, %min3A_70 : vector<256x2048xf32>
    %sub3A_72 = arith.subf %min3A_68, %max3A_63 : vector<256x2048xf32>
    %jit3A = arith.constant 0.000000e+00 : f32
    %max3A_73 = vector.broadcast %jit3A : f32 to vector<256x2048xf32>
    %max3A_74 = arith.maximumf %max3A_73, %sub3A_72 : vector<256x2048xf32>
    %sub3A_75 = arith.subf %min3A_71, %max3A_66 : vector<256x2048xf32>
    %jit3A_76 = arith.constant 0.000000e+00 : f32
    %max3A_77 = vector.broadcast %jit3A_76 : f32 to vector<256x2048xf32>
    %max3A_78 = arith.maximumf %max3A_77, %sub3A_75 : vector<256x2048xf32>
    %mul3A_79 = arith.mulf %max3A_74, %max3A_78 : vector<256x2048xf32>
    %add3A_80 = vector.broadcast %mul3A_61 : vector<256x1xf32> to vector<256x2048xf32>
    %add3A_81 = vector.broadcast %mul3A_36 : vector<1x2048xf32> to vector<256x2048xf32>
    %add3A_82 = arith.addf %add3A_80, %add3A_81 : vector<256x2048xf32>
    %sub3A_83 = arith.subf %add3A_82, %mul3A_79 : vector<256x2048xf32>
    %max3A_84 = arith.constant 9.99999993E-9 : f32
    %max3A_85 = vector.broadcast %max3A_84 : f32 to vector<256x2048xf32>
    %max3A_86 = arith.maximumf %sub3A_83, %max3A_85 : vector<256x2048xf32>
    %div3A = arith.divf %mul3A_79, %max3A_86 : vector<256x2048xf32>
    %gt3A = vector.broadcast %slice3A_41 : vector<256x1xf32> to vector<256x2048xf32>
    %gt3A_87 = vector.broadcast %slice3A_19 : vector<1x2048xf32> to vector<256x2048xf32>
    %gt3A_88 = arith.cmpf ogt, %gt3A, %gt3A_87 : vector<256x2048xf32>
    %eq3A = vector.broadcast %slice3A_41 : vector<256x1xf32> to vector<256x2048xf32>
    %eq3A_89 = vector.broadcast %slice3A_19 : vector<1x2048xf32> to vector<256x2048xf32>
    %eq3A_90 = arith.cmpf oeq, %eq3A, %eq3A_89 : vector<256x2048xf32>
    %lt3A_91 = vector.broadcast %slice3A_42 : vector<256x1xf32> to vector<256x2048xf32>
    %lt3A_92 = vector.broadcast %slice3A_20 : vector<1x2048xf32> to vector<256x2048xf32>
    %lt3A_93 = arith.cmpf olt, %lt3A_91, %lt3A_92 : vector<256x2048xf32>
    %and3A = arith.andi %eq3A_90, %lt3A_93 : vector<256x2048xi1>
    %or3A = arith.ori %gt3A_88, %and3A : vector<256x2048xi1>
    %iota3A_94 = tpu.iota {dimensions = array<i32: 0>} : vector<256x1xi32>
    %add3A_95 = arith.constant 0 : i32
    %add3A_96 = vector.broadcast %add3A_95 : i32 to vector<256x1xi32>
    %add3A_97 = arith.addi %iota3A_94, %add3A_96 : vector<256x1xi32>
    %lt3A_98 = arith.constant 2000 : i32
    %lt3A_99 = vector.broadcast %lt3A_98 : i32 to vector<256x1xi32>
    %lt3A_100 = arith.cmpi slt, %add3A_97, %lt3A_99 : vector<256x1xi32>
    %gt3A_101 = arith.constant 0.00999999977 : f32
    %gt3A_102 = vector.broadcast %gt3A_101 : f32 to vector<256x2048xf32>
    %gt3A_103 = arith.cmpf ogt, %div3A, %gt3A_102 : vector<256x2048xf32>
    %and3A_104 = arith.andi %gt3A_103, %or3A : vector<256x2048xi1>
    %and3A_105 = vector.broadcast %lt3A_100 : vector<256x1xi1> to vector<256x2048xi1>
    %and3A_106 = arith.andi %and3A_104, %and3A_105 : vector<256x2048xi1>
    %convert_element_type3A = arith.extui %and3A_106 : vector<256x2048xi1> to vector<256x2048xi32>
    %convert_element_type3A_107 = arith.sitofp %convert_element_type3A : vector<256x2048xi32> to vector<256x2048xf32>
    %convert_element_type3A_108 = arith.truncf %convert_element_type3A_107 : vector<256x2048xf32> to vector<256x2048xbf16>
    %swap3A = arith.constant 0 : index
    %swap3A_109 = arith.constant 0 : index
    %swap3A_110 = vector.load %arg5[%swap3A, %swap3A_109] : memref<2048x2048xbf16, #tpu.memory_space<vmem>>, vector<256x2048xbf16>
    tpu.vector_store %arg5[%swap3A, %swap3A_109], %convert_element_type3A_108 {strides = array<i32>} : memref<2048x2048xbf16, #tpu.memory_space<vmem>>, vector<256x2048xbf16>,
    %slice3A_111 = vector.extract_strided_slice %concatenate3A {offsets = [256, 0], sizes = [256, 1], strides = [1, 1]} : vector<2048x6xf32> to vector<256x1xf32>
    %slice3A_112 = vector.extract_strided_slice %concatenate3A {offsets = [256, 1], sizes = [256, 1], strides = [1, 1]} : vector<2048x6xf32> to vector<256x1xf32>
    %slice3A_113 = vector.extract_strided_slice %concatenate3A {offsets = [256, 2], sizes = [256, 1], strides = [1, 1]} : vector<2048x6xf32> to vector<256x1xf32>
    %slice3A_114 = vector.extract_strided_slice %concatenate3A {offsets = [256, 3], sizes = [256, 1], strides = [1, 1]} : vector<2048x6xf32> to vector<256x1xf32>
    %slice3A_115 = vector.extract_strided_slice %concatenate3A {offsets = [256, 4], sizes = [256, 1], strides = [1, 1]} : vector<2048x6xf32> to vector<256x1xf32>
    %slice3A_116 = vector.extract_strided_slice %concatenate3A {offsets = [256, 5], sizes = [256, 1], strides = [1, 1]} : vector<2048x6xf32> to vector<256x1xf32>
    %mul3A_117 = arith.constant 5.000000e-01 : f32
    %mul3A_118 = vector.broadcast %mul3A_117 : f32 to vector<256x1xf32>
    %mul3A_119 = arith.mulf %slice3A_113, %mul3A_118 : vector<256x1xf32>
    %sub3A_120 = arith.subf %slice3A_111, %mul3A_119 : vector<256x1xf32>
    %mul3A_121 = arith.constant 5.000000e-01 : f32
    %mul3A_122 = vector.broadcast %mul3A_121 : f32 to vector<256x1xf32>
    %mul3A_123 = arith.mulf %slice3A_113, %mul3A_122 : vector<256x1xf32>
    %add3A_124 = arith.addf %slice3A_111, %mul3A_123 : vector<256x1xf32>
    %mul3A_125 = arith.constant 5.000000e-01 : f32
    %mul3A_126 = vector.broadcast %mul3A_125 : f32 to vector<256x1xf32>
    %mul3A_127 = arith.mulf %slice3A_114, %mul3A_126 : vector<256x1xf32>
    %sub3A_128 = arith.subf %slice3A_112, %mul3A_127 : vector<256x1xf32>
    %mul3A_129 = arith.constant 5.000000e-01 : f32
    %mul3A_130 = vector.broadcast %mul3A_129 : f32 to vector<256x1xf32>
    %mul3A_131 = arith.mulf %slice3A_114, %mul3A_130 : vector<256x1xf32>
    %add3A_132 = arith.addf %slice3A_112, %mul3A_131 : vector<256x1xf32>
    %sub3A_133 = arith.subf %add3A_124, %sub3A_120 : vector<256x1xf32>
    %sub3A_134 = arith.subf %add3A_132, %sub3A_128 : vector<256x1xf32>
    %mul3A_135 = arith.mulf %sub3A_133, %sub3A_134 : vector<256x1xf32>
    %max3A_136 = vector.broadcast %sub3A_120 : vector<256x1xf32> to vector<256x2048xf32>
    %max3A_137 = vector.broadcast %sub3A : vector<1x2048xf32> to vector<256x2048xf32>
    %max3A_138 = arith.maximumf %max3A_136, %max3A_137 : vector<256x2048xf32>
    %max3A_139 = vector.broadcast %sub3A_128 : vector<256x1xf32> to vector<256x2048xf32>
    %max3A_140 = vector.broadcast %sub3A_29 : vector<1x2048xf32> to vector<256x2048xf32>
    %max3A_141 = arith.maximumf %max3A_139, %max3A_140 : vector<256x2048xf32>
    %min3A_142 = vector.broadcast %add3A_124 : vector<256x1xf32> to vector<256x2048xf32>
    %min3A_143 = vector.broadcast %add3A : vector<1x2048xf32> to vector<256x2048xf32>
    %min3A_144 = arith.minimumf %min3A_142, %min3A_143 : vector<256x2048xf32>
    %min3A_145 = vector.broadcast %add3A_132 : vector<256x1xf32> to vector<256x2048xf32>
    %min3A_146 = vector.broadcast %add3A_33 : vector<1x2048xf32> to vector<256x2048xf32>
    %min3A_147 = arith.minimumf %min3A_145, %min3A_146 : vector<256x2048xf32>
    %sub3A_148 = arith.subf %min3A_144, %max3A_138 : vector<256x2048xf32>
    %jit3A_149 = arith.constant 0.000000e+00 : f32
    %max3A_150 = vector.broadcast %jit3A_149 : f32 to vector<256x2048xf32>
    %max3A_151 = arith.maximumf %max3A_150, %sub3A_148 : vector<256x2048xf32>
    %sub3A_152 = arith.subf %min3A_147, %max3A_141 : vector<256x2048xf32>
    %jit3A_153 = arith.constant 0.000000e+00 : f32
    %max3A_154 = vector.broadcast %jit3A_153 : f32 to vector<256x2048xf32>
    %max3A_155 = arith.maximumf %max3A_154, %sub3A_152 : vector<256x2048xf32>
    %mul3A_156 = arith.mulf %max3A_151, %max3A_155 : vector<256x2048xf32>
    %add3A_157 = vector.broadcast %mul3A_135 : vector<256x1xf32> to vector<256x2048xf32>
    %add3A_158 = vector.broadcast %mul3A_36 : vector<1x2048xf32> to vector<256x2048xf32>
    %add3A_159 = arith.addf %add3A_157, %add3A_158 : vector<256x2048xf32>
    %sub3A_160 = arith.subf %add3A_159, %mul3A_156 : vector<256x2048xf32>
    %max3A_161 = arith.constant 9.99999993E-9 : f32
    %max3A_162 = vector.broadcast %max3A_161 : f32 to vector<256x2048xf32>
    %max3A_163 = arith.maximumf %sub3A_160, %max3A_162 : vector<256x2048xf32>
    %div3A_164 = arith.divf %mul3A_156, %max3A_163 : vector<256x2048xf32>
    %gt3A_165 = vector.broadcast %slice3A_115 : vector<256x1xf32> to vector<256x2048xf32>
    %gt3A_166 = vector.broadcast %slice3A_19 : vector<1x2048xf32> to vector<256x2048xf32>
    %gt3A_167 = arith.cmpf ogt, %gt3A_165, %gt3A_166 : vector<256x2048xf32>
    %eq3A_168 = vector.broadcast %slice3A_115 : vector<256x1xf32> to vector<256x2048xf32>
    %eq3A_169 = vector.broadcast %slice3A_19 : vector<1x2048xf32> to vector<256x2048xf32>
    %eq3A_170 = arith.cmpf oeq, %eq3A_168, %eq3A_169 : vector<256x2048xf32>
    %lt3A_171 = vector.broadcast %slice3A_116 : vector<256x1xf32> to vector<256x2048xf32>
    %lt3A_172 = vector.broadcast %slice3A_20 : vector<1x2048xf32> to vector<256x2048xf32>
    %lt3A_173 = arith.cmpf olt, %lt3A_171, %lt3A_172 : vector<256x2048xf32>
    %and3A_174 = arith.andi %eq3A_170, %lt3A_173 : vector<256x2048xi1>
    %or3A_175 = arith.ori %gt3A_167, %and3A_174 : vector<256x2048xi1>
    %iota3A_176 = tpu.iota {dimensions = array<i32: 0>} : vector<256x1xi32>
    %add3A_177 = arith.constant 256 : i32
    %add3A_178 = vector.broadcast %add3A_177 : i32 to vector<256x1xi32>
    %add3A_179 = arith.addi %iota3A_176, %add3A_178 : vector<256x1xi32>
    %lt3A_180 = arith.constant 2000 : i32
    %lt3A_181 = vector.broadcast %lt3A_180 : i32 to vector<256x1xi32>
    %lt3A_182 = arith.cmpi slt, %add3A_179, %lt3A_181 : vector<256x1xi32>
    %gt3A_183 = arith.constant 0.00999999977 : f32
    %gt3A_184 = vector.broadcast %gt3A_183 : f32 to vector<256x2048xf32>
    %gt3A_185 = arith.cmpf ogt, %div3A_164, %gt3A_184 : vector<256x2048xf32>
    %and3A_186 = arith.andi %gt3A_185, %or3A_175 : vector<256x2048xi1>
    %and3A_187 = vector.broadcast %lt3A_182 : vector<256x1xi1> to vector<256x2048xi1>
    %and3A_188 = arith.andi %and3A_186, %and3A_187 : vector<256x2048xi1>
    %convert_element_type3A_189 = arith.extui %and3A_188 : vector<256x2048xi1> to vector<256x2048xi32>
    %convert_element_type3A_190 = arith.sitofp %convert_element_type3A_189 : vector<256x2048xi32> to vector<256x2048xf32>
    %convert_element_type3A_191 = arith.truncf %convert_element_type3A_190 : vector<256x2048xf32> to vector<256x2048xbf16>
    %swap3A_192 = arith.constant 256 : index
    %swap3A_193 = arith.constant 0 : index
    %swap3A_194 = vector.load %arg5[%swap3A_192, %swap3A_193] : memref<2048x2048xbf16, #tpu.memory_space<vmem>>, vector<256x2048xbf16>
    tpu.vector_store %arg5[%swap3A_192, %swap3A_193], %convert_element_type3A_191 {strides = array<i32>} : memref<2048x2048xbf16, #tpu.memory_space<vmem>>, vector<256x2048xbf16>,
    %slice3A_195 = vector.extract_strided_slice %concatenate3A {offsets = [512, 0], sizes = [256, 1], strides = [1, 1]} : vector<2048x6xf32> to vector<256x1xf32>
    %slice3A_196 = vector.extract_strided_slice %concatenate3A {offsets = [512, 1], sizes = [256, 1], strides = [1, 1]} : vector<2048x6xf32> to vector<256x1xf32>
    %slice3A_197 = vector.extract_strided_slice %concatenate3A {offsets = [512, 2], sizes = [256, 1], strides = [1, 1]} : vector<2048x6xf32> to vector<256x1xf32>
    %slice3A_198 = vector.extract_strided_slice %concatenate3A {offsets = [512, 3], sizes = [256, 1], strides = [1, 1]} : vector<2048x6xf32> to vector<256x1xf32>
    %slice3A_199 = vector.extract_strided_slice %concatenate3A {offsets = [512, 4], sizes = [256, 1], strides = [1, 1]} : vector<2048x6xf32> to vector<256x1xf32>
    %slice3A_200 = vector.extract_strided_slice %concatenate3A {offsets = [512, 5], sizes = [256, 1], strides = [1, 1]} : vector<2048x6xf32> to vector<256x1xf32>
    %mul3A_201 = arith.constant 5.000000e-01 : f32
    %mul3A_202 = vector.broadcast %mul3A_201 : f32 to vector<256x1xf32>
    %mul3A_203 = arith.mulf %slice3A_197, %mul3A_202 : vector<256x1xf32>
    %sub3A_204 = arith.subf %slice3A_195, %mul3A_203 : vector<256x1xf32>
    %mul3A_205 = arith.constant 5.000000e-01 : f32
    %mul3A_206 = vector.broadcast %mul3A_205 : f32 to vector<256x1xf32>
    %mul3A_207 = arith.mulf %slice3A_197, %mul3A_206 : vector<256x1xf32>
    %add3A_208 = arith.addf %slice3A_195, %mul3A_207 : vector<256x1xf32>
    %mul3A_209 = arith.constant 5.000000e-01 : f32
    %mul3A_210 = vector.broadcast %mul3A_209 : f32 to vector<256x1xf32>
    %mul3A_211 = arith.mulf %slice3A_198, %mul3A_210 : vector<256x1xf32>
    %sub3A_212 = arith.subf %slice3A_196, %mul3A_211 : vector<256x1xf32>
    %mul3A_213 = arith.constant 5.000000e-01 : f32
    %mul3A_214 = vector.broadcast %mul3A_213 : f32 to vector<256x1xf32>
    %mul3A_215 = arith.mulf %slice3A_198, %mul3A_214 : vector<256x1xf32>
    %add3A_216 = arith.addf %slice3A_196, %mul3A_215 : vector<256x1xf32>
    %sub3A_217 = arith.subf %add3A_208, %sub3A_204 : vector<256x1xf32>
    %sub3A_218 = arith.subf %add3A_216, %sub3A_212 : vector<256x1xf32>
    %mul3A_219 = arith.mulf %sub3A_217, %sub3A_218 : vector<256x1xf32>
    %max3A_220 = vector.broadcast %sub3A_204 : vector<256x1xf32> to vector<256x2048xf32>
    %max3A_221 = vector.broadcast %sub3A : vector<1x2048xf32> to vector<256x2048xf32>
    %max3A_222 = arith.maximumf %max3A_220, %max3A_221 : vector<256x2048xf32>
    %max3A_223 = vector.broadcast %sub3A_212 : vector<256x1xf32> to vector<256x2048xf32>
    %max3A_224 = vector.broadcast %sub3A_29 : vector<1x2048xf32> to vector<256x2048xf32>
    %max3A_225 = arith.maximumf %max3A_223, %max3A_224 : vector<256x2048xf32>
    %min3A_226 = vector.broadcast %add3A_208 : vector<256x1xf32> to vector<256x2048xf32>
    %min3A_227 = vector.broadcast %add3A : vector<1x2048xf32> to vector<256x2048xf32>
    %min3A_228 = arith.minimumf %min3A_226, %min3A_227 : vector<256x2048xf32>
    %min3A_229 = vector.broadcast %add3A_216 : vector<256x1xf32> to vector<256x2048xf32>
    %min3A_230 = vector.broadcast %add3A_33 : vector<1x2048xf32> to vector<256x2048xf32>
    %min3A_231 = arith.minimumf %min3A_229, %min3A_230 : vector<256x2048xf32>
    %sub3A_232 = arith.subf %min3A_228, %max3A_222 : vector<256x2048xf32>
    %jit3A_233 = arith.constant 0.000000e+00 : f32
    %max3A_234 = vector.broadcast %jit3A_233 : f32 to vector<256x2048xf32>
    %max3A_235 = arith.maximumf %max3A_234, %sub3A_232 : vector<256x2048xf32>
    %sub3A_236 = arith.subf %min3A_231, %max3A_225 : vector<256x2048xf32>
    %jit3A_237 = arith.constant 0.000000e+00 : f32
    %max3A_238 = vector.broadcast %jit3A_237 : f32 to vector<256x2048xf32>
    %max3A_239 = arith.maximumf %max3A_238, %sub3A_236 : vector<256x2048xf32>
    %mul3A_240 = arith.mulf %max3A_235, %max3A_239 : vector<256x2048xf32>
    %add3A_241 = vector.broadcast %mul3A_219 : vector<256x1xf32> to vector<256x2048xf32>
    %add3A_242 = vector.broadcast %mul3A_36 : vector<1x2048xf32> to vector<256x2048xf32>
    %add3A_243 = arith.addf %add3A_241, %add3A_242 : vector<256x2048xf32>
    %sub3A_244 = arith.subf %add3A_243, %mul3A_240 : vector<256x2048xf32>
    %max3A_245 = arith.constant 9.99999993E-9 : f32
    %max3A_246 = vector.broadcast %max3A_245 : f32 to vector<256x2048xf32>
    %max3A_247 = arith.maximumf %sub3A_244, %max3A_246 : vector<256x2048xf32>
    %div3A_248 = arith.divf %mul3A_240, %max3A_247 : vector<256x2048xf32>
    %gt3A_249 = vector.broadcast %slice3A_199 : vector<256x1xf32> to vector<256x2048xf32>
    %gt3A_250 = vector.broadcast %slice3A_19 : vector<1x2048xf32> to vector<256x2048xf32>
    %gt3A_251 = arith.cmpf ogt, %gt3A_249, %gt3A_250 : vector<256x2048xf32>
    %eq3A_252 = vector.broadcast %slice3A_199 : vector<256x1xf32> to vector<256x2048xf32>
    %eq3A_253 = vector.broadcast %slice3A_19 : vector<1x2048xf32> to vector<256x2048xf32>
    %eq3A_254 = arith.cmpf oeq, %eq3A_252, %eq3A_253 : vector<256x2048xf32>
    %lt3A_255 = vector.broadcast %slice3A_200 : vector<256x1xf32> to vector<256x2048xf32>
    %lt3A_256 = vector.broadcast %slice3A_20 : vector<1x2048xf32> to vector<256x2048xf32>
    %lt3A_257 = arith.cmpf olt, %lt3A_255, %lt3A_256 : vector<256x2048xf32>
    %and3A_258 = arith.andi %eq3A_254, %lt3A_257 : vector<256x2048xi1>
    %or3A_259 = arith.ori %gt3A_251, %and3A_258 : vector<256x2048xi1>
    %iota3A_260 = tpu.iota {dimensions = array<i32: 0>} : vector<256x1xi32>
    %add3A_261 = arith.constant 512 : i32
    %add3A_262 = vector.broadcast %add3A_261 : i32 to vector<256x1xi32>
    %add3A_263 = arith.addi %iota3A_260, %add3A_262 : vector<256x1xi32>
    %lt3A_264 = arith.constant 2000 : i32
    %lt3A_265 = vector.broadcast %lt3A_264 : i32 to vector<256x1xi32>
    %lt3A_266 = arith.cmpi slt, %add3A_263, %lt3A_265 : vector<256x1xi32>
    %gt3A_267 = arith.constant 0.00999999977 : f32
    %gt3A_268 = vector.broadcast %gt3A_267 : f32 to vector<256x2048xf32>
    %gt3A_269 = arith.cmpf ogt, %div3A_248, %gt3A_268 : vector<256x2048xf32>
    %and3A_270 = arith.andi %gt3A_269, %or3A_259 : vector<256x2048xi1>
    %and3A_271 = vector.broadcast %lt3A_266 : vector<256x1xi1> to vector<256x2048xi1>
    %and3A_272 = arith.andi %and3A_270, %and3A_271 : vector<256x2048xi1>
    %convert_element_type3A_273 = arith.extui %and3A_272 : vector<256x2048xi1> to vector<256x2048xi32>
    %convert_element_type3A_274 = arith.sitofp %convert_element_type3A_273 : vector<256x2048xi32> to vector<256x2048xf32>
    %convert_element_type3A_275 = arith.truncf %convert_element_type3A_274 : vector<256x2048xf32> to vector<256x2048xbf16>
    %swap3A_276 = arith.constant 512 : index
    %swap3A_277 = arith.constant 0 : index
    %swap3A_278 = vector.load %arg5[%swap3A_276, %swap3A_277] : memref<2048x2048xbf16, #tpu.memory_space<vmem>>, vector<256x2048xbf16>
    tpu.vector_store %arg5[%swap3A_276, %swap3A_277], %convert_element_type3A_275 {strides = array<i32>} : memref<2048x2048xbf16, #tpu.memory_space<vmem>>, vector<256x2048xbf16>,
    %slice3A_279 = vector.extract_strided_slice %concatenate3A {offsets = [768, 0], sizes = [256, 1], strides = [1, 1]} : vector<2048x6xf32> to vector<256x1xf32>
    %slice3A_280 = vector.extract_strided_slice %concatenate3A {offsets = [768, 1], sizes = [256, 1], strides = [1, 1]} : vector<2048x6xf32> to vector<256x1xf32>
    %slice3A_281 = vector.extract_strided_slice %concatenate3A {offsets = [768, 2], sizes = [256, 1], strides = [1, 1]} : vector<2048x6xf32> to vector<256x1xf32>
    %slice3A_282 = vector.extract_strided_slice %concatenate3A {offsets = [768, 3], sizes = [256, 1], strides = [1, 1]} : vector<2048x6xf32> to vector<256x1xf32>
    %slice3A_283 = vector.extract_strided_slice %concatenate3A {offsets = [768, 4], sizes = [256, 1], strides = [1, 1]} : vector<2048x6xf32> to vector<256x1xf32>
    %slice3A_284 = vector.extract_strided_slice %concatenate3A {offsets = [768, 5], sizes = [256, 1], strides = [1, 1]} : vector<2048x6xf32> to vector<256x1xf32>
    %mul3A_285 = arith.constant 5.000000e-01 : f32
    %mul3A_286 = vector.broadcast %mul3A_285 : f32 to vector<256x1xf32>
    %mul3A_287 = arith.mulf %slice3A_281, %mul3A_286 : vector<256x1xf32>
    %sub3A_288 = arith.subf %slice3A_279, %mul3A_287 : vector<256x1xf32>
    %mul3A_289 = arith.constant 5.000000e-01 : f32
    %mul3A_290 = vector.broadcast %mul3A_289 : f32 to vector<256x1xf32>
    %mul3A_291 = arith.mulf %slice3A_281, %mul3A_290 : vector<256x1xf32>
    %add3A_292 = arith.addf %slice3A_279, %mul3A_291 : vector<256x1xf32>
    %mul3A_293 = arith.constant 5.000000e-01 : f32
    %mul3A_294 = vector.broadcast %mul3A_293 : f32 to vector<256x1xf32>
    %mul3A_295 = arith.mulf %slice3A_282, %mul3A_294 : vector<256x1xf32>
    %sub3A_296 = arith.subf %slice3A_280, %mul3A_295 : vector<256x1xf32>
    %mul3A_297 = arith.constant 5.000000e-01 : f32
    %mul3A_298 = vector.broadcast %mul3A_297 : f32 to vector<256x1xf32>
    %mul3A_299 = arith.mulf %slice3A_282, %mul3A_298 : vector<256x1xf32>
    %add3A_300 = arith.addf %slice3A_280, %mul3A_299 : vector<256x1xf32>
    %sub3A_301 = arith.subf %add3A_292, %sub3A_288 : vector<256x1xf32>
    %sub3A_302 = arith.subf %add3A_300, %sub3A_296 : vector<256x1xf32>
    %mul3A_303 = arith.mulf %sub3A_301, %sub3A_302 : vector<256x1xf32>
    %max3A_304 = vector.broadcast %sub3A_288 : vector<256x1xf32> to vector<256x2048xf32>
    %max3A_305 = vector.broadcast %sub3A : vector<1x2048xf32> to vector<256x2048xf32>
    %max3A_306 = arith.maximumf %max3A_304, %max3A_305 : vector<256x2048xf32>
    %max3A_307 = vector.broadcast %sub3A_296 : vector<256x1xf32> to vector<256x2048xf32>
    %max3A_308 = vector.broadcast %sub3A_29 : vector<1x2048xf32> to vector<256x2048xf32>
    %max3A_309 = arith.maximumf %max3A_307, %max3A_308 : vector<256x2048xf32>
    %min3A_310 = vector.broadcast %add3A_292 : vector<256x1xf32> to vector<256x2048xf32>
    %min3A_311 = vector.broadcast %add3A : vector<1x2048xf32> to vector<256x2048xf32>
    %min3A_312 = arith.minimumf %min3A_310, %min3A_311 : vector<256x2048xf32>
    %min3A_313 = vector.broadcast %add3A_300 : vector<256x1xf32> to vector<256x2048xf32>
    %min3A_314 = vector.broadcast %add3A_33 : vector<1x2048xf32> to vector<256x2048xf32>
    %min3A_315 = arith.minimumf %min3A_313, %min3A_314 : vector<256x2048xf32>
    %sub3A_316 = arith.subf %min3A_312, %max3A_306 : vector<256x2048xf32>
    %jit3A_317 = arith.constant 0.000000e+00 : f32
    %max3A_318 = vector.broadcast %jit3A_317 : f32 to vector<256x2048xf32>
    %max3A_319 = arith.maximumf %max3A_318, %sub3A_316 : vector<256x2048xf32>
    %sub3A_320 = arith.subf %min3A_315, %max3A_309 : vector<256x2048xf32>
    %jit3A_321 = arith.constant 0.000000e+00 : f32
    %max3A_322 = vector.broadcast %jit3A_321 : f32 to vector<256x2048xf32>
    %max3A_323 = arith.maximumf %max3A_322, %sub3A_320 : vector<256x2048xf32>
    %mul3A_324 = arith.mulf %max3A_319, %max3A_323 : vector<256x2048xf32>
    %add3A_325 = vector.broadcast %mul3A_303 : vector<256x1xf32> to vector<256x2048xf32>
    %add3A_326 = vector.broadcast %mul3A_36 : vector<1x2048xf32> to vector<256x2048xf32>
    %add3A_327 = arith.addf %add3A_325, %add3A_326 : vector<256x2048xf32>
    %sub3A_328 = arith.subf %add3A_327, %mul3A_324 : vector<256x2048xf32>
    %max3A_329 = arith.constant 9.99999993E-9 : f32
    %max3A_330 = vector.broadcast %max3A_329 : f32 to vector<256x2048xf32>
    %max3A_331 = arith.maximumf %sub3A_328, %max3A_330 : vector<256x2048xf32>
    %div3A_332 = arith.divf %mul3A_324, %max3A_331 : vector<256x2048xf32>
    %gt3A_333 = vector.broadcast %slice3A_283 : vector<256x1xf32> to vector<256x2048xf32>
    %gt3A_334 = vector.broadcast %slice3A_19 : vector<1x2048xf32> to vector<256x2048xf32>
    %gt3A_335 = arith.cmpf ogt, %gt3A_333, %gt3A_334 : vector<256x2048xf32>
    %eq3A_336 = vector.broadcast %slice3A_283 : vector<256x1xf32> to vector<256x2048xf32>
    %eq3A_337 = vector.broadcast %slice3A_19 : vector<1x2048xf32> to vector<256x2048xf32>
    %eq3A_338 = arith.cmpf oeq, %eq3A_336, %eq3A_337 : vector<256x2048xf32>
    %lt3A_339 = vector.broadcast %slice3A_284 : vector<256x1xf32> to vector<256x2048xf32>
    %lt3A_340 = vector.broadcast %slice3A_20 : vector<1x2048xf32> to vector<256x2048xf32>
    %lt3A_341 = arith.cmpf olt, %lt3A_339, %lt3A_340 : vector<256x2048xf32>
    %and3A_342 = arith.andi %eq3A_338, %lt3A_341 : vector<256x2048xi1>
    %or3A_343 = arith.ori %gt3A_335, %and3A_342 : vector<256x2048xi1>
    %iota3A_344 = tpu.iota {dimensions = array<i32: 0>} : vector<256x1xi32>
    %add3A_345 = arith.constant 768 : i32
    %add3A_346 = vector.broadcast %add3A_345 : i32 to vector<256x1xi32>
    %add3A_347 = arith.addi %iota3A_344, %add3A_346 : vector<256x1xi32>
    %lt3A_348 = arith.constant 2000 : i32
    %lt3A_349 = vector.broadcast %lt3A_348 : i32 to vector<256x1xi32>
    %lt3A_350 = arith.cmpi slt, %add3A_347, %lt3A_349 : vector<256x1xi32>
    %gt3A_351 = arith.constant 0.00999999977 : f32
    %gt3A_352 = vector.broadcast %gt3A_351 : f32 to vector<256x2048xf32>
    %gt3A_353 = arith.cmpf ogt, %div3A_332, %gt3A_352 : vector<256x2048xf32>
    %and3A_354 = arith.andi %gt3A_353, %or3A_343 : vector<256x2048xi1>
    %and3A_355 = vector.broadcast %lt3A_350 : vector<256x1xi1> to vector<256x2048xi1>
    %and3A_356 = arith.andi %and3A_354, %and3A_355 : vector<256x2048xi1>
    %convert_element_type3A_357 = arith.extui %and3A_356 : vector<256x2048xi1> to vector<256x2048xi32>
    %convert_element_type3A_358 = arith.sitofp %convert_element_type3A_357 : vector<256x2048xi32> to vector<256x2048xf32>
    %convert_element_type3A_359 = arith.truncf %convert_element_type3A_358 : vector<256x2048xf32> to vector<256x2048xbf16>
    %swap3A_360 = arith.constant 768 : index
    %swap3A_361 = arith.constant 0 : index
    %swap3A_362 = vector.load %arg5[%swap3A_360, %swap3A_361] : memref<2048x2048xbf16, #tpu.memory_space<vmem>>, vector<256x2048xbf16>
    tpu.vector_store %arg5[%swap3A_360, %swap3A_361], %convert_element_type3A_359 {strides = array<i32>} : memref<2048x2048xbf16, #tpu.memory_space<vmem>>, vector<256x2048xbf16>,
    %slice3A_363 = vector.extract_strided_slice %concatenate3A {offsets = [1024, 0], sizes = [256, 1], strides = [1, 1]} : vector<2048x6xf32> to vector<256x1xf32>
    %slice3A_364 = vector.extract_strided_slice %concatenate3A {offsets = [1024, 1], sizes = [256, 1], strides = [1, 1]} : vector<2048x6xf32> to vector<256x1xf32>
    %slice3A_365 = vector.extract_strided_slice %concatenate3A {offsets = [1024, 2], sizes = [256, 1], strides = [1, 1]} : vector<2048x6xf32> to vector<256x1xf32>
    %slice3A_366 = vector.extract_strided_slice %concatenate3A {offsets = [1024, 3], sizes = [256, 1], strides = [1, 1]} : vector<2048x6xf32> to vector<256x1xf32>
    %slice3A_367 = vector.extract_strided_slice %concatenate3A {offsets = [1024, 4], sizes = [256, 1], strides = [1, 1]} : vector<2048x6xf32> to vector<256x1xf32>
    %slice3A_368 = vector.extract_strided_slice %concatenate3A {offsets = [1024, 5], sizes = [256, 1], strides = [1, 1]} : vector<2048x6xf32> to vector<256x1xf32>
    %mul3A_369 = arith.constant 5.000000e-01 : f32
    %mul3A_370 = vector.broadcast %mul3A_369 : f32 to vector<256x1xf32>
    %mul3A_371 = arith.mulf %slice3A_365, %mul3A_370 : vector<256x1xf32>
    %sub3A_372 = arith.subf %slice3A_363, %mul3A_371 : vector<256x1xf32>
    %mul3A_373 = arith.constant 5.000000e-01 : f32
    %mul3A_374 = vector.broadcast %mul3A_373 : f32 to vector<256x1xf32>
    %mul3A_375 = arith.mulf %slice3A_365, %mul3A_374 : vector<256x1xf32>
    %add3A_376 = arith.addf %slice3A_363, %mul3A_375 : vector<256x1xf32>
    %mul3A_377 = arith.constant 5.000000e-01 : f32
    %mul3A_378 = vector.broadcast %mul3A_377 : f32 to vector<256x1xf32>
    %mul3A_379 = arith.mulf %slice3A_366, %mul3A_378 : vector<256x1xf32>
    %sub3A_380 = arith.subf %slice3A_364, %mul3A_379 : vector<256x1xf32>
    %mul3A_381 = arith.constant 5.000000e-01 : f32
    %mul3A_382 = vector.broadcast %mul3A_381 : f32 to vector<256x1xf32>
    %mul3A_383 = arith.mulf %slice3A_366, %mul3A_382 : vector<256x1xf32>
    %add3A_384 = arith.addf %slice3A_364, %mul3A_383 : vector<256x1xf32>
    %sub3A_385 = arith.subf %add3A_376, %sub3A_372 : vector<256x1xf32>
    %sub3A_386 = arith.subf %add3A_384, %sub3A_380 : vector<256x1xf32>
    %mul3A_387 = arith.mulf %sub3A_385, %sub3A_386 : vector<256x1xf32>
    %max3A_388 = vector.broadcast %sub3A_372 : vector<256x1xf32> to vector<256x2048xf32>
    %max3A_389 = vector.broadcast %sub3A : vector<1x2048xf32> to vector<256x2048xf32>
    %max3A_390 = arith.maximumf %max3A_388, %max3A_389 : vector<256x2048xf32>
    %max3A_391 = vector.broadcast %sub3A_380 : vector<256x1xf32> to vector<256x2048xf32>
    %max3A_392 = vector.broadcast %sub3A_29 : vector<1x2048xf32> to vector<256x2048xf32>
    %max3A_393 = arith.maximumf %max3A_391, %max3A_392 : vector<256x2048xf32>
    %min3A_394 = vector.broadcast %add3A_376 : vector<256x1xf32> to vector<256x2048xf32>
    %min3A_395 = vector.broadcast %add3A : vector<1x2048xf32> to vector<256x2048xf32>
    %min3A_396 = arith.minimumf %min3A_394, %min3A_395 : vector<256x2048xf32>
    %min3A_397 = vector.broadcast %add3A_384 : vector<256x1xf32> to vector<256x2048xf32>
    %min3A_398 = vector.broadcast %add3A_33 : vector<1x2048xf32> to vector<256x2048xf32>
    %min3A_399 = arith.minimumf %min3A_397, %min3A_398 : vector<256x2048xf32>
    %sub3A_400 = arith.subf %min3A_396, %max3A_390 : vector<256x2048xf32>
    %jit3A_401 = arith.constant 0.000000e+00 : f32
    %max3A_402 = vector.broadcast %jit3A_401 : f32 to vector<256x2048xf32>
    %max3A_403 = arith.maximumf %max3A_402, %sub3A_400 : vector<256x2048xf32>
    %sub3A_404 = arith.subf %min3A_399, %max3A_393 : vector<256x2048xf32>
    %jit3A_405 = arith.constant 0.000000e+00 : f32
    %max3A_406 = vector.broadcast %jit3A_405 : f32 to vector<256x2048xf32>
    %max3A_407 = arith.maximumf %max3A_406, %sub3A_404 : vector<256x2048xf32>
    %mul3A_408 = arith.mulf %max3A_403, %max3A_407 : vector<256x2048xf32>
    %add3A_409 = vector.broadcast %mul3A_387 : vector<256x1xf32> to vector<256x2048xf32>
    %add3A_410 = vector.broadcast %mul3A_36 : vector<1x2048xf32> to vector<256x2048xf32>
    %add3A_411 = arith.addf %add3A_409, %add3A_410 : vector<256x2048xf32>
    %sub3A_412 = arith.subf %add3A_411, %mul3A_408 : vector<256x2048xf32>
    %max3A_413 = arith.constant 9.99999993E-9 : f32
    %max3A_414 = vector.broadcast %max3A_413 : f32 to vector<256x2048xf32>
    %max3A_415 = arith.maximumf %sub3A_412, %max3A_414 : vector<256x2048xf32>
    %div3A_416 = arith.divf %mul3A_408, %max3A_415 : vector<256x2048xf32>
    %gt3A_417 = vector.broadcast %slice3A_367 : vector<256x1xf32> to vector<256x2048xf32>
    %gt3A_418 = vector.broadcast %slice3A_19 : vector<1x2048xf32> to vector<256x2048xf32>
    %gt3A_419 = arith.cmpf ogt, %gt3A_417, %gt3A_418 : vector<256x2048xf32>
    %eq3A_420 = vector.broadcast %slice3A_367 : vector<256x1xf32> to vector<256x2048xf32>
    %eq3A_421 = vector.broadcast %slice3A_19 : vector<1x2048xf32> to vector<256x2048xf32>
    %eq3A_422 = arith.cmpf oeq, %eq3A_420, %eq3A_421 : vector<256x2048xf32>
    %lt3A_423 = vector.broadcast %slice3A_368 : vector<256x1xf32> to vector<256x2048xf32>
    %lt3A_424 = vector.broadcast %slice3A_20 : vector<1x2048xf32> to vector<256x2048xf32>
    %lt3A_425 = arith.cmpf olt, %lt3A_423, %lt3A_424 : vector<256x2048xf32>
    %and3A_426 = arith.andi %eq3A_422, %lt3A_425 : vector<256x2048xi1>
    %or3A_427 = arith.ori %gt3A_419, %and3A_426 : vector<256x2048xi1>
    %iota3A_428 = tpu.iota {dimensions = array<i32: 0>} : vector<256x1xi32>
    %add3A_429 = arith.constant 1024 : i32
    %add3A_430 = vector.broadcast %add3A_429 : i32 to vector<256x1xi32>
    %add3A_431 = arith.addi %iota3A_428, %add3A_430 : vector<256x1xi32>
    %lt3A_432 = arith.constant 2000 : i32
    %lt3A_433 = vector.broadcast %lt3A_432 : i32 to vector<256x1xi32>
    %lt3A_434 = arith.cmpi slt, %add3A_431, %lt3A_433 : vector<256x1xi32>
    %gt3A_435 = arith.constant 0.00999999977 : f32
    %gt3A_436 = vector.broadcast %gt3A_435 : f32 to vector<256x2048xf32>
    %gt3A_437 = arith.cmpf ogt, %div3A_416, %gt3A_436 : vector<256x2048xf32>
    %and3A_438 = arith.andi %gt3A_437, %or3A_427 : vector<256x2048xi1>
    %and3A_439 = vector.broadcast %lt3A_434 : vector<256x1xi1> to vector<256x2048xi1>
    %and3A_440 = arith.andi %and3A_438, %and3A_439 : vector<256x2048xi1>
    %convert_element_type3A_441 = arith.extui %and3A_440 : vector<256x2048xi1> to vector<256x2048xi32>
    %convert_element_type3A_442 = arith.sitofp %convert_element_type3A_441 : vector<256x2048xi32> to vector<256x2048xf32>
    %convert_element_type3A_443 = arith.truncf %convert_element_type3A_442 : vector<256x2048xf32> to vector<256x2048xbf16>
    %swap3A_444 = arith.constant 1024 : index
    %swap3A_445 = arith.constant 0 : index
    %swap3A_446 = vector.load %arg5[%swap3A_444, %swap3A_445] : memref<2048x2048xbf16, #tpu.memory_space<vmem>>, vector<256x2048xbf16>
    tpu.vector_store %arg5[%swap3A_444, %swap3A_445], %convert_element_type3A_443 {strides = array<i32>} : memref<2048x2048xbf16, #tpu.memory_space<vmem>>, vector<256x2048xbf16>,
    %slice3A_447 = vector.extract_strided_slice %concatenate3A {offsets = [1280, 0], sizes = [256, 1], strides = [1, 1]} : vector<2048x6xf32> to vector<256x1xf32>
    %slice3A_448 = vector.extract_strided_slice %concatenate3A {offsets = [1280, 1], sizes = [256, 1], strides = [1, 1]} : vector<2048x6xf32> to vector<256x1xf32>
    %slice3A_449 = vector.extract_strided_slice %concatenate3A {offsets = [1280, 2], sizes = [256, 1], strides = [1, 1]} : vector<2048x6xf32> to vector<256x1xf32>
    %slice3A_450 = vector.extract_strided_slice %concatenate3A {offsets = [1280, 3], sizes = [256, 1], strides = [1, 1]} : vector<2048x6xf32> to vector<256x1xf32>
    %slice3A_451 = vector.extract_strided_slice %concatenate3A {offsets = [1280, 4], sizes = [256, 1], strides = [1, 1]} : vector<2048x6xf32> to vector<256x1xf32>
    %slice3A_452 = vector.extract_strided_slice %concatenate3A {offsets = [1280, 5], sizes = [256, 1], strides = [1, 1]} : vector<2048x6xf32> to vector<256x1xf32>
    %mul3A_453 = arith.constant 5.000000e-01 : f32
    %mul3A_454 = vector.broadcast %mul3A_453 : f32 to vector<256x1xf32>
    %mul3A_455 = arith.mulf %slice3A_449, %mul3A_454 : vector<256x1xf32>
    %sub3A_456 = arith.subf %slice3A_447, %mul3A_455 : vector<256x1xf32>
    %mul3A_457 = arith.constant 5.000000e-01 : f32
    %mul3A_458 = vector.broadcast %mul3A_457 : f32 to vector<256x1xf32>
    %mul3A_459 = arith.mulf %slice3A_449, %mul3A_458 : vector<256x1xf32>
    %add3A_460 = arith.addf %slice3A_447, %mul3A_459 : vector<256x1xf32>
    %mul3A_461 = arith.constant 5.000000e-01 : f32
    %mul3A_462 = vector.broadcast %mul3A_461 : f32 to vector<256x1xf32>
    %mul3A_463 = arith.mulf %slice3A_450, %mul3A_462 : vector<256x1xf32>
    %sub3A_464 = arith.subf %slice3A_448, %mul3A_463 : vector<256x1xf32>
    %mul3A_465 = arith.constant 5.000000e-01 : f32
    %mul3A_466 = vector.broadcast %mul3A_465 : f32 to vector<256x1xf32>
    %mul3A_467 = arith.mulf %slice3A_450, %mul3A_466 : vector<256x1xf32>
    %add3A_468 = arith.addf %slice3A_448, %mul3A_467 : vector<256x1xf32>
    %sub3A_469 = arith.subf %add3A_460, %sub3A_456 : vector<256x1xf32>
    %sub3A_470 = arith.subf %add3A_468, %sub3A_464 : vector<256x1xf32>
    %mul3A_471 = arith.mulf %sub3A_469, %sub3A_470 : vector<256x1xf32>
    %max3A_472 = vector.broadcast %sub3A_456 : vector<256x1xf32> to vector<256x2048xf32>
    %max3A_473 = vector.broadcast %sub3A : vector<1x2048xf32> to vector<256x2048xf32>
    %max3A_474 = arith.maximumf %max3A_472, %max3A_473 : vector<256x2048xf32>
    %max3A_475 = vector.broadcast %sub3A_464 : vector<256x1xf32> to vector<256x2048xf32>
    %max3A_476 = vector.broadcast %sub3A_29 : vector<1x2048xf32> to vector<256x2048xf32>
    %max3A_477 = arith.maximumf %max3A_475, %max3A_476 : vector<256x2048xf32>
    %min3A_478 = vector.broadcast %add3A_460 : vector<256x1xf32> to vector<256x2048xf32>
    %min3A_479 = vector.broadcast %add3A : vector<1x2048xf32> to vector<256x2048xf32>
    %min3A_480 = arith.minimumf %min3A_478, %min3A_479 : vector<256x2048xf32>
    %min3A_481 = vector.broadcast %add3A_468 : vector<256x1xf32> to vector<256x2048xf32>
    %min3A_482 = vector.broadcast %add3A_33 : vector<1x2048xf32> to vector<256x2048xf32>
    %min3A_483 = arith.minimumf %min3A_481, %min3A_482 : vector<256x2048xf32>
    %sub3A_484 = arith.subf %min3A_480, %max3A_474 : vector<256x2048xf32>
    %jit3A_485 = arith.constant 0.000000e+00 : f32
    %max3A_486 = vector.broadcast %jit3A_485 : f32 to vector<256x2048xf32>
    %max3A_487 = arith.maximumf %max3A_486, %sub3A_484 : vector<256x2048xf32>
    %sub3A_488 = arith.subf %min3A_483, %max3A_477 : vector<256x2048xf32>
    %jit3A_489 = arith.constant 0.000000e+00 : f32
    %max3A_490 = vector.broadcast %jit3A_489 : f32 to vector<256x2048xf32>
    %max3A_491 = arith.maximumf %max3A_490, %sub3A_488 : vector<256x2048xf32>
    %mul3A_492 = arith.mulf %max3A_487, %max3A_491 : vector<256x2048xf32>
    %add3A_493 = vector.broadcast %mul3A_471 : vector<256x1xf32> to vector<256x2048xf32>
    %add3A_494 = vector.broadcast %mul3A_36 : vector<1x2048xf32> to vector<256x2048xf32>
    %add3A_495 = arith.addf %add3A_493, %add3A_494 : vector<256x2048xf32>
    %sub3A_496 = arith.subf %add3A_495, %mul3A_492 : vector<256x2048xf32>
    %max3A_497 = arith.constant 9.99999993E-9 : f32
    %max3A_498 = vector.broadcast %max3A_497 : f32 to vector<256x2048xf32>
    %max3A_499 = arith.maximumf %sub3A_496, %max3A_498 : vector<256x2048xf32>
    %div3A_500 = arith.divf %mul3A_492, %max3A_499 : vector<256x2048xf32>
    %gt3A_501 = vector.broadcast %slice3A_451 : vector<256x1xf32> to vector<256x2048xf32>
    %gt3A_502 = vector.broadcast %slice3A_19 : vector<1x2048xf32> to vector<256x2048xf32>
    %gt3A_503 = arith.cmpf ogt, %gt3A_501, %gt3A_502 : vector<256x2048xf32>
    %eq3A_504 = vector.broadcast %slice3A_451 : vector<256x1xf32> to vector<256x2048xf32>
    %eq3A_505 = vector.broadcast %slice3A_19 : vector<1x2048xf32> to vector<256x2048xf32>
    %eq3A_506 = arith.cmpf oeq, %eq3A_504, %eq3A_505 : vector<256x2048xf32>
    %lt3A_507 = vector.broadcast %slice3A_452 : vector<256x1xf32> to vector<256x2048xf32>
    %lt3A_508 = vector.broadcast %slice3A_20 : vector<1x2048xf32> to vector<256x2048xf32>
    %lt3A_509 = arith.cmpf olt, %lt3A_507, %lt3A_508 : vector<256x2048xf32>
    %and3A_510 = arith.andi %eq3A_506, %lt3A_509 : vector<256x2048xi1>
    %or3A_511 = arith.ori %gt3A_503, %and3A_510 : vector<256x2048xi1>
    %iota3A_512 = tpu.iota {dimensions = array<i32: 0>} : vector<256x1xi32>
    %add3A_513 = arith.constant 1280 : i32
    %add3A_514 = vector.broadcast %add3A_513 : i32 to vector<256x1xi32>
    %add3A_515 = arith.addi %iota3A_512, %add3A_514 : vector<256x1xi32>
    %lt3A_516 = arith.constant 2000 : i32
    %lt3A_517 = vector.broadcast %lt3A_516 : i32 to vector<256x1xi32>
    %lt3A_518 = arith.cmpi slt, %add3A_515, %lt3A_517 : vector<256x1xi32>
    %gt3A_519 = arith.constant 0.00999999977 : f32
    %gt3A_520 = vector.broadcast %gt3A_519 : f32 to vector<256x2048xf32>
    %gt3A_521 = arith.cmpf ogt, %div3A_500, %gt3A_520 : vector<256x2048xf32>
    %and3A_522 = arith.andi %gt3A_521, %or3A_511 : vector<256x2048xi1>
    %and3A_523 = vector.broadcast %lt3A_518 : vector<256x1xi1> to vector<256x2048xi1>
    %and3A_524 = arith.andi %and3A_522, %and3A_523 : vector<256x2048xi1>
    %convert_element_type3A_525 = arith.extui %and3A_524 : vector<256x2048xi1> to vector<256x2048xi32>
    %convert_element_type3A_526 = arith.sitofp %convert_element_type3A_525 : vector<256x2048xi32> to vector<256x2048xf32>
    %convert_element_type3A_527 = arith.truncf %convert_element_type3A_526 : vector<256x2048xf32> to vector<256x2048xbf16>
    %swap3A_528 = arith.constant 1280 : index
    %swap3A_529 = arith.constant 0 : index
    %swap3A_530 = vector.load %arg5[%swap3A_528, %swap3A_529] : memref<2048x2048xbf16, #tpu.memory_space<vmem>>, vector<256x2048xbf16>
    tpu.vector_store %arg5[%swap3A_528, %swap3A_529], %convert_element_type3A_527 {strides = array<i32>} : memref<2048x2048xbf16, #tpu.memory_space<vmem>>, vector<256x2048xbf16>,
    %slice3A_531 = vector.extract_strided_slice %concatenate3A {offsets = [1536, 0], sizes = [256, 1], strides = [1, 1]} : vector<2048x6xf32> to vector<256x1xf32>
    %slice3A_532 = vector.extract_strided_slice %concatenate3A {offsets = [1536, 1], sizes = [256, 1], strides = [1, 1]} : vector<2048x6xf32> to vector<256x1xf32>
    %slice3A_533 = vector.extract_strided_slice %concatenate3A {offsets = [1536, 2], sizes = [256, 1], strides = [1, 1]} : vector<2048x6xf32> to vector<256x1xf32>
    %slice3A_534 = vector.extract_strided_slice %concatenate3A {offsets = [1536, 3], sizes = [256, 1], strides = [1, 1]} : vector<2048x6xf32> to vector<256x1xf32>
    %slice3A_535 = vector.extract_strided_slice %concatenate3A {offsets = [1536, 4], sizes = [256, 1], strides = [1, 1]} : vector<2048x6xf32> to vector<256x1xf32>
    %slice3A_536 = vector.extract_strided_slice %concatenate3A {offsets = [1536, 5], sizes = [256, 1], strides = [1, 1]} : vector<2048x6xf32> to vector<256x1xf32>
    %mul3A_537 = arith.constant 5.000000e-01 : f32
    %mul3A_538 = vector.broadcast %mul3A_537 : f32 to vector<256x1xf32>
    %mul3A_539 = arith.mulf %slice3A_533, %mul3A_538 : vector<256x1xf32>
    %sub3A_540 = arith.subf %slice3A_531, %mul3A_539 : vector<256x1xf32>
    %mul3A_541 = arith.constant 5.000000e-01 : f32
    %mul3A_542 = vector.broadcast %mul3A_541 : f32 to vector<256x1xf32>
    %mul3A_543 = arith.mulf %slice3A_533, %mul3A_542 : vector<256x1xf32>
    %add3A_544 = arith.addf %slice3A_531, %mul3A_543 : vector<256x1xf32>
    %mul3A_545 = arith.constant 5.000000e-01 : f32
    %mul3A_546 = vector.broadcast %mul3A_545 : f32 to vector<256x1xf32>
    %mul3A_547 = arith.mulf %slice3A_534, %mul3A_546 : vector<256x1xf32>
    %sub3A_548 = arith.subf %slice3A_532, %mul3A_547 : vector<256x1xf32>
    %mul3A_549 = arith.constant 5.000000e-01 : f32
    %mul3A_550 = vector.broadcast %mul3A_549 : f32 to vector<256x1xf32>
    %mul3A_551 = arith.mulf %slice3A_534, %mul3A_550 : vector<256x1xf32>
    %add3A_552 = arith.addf %slice3A_532, %mul3A_551 : vector<256x1xf32>
    %sub3A_553 = arith.subf %add3A_544, %sub3A_540 : vector<256x1xf32>
    %sub3A_554 = arith.subf %add3A_552, %sub3A_548 : vector<256x1xf32>
    %mul3A_555 = arith.mulf %sub3A_553, %sub3A_554 : vector<256x1xf32>
    %max3A_556 = vector.broadcast %sub3A_540 : vector<256x1xf32> to vector<256x2048xf32>
    %max3A_557 = vector.broadcast %sub3A : vector<1x2048xf32> to vector<256x2048xf32>
    %max3A_558 = arith.maximumf %max3A_556, %max3A_557 : vector<256x2048xf32>
    %max3A_559 = vector.broadcast %sub3A_548 : vector<256x1xf32> to vector<256x2048xf32>
    %max3A_560 = vector.broadcast %sub3A_29 : vector<1x2048xf32> to vector<256x2048xf32>
    %max3A_561 = arith.maximumf %max3A_559, %max3A_560 : vector<256x2048xf32>
    %min3A_562 = vector.broadcast %add3A_544 : vector<256x1xf32> to vector<256x2048xf32>
    %min3A_563 = vector.broadcast %add3A : vector<1x2048xf32> to vector<256x2048xf32>
    %min3A_564 = arith.minimumf %min3A_562, %min3A_563 : vector<256x2048xf32>
    %min3A_565 = vector.broadcast %add3A_552 : vector<256x1xf32> to vector<256x2048xf32>
    %min3A_566 = vector.broadcast %add3A_33 : vector<1x2048xf32> to vector<256x2048xf32>
    %min3A_567 = arith.minimumf %min3A_565, %min3A_566 : vector<256x2048xf32>
    %sub3A_568 = arith.subf %min3A_564, %max3A_558 : vector<256x2048xf32>
    %jit3A_569 = arith.constant 0.000000e+00 : f32
    %max3A_570 = vector.broadcast %jit3A_569 : f32 to vector<256x2048xf32>
    %max3A_571 = arith.maximumf %max3A_570, %sub3A_568 : vector<256x2048xf32>
    %sub3A_572 = arith.subf %min3A_567, %max3A_561 : vector<256x2048xf32>
    %jit3A_573 = arith.constant 0.000000e+00 : f32
    %max3A_574 = vector.broadcast %jit3A_573 : f32 to vector<256x2048xf32>
    %max3A_575 = arith.maximumf %max3A_574, %sub3A_572 : vector<256x2048xf32>
    %mul3A_576 = arith.mulf %max3A_571, %max3A_575 : vector<256x2048xf32>
    %add3A_577 = vector.broadcast %mul3A_555 : vector<256x1xf32> to vector<256x2048xf32>
    %add3A_578 = vector.broadcast %mul3A_36 : vector<1x2048xf32> to vector<256x2048xf32>
    %add3A_579 = arith.addf %add3A_577, %add3A_578 : vector<256x2048xf32>
    %sub3A_580 = arith.subf %add3A_579, %mul3A_576 : vector<256x2048xf32>
    %max3A_581 = arith.constant 9.99999993E-9 : f32
    %max3A_582 = vector.broadcast %max3A_581 : f32 to vector<256x2048xf32>
    %max3A_583 = arith.maximumf %sub3A_580, %max3A_582 : vector<256x2048xf32>
    %div3A_584 = arith.divf %mul3A_576, %max3A_583 : vector<256x2048xf32>
    %gt3A_585 = vector.broadcast %slice3A_535 : vector<256x1xf32> to vector<256x2048xf32>
    %gt3A_586 = vector.broadcast %slice3A_19 : vector<1x2048xf32> to vector<256x2048xf32>
    %gt3A_587 = arith.cmpf ogt, %gt3A_585, %gt3A_586 : vector<256x2048xf32>
    %eq3A_588 = vector.broadcast %slice3A_535 : vector<256x1xf32> to vector<256x2048xf32>
    %eq3A_589 = vector.broadcast %slice3A_19 : vector<1x2048xf32> to vector<256x2048xf32>
    %eq3A_590 = arith.cmpf oeq, %eq3A_588, %eq3A_589 : vector<256x2048xf32>
    %lt3A_591 = vector.broadcast %slice3A_536 : vector<256x1xf32> to vector<256x2048xf32>
    %lt3A_592 = vector.broadcast %slice3A_20 : vector<1x2048xf32> to vector<256x2048xf32>
    %lt3A_593 = arith.cmpf olt, %lt3A_591, %lt3A_592 : vector<256x2048xf32>
    %and3A_594 = arith.andi %eq3A_590, %lt3A_593 : vector<256x2048xi1>
    %or3A_595 = arith.ori %gt3A_587, %and3A_594 : vector<256x2048xi1>
    %iota3A_596 = tpu.iota {dimensions = array<i32: 0>} : vector<256x1xi32>
    %add3A_597 = arith.constant 1536 : i32
    %add3A_598 = vector.broadcast %add3A_597 : i32 to vector<256x1xi32>
    %add3A_599 = arith.addi %iota3A_596, %add3A_598 : vector<256x1xi32>
    %lt3A_600 = arith.constant 2000 : i32
    %lt3A_601 = vector.broadcast %lt3A_600 : i32 to vector<256x1xi32>
    %lt3A_602 = arith.cmpi slt, %add3A_599, %lt3A_601 : vector<256x1xi32>
    %gt3A_603 = arith.constant 0.00999999977 : f32
    %gt3A_604 = vector.broadcast %gt3A_603 : f32 to vector<256x2048xf32>
    %gt3A_605 = arith.cmpf ogt, %div3A_584, %gt3A_604 : vector<256x2048xf32>
    %and3A_606 = arith.andi %gt3A_605, %or3A_595 : vector<256x2048xi1>
    %and3A_607 = vector.broadcast %lt3A_602 : vector<256x1xi1> to vector<256x2048xi1>
    %and3A_608 = arith.andi %and3A_606, %and3A_607 : vector<256x2048xi1>
    %convert_element_type3A_609 = arith.extui %and3A_608 : vector<256x2048xi1> to vector<256x2048xi32>
    %convert_element_type3A_610 = arith.sitofp %convert_element_type3A_609 : vector<256x2048xi32> to vector<256x2048xf32>
    %convert_element_type3A_611 = arith.truncf %convert_element_type3A_610 : vector<256x2048xf32> to vector<256x2048xbf16>
    %swap3A_612 = arith.constant 1536 : index
    %swap3A_613 = arith.constant 0 : index
    %swap3A_614 = vector.load %arg5[%swap3A_612, %swap3A_613] : memref<2048x2048xbf16, #tpu.memory_space<vmem>>, vector<256x2048xbf16>
    tpu.vector_store %arg5[%swap3A_612, %swap3A_613], %convert_element_type3A_611 {strides = array<i32>} : memref<2048x2048xbf16, #tpu.memory_space<vmem>>, vector<256x2048xbf16>,
    %slice3A_615 = vector.extract_strided_slice %concatenate3A {offsets = [1792, 0], sizes = [256, 1], strides = [1, 1]} : vector<2048x6xf32> to vector<256x1xf32>
    %slice3A_616 = vector.extract_strided_slice %concatenate3A {offsets = [1792, 1], sizes = [256, 1], strides = [1, 1]} : vector<2048x6xf32> to vector<256x1xf32>
    %slice3A_617 = vector.extract_strided_slice %concatenate3A {offsets = [1792, 2], sizes = [256, 1], strides = [1, 1]} : vector<2048x6xf32> to vector<256x1xf32>
    %slice3A_618 = vector.extract_strided_slice %concatenate3A {offsets = [1792, 3], sizes = [256, 1], strides = [1, 1]} : vector<2048x6xf32> to vector<256x1xf32>
    %slice3A_619 = vector.extract_strided_slice %concatenate3A {offsets = [1792, 4], sizes = [256, 1], strides = [1, 1]} : vector<2048x6xf32> to vector<256x1xf32>
    %slice3A_620 = vector.extract_strided_slice %concatenate3A {offsets = [1792, 5], sizes = [256, 1], strides = [1, 1]} : vector<2048x6xf32> to vector<256x1xf32>
    %mul3A_621 = arith.constant 5.000000e-01 : f32
    %mul3A_622 = vector.broadcast %mul3A_621 : f32 to vector<256x1xf32>
    %mul3A_623 = arith.mulf %slice3A_617, %mul3A_622 : vector<256x1xf32>
    %sub3A_624 = arith.subf %slice3A_615, %mul3A_623 : vector<256x1xf32>
    %mul3A_625 = arith.constant 5.000000e-01 : f32
    %mul3A_626 = vector.broadcast %mul3A_625 : f32 to vector<256x1xf32>
    %mul3A_627 = arith.mulf %slice3A_617, %mul3A_626 : vector<256x1xf32>
    %add3A_628 = arith.addf %slice3A_615, %mul3A_627 : vector<256x1xf32>
    %mul3A_629 = arith.constant 5.000000e-01 : f32
    %mul3A_630 = vector.broadcast %mul3A_629 : f32 to vector<256x1xf32>
    %mul3A_631 = arith.mulf %slice3A_618, %mul3A_630 : vector<256x1xf32>
    %sub3A_632 = arith.subf %slice3A_616, %mul3A_631 : vector<256x1xf32>
    %mul3A_633 = arith.constant 5.000000e-01 : f32
    %mul3A_634 = vector.broadcast %mul3A_633 : f32 to vector<256x1xf32>
    %mul3A_635 = arith.mulf %slice3A_618, %mul3A_634 : vector<256x1xf32>
    %add3A_636 = arith.addf %slice3A_616, %mul3A_635 : vector<256x1xf32>
    %sub3A_637 = arith.subf %add3A_628, %sub3A_624 : vector<256x1xf32>
    %sub3A_638 = arith.subf %add3A_636, %sub3A_632 : vector<256x1xf32>
    %mul3A_639 = arith.mulf %sub3A_637, %sub3A_638 : vector<256x1xf32>
    %max3A_640 = vector.broadcast %sub3A_624 : vector<256x1xf32> to vector<256x2048xf32>
    %max3A_641 = vector.broadcast %sub3A : vector<1x2048xf32> to vector<256x2048xf32>
    %max3A_642 = arith.maximumf %max3A_640, %max3A_641 : vector<256x2048xf32>
    %max3A_643 = vector.broadcast %sub3A_632 : vector<256x1xf32> to vector<256x2048xf32>
    %max3A_644 = vector.broadcast %sub3A_29 : vector<1x2048xf32> to vector<256x2048xf32>
    %max3A_645 = arith.maximumf %max3A_643, %max3A_644 : vector<256x2048xf32>
    %min3A_646 = vector.broadcast %add3A_628 : vector<256x1xf32> to vector<256x2048xf32>
    %min3A_647 = vector.broadcast %add3A : vector<1x2048xf32> to vector<256x2048xf32>
    %min3A_648 = arith.minimumf %min3A_646, %min3A_647 : vector<256x2048xf32>
    %min3A_649 = vector.broadcast %add3A_636 : vector<256x1xf32> to vector<256x2048xf32>
    %min3A_650 = vector.broadcast %add3A_33 : vector<1x2048xf32> to vector<256x2048xf32>
    %min3A_651 = arith.minimumf %min3A_649, %min3A_650 : vector<256x2048xf32>
    %sub3A_652 = arith.subf %min3A_648, %max3A_642 : vector<256x2048xf32>
    %jit3A_653 = arith.constant 0.000000e+00 : f32
    %max3A_654 = vector.broadcast %jit3A_653 : f32 to vector<256x2048xf32>
    %max3A_655 = arith.maximumf %max3A_654, %sub3A_652 : vector<256x2048xf32>
    %sub3A_656 = arith.subf %min3A_651, %max3A_645 : vector<256x2048xf32>
    %jit3A_657 = arith.constant 0.000000e+00 : f32
    %max3A_658 = vector.broadcast %jit3A_657 : f32 to vector<256x2048xf32>
    %max3A_659 = arith.maximumf %max3A_658, %sub3A_656 : vector<256x2048xf32>
    %mul3A_660 = arith.mulf %max3A_655, %max3A_659 : vector<256x2048xf32>
    %add3A_661 = vector.broadcast %mul3A_639 : vector<256x1xf32> to vector<256x2048xf32>
    %add3A_662 = vector.broadcast %mul3A_36 : vector<1x2048xf32> to vector<256x2048xf32>
    %add3A_663 = arith.addf %add3A_661, %add3A_662 : vector<256x2048xf32>
    %sub3A_664 = arith.subf %add3A_663, %mul3A_660 : vector<256x2048xf32>
    %max3A_665 = arith.constant 9.99999993E-9 : f32
    %max3A_666 = vector.broadcast %max3A_665 : f32 to vector<256x2048xf32>
    %max3A_667 = arith.maximumf %sub3A_664, %max3A_666 : vector<256x2048xf32>
    %div3A_668 = arith.divf %mul3A_660, %max3A_667 : vector<256x2048xf32>
    %gt3A_669 = vector.broadcast %slice3A_619 : vector<256x1xf32> to vector<256x2048xf32>
    %gt3A_670 = vector.broadcast %slice3A_19 : vector<1x2048xf32> to vector<256x2048xf32>
    %gt3A_671 = arith.cmpf ogt, %gt3A_669, %gt3A_670 : vector<256x2048xf32>
    %eq3A_672 = vector.broadcast %slice3A_619 : vector<256x1xf32> to vector<256x2048xf32>
    %eq3A_673 = vector.broadcast %slice3A_19 : vector<1x2048xf32> to vector<256x2048xf32>
    %eq3A_674 = arith.cmpf oeq, %eq3A_672, %eq3A_673 : vector<256x2048xf32>
    %lt3A_675 = vector.broadcast %slice3A_620 : vector<256x1xf32> to vector<256x2048xf32>
    %lt3A_676 = vector.broadcast %slice3A_20 : vector<1x2048xf32> to vector<256x2048xf32>
    %lt3A_677 = arith.cmpf olt, %lt3A_675, %lt3A_676 : vector<256x2048xf32>
    %and3A_678 = arith.andi %eq3A_674, %lt3A_677 : vector<256x2048xi1>
    %or3A_679 = arith.ori %gt3A_671, %and3A_678 : vector<256x2048xi1>
    %iota3A_680 = tpu.iota {dimensions = array<i32: 0>} : vector<256x1xi32>
    %add3A_681 = arith.constant 1792 : i32
    %add3A_682 = vector.broadcast %add3A_681 : i32 to vector<256x1xi32>
    %add3A_683 = arith.addi %iota3A_680, %add3A_682 : vector<256x1xi32>
    %lt3A_684 = arith.constant 2000 : i32
    %lt3A_685 = vector.broadcast %lt3A_684 : i32 to vector<256x1xi32>
    %lt3A_686 = arith.cmpi slt, %add3A_683, %lt3A_685 : vector<256x1xi32>
    %gt3A_687 = arith.constant 0.00999999977 : f32
    %gt3A_688 = vector.broadcast %gt3A_687 : f32 to vector<256x2048xf32>
    %gt3A_689 = arith.cmpf ogt, %div3A_668, %gt3A_688 : vector<256x2048xf32>
    %and3A_690 = arith.andi %gt3A_689, %or3A_679 : vector<256x2048xi1>
    %and3A_691 = vector.broadcast %lt3A_686 : vector<256x1xi1> to vector<256x2048xi1>
    %and3A_692 = arith.andi %and3A_690, %and3A_691 : vector<256x2048xi1>
    %convert_element_type3A_693 = arith.extui %and3A_692 : vector<256x2048xi1> to vector<256x2048xi32>
    %convert_element_type3A_694 = arith.sitofp %convert_element_type3A_693 : vector<256x2048xi32> to vector<256x2048xf32>
    %convert_element_type3A_695 = arith.truncf %convert_element_type3A_694 : vector<256x2048xf32> to vector<256x2048xbf16>
    %swap3A_696 = arith.constant 1792 : index
    %swap3A_697 = arith.constant 0 : index
    %swap3A_698 = vector.load %arg5[%swap3A_696, %swap3A_697] : memref<2048x2048xbf16, #tpu.memory_space<vmem>>, vector<256x2048xbf16>
    tpu.vector_store %arg5[%swap3A_696, %swap3A_697], %convert_element_type3A_695 {strides = array<i32>} : memref<2048x2048xbf16, #tpu.memory_space<vmem>>, vector<256x2048xbf16>,
    %broadcast_in_dim3A = arith.constant 1.000000e+00 : bf16
    %broadcast_in_dim3A_699 = vector.broadcast %broadcast_in_dim3A : bf16 to vector<1x2048xbf16>
    %swap3A_700 = arith.constant 0 : index
    %swap3A_701 = arith.constant 0 : index
    %swap3A_702 = vector.load %arg6[%swap3A_700, %swap3A_701] : memref<1x2048xbf16, #tpu.memory_space<vmem>>, vector<1x2048xbf16>
    tpu.vector_store %arg6[%swap3A_700, %swap3A_701], %broadcast_in_dim3A_699 {strides = array<i32>} : memref<1x2048xbf16, #tpu.memory_space<vmem>>, vector<1x2048xbf16>,
    %while3A = arith.constant 1 : i32
    %while3A_703 = scf.while (%while3A_3785 = %while3A) : (i32) -> i32 {
      %gt3A_3786 = arith.constant 0 : i32
      %gt3A_3787 = arith.cmpi sgt, %while3A_3785, %gt3A_3786 : i32
      scf.condition(%gt3A_3787) %while3A_3785 : i32
    } do {
    ^bb0(%while3A_3785: i32):
      %get3A_3786 = arith.constant 0 : index
      %get3A_3787 = arith.constant 0 : index
      %get3A_3788 = vector.load %arg6[%get3A_3786, %get3A_3787] : memref<1x2048xbf16, #tpu.memory_space<vmem>>, vector<1x2048xbf16>
      %get3A_3789 = arith.constant 0 : index
      %get3A_3790 = arith.constant 0 : index
      %get3A_3791 = vector.load %arg5[%get3A_3789, %get3A_3790] : memref<2048x2048xbf16, #tpu.memory_space<vmem>>, vector<2048x2048xbf16>
      %dot_general3A = arith.constant dense<0.000000e+00> : vector<1x2048xf32>
      %dot_general3A_3792 = tpu.matmul %get3A_3788, %get3A_3791, %dot_general3A {dimension_numbers = #tpu.dot_dimension_numbers<[1], [0], [0], [1], [0, 0, 1, 1], [], []>, transpose_lhs_hint = false} : vector<1x2048xbf16>, vector<2048x2048xbf16>, vector<1x2048xf32> -> vector<1x2048xf32>
      %lt3A_3793 = arith.constant 5.000000e-01 : f32
      %lt3A_3794 = vector.broadcast %lt3A_3793 : f32 to vector<1x2048xf32>
      %lt3A_3795 = arith.cmpf olt, %dot_general3A_3792, %lt3A_3794 : vector<1x2048xf32>
      %convert_element_type3A_3796 = arith.extui %lt3A_3795 : vector<1x2048xi1> to vector<1x2048xi32>
      %convert_element_type3A_3797 = arith.sitofp %convert_element_type3A_3796 : vector<1x2048xi32> to vector<1x2048xf32>
      %convert_element_type3A_3798 = arith.truncf %convert_element_type3A_3797 : vector<1x2048xf32> to vector<1x2048xbf16>
      %sub3A_3799 = arith.subf %convert_element_type3A_3798, %get3A_3788 : vector<1x2048xbf16>
      %convert_element_type3A_3800 = arith.extf %sub3A_3799 : vector<1x2048xbf16> to vector<1x2048xf32>
      %abs3A = math.absf %convert_element_type3A_3800 : vector<1x2048xf32>
      %reduce_sum3A_3801 = vector.shape_cast %abs3A : vector<1x2048xf32> to vector<1x1x2048xf32>
      %reduce_sum3A_3802 = arith.constant dense<0.000000e+00> : vector<1xf32>
      %reduce_sum3A_3803 = vector.multi_reduction <add>, %reduce_sum3A_3801, %reduce_sum3A_3802 [1, 2] : vector<1x1x2048xf32> to vector<1xf32>
      %reduce_sum3A_3804 = vector.shape_cast %reduce_sum3A_3803 : vector<1xf32> to vector<1x1x1xf32>
      %reduce_sum3A_3805 = vector.extract %reduce_sum3A_3804[0, 0, 0] : f32 from vector<1x1x1xf32>
      %swap3A_3806 = arith.constant 0 : index
      %swap3A_3807 = arith.constant 0 : index
      %swap3A_3808 = vector.load %arg6[%swap3A_3806, %swap3A_3807] : memref<1x2048xbf16, #tpu.memory_space<vmem>>, vector<1x2048xbf16>
      tpu.vector_store %arg6[%swap3A_3806, %swap3A_3807], %convert_element_type3A_3798 {strides = array<i32>} : memref<1x2048xbf16, #tpu.memory_space<vmem>>, vector<1x2048xbf16>,
      %gt3A_3809 = arith.constant 0.000000e+00 : f32
      %gt3A_3810 = arith.cmpf ogt, %reduce_sum3A_3805, %gt3A_3809 : f32
      %convert_element_type3A_3811 = arith.extui %gt3A_3810 : i1 to i32
      scf.yield %convert_element_type3A_3811 : i32
    }
    %get3A_704 = arith.constant 0 : index
    %get3A_705 = arith.constant 0 : index
    %get3A_706 = vector.load %arg6[%get3A_704, %get3A_705] : memref<1x2048xbf16, #tpu.memory_space<vmem>>, vector<1x2048xbf16>
    %convert_element_type3A_707 = arith.extf %get3A_706 : vector<1x2048xbf16> to vector<1x2048xf32>
    %slice3A_708 = vector.extract_strided_slice %get3A_3 {offsets = [0, 11], sizes = [2048, 1], strides = [1, 1]} : vector<2048x16xf32> to vector<2048x1xf32>
    %slice3A_709 = vector.extract_strided_slice %get3A_3 {offsets = [0, 13], sizes = [2048, 1], strides = [1, 1]} : vector<2048x16xf32> to vector<2048x1xf32>
    %concatenate3A_710 = tpu.concatenate %slice3A_708, %slice3A_709 in 1 : vector<2048x1xf32>, vector<2048x1xf32> -> vector<2048x2xf32>
    %gt3A_711 = arith.constant 5.000000e-01 : f32
    %gt3A_712 = vector.broadcast %gt3A_711 : f32 to vector<1x2048xf32>
    %gt3A_713 = arith.cmpf ogt, %convert_element_type3A_707, %gt3A_712 : vector<1x2048xf32>
    %and3A_714 = arith.andi %gt3A_713, %lt3A_1 : vector<1x2048xi1>
    %jit3A_715 = arith.constant -3.000000e+38 : f32
    %broadcast_in_dim3A_716 = vector.broadcast %jit3A_715 : f32 to vector<1x2048xf32>
    %select_n3A = arith.select %and3A_714, %slice3A_19, %broadcast_in_dim3A_716 : vector<1x2048xi1>, vector<1x2048xf32>
    %broadcast_in_dim3A_717 = arith.constant 0.000000e+00 : f32
    %broadcast_in_dim3A_718 = vector.broadcast %broadcast_in_dim3A_717 : f32 to vector<1x2048xf32>
    %iota3A_719 = tpu.iota {dimensions = array<i32: 0>} : vector<256x256xi32>
    %iota3A_720 = tpu.iota {dimensions = array<i32: 1>} : vector<256x256xi32>
    %eq3A_721 = arith.cmpi eq, %iota3A_719, %iota3A_720 : vector<256x256xi32>
    %slice3A_722 = vector.extract_strided_slice %convert_element_type3A_707 {offsets = [0, 0], sizes = [1, 256], strides = [1, 1]} : vector<1x2048xf32> to vector<1x256xf32>
    %jit3A_723 = arith.constant 0.000000e+00 : f32
    %broadcast_in_dim3A_724 = vector.shape_cast %slice3A_722 : vector<1x256xf32> to vector<1x256xf32>
    %broadcast_in_dim3A_725 = vector.broadcast %broadcast_in_dim3A_724 : vector<1x256xf32> to vector<256x256xf32>
    %broadcast_in_dim3A_726 = vector.broadcast %jit3A_723 : f32 to vector<256x256xf32>
    %select_n3A_727 = arith.select %eq3A_721, %broadcast_in_dim3A_725, %broadcast_in_dim3A_726 : vector<256x256xi1>, vector<256x256xf32>
    %reduce_sum3A = arith.constant dense<0.000000e+00> : vector<256xf32>
    %reduce_sum3A_728 = vector.multi_reduction <add>, %select_n3A_727, %reduce_sum3A [1] : vector<256x256xf32> to vector<256xf32>
    %broadcast_in_dim3A_729 = vector.shape_cast %reduce_sum3A_728 : vector<256xf32> to vector<256x1xf32>
    %iota3A_730 = tpu.iota {dimensions = array<i32: 0>} : vector<256x1xi32>
    %add3A_731 = arith.constant 0 : i32
    %add3A_732 = vector.broadcast %add3A_731 : i32 to vector<256x1xi32>
    %add3A_733 = arith.addi %iota3A_730, %add3A_732 : vector<256x1xi32>
    %lt3A_734 = arith.constant 2000 : i32
    %lt3A_735 = vector.broadcast %lt3A_734 : i32 to vector<256x1xi32>
    %lt3A_736 = arith.cmpi slt, %add3A_733, %lt3A_735 : vector<256x1xi32>
    %slice3A_737 = vector.extract_strided_slice %concatenate3A_710 {offsets = [0, 0], sizes = [256, 1], strides = [1, 1]} : vector<2048x2xf32> to vector<256x1xf32>
    %slice3A_738 = vector.extract_strided_slice %concatenate3A_710 {offsets = [0, 1], sizes = [256, 1], strides = [1, 1]} : vector<2048x2xf32> to vector<256x1xf32>
    %gt3A_739 = arith.constant 5.000000e-01 : f32
    %gt3A_740 = vector.broadcast %gt3A_739 : f32 to vector<256x1xf32>
    %gt3A_741 = arith.cmpf ogt, %broadcast_in_dim3A_729, %gt3A_740 : vector<256x1xf32>
    %and3A_742 = arith.andi %gt3A_741, %lt3A_736 : vector<256x1xi1>
    %jit3A_743 = arith.constant -3.000000e+38 : f32
    %broadcast_in_dim3A_744 = vector.broadcast %jit3A_743 : f32 to vector<256x1xf32>
    %select_n3A_745 = arith.select %and3A_742, %slice3A_737, %broadcast_in_dim3A_744 : vector<256x1xi1>, vector<256x1xf32>
    %gt3A_746 = vector.broadcast %select_n3A_745 : vector<256x1xf32> to vector<256x2048xf32>
    %gt3A_747 = vector.broadcast %select_n3A : vector<1x2048xf32> to vector<256x2048xf32>
    %gt3A_748 = arith.cmpf ogt, %gt3A_746, %gt3A_747 : vector<256x2048xf32>
    %eq3A_749 = vector.broadcast %select_n3A_745 : vector<256x1xf32> to vector<256x2048xf32>
    %eq3A_750 = vector.broadcast %select_n3A : vector<1x2048xf32> to vector<256x2048xf32>
    %eq3A_751 = arith.cmpf oeq, %eq3A_749, %eq3A_750 : vector<256x2048xf32>
    %lt3A_752 = vector.broadcast %slice3A_738 : vector<256x1xf32> to vector<256x2048xf32>
    %lt3A_753 = vector.broadcast %slice3A_20 : vector<1x2048xf32> to vector<256x2048xf32>
    %lt3A_754 = arith.cmpf olt, %lt3A_752, %lt3A_753 : vector<256x2048xf32>
    %and3A_755 = arith.andi %eq3A_751, %lt3A_754 : vector<256x2048xi1>
    %or3A_756 = arith.ori %gt3A_748, %and3A_755 : vector<256x2048xi1>
    %convert_element_type3A_757 = arith.extui %or3A_756 : vector<256x2048xi1> to vector<256x2048xi32>
    %convert_element_type3A_758 = arith.sitofp %convert_element_type3A_757 : vector<256x2048xi32> to vector<256x2048xf32>
    %reduce_sum3A_759 = arith.constant dense<0.000000e+00> : vector<2048xf32>
    %reduce_sum3A_760 = vector.multi_reduction <add>, %convert_element_type3A_758, %reduce_sum3A_759 [0] : vector<256x2048xf32> to vector<2048xf32>
    %broadcast_in_dim3A_761 = vector.shape_cast %reduce_sum3A_760 : vector<2048xf32> to vector<1x2048xf32>
    %add3A_762 = arith.addf %broadcast_in_dim3A_718, %broadcast_in_dim3A_761 : vector<1x2048xf32>
    %iota3A_763 = tpu.iota {dimensions = array<i32: 0>} : vector<256x256xi32>
    %iota3A_764 = tpu.iota {dimensions = array<i32: 1>} : vector<256x256xi32>
    %eq3A_765 = arith.cmpi eq, %iota3A_763, %iota3A_764 : vector<256x256xi32>
    %slice3A_766 = vector.extract_strided_slice %convert_element_type3A_707 {offsets = [0, 256], sizes = [1, 256], strides = [1, 1]} : vector<1x2048xf32> to vector<1x256xf32>
    %jit3A_767 = arith.constant 0.000000e+00 : f32
    %broadcast_in_dim3A_768 = vector.shape_cast %slice3A_766 : vector<1x256xf32> to vector<1x256xf32>
    %broadcast_in_dim3A_769 = vector.broadcast %broadcast_in_dim3A_768 : vector<1x256xf32> to vector<256x256xf32>
    %broadcast_in_dim3A_770 = vector.broadcast %jit3A_767 : f32 to vector<256x256xf32>
    %select_n3A_771 = arith.select %eq3A_765, %broadcast_in_dim3A_769, %broadcast_in_dim3A_770 : vector<256x256xi1>, vector<256x256xf32>
    %reduce_sum3A_772 = arith.constant dense<0.000000e+00> : vector<256xf32>
    %reduce_sum3A_773 = vector.multi_reduction <add>, %select_n3A_771, %reduce_sum3A_772 [1] : vector<256x256xf32> to vector<256xf32>
    %broadcast_in_dim3A_774 = vector.shape_cast %reduce_sum3A_773 : vector<256xf32> to vector<256x1xf32>
    %iota3A_775 = tpu.iota {dimensions = array<i32: 0>} : vector<256x1xi32>
    %add3A_776 = arith.constant 256 : i32
    %add3A_777 = vector.broadcast %add3A_776 : i32 to vector<256x1xi32>
    %add3A_778 = arith.addi %iota3A_775, %add3A_777 : vector<256x1xi32>
    %lt3A_779 = arith.constant 2000 : i32
    %lt3A_780 = vector.broadcast %lt3A_779 : i32 to vector<256x1xi32>
    %lt3A_781 = arith.cmpi slt, %add3A_778, %lt3A_780 : vector<256x1xi32>
    %slice3A_782 = vector.extract_strided_slice %concatenate3A_710 {offsets = [256, 0], sizes = [256, 1], strides = [1, 1]} : vector<2048x2xf32> to vector<256x1xf32>
    %slice3A_783 = vector.extract_strided_slice %concatenate3A_710 {offsets = [256, 1], sizes = [256, 1], strides = [1, 1]} : vector<2048x2xf32> to vector<256x1xf32>
    %gt3A_784 = arith.constant 5.000000e-01 : f32
    %gt3A_785 = vector.broadcast %gt3A_784 : f32 to vector<256x1xf32>
    %gt3A_786 = arith.cmpf ogt, %broadcast_in_dim3A_774, %gt3A_785 : vector<256x1xf32>
    %and3A_787 = arith.andi %gt3A_786, %lt3A_781 : vector<256x1xi1>
    %jit3A_788 = arith.constant -3.000000e+38 : f32
    %broadcast_in_dim3A_789 = vector.broadcast %jit3A_788 : f32 to vector<256x1xf32>
    %select_n3A_790 = arith.select %and3A_787, %slice3A_782, %broadcast_in_dim3A_789 : vector<256x1xi1>, vector<256x1xf32>
    %gt3A_791 = vector.broadcast %select_n3A_790 : vector<256x1xf32> to vector<256x2048xf32>
    %gt3A_792 = vector.broadcast %select_n3A : vector<1x2048xf32> to vector<256x2048xf32>
    %gt3A_793 = arith.cmpf ogt, %gt3A_791, %gt3A_792 : vector<256x2048xf32>
    %eq3A_794 = vector.broadcast %select_n3A_790 : vector<256x1xf32> to vector<256x2048xf32>
    %eq3A_795 = vector.broadcast %select_n3A : vector<1x2048xf32> to vector<256x2048xf32>
    %eq3A_796 = arith.cmpf oeq, %eq3A_794, %eq3A_795 : vector<256x2048xf32>
    %lt3A_797 = vector.broadcast %slice3A_783 : vector<256x1xf32> to vector<256x2048xf32>
    %lt3A_798 = vector.broadcast %slice3A_20 : vector<1x2048xf32> to vector<256x2048xf32>
    %lt3A_799 = arith.cmpf olt, %lt3A_797, %lt3A_798 : vector<256x2048xf32>
    %and3A_800 = arith.andi %eq3A_796, %lt3A_799 : vector<256x2048xi1>
    %or3A_801 = arith.ori %gt3A_793, %and3A_800 : vector<256x2048xi1>
    %convert_element_type3A_802 = arith.extui %or3A_801 : vector<256x2048xi1> to vector<256x2048xi32>
    %convert_element_type3A_803 = arith.sitofp %convert_element_type3A_802 : vector<256x2048xi32> to vector<256x2048xf32>
    %reduce_sum3A_804 = arith.constant dense<0.000000e+00> : vector<2048xf32>
    %reduce_sum3A_805 = vector.multi_reduction <add>, %convert_element_type3A_803, %reduce_sum3A_804 [0] : vector<256x2048xf32> to vector<2048xf32>
    %broadcast_in_dim3A_806 = vector.shape_cast %reduce_sum3A_805 : vector<2048xf32> to vector<1x2048xf32>
    %add3A_807 = arith.addf %add3A_762, %broadcast_in_dim3A_806 : vector<1x2048xf32>
    %iota3A_808 = tpu.iota {dimensions = array<i32: 0>} : vector<256x256xi32>
    %iota3A_809 = tpu.iota {dimensions = array<i32: 1>} : vector<256x256xi32>
    %eq3A_810 = arith.cmpi eq, %iota3A_808, %iota3A_809 : vector<256x256xi32>
    %slice3A_811 = vector.extract_strided_slice %convert_element_type3A_707 {offsets = [0, 512], sizes = [1, 256], strides = [1, 1]} : vector<1x2048xf32> to vector<1x256xf32>
    %jit3A_812 = arith.constant 0.000000e+00 : f32
    %broadcast_in_dim3A_813 = vector.shape_cast %slice3A_811 : vector<1x256xf32> to vector<1x256xf32>
    %broadcast_in_dim3A_814 = vector.broadcast %broadcast_in_dim3A_813 : vector<1x256xf32> to vector<256x256xf32>
    %broadcast_in_dim3A_815 = vector.broadcast %jit3A_812 : f32 to vector<256x256xf32>
    %select_n3A_816 = arith.select %eq3A_810, %broadcast_in_dim3A_814, %broadcast_in_dim3A_815 : vector<256x256xi1>, vector<256x256xf32>
    %reduce_sum3A_817 = arith.constant dense<0.000000e+00> : vector<256xf32>
    %reduce_sum3A_818 = vector.multi_reduction <add>, %select_n3A_816, %reduce_sum3A_817 [1] : vector<256x256xf32> to vector<256xf32>
    %broadcast_in_dim3A_819 = vector.shape_cast %reduce_sum3A_818 : vector<256xf32> to vector<256x1xf32>
    %iota3A_820 = tpu.iota {dimensions = array<i32: 0>} : vector<256x1xi32>
    %add3A_821 = arith.constant 512 : i32
    %add3A_822 = vector.broadcast %add3A_821 : i32 to vector<256x1xi32>
    %add3A_823 = arith.addi %iota3A_820, %add3A_822 : vector<256x1xi32>
    %lt3A_824 = arith.constant 2000 : i32
    %lt3A_825 = vector.broadcast %lt3A_824 : i32 to vector<256x1xi32>
    %lt3A_826 = arith.cmpi slt, %add3A_823, %lt3A_825 : vector<256x1xi32>
    %slice3A_827 = vector.extract_strided_slice %concatenate3A_710 {offsets = [512, 0], sizes = [256, 1], strides = [1, 1]} : vector<2048x2xf32> to vector<256x1xf32>
    %slice3A_828 = vector.extract_strided_slice %concatenate3A_710 {offsets = [512, 1], sizes = [256, 1], strides = [1, 1]} : vector<2048x2xf32> to vector<256x1xf32>
    %gt3A_829 = arith.constant 5.000000e-01 : f32
    %gt3A_830 = vector.broadcast %gt3A_829 : f32 to vector<256x1xf32>
    %gt3A_831 = arith.cmpf ogt, %broadcast_in_dim3A_819, %gt3A_830 : vector<256x1xf32>
    %and3A_832 = arith.andi %gt3A_831, %lt3A_826 : vector<256x1xi1>
    %jit3A_833 = arith.constant -3.000000e+38 : f32
    %broadcast_in_dim3A_834 = vector.broadcast %jit3A_833 : f32 to vector<256x1xf32>
    %select_n3A_835 = arith.select %and3A_832, %slice3A_827, %broadcast_in_dim3A_834 : vector<256x1xi1>, vector<256x1xf32>
    %gt3A_836 = vector.broadcast %select_n3A_835 : vector<256x1xf32> to vector<256x2048xf32>
    %gt3A_837 = vector.broadcast %select_n3A : vector<1x2048xf32> to vector<256x2048xf32>
    %gt3A_838 = arith.cmpf ogt, %gt3A_836, %gt3A_837 : vector<256x2048xf32>
    %eq3A_839 = vector.broadcast %select_n3A_835 : vector<256x1xf32> to vector<256x2048xf32>
    %eq3A_840 = vector.broadcast %select_n3A : vector<1x2048xf32> to vector<256x2048xf32>
    %eq3A_841 = arith.cmpf oeq, %eq3A_839, %eq3A_840 : vector<256x2048xf32>
    %lt3A_842 = vector.broadcast %slice3A_828 : vector<256x1xf32> to vector<256x2048xf32>
    %lt3A_843 = vector.broadcast %slice3A_20 : vector<1x2048xf32> to vector<256x2048xf32>
    %lt3A_844 = arith.cmpf olt, %lt3A_842, %lt3A_843 : vector<256x2048xf32>
    %and3A_845 = arith.andi %eq3A_841, %lt3A_844 : vector<256x2048xi1>
    %or3A_846 = arith.ori %gt3A_838, %and3A_845 : vector<256x2048xi1>
    %convert_element_type3A_847 = arith.extui %or3A_846 : vector<256x2048xi1> to vector<256x2048xi32>
    %convert_element_type3A_848 = arith.sitofp %convert_element_type3A_847 : vector<256x2048xi32> to vector<256x2048xf32>
    %reduce_sum3A_849 = arith.constant dense<0.000000e+00> : vector<2048xf32>
    %reduce_sum3A_850 = vector.multi_reduction <add>, %convert_element_type3A_848, %reduce_sum3A_849 [0] : vector<256x2048xf32> to vector<2048xf32>
    %broadcast_in_dim3A_851 = vector.shape_cast %reduce_sum3A_850 : vector<2048xf32> to vector<1x2048xf32>
    %add3A_852 = arith.addf %add3A_807, %broadcast_in_dim3A_851 : vector<1x2048xf32>
    %iota3A_853 = tpu.iota {dimensions = array<i32: 0>} : vector<256x256xi32>
    %iota3A_854 = tpu.iota {dimensions = array<i32: 1>} : vector<256x256xi32>
    %eq3A_855 = arith.cmpi eq, %iota3A_853, %iota3A_854 : vector<256x256xi32>
    %slice3A_856 = vector.extract_strided_slice %convert_element_type3A_707 {offsets = [0, 768], sizes = [1, 256], strides = [1, 1]} : vector<1x2048xf32> to vector<1x256xf32>
    %jit3A_857 = arith.constant 0.000000e+00 : f32
    %broadcast_in_dim3A_858 = vector.shape_cast %slice3A_856 : vector<1x256xf32> to vector<1x256xf32>
    %broadcast_in_dim3A_859 = vector.broadcast %broadcast_in_dim3A_858 : vector<1x256xf32> to vector<256x256xf32>
    %broadcast_in_dim3A_860 = vector.broadcast %jit3A_857 : f32 to vector<256x256xf32>
    %select_n3A_861 = arith.select %eq3A_855, %broadcast_in_dim3A_859, %broadcast_in_dim3A_860 : vector<256x256xi1>, vector<256x256xf32>
    %reduce_sum3A_862 = arith.constant dense<0.000000e+00> : vector<256xf32>
    %reduce_sum3A_863 = vector.multi_reduction <add>, %select_n3A_861, %reduce_sum3A_862 [1] : vector<256x256xf32> to vector<256xf32>
    %broadcast_in_dim3A_864 = vector.shape_cast %reduce_sum3A_863 : vector<256xf32> to vector<256x1xf32>
    %iota3A_865 = tpu.iota {dimensions = array<i32: 0>} : vector<256x1xi32>
    %add3A_866 = arith.constant 768 : i32
    %add3A_867 = vector.broadcast %add3A_866 : i32 to vector<256x1xi32>
    %add3A_868 = arith.addi %iota3A_865, %add3A_867 : vector<256x1xi32>
    %lt3A_869 = arith.constant 2000 : i32
    %lt3A_870 = vector.broadcast %lt3A_869 : i32 to vector<256x1xi32>
    %lt3A_871 = arith.cmpi slt, %add3A_868, %lt3A_870 : vector<256x1xi32>
    %slice3A_872 = vector.extract_strided_slice %concatenate3A_710 {offsets = [768, 0], sizes = [256, 1], strides = [1, 1]} : vector<2048x2xf32> to vector<256x1xf32>
    %slice3A_873 = vector.extract_strided_slice %concatenate3A_710 {offsets = [768, 1], sizes = [256, 1], strides = [1, 1]} : vector<2048x2xf32> to vector<256x1xf32>
    %gt3A_874 = arith.constant 5.000000e-01 : f32
    %gt3A_875 = vector.broadcast %gt3A_874 : f32 to vector<256x1xf32>
    %gt3A_876 = arith.cmpf ogt, %broadcast_in_dim3A_864, %gt3A_875 : vector<256x1xf32>
    %and3A_877 = arith.andi %gt3A_876, %lt3A_871 : vector<256x1xi1>
    %jit3A_878 = arith.constant -3.000000e+38 : f32
    %broadcast_in_dim3A_879 = vector.broadcast %jit3A_878 : f32 to vector<256x1xf32>
    %select_n3A_880 = arith.select %and3A_877, %slice3A_872, %broadcast_in_dim3A_879 : vector<256x1xi1>, vector<256x1xf32>
    %gt3A_881 = vector.broadcast %select_n3A_880 : vector<256x1xf32> to vector<256x2048xf32>
    %gt3A_882 = vector.broadcast %select_n3A : vector<1x2048xf32> to vector<256x2048xf32>
    %gt3A_883 = arith.cmpf ogt, %gt3A_881, %gt3A_882 : vector<256x2048xf32>
    %eq3A_884 = vector.broadcast %select_n3A_880 : vector<256x1xf32> to vector<256x2048xf32>
    %eq3A_885 = vector.broadcast %select_n3A : vector<1x2048xf32> to vector<256x2048xf32>
    %eq3A_886 = arith.cmpf oeq, %eq3A_884, %eq3A_885 : vector<256x2048xf32>
    %lt3A_887 = vector.broadcast %slice3A_873 : vector<256x1xf32> to vector<256x2048xf32>
    %lt3A_888 = vector.broadcast %slice3A_20 : vector<1x2048xf32> to vector<256x2048xf32>
    %lt3A_889 = arith.cmpf olt, %lt3A_887, %lt3A_888 : vector<256x2048xf32>
    %and3A_890 = arith.andi %eq3A_886, %lt3A_889 : vector<256x2048xi1>
    %or3A_891 = arith.ori %gt3A_883, %and3A_890 : vector<256x2048xi1>
    %convert_element_type3A_892 = arith.extui %or3A_891 : vector<256x2048xi1> to vector<256x2048xi32>
    %convert_element_type3A_893 = arith.sitofp %convert_element_type3A_892 : vector<256x2048xi32> to vector<256x2048xf32>
    %reduce_sum3A_894 = arith.constant dense<0.000000e+00> : vector<2048xf32>
    %reduce_sum3A_895 = vector.multi_reduction <add>, %convert_element_type3A_893, %reduce_sum3A_894 [0] : vector<256x2048xf32> to vector<2048xf32>
    %broadcast_in_dim3A_896 = vector.shape_cast %reduce_sum3A_895 : vector<2048xf32> to vector<1x2048xf32>
    %add3A_897 = arith.addf %add3A_852, %broadcast_in_dim3A_896 : vector<1x2048xf32>
    %iota3A_898 = tpu.iota {dimensions = array<i32: 0>} : vector<256x256xi32>
    %iota3A_899 = tpu.iota {dimensions = array<i32: 1>} : vector<256x256xi32>
    %eq3A_900 = arith.cmpi eq, %iota3A_898, %iota3A_899 : vector<256x256xi32>
    %slice3A_901 = vector.extract_strided_slice %convert_element_type3A_707 {offsets = [0, 1024], sizes = [1, 256], strides = [1, 1]} : vector<1x2048xf32> to vector<1x256xf32>
    %jit3A_902 = arith.constant 0.000000e+00 : f32
    %broadcast_in_dim3A_903 = vector.shape_cast %slice3A_901 : vector<1x256xf32> to vector<1x256xf32>
    %broadcast_in_dim3A_904 = vector.broadcast %broadcast_in_dim3A_903 : vector<1x256xf32> to vector<256x256xf32>
    %broadcast_in_dim3A_905 = vector.broadcast %jit3A_902 : f32 to vector<256x256xf32>
    %select_n3A_906 = arith.select %eq3A_900, %broadcast_in_dim3A_904, %broadcast_in_dim3A_905 : vector<256x256xi1>, vector<256x256xf32>
    %reduce_sum3A_907 = arith.constant dense<0.000000e+00> : vector<256xf32>
    %reduce_sum3A_908 = vector.multi_reduction <add>, %select_n3A_906, %reduce_sum3A_907 [1] : vector<256x256xf32> to vector<256xf32>
    %broadcast_in_dim3A_909 = vector.shape_cast %reduce_sum3A_908 : vector<256xf32> to vector<256x1xf32>
    %iota3A_910 = tpu.iota {dimensions = array<i32: 0>} : vector<256x1xi32>
    %add3A_911 = arith.constant 1024 : i32
    %add3A_912 = vector.broadcast %add3A_911 : i32 to vector<256x1xi32>
    %add3A_913 = arith.addi %iota3A_910, %add3A_912 : vector<256x1xi32>
    %lt3A_914 = arith.constant 2000 : i32
    %lt3A_915 = vector.broadcast %lt3A_914 : i32 to vector<256x1xi32>
    %lt3A_916 = arith.cmpi slt, %add3A_913, %lt3A_915 : vector<256x1xi32>
    %slice3A_917 = vector.extract_strided_slice %concatenate3A_710 {offsets = [1024, 0], sizes = [256, 1], strides = [1, 1]} : vector<2048x2xf32> to vector<256x1xf32>
    %slice3A_918 = vector.extract_strided_slice %concatenate3A_710 {offsets = [1024, 1], sizes = [256, 1], strides = [1, 1]} : vector<2048x2xf32> to vector<256x1xf32>
    %gt3A_919 = arith.constant 5.000000e-01 : f32
    %gt3A_920 = vector.broadcast %gt3A_919 : f32 to vector<256x1xf32>
    %gt3A_921 = arith.cmpf ogt, %broadcast_in_dim3A_909, %gt3A_920 : vector<256x1xf32>
    %and3A_922 = arith.andi %gt3A_921, %lt3A_916 : vector<256x1xi1>
    %jit3A_923 = arith.constant -3.000000e+38 : f32
    %broadcast_in_dim3A_924 = vector.broadcast %jit3A_923 : f32 to vector<256x1xf32>
    %select_n3A_925 = arith.select %and3A_922, %slice3A_917, %broadcast_in_dim3A_924 : vector<256x1xi1>, vector<256x1xf32>
    %gt3A_926 = vector.broadcast %select_n3A_925 : vector<256x1xf32> to vector<256x2048xf32>
    %gt3A_927 = vector.broadcast %select_n3A : vector<1x2048xf32> to vector<256x2048xf32>
    %gt3A_928 = arith.cmpf ogt, %gt3A_926, %gt3A_927 : vector<256x2048xf32>
    %eq3A_929 = vector.broadcast %select_n3A_925 : vector<256x1xf32> to vector<256x2048xf32>
    %eq3A_930 = vector.broadcast %select_n3A : vector<1x2048xf32> to vector<256x2048xf32>
    %eq3A_931 = arith.cmpf oeq, %eq3A_929, %eq3A_930 : vector<256x2048xf32>
    %lt3A_932 = vector.broadcast %slice3A_918 : vector<256x1xf32> to vector<256x2048xf32>
    %lt3A_933 = vector.broadcast %slice3A_20 : vector<1x2048xf32> to vector<256x2048xf32>
    %lt3A_934 = arith.cmpf olt, %lt3A_932, %lt3A_933 : vector<256x2048xf32>
    %and3A_935 = arith.andi %eq3A_931, %lt3A_934 : vector<256x2048xi1>
    %or3A_936 = arith.ori %gt3A_928, %and3A_935 : vector<256x2048xi1>
    %convert_element_type3A_937 = arith.extui %or3A_936 : vector<256x2048xi1> to vector<256x2048xi32>
    %convert_element_type3A_938 = arith.sitofp %convert_element_type3A_937 : vector<256x2048xi32> to vector<256x2048xf32>
    %reduce_sum3A_939 = arith.constant dense<0.000000e+00> : vector<2048xf32>
    %reduce_sum3A_940 = vector.multi_reduction <add>, %convert_element_type3A_938, %reduce_sum3A_939 [0] : vector<256x2048xf32> to vector<2048xf32>
    %broadcast_in_dim3A_941 = vector.shape_cast %reduce_sum3A_940 : vector<2048xf32> to vector<1x2048xf32>
    %add3A_942 = arith.addf %add3A_897, %broadcast_in_dim3A_941 : vector<1x2048xf32>
    %iota3A_943 = tpu.iota {dimensions = array<i32: 0>} : vector<256x256xi32>
    %iota3A_944 = tpu.iota {dimensions = array<i32: 1>} : vector<256x256xi32>
    %eq3A_945 = arith.cmpi eq, %iota3A_943, %iota3A_944 : vector<256x256xi32>
    %slice3A_946 = vector.extract_strided_slice %convert_element_type3A_707 {offsets = [0, 1280], sizes = [1, 256], strides = [1, 1]} : vector<1x2048xf32> to vector<1x256xf32>
    %jit3A_947 = arith.constant 0.000000e+00 : f32
    %broadcast_in_dim3A_948 = vector.shape_cast %slice3A_946 : vector<1x256xf32> to vector<1x256xf32>
    %broadcast_in_dim3A_949 = vector.broadcast %broadcast_in_dim3A_948 : vector<1x256xf32> to vector<256x256xf32>
    %broadcast_in_dim3A_950 = vector.broadcast %jit3A_947 : f32 to vector<256x256xf32>
    %select_n3A_951 = arith.select %eq3A_945, %broadcast_in_dim3A_949, %broadcast_in_dim3A_950 : vector<256x256xi1>, vector<256x256xf32>
    %reduce_sum3A_952 = arith.constant dense<0.000000e+00> : vector<256xf32>
    %reduce_sum3A_953 = vector.multi_reduction <add>, %select_n3A_951, %reduce_sum3A_952 [1] : vector<256x256xf32> to vector<256xf32>
    %broadcast_in_dim3A_954 = vector.shape_cast %reduce_sum3A_953 : vector<256xf32> to vector<256x1xf32>
    %iota3A_955 = tpu.iota {dimensions = array<i32: 0>} : vector<256x1xi32>
    %add3A_956 = arith.constant 1280 : i32
    %add3A_957 = vector.broadcast %add3A_956 : i32 to vector<256x1xi32>
    %add3A_958 = arith.addi %iota3A_955, %add3A_957 : vector<256x1xi32>
    %lt3A_959 = arith.constant 2000 : i32
    %lt3A_960 = vector.broadcast %lt3A_959 : i32 to vector<256x1xi32>
    %lt3A_961 = arith.cmpi slt, %add3A_958, %lt3A_960 : vector<256x1xi32>
    %slice3A_962 = vector.extract_strided_slice %concatenate3A_710 {offsets = [1280, 0], sizes = [256, 1], strides = [1, 1]} : vector<2048x2xf32> to vector<256x1xf32>
    %slice3A_963 = vector.extract_strided_slice %concatenate3A_710 {offsets = [1280, 1], sizes = [256, 1], strides = [1, 1]} : vector<2048x2xf32> to vector<256x1xf32>
    %gt3A_964 = arith.constant 5.000000e-01 : f32
    %gt3A_965 = vector.broadcast %gt3A_964 : f32 to vector<256x1xf32>
    %gt3A_966 = arith.cmpf ogt, %broadcast_in_dim3A_954, %gt3A_965 : vector<256x1xf32>
    %and3A_967 = arith.andi %gt3A_966, %lt3A_961 : vector<256x1xi1>
    %jit3A_968 = arith.constant -3.000000e+38 : f32
    %broadcast_in_dim3A_969 = vector.broadcast %jit3A_968 : f32 to vector<256x1xf32>
    %select_n3A_970 = arith.select %and3A_967, %slice3A_962, %broadcast_in_dim3A_969 : vector<256x1xi1>, vector<256x1xf32>
    %gt3A_971 = vector.broadcast %select_n3A_970 : vector<256x1xf32> to vector<256x2048xf32>
    %gt3A_972 = vector.broadcast %select_n3A : vector<1x2048xf32> to vector<256x2048xf32>
    %gt3A_973 = arith.cmpf ogt, %gt3A_971, %gt3A_972 : vector<256x2048xf32>
    %eq3A_974 = vector.broadcast %select_n3A_970 : vector<256x1xf32> to vector<256x2048xf32>
    %eq3A_975 = vector.broadcast %select_n3A : vector<1x2048xf32> to vector<256x2048xf32>
    %eq3A_976 = arith.cmpf oeq, %eq3A_974, %eq3A_975 : vector<256x2048xf32>
    %lt3A_977 = vector.broadcast %slice3A_963 : vector<256x1xf32> to vector<256x2048xf32>
    %lt3A_978 = vector.broadcast %slice3A_20 : vector<1x2048xf32> to vector<256x2048xf32>
    %lt3A_979 = arith.cmpf olt, %lt3A_977, %lt3A_978 : vector<256x2048xf32>
    %and3A_980 = arith.andi %eq3A_976, %lt3A_979 : vector<256x2048xi1>
    %or3A_981 = arith.ori %gt3A_973, %and3A_980 : vector<256x2048xi1>
    %convert_element_type3A_982 = arith.extui %or3A_981 : vector<256x2048xi1> to vector<256x2048xi32>
    %convert_element_type3A_983 = arith.sitofp %convert_element_type3A_982 : vector<256x2048xi32> to vector<256x2048xf32>
    %reduce_sum3A_984 = arith.constant dense<0.000000e+00> : vector<2048xf32>
    %reduce_sum3A_985 = vector.multi_reduction <add>, %convert_element_type3A_983, %reduce_sum3A_984 [0] : vector<256x2048xf32> to vector<2048xf32>
    %broadcast_in_dim3A_986 = vector.shape_cast %reduce_sum3A_985 : vector<2048xf32> to vector<1x2048xf32>
    %add3A_987 = arith.addf %add3A_942, %broadcast_in_dim3A_986 : vector<1x2048xf32>
    %iota3A_988 = tpu.iota {dimensions = array<i32: 0>} : vector<256x256xi32>
    %iota3A_989 = tpu.iota {dimensions = array<i32: 1>} : vector<256x256xi32>
    %eq3A_990 = arith.cmpi eq, %iota3A_988, %iota3A_989 : vector<256x256xi32>
    %slice3A_991 = vector.extract_strided_slice %convert_element_type3A_707 {offsets = [0, 1536], sizes = [1, 256], strides = [1, 1]} : vector<1x2048xf32> to vector<1x256xf32>
    %jit3A_992 = arith.constant 0.000000e+00 : f32
    %broadcast_in_dim3A_993 = vector.shape_cast %slice3A_991 : vector<1x256xf32> to vector<1x256xf32>
    %broadcast_in_dim3A_994 = vector.broadcast %broadcast_in_dim3A_993 : vector<1x256xf32> to vector<256x256xf32>
    %broadcast_in_dim3A_995 = vector.broadcast %jit3A_992 : f32 to vector<256x256xf32>
    %select_n3A_996 = arith.select %eq3A_990, %broadcast_in_dim3A_994, %broadcast_in_dim3A_995 : vector<256x256xi1>, vector<256x256xf32>
    %reduce_sum3A_997 = arith.constant dense<0.000000e+00> : vector<256xf32>
    %reduce_sum3A_998 = vector.multi_reduction <add>, %select_n3A_996, %reduce_sum3A_997 [1] : vector<256x256xf32> to vector<256xf32>
    %broadcast_in_dim3A_999 = vector.shape_cast %reduce_sum3A_998 : vector<256xf32> to vector<256x1xf32>
    %iota3A_1000 = tpu.iota {dimensions = array<i32: 0>} : vector<256x1xi32>
    %add3A_1001 = arith.constant 1536 : i32
    %add3A_1002 = vector.broadcast %add3A_1001 : i32 to vector<256x1xi32>
    %add3A_1003 = arith.addi %iota3A_1000, %add3A_1002 : vector<256x1xi32>
    %lt3A_1004 = arith.constant 2000 : i32
    %lt3A_1005 = vector.broadcast %lt3A_1004 : i32 to vector<256x1xi32>
    %lt3A_1006 = arith.cmpi slt, %add3A_1003, %lt3A_1005 : vector<256x1xi32>
    %slice3A_1007 = vector.extract_strided_slice %concatenate3A_710 {offsets = [1536, 0], sizes = [256, 1], strides = [1, 1]} : vector<2048x2xf32> to vector<256x1xf32>
    %slice3A_1008 = vector.extract_strided_slice %concatenate3A_710 {offsets = [1536, 1], sizes = [256, 1], strides = [1, 1]} : vector<2048x2xf32> to vector<256x1xf32>
    %gt3A_1009 = arith.constant 5.000000e-01 : f32
    %gt3A_1010 = vector.broadcast %gt3A_1009 : f32 to vector<256x1xf32>
    %gt3A_1011 = arith.cmpf ogt, %broadcast_in_dim3A_999, %gt3A_1010 : vector<256x1xf32>
    %and3A_1012 = arith.andi %gt3A_1011, %lt3A_1006 : vector<256x1xi1>
    %jit3A_1013 = arith.constant -3.000000e+38 : f32
    %broadcast_in_dim3A_1014 = vector.broadcast %jit3A_1013 : f32 to vector<256x1xf32>
    %select_n3A_1015 = arith.select %and3A_1012, %slice3A_1007, %broadcast_in_dim3A_1014 : vector<256x1xi1>, vector<256x1xf32>
    %gt3A_1016 = vector.broadcast %select_n3A_1015 : vector<256x1xf32> to vector<256x2048xf32>
    %gt3A_1017 = vector.broadcast %select_n3A : vector<1x2048xf32> to vector<256x2048xf32>
    %gt3A_1018 = arith.cmpf ogt, %gt3A_1016, %gt3A_1017 : vector<256x2048xf32>
    %eq3A_1019 = vector.broadcast %select_n3A_1015 : vector<256x1xf32> to vector<256x2048xf32>
    %eq3A_1020 = vector.broadcast %select_n3A : vector<1x2048xf32> to vector<256x2048xf32>
    %eq3A_1021 = arith.cmpf oeq, %eq3A_1019, %eq3A_1020 : vector<256x2048xf32>
    %lt3A_1022 = vector.broadcast %slice3A_1008 : vector<256x1xf32> to vector<256x2048xf32>
    %lt3A_1023 = vector.broadcast %slice3A_20 : vector<1x2048xf32> to vector<256x2048xf32>
    %lt3A_1024 = arith.cmpf olt, %lt3A_1022, %lt3A_1023 : vector<256x2048xf32>
    %and3A_1025 = arith.andi %eq3A_1021, %lt3A_1024 : vector<256x2048xi1>
    %or3A_1026 = arith.ori %gt3A_1018, %and3A_1025 : vector<256x2048xi1>
    %convert_element_type3A_1027 = arith.extui %or3A_1026 : vector<256x2048xi1> to vector<256x2048xi32>
    %convert_element_type3A_1028 = arith.sitofp %convert_element_type3A_1027 : vector<256x2048xi32> to vector<256x2048xf32>
    %reduce_sum3A_1029 = arith.constant dense<0.000000e+00> : vector<2048xf32>
    %reduce_sum3A_1030 = vector.multi_reduction <add>, %convert_element_type3A_1028, %reduce_sum3A_1029 [0] : vector<256x2048xf32> to vector<2048xf32>
    %broadcast_in_dim3A_1031 = vector.shape_cast %reduce_sum3A_1030 : vector<2048xf32> to vector<1x2048xf32>
    %add3A_1032 = arith.addf %add3A_987, %broadcast_in_dim3A_1031 : vector<1x2048xf32>
    %iota3A_1033 = tpu.iota {dimensions = array<i32: 0>} : vector<256x256xi32>
    %iota3A_1034 = tpu.iota {dimensions = array<i32: 1>} : vector<256x256xi32>
    %eq3A_1035 = arith.cmpi eq, %iota3A_1033, %iota3A_1034 : vector<256x256xi32>
    %slice3A_1036 = vector.extract_strided_slice %convert_element_type3A_707 {offsets = [0, 1792], sizes = [1, 256], strides = [1, 1]} : vector<1x2048xf32> to vector<1x256xf32>
    %jit3A_1037 = arith.constant 0.000000e+00 : f32
    %broadcast_in_dim3A_1038 = vector.shape_cast %slice3A_1036 : vector<1x256xf32> to vector<1x256xf32>
    %broadcast_in_dim3A_1039 = vector.broadcast %broadcast_in_dim3A_1038 : vector<1x256xf32> to vector<256x256xf32>
    %broadcast_in_dim3A_1040 = vector.broadcast %jit3A_1037 : f32 to vector<256x256xf32>
    %select_n3A_1041 = arith.select %eq3A_1035, %broadcast_in_dim3A_1039, %broadcast_in_dim3A_1040 : vector<256x256xi1>, vector<256x256xf32>
    %reduce_sum3A_1042 = arith.constant dense<0.000000e+00> : vector<256xf32>
    %reduce_sum3A_1043 = vector.multi_reduction <add>, %select_n3A_1041, %reduce_sum3A_1042 [1] : vector<256x256xf32> to vector<256xf32>
    %broadcast_in_dim3A_1044 = vector.shape_cast %reduce_sum3A_1043 : vector<256xf32> to vector<256x1xf32>
    %iota3A_1045 = tpu.iota {dimensions = array<i32: 0>} : vector<256x1xi32>
    %add3A_1046 = arith.constant 1792 : i32
    %add3A_1047 = vector.broadcast %add3A_1046 : i32 to vector<256x1xi32>
    %add3A_1048 = arith.addi %iota3A_1045, %add3A_1047 : vector<256x1xi32>
    %lt3A_1049 = arith.constant 2000 : i32
    %lt3A_1050 = vector.broadcast %lt3A_1049 : i32 to vector<256x1xi32>
    %lt3A_1051 = arith.cmpi slt, %add3A_1048, %lt3A_1050 : vector<256x1xi32>
    %slice3A_1052 = vector.extract_strided_slice %concatenate3A_710 {offsets = [1792, 0], sizes = [256, 1], strides = [1, 1]} : vector<2048x2xf32> to vector<256x1xf32>
    %slice3A_1053 = vector.extract_strided_slice %concatenate3A_710 {offsets = [1792, 1], sizes = [256, 1], strides = [1, 1]} : vector<2048x2xf32> to vector<256x1xf32>
    %gt3A_1054 = arith.constant 5.000000e-01 : f32
    %gt3A_1055 = vector.broadcast %gt3A_1054 : f32 to vector<256x1xf32>
    %gt3A_1056 = arith.cmpf ogt, %broadcast_in_dim3A_1044, %gt3A_1055 : vector<256x1xf32>
    %and3A_1057 = arith.andi %gt3A_1056, %lt3A_1051 : vector<256x1xi1>
    %jit3A_1058 = arith.constant -3.000000e+38 : f32
    %broadcast_in_dim3A_1059 = vector.broadcast %jit3A_1058 : f32 to vector<256x1xf32>
    %select_n3A_1060 = arith.select %and3A_1057, %slice3A_1052, %broadcast_in_dim3A_1059 : vector<256x1xi1>, vector<256x1xf32>
    %gt3A_1061 = vector.broadcast %select_n3A_1060 : vector<256x1xf32> to vector<256x2048xf32>
    %gt3A_1062 = vector.broadcast %select_n3A : vector<1x2048xf32> to vector<256x2048xf32>
    %gt3A_1063 = arith.cmpf ogt, %gt3A_1061, %gt3A_1062 : vector<256x2048xf32>
    %eq3A_1064 = vector.broadcast %select_n3A_1060 : vector<256x1xf32> to vector<256x2048xf32>
    %eq3A_1065 = vector.broadcast %select_n3A : vector<1x2048xf32> to vector<256x2048xf32>
    %eq3A_1066 = arith.cmpf oeq, %eq3A_1064, %eq3A_1065 : vector<256x2048xf32>
    %lt3A_1067 = vector.broadcast %slice3A_1053 : vector<256x1xf32> to vector<256x2048xf32>
    %lt3A_1068 = vector.broadcast %slice3A_20 : vector<1x2048xf32> to vector<256x2048xf32>
    %lt3A_1069 = arith.cmpf olt, %lt3A_1067, %lt3A_1068 : vector<256x2048xf32>
    %and3A_1070 = arith.andi %eq3A_1066, %lt3A_1069 : vector<256x2048xi1>
    %or3A_1071 = arith.ori %gt3A_1063, %and3A_1070 : vector<256x2048xi1>
    %convert_element_type3A_1072 = arith.extui %or3A_1071 : vector<256x2048xi1> to vector<256x2048xi32>
    %convert_element_type3A_1073 = arith.sitofp %convert_element_type3A_1072 : vector<256x2048xi32> to vector<256x2048xf32>
    %reduce_sum3A_1074 = arith.constant dense<0.000000e+00> : vector<2048xf32>
    %reduce_sum3A_1075 = vector.multi_reduction <add>, %convert_element_type3A_1073, %reduce_sum3A_1074 [0] : vector<256x2048xf32> to vector<2048xf32>
    %broadcast_in_dim3A_1076 = vector.shape_cast %reduce_sum3A_1075 : vector<2048xf32> to vector<1x2048xf32>
    %add3A_1077 = arith.addf %add3A_1032, %broadcast_in_dim3A_1076 : vector<1x2048xf32>
    %slice3A_1078 = vector.extract_strided_slice %get3A_9 {offsets = [2, 0], sizes = [1, 2048], strides = [1, 1]} : vector<16x2048xf32> to vector<1x2048xf32>
    %ge3A = arith.constant 0.000000e+00 : f32
    %ge3A_1079 = vector.broadcast %ge3A : f32 to vector<1x2048xf32>
    %ge3A_1080 = arith.cmpf oge, %slice3A_15, %ge3A_1079 : vector<1x2048xf32>
    %le3A = arith.constant 7.040000e+01 : f32
    %le3A_1081 = vector.broadcast %le3A : f32 to vector<1x2048xf32>
    %le3A_1082 = arith.cmpf ole, %slice3A_15, %le3A_1081 : vector<1x2048xf32>
    %and3A_1083 = arith.andi %ge3A_1080, %le3A_1082 : vector<1x2048xi1>
    %ge3A_1084 = arith.constant -4.000000e+01 : f32
    %ge3A_1085 = vector.broadcast %ge3A_1084 : f32 to vector<1x2048xf32>
    %ge3A_1086 = arith.cmpf oge, %slice3A_16, %ge3A_1085 : vector<1x2048xf32>
    %and3A_1087 = arith.andi %and3A_1083, %ge3A_1086 : vector<1x2048xi1>
    %le3A_1088 = arith.constant 4.000000e+01 : f32
    %le3A_1089 = vector.broadcast %le3A_1088 : f32 to vector<1x2048xf32>
    %le3A_1090 = arith.cmpf ole, %slice3A_16, %le3A_1089 : vector<1x2048xf32>
    %and3A_1091 = arith.andi %and3A_1087, %le3A_1090 : vector<1x2048xi1>
    %ge3A_1092 = arith.constant -2.200000e+00 : f32
    %ge3A_1093 = vector.broadcast %ge3A_1092 : f32 to vector<1x2048xf32>
    %ge3A_1094 = arith.cmpf oge, %slice3A_1078, %ge3A_1093 : vector<1x2048xf32>
    %and3A_1095 = arith.andi %and3A_1091, %ge3A_1094 : vector<1x2048xi1>
    %le3A_1096 = arith.constant 8.000000e-01 : f32
    %le3A_1097 = vector.broadcast %le3A_1096 : f32 to vector<1x2048xf32>
    %le3A_1098 = arith.cmpf ole, %slice3A_1078, %le3A_1097 : vector<1x2048xf32>
    %and3A_1099 = arith.andi %and3A_1095, %le3A_1098 : vector<1x2048xi1>
    %gt3A_1100 = arith.constant 5.000000e-01 : f32
    %gt3A_1101 = vector.broadcast %gt3A_1100 : f32 to vector<1x2048xf32>
    %gt3A_1102 = arith.cmpf ogt, %convert_element_type3A_707, %gt3A_1101 : vector<1x2048xf32>
    %and3A_1103 = arith.andi %and3A_1099, %gt3A_1102 : vector<1x2048xi1>
    %and3A_1104 = arith.andi %and3A_1103, %lt3A_1 : vector<1x2048xi1>
    %convert_element_type3A_1105 = arith.extui %and3A_1104 : vector<1x2048xi1> to vector<1x2048xi32>
    %convert_element_type3A_1106 = arith.sitofp %convert_element_type3A_1105 : vector<1x2048xi32> to vector<1x2048xf32>
    %iota3A_1107 = tpu.iota {dimensions = array<i32: 0>} : vector<128x2048xi32>
    %convert_element_type3A_1108 = arith.sitofp %iota3A_1107 : vector<128x2048xi32> to vector<128x2048xf32>
    %eq3A_1109 = vector.broadcast %add3A_1077 : vector<1x2048xf32> to vector<128x2048xf32>
    %eq3A_1110 = arith.cmpf oeq, %convert_element_type3A_1108, %eq3A_1109 : vector<128x2048xf32>
    %convert_element_type3A_1111 = arith.extui %eq3A_1110 : vector<128x2048xi1> to vector<128x2048xi32>
    %convert_element_type3A_1112 = arith.sitofp %convert_element_type3A_1111 : vector<128x2048xi32> to vector<128x2048xf32>
    %gt3A_1113 = arith.constant 5.000000e-01 : f32
    %gt3A_1114 = vector.broadcast %gt3A_1113 : f32 to vector<1x2048xf32>
    %gt3A_1115 = arith.cmpf ogt, %convert_element_type3A_1106, %gt3A_1114 : vector<1x2048xf32>
    %slice3A_1116 = vector.extract_strided_slice %get3A_9 {offsets = [0, 0], sizes = [1, 2048], strides = [1, 1]} : vector<16x2048xf32> to vector<1x2048xf32>
    %jit3A_1117 = arith.constant 0.000000e+00 : f32
    %broadcast_in_dim3A_1118 = vector.broadcast %jit3A_1117 : f32 to vector<1x2048xf32>
    %select_n3A_1119 = arith.select %gt3A_1115, %slice3A_1116, %broadcast_in_dim3A_1118 : vector<1x2048xi1>, vector<1x2048xf32>
    %mul3A_1120 = vector.broadcast %select_n3A_1119 : vector<1x2048xf32> to vector<128x2048xf32>
    %mul3A_1121 = arith.mulf %convert_element_type3A_1112, %mul3A_1120 : vector<128x2048xf32>
    %reduce_sum3A_1122 = arith.constant dense<0.000000e+00> : vector<128xf32>
    %reduce_sum3A_1123 = vector.multi_reduction <add>, %mul3A_1121, %reduce_sum3A_1122 [1] : vector<128x2048xf32> to vector<128xf32>
    %broadcast_in_dim3A_1124 = vector.shape_cast %reduce_sum3A_1123 : vector<128xf32> to vector<128x1xf32>
    %gt3A_1125 = arith.constant 5.000000e-01 : f32
    %gt3A_1126 = vector.broadcast %gt3A_1125 : f32 to vector<1x2048xf32>
    %gt3A_1127 = arith.cmpf ogt, %convert_element_type3A_1106, %gt3A_1126 : vector<1x2048xf32>
    %slice3A_1128 = vector.extract_strided_slice %get3A_9 {offsets = [1, 0], sizes = [1, 2048], strides = [1, 1]} : vector<16x2048xf32> to vector<1x2048xf32>
    %jit3A_1129 = arith.constant 0.000000e+00 : f32
    %broadcast_in_dim3A_1130 = vector.broadcast %jit3A_1129 : f32 to vector<1x2048xf32>
    %select_n3A_1131 = arith.select %gt3A_1127, %slice3A_1128, %broadcast_in_dim3A_1130 : vector<1x2048xi1>, vector<1x2048xf32>
    %mul3A_1132 = vector.broadcast %select_n3A_1131 : vector<1x2048xf32> to vector<128x2048xf32>
    %mul3A_1133 = arith.mulf %convert_element_type3A_1112, %mul3A_1132 : vector<128x2048xf32>
    %reduce_sum3A_1134 = arith.constant dense<0.000000e+00> : vector<128xf32>
    %reduce_sum3A_1135 = vector.multi_reduction <add>, %mul3A_1133, %reduce_sum3A_1134 [1] : vector<128x2048xf32> to vector<128xf32>
    %broadcast_in_dim3A_1136 = vector.shape_cast %reduce_sum3A_1135 : vector<128xf32> to vector<128x1xf32>
    %gt3A_1137 = arith.constant 5.000000e-01 : f32
    %gt3A_1138 = vector.broadcast %gt3A_1137 : f32 to vector<1x2048xf32>
    %gt3A_1139 = arith.cmpf ogt, %convert_element_type3A_1106, %gt3A_1138 : vector<1x2048xf32>
    %slice3A_1140 = vector.extract_strided_slice %get3A_9 {offsets = [2, 0], sizes = [1, 2048], strides = [1, 1]} : vector<16x2048xf32> to vector<1x2048xf32>
    %jit3A_1141 = arith.constant 0.000000e+00 : f32
    %broadcast_in_dim3A_1142 = vector.broadcast %jit3A_1141 : f32 to vector<1x2048xf32>
    %select_n3A_1143 = arith.select %gt3A_1139, %slice3A_1140, %broadcast_in_dim3A_1142 : vector<1x2048xi1>, vector<1x2048xf32>
    %mul3A_1144 = vector.broadcast %select_n3A_1143 : vector<1x2048xf32> to vector<128x2048xf32>
    %mul3A_1145 = arith.mulf %convert_element_type3A_1112, %mul3A_1144 : vector<128x2048xf32>
    %reduce_sum3A_1146 = arith.constant dense<0.000000e+00> : vector<128xf32>
    %reduce_sum3A_1147 = vector.multi_reduction <add>, %mul3A_1145, %reduce_sum3A_1146 [1] : vector<128x2048xf32> to vector<128xf32>
    %broadcast_in_dim3A_1148 = vector.shape_cast %reduce_sum3A_1147 : vector<128xf32> to vector<128x1xf32>
    %gt3A_1149 = arith.constant 5.000000e-01 : f32
    %gt3A_1150 = vector.broadcast %gt3A_1149 : f32 to vector<1x2048xf32>
    %gt3A_1151 = arith.cmpf ogt, %convert_element_type3A_1106, %gt3A_1150 : vector<1x2048xf32>
    %slice3A_1152 = vector.extract_strided_slice %get3A_9 {offsets = [3, 0], sizes = [1, 2048], strides = [1, 1]} : vector<16x2048xf32> to vector<1x2048xf32>
    %jit3A_1153 = arith.constant 0.000000e+00 : f32
    %broadcast_in_dim3A_1154 = vector.broadcast %jit3A_1153 : f32 to vector<1x2048xf32>
    %select_n3A_1155 = arith.select %gt3A_1151, %slice3A_1152, %broadcast_in_dim3A_1154 : vector<1x2048xi1>, vector<1x2048xf32>
    %mul3A_1156 = vector.broadcast %select_n3A_1155 : vector<1x2048xf32> to vector<128x2048xf32>
    %mul3A_1157 = arith.mulf %convert_element_type3A_1112, %mul3A_1156 : vector<128x2048xf32>
    %reduce_sum3A_1158 = arith.constant dense<0.000000e+00> : vector<128xf32>
    %reduce_sum3A_1159 = vector.multi_reduction <add>, %mul3A_1157, %reduce_sum3A_1158 [1] : vector<128x2048xf32> to vector<128xf32>
    %broadcast_in_dim3A_1160 = vector.shape_cast %reduce_sum3A_1159 : vector<128xf32> to vector<128x1xf32>
    %gt3A_1161 = arith.constant 5.000000e-01 : f32
    %gt3A_1162 = vector.broadcast %gt3A_1161 : f32 to vector<1x2048xf32>
    %gt3A_1163 = arith.cmpf ogt, %convert_element_type3A_1106, %gt3A_1162 : vector<1x2048xf32>
    %slice3A_1164 = vector.extract_strided_slice %get3A_9 {offsets = [4, 0], sizes = [1, 2048], strides = [1, 1]} : vector<16x2048xf32> to vector<1x2048xf32>
    %jit3A_1165 = arith.constant 0.000000e+00 : f32
    %broadcast_in_dim3A_1166 = vector.broadcast %jit3A_1165 : f32 to vector<1x2048xf32>
    %select_n3A_1167 = arith.select %gt3A_1163, %slice3A_1164, %broadcast_in_dim3A_1166 : vector<1x2048xi1>, vector<1x2048xf32>
    %mul3A_1168 = vector.broadcast %select_n3A_1167 : vector<1x2048xf32> to vector<128x2048xf32>
    %mul3A_1169 = arith.mulf %convert_element_type3A_1112, %mul3A_1168 : vector<128x2048xf32>
    %reduce_sum3A_1170 = arith.constant dense<0.000000e+00> : vector<128xf32>
    %reduce_sum3A_1171 = vector.multi_reduction <add>, %mul3A_1169, %reduce_sum3A_1170 [1] : vector<128x2048xf32> to vector<128xf32>
    %broadcast_in_dim3A_1172 = vector.shape_cast %reduce_sum3A_1171 : vector<128xf32> to vector<128x1xf32>
    %gt3A_1173 = arith.constant 5.000000e-01 : f32
    %gt3A_1174 = vector.broadcast %gt3A_1173 : f32 to vector<1x2048xf32>
    %gt3A_1175 = arith.cmpf ogt, %convert_element_type3A_1106, %gt3A_1174 : vector<1x2048xf32>
    %slice3A_1176 = vector.extract_strided_slice %get3A_9 {offsets = [5, 0], sizes = [1, 2048], strides = [1, 1]} : vector<16x2048xf32> to vector<1x2048xf32>
    %jit3A_1177 = arith.constant 0.000000e+00 : f32
    %broadcast_in_dim3A_1178 = vector.broadcast %jit3A_1177 : f32 to vector<1x2048xf32>
    %select_n3A_1179 = arith.select %gt3A_1175, %slice3A_1176, %broadcast_in_dim3A_1178 : vector<1x2048xi1>, vector<1x2048xf32>
    %mul3A_1180 = vector.broadcast %select_n3A_1179 : vector<1x2048xf32> to vector<128x2048xf32>
    %mul3A_1181 = arith.mulf %convert_element_type3A_1112, %mul3A_1180 : vector<128x2048xf32>
    %reduce_sum3A_1182 = arith.constant dense<0.000000e+00> : vector<128xf32>
    %reduce_sum3A_1183 = vector.multi_reduction <add>, %mul3A_1181, %reduce_sum3A_1182 [1] : vector<128x2048xf32> to vector<128xf32>
    %broadcast_in_dim3A_1184 = vector.shape_cast %reduce_sum3A_1183 : vector<128xf32> to vector<128x1xf32>
    %gt3A_1185 = arith.constant 5.000000e-01 : f32
    %gt3A_1186 = vector.broadcast %gt3A_1185 : f32 to vector<1x2048xf32>
    %gt3A_1187 = arith.cmpf ogt, %convert_element_type3A_1106, %gt3A_1186 : vector<1x2048xf32>
    %slice3A_1188 = vector.extract_strided_slice %get3A_9 {offsets = [6, 0], sizes = [1, 2048], strides = [1, 1]} : vector<16x2048xf32> to vector<1x2048xf32>
    %jit3A_1189 = arith.constant 0.000000e+00 : f32
    %broadcast_in_dim3A_1190 = vector.broadcast %jit3A_1189 : f32 to vector<1x2048xf32>
    %select_n3A_1191 = arith.select %gt3A_1187, %slice3A_1188, %broadcast_in_dim3A_1190 : vector<1x2048xi1>, vector<1x2048xf32>
    %mul3A_1192 = vector.broadcast %select_n3A_1191 : vector<1x2048xf32> to vector<128x2048xf32>
    %mul3A_1193 = arith.mulf %convert_element_type3A_1112, %mul3A_1192 : vector<128x2048xf32>
    %reduce_sum3A_1194 = arith.constant dense<0.000000e+00> : vector<128xf32>
    %reduce_sum3A_1195 = vector.multi_reduction <add>, %mul3A_1193, %reduce_sum3A_1194 [1] : vector<128x2048xf32> to vector<128xf32>
    %broadcast_in_dim3A_1196 = vector.shape_cast %reduce_sum3A_1195 : vector<128xf32> to vector<128x1xf32>
    %gt3A_1197 = arith.constant 5.000000e-01 : f32
    %gt3A_1198 = vector.broadcast %gt3A_1197 : f32 to vector<1x2048xf32>
    %gt3A_1199 = arith.cmpf ogt, %convert_element_type3A_1106, %gt3A_1198 : vector<1x2048xf32>
    %slice3A_1200 = vector.extract_strided_slice %get3A_9 {offsets = [11, 0], sizes = [1, 2048], strides = [1, 1]} : vector<16x2048xf32> to vector<1x2048xf32>
    %jit3A_1201 = arith.constant 0.000000e+00 : f32
    %broadcast_in_dim3A_1202 = vector.broadcast %jit3A_1201 : f32 to vector<1x2048xf32>
    %select_n3A_1203 = arith.select %gt3A_1199, %slice3A_1200, %broadcast_in_dim3A_1202 : vector<1x2048xi1>, vector<1x2048xf32>
    %mul3A_1204 = vector.broadcast %select_n3A_1203 : vector<1x2048xf32> to vector<128x2048xf32>
    %mul3A_1205 = arith.mulf %convert_element_type3A_1112, %mul3A_1204 : vector<128x2048xf32>
    %reduce_sum3A_1206 = arith.constant dense<0.000000e+00> : vector<128xf32>
    %reduce_sum3A_1207 = vector.multi_reduction <add>, %mul3A_1205, %reduce_sum3A_1206 [1] : vector<128x2048xf32> to vector<128xf32>
    %broadcast_in_dim3A_1208 = vector.shape_cast %reduce_sum3A_1207 : vector<128xf32> to vector<128x1xf32>
    %concatenate3A_1209 = tpu.concatenate %broadcast_in_dim3A_1124, %broadcast_in_dim3A_1136, %broadcast_in_dim3A_1148, %broadcast_in_dim3A_1160, %broadcast_in_dim3A_1172, %broadcast_in_dim3A_1184, %broadcast_in_dim3A_1196, %broadcast_in_dim3A_1208 in 1 : vector<128x1xf32>, vector<128x1xf32>, vector<128x1xf32>, vector<128x1xf32>, vector<128x1xf32>, vector<128x1xf32>, vector<128x1xf32>, vector<128x1xf32> -> vector<128x8xf32>
    %swap3A_1210 = arith.constant 0 : index
    %swap3A_1211 = arith.constant 0 : index
    %swap3A_1212 = arith.constant 0 : index
    %swap3A_1213 = vector.load %arg4[%swap3A_1210, %swap3A_1211, %swap3A_1212] : memref<4x128x8xf32, #tpu.memory_space<vmem>>, vector<1x128x8xf32>
    %swap3A_1214 = vector.shape_cast %swap3A_1213 : vector<1x128x8xf32> to vector<128x8xf32>
    %swap3A_1215 = vector.shape_cast %concatenate3A_1209 : vector<128x8xf32> to vector<1x128x8xf32>
    tpu.vector_store %arg4[%swap3A_1210, %swap3A_1211, %swap3A_1212], %swap3A_1215 {strides = array<i32>} : memref<4x128x8xf32, #tpu.memory_space<vmem>>, vector<1x128x8xf32>,
    %iota3A_1216 = tpu.iota {dimensions = array<i32: 0>} : vector<128x2048xi32>
    %convert_element_type3A_1217 = arith.sitofp %iota3A_1216 : vector<128x2048xi32> to vector<128x2048xf32>
    %eq3A_1218 = vector.broadcast %add3A_1077 : vector<1x2048xf32> to vector<128x2048xf32>
    %eq3A_1219 = arith.cmpf oeq, %convert_element_type3A_1217, %eq3A_1218 : vector<128x2048xf32>
    %convert_element_type3A_1220 = arith.extui %eq3A_1219 : vector<128x2048xi1> to vector<128x2048xi32>
    %convert_element_type3A_1221 = arith.sitofp %convert_element_type3A_1220 : vector<128x2048xi32> to vector<128x2048xf32>
    %gt3A_1222 = arith.constant 5.000000e-01 : f32
    %gt3A_1223 = vector.broadcast %gt3A_1222 : f32 to vector<1x2048xf32>
    %gt3A_1224 = arith.cmpf ogt, %convert_element_type3A_1106, %gt3A_1223 : vector<1x2048xf32>
    %slice3A_1225 = vector.extract_strided_slice %get3A_9 {offsets = [0, 0], sizes = [1, 2048], strides = [1, 1]} : vector<16x2048xf32> to vector<1x2048xf32>
    %jit3A_1226 = arith.constant 0.000000e+00 : f32
    %broadcast_in_dim3A_1227 = vector.broadcast %jit3A_1226 : f32 to vector<1x2048xf32>
    %select_n3A_1228 = arith.select %gt3A_1224, %slice3A_1225, %broadcast_in_dim3A_1227 : vector<1x2048xi1>, vector<1x2048xf32>
    %mul3A_1229 = vector.broadcast %select_n3A_1228 : vector<1x2048xf32> to vector<128x2048xf32>
    %mul3A_1230 = arith.mulf %convert_element_type3A_1221, %mul3A_1229 : vector<128x2048xf32>
    %reduce_sum3A_1231 = arith.constant dense<0.000000e+00> : vector<128xf32>
    %reduce_sum3A_1232 = vector.multi_reduction <add>, %mul3A_1230, %reduce_sum3A_1231 [1] : vector<128x2048xf32> to vector<128xf32>
    %broadcast_in_dim3A_1233 = vector.shape_cast %reduce_sum3A_1232 : vector<128xf32> to vector<128x1xf32>
    %gt3A_1234 = arith.constant 5.000000e-01 : f32
    %gt3A_1235 = vector.broadcast %gt3A_1234 : f32 to vector<1x2048xf32>
    %gt3A_1236 = arith.cmpf ogt, %convert_element_type3A_1106, %gt3A_1235 : vector<1x2048xf32>
    %slice3A_1237 = vector.extract_strided_slice %get3A_9 {offsets = [1, 0], sizes = [1, 2048], strides = [1, 1]} : vector<16x2048xf32> to vector<1x2048xf32>
    %jit3A_1238 = arith.constant 0.000000e+00 : f32
    %broadcast_in_dim3A_1239 = vector.broadcast %jit3A_1238 : f32 to vector<1x2048xf32>
    %select_n3A_1240 = arith.select %gt3A_1236, %slice3A_1237, %broadcast_in_dim3A_1239 : vector<1x2048xi1>, vector<1x2048xf32>
    %mul3A_1241 = vector.broadcast %select_n3A_1240 : vector<1x2048xf32> to vector<128x2048xf32>
    %mul3A_1242 = arith.mulf %convert_element_type3A_1221, %mul3A_1241 : vector<128x2048xf32>
    %reduce_sum3A_1243 = arith.constant dense<0.000000e+00> : vector<128xf32>
    %reduce_sum3A_1244 = vector.multi_reduction <add>, %mul3A_1242, %reduce_sum3A_1243 [1] : vector<128x2048xf32> to vector<128xf32>
    %broadcast_in_dim3A_1245 = vector.shape_cast %reduce_sum3A_1244 : vector<128xf32> to vector<128x1xf32>
    %gt3A_1246 = arith.constant 5.000000e-01 : f32
    %gt3A_1247 = vector.broadcast %gt3A_1246 : f32 to vector<1x2048xf32>
    %gt3A_1248 = arith.cmpf ogt, %convert_element_type3A_1106, %gt3A_1247 : vector<1x2048xf32>
    %slice3A_1249 = vector.extract_strided_slice %get3A_9 {offsets = [2, 0], sizes = [1, 2048], strides = [1, 1]} : vector<16x2048xf32> to vector<1x2048xf32>
    %jit3A_1250 = arith.constant 0.000000e+00 : f32
    %broadcast_in_dim3A_1251 = vector.broadcast %jit3A_1250 : f32 to vector<1x2048xf32>
    %select_n3A_1252 = arith.select %gt3A_1248, %slice3A_1249, %broadcast_in_dim3A_1251 : vector<1x2048xi1>, vector<1x2048xf32>
    %mul3A_1253 = vector.broadcast %select_n3A_1252 : vector<1x2048xf32> to vector<128x2048xf32>
    %mul3A_1254 = arith.mulf %convert_element_type3A_1221, %mul3A_1253 : vector<128x2048xf32>
    %reduce_sum3A_1255 = arith.constant dense<0.000000e+00> : vector<128xf32>
    %reduce_sum3A_1256 = vector.multi_reduction <add>, %mul3A_1254, %reduce_sum3A_1255 [1] : vector<128x2048xf32> to vector<128xf32>
    %broadcast_in_dim3A_1257 = vector.shape_cast %reduce_sum3A_1256 : vector<128xf32> to vector<128x1xf32>
    %gt3A_1258 = arith.constant 5.000000e-01 : f32
    %gt3A_1259 = vector.broadcast %gt3A_1258 : f32 to vector<1x2048xf32>
    %gt3A_1260 = arith.cmpf ogt, %convert_element_type3A_1106, %gt3A_1259 : vector<1x2048xf32>
    %slice3A_1261 = vector.extract_strided_slice %get3A_9 {offsets = [3, 0], sizes = [1, 2048], strides = [1, 1]} : vector<16x2048xf32> to vector<1x2048xf32>
    %jit3A_1262 = arith.constant 0.000000e+00 : f32
    %broadcast_in_dim3A_1263 = vector.broadcast %jit3A_1262 : f32 to vector<1x2048xf32>
    %select_n3A_1264 = arith.select %gt3A_1260, %slice3A_1261, %broadcast_in_dim3A_1263 : vector<1x2048xi1>, vector<1x2048xf32>
    %mul3A_1265 = vector.broadcast %select_n3A_1264 : vector<1x2048xf32> to vector<128x2048xf32>
    %mul3A_1266 = arith.mulf %convert_element_type3A_1221, %mul3A_1265 : vector<128x2048xf32>
    %reduce_sum3A_1267 = arith.constant dense<0.000000e+00> : vector<128xf32>
    %reduce_sum3A_1268 = vector.multi_reduction <add>, %mul3A_1266, %reduce_sum3A_1267 [1] : vector<128x2048xf32> to vector<128xf32>
    %broadcast_in_dim3A_1269 = vector.shape_cast %reduce_sum3A_1268 : vector<128xf32> to vector<128x1xf32>
    %gt3A_1270 = arith.constant 5.000000e-01 : f32
    %gt3A_1271 = vector.broadcast %gt3A_1270 : f32 to vector<1x2048xf32>
    %gt3A_1272 = arith.cmpf ogt, %convert_element_type3A_1106, %gt3A_1271 : vector<1x2048xf32>
    %slice3A_1273 = vector.extract_strided_slice %get3A_9 {offsets = [4, 0], sizes = [1, 2048], strides = [1, 1]} : vector<16x2048xf32> to vector<1x2048xf32>
    %jit3A_1274 = arith.constant 0.000000e+00 : f32
    %broadcast_in_dim3A_1275 = vector.broadcast %jit3A_1274 : f32 to vector<1x2048xf32>
    %select_n3A_1276 = arith.select %gt3A_1272, %slice3A_1273, %broadcast_in_dim3A_1275 : vector<1x2048xi1>, vector<1x2048xf32>
    %mul3A_1277 = vector.broadcast %select_n3A_1276 : vector<1x2048xf32> to vector<128x2048xf32>
    %mul3A_1278 = arith.mulf %convert_element_type3A_1221, %mul3A_1277 : vector<128x2048xf32>
    %reduce_sum3A_1279 = arith.constant dense<0.000000e+00> : vector<128xf32>
    %reduce_sum3A_1280 = vector.multi_reduction <add>, %mul3A_1278, %reduce_sum3A_1279 [1] : vector<128x2048xf32> to vector<128xf32>
    %broadcast_in_dim3A_1281 = vector.shape_cast %reduce_sum3A_1280 : vector<128xf32> to vector<128x1xf32>
    %gt3A_1282 = arith.constant 5.000000e-01 : f32
    %gt3A_1283 = vector.broadcast %gt3A_1282 : f32 to vector<1x2048xf32>
    %gt3A_1284 = arith.cmpf ogt, %convert_element_type3A_1106, %gt3A_1283 : vector<1x2048xf32>
    %slice3A_1285 = vector.extract_strided_slice %get3A_9 {offsets = [5, 0], sizes = [1, 2048], strides = [1, 1]} : vector<16x2048xf32> to vector<1x2048xf32>
    %jit3A_1286 = arith.constant 0.000000e+00 : f32
    %broadcast_in_dim3A_1287 = vector.broadcast %jit3A_1286 : f32 to vector<1x2048xf32>
    %select_n3A_1288 = arith.select %gt3A_1284, %slice3A_1285, %broadcast_in_dim3A_1287 : vector<1x2048xi1>, vector<1x2048xf32>
    %mul3A_1289 = vector.broadcast %select_n3A_1288 : vector<1x2048xf32> to vector<128x2048xf32>
    %mul3A_1290 = arith.mulf %convert_element_type3A_1221, %mul3A_1289 : vector<128x2048xf32>
    %reduce_sum3A_1291 = arith.constant dense<0.000000e+00> : vector<128xf32>
    %reduce_sum3A_1292 = vector.multi_reduction <add>, %mul3A_1290, %reduce_sum3A_1291 [1] : vector<128x2048xf32> to vector<128xf32>
    %broadcast_in_dim3A_1293 = vector.shape_cast %reduce_sum3A_1292 : vector<128xf32> to vector<128x1xf32>
    %gt3A_1294 = arith.constant 5.000000e-01 : f32
    %gt3A_1295 = vector.broadcast %gt3A_1294 : f32 to vector<1x2048xf32>
    %gt3A_1296 = arith.cmpf ogt, %convert_element_type3A_1106, %gt3A_1295 : vector<1x2048xf32>
    %slice3A_1297 = vector.extract_strided_slice %get3A_9 {offsets = [7, 0], sizes = [1, 2048], strides = [1, 1]} : vector<16x2048xf32> to vector<1x2048xf32>
    %jit3A_1298 = arith.constant 0.000000e+00 : f32
    %broadcast_in_dim3A_1299 = vector.broadcast %jit3A_1298 : f32 to vector<1x2048xf32>
    %select_n3A_1300 = arith.select %gt3A_1296, %slice3A_1297, %broadcast_in_dim3A_1299 : vector<1x2048xi1>, vector<1x2048xf32>
    %mul3A_1301 = vector.broadcast %select_n3A_1300 : vector<1x2048xf32> to vector<128x2048xf32>
    %mul3A_1302 = arith.mulf %convert_element_type3A_1221, %mul3A_1301 : vector<128x2048xf32>
    %reduce_sum3A_1303 = arith.constant dense<0.000000e+00> : vector<128xf32>
    %reduce_sum3A_1304 = vector.multi_reduction <add>, %mul3A_1302, %reduce_sum3A_1303 [1] : vector<128x2048xf32> to vector<128xf32>
    %broadcast_in_dim3A_1305 = vector.shape_cast %reduce_sum3A_1304 : vector<128xf32> to vector<128x1xf32>
    %gt3A_1306 = arith.constant 5.000000e-01 : f32
    %gt3A_1307 = vector.broadcast %gt3A_1306 : f32 to vector<1x2048xf32>
    %gt3A_1308 = arith.cmpf ogt, %convert_element_type3A_1106, %gt3A_1307 : vector<1x2048xf32>
    %slice3A_1309 = vector.extract_strided_slice %get3A_9 {offsets = [11, 0], sizes = [1, 2048], strides = [1, 1]} : vector<16x2048xf32> to vector<1x2048xf32>
    %jit3A_1310 = arith.constant 0.000000e+00 : f32
    %broadcast_in_dim3A_1311 = vector.broadcast %jit3A_1310 : f32 to vector<1x2048xf32>
    %select_n3A_1312 = arith.select %gt3A_1308, %slice3A_1309, %broadcast_in_dim3A_1311 : vector<1x2048xi1>, vector<1x2048xf32>
    %mul3A_1313 = vector.broadcast %select_n3A_1312 : vector<1x2048xf32> to vector<128x2048xf32>
    %mul3A_1314 = arith.mulf %convert_element_type3A_1221, %mul3A_1313 : vector<128x2048xf32>
    %reduce_sum3A_1315 = arith.constant dense<0.000000e+00> : vector<128xf32>
    %reduce_sum3A_1316 = vector.multi_reduction <add>, %mul3A_1314, %reduce_sum3A_1315 [1] : vector<128x2048xf32> to vector<128xf32>
    %broadcast_in_dim3A_1317 = vector.shape_cast %reduce_sum3A_1316 : vector<128xf32> to vector<128x1xf32>
    %concatenate3A_1318 = tpu.concatenate %broadcast_in_dim3A_1233, %broadcast_in_dim3A_1245, %broadcast_in_dim3A_1257, %broadcast_in_dim3A_1269, %broadcast_in_dim3A_1281, %broadcast_in_dim3A_1293, %broadcast_in_dim3A_1305, %broadcast_in_dim3A_1317 in 1 : vector<128x1xf32>, vector<128x1xf32>, vector<128x1xf32>, vector<128x1xf32>, vector<128x1xf32>, vector<128x1xf32>, vector<128x1xf32>, vector<128x1xf32> -> vector<128x8xf32>
    %swap3A_1319 = arith.constant 2 : index
    %swap3A_1320 = arith.constant 0 : index
    %swap3A_1321 = arith.constant 0 : index
    %swap3A_1322 = vector.load %arg4[%swap3A_1319, %swap3A_1320, %swap3A_1321] : memref<4x128x8xf32, #tpu.memory_space<vmem>>, vector<1x128x8xf32>
    %swap3A_1323 = vector.shape_cast %swap3A_1322 : vector<1x128x8xf32> to vector<128x8xf32>
    %swap3A_1324 = vector.shape_cast %concatenate3A_1318 : vector<128x8xf32> to vector<1x128x8xf32>
    tpu.vector_store %arg4[%swap3A_1319, %swap3A_1320, %swap3A_1321], %swap3A_1324 {strides = array<i32>} : memref<4x128x8xf32, #tpu.memory_space<vmem>>, vector<1x128x8xf32>,
    %get3A_1325 = arith.constant 0 : index
    %get3A_1326 = arith.constant 0 : index
    %get3A_1327 = vector.load %arg1[%get3A_1325, %get3A_1326] : memref<16x2048xf32, #tpu.memory_space<vmem>>, vector<16x2048xf32>
    %slice3A_1328 = vector.extract_strided_slice %get3A_3 {offsets = [0, 8], sizes = [2048, 1], strides = [1, 1]} : vector<2048x16xf32> to vector<2048x1xf32>
    %slice3A_1329 = vector.extract_strided_slice %get3A_3 {offsets = [0, 9], sizes = [2048, 1], strides = [1, 1]} : vector<2048x16xf32> to vector<2048x1xf32>
    %slice3A_1330 = vector.extract_strided_slice %get3A_3 {offsets = [0, 3], sizes = [2048, 1], strides = [1, 1]} : vector<2048x16xf32> to vector<2048x1xf32>
    %slice3A_1331 = vector.extract_strided_slice %get3A_3 {offsets = [0, 4], sizes = [2048, 1], strides = [1, 1]} : vector<2048x16xf32> to vector<2048x1xf32>
    %slice3A_1332 = vector.extract_strided_slice %get3A_3 {offsets = [0, 11], sizes = [2048, 1], strides = [1, 1]} : vector<2048x16xf32> to vector<2048x1xf32>
    %slice3A_1333 = vector.extract_strided_slice %get3A_3 {offsets = [0, 13], sizes = [2048, 1], strides = [1, 1]} : vector<2048x16xf32> to vector<2048x1xf32>
    %concatenate3A_1334 = tpu.concatenate %slice3A_1328, %slice3A_1329, %slice3A_1330, %slice3A_1331, %slice3A_1332, %slice3A_1333 in 1 : vector<2048x1xf32>, vector<2048x1xf32>, vector<2048x1xf32>, vector<2048x1xf32>, vector<2048x1xf32>, vector<2048x1xf32> -> vector<2048x6xf32>
    %slice3A_1335 = vector.extract_strided_slice %get3A_1327 {offsets = [8, 0], sizes = [1, 2048], strides = [1, 1]} : vector<16x2048xf32> to vector<1x2048xf32>
    %slice3A_1336 = vector.extract_strided_slice %get3A_1327 {offsets = [9, 0], sizes = [1, 2048], strides = [1, 1]} : vector<16x2048xf32> to vector<1x2048xf32>
    %slice3A_1337 = vector.extract_strided_slice %get3A_1327 {offsets = [3, 0], sizes = [1, 2048], strides = [1, 1]} : vector<16x2048xf32> to vector<1x2048xf32>
    %slice3A_1338 = vector.extract_strided_slice %get3A_1327 {offsets = [4, 0], sizes = [1, 2048], strides = [1, 1]} : vector<16x2048xf32> to vector<1x2048xf32>
    %slice3A_1339 = vector.extract_strided_slice %get3A_1327 {offsets = [11, 0], sizes = [1, 2048], strides = [1, 1]} : vector<16x2048xf32> to vector<1x2048xf32>
    %slice3A_1340 = vector.extract_strided_slice %get3A_1327 {offsets = [13, 0], sizes = [1, 2048], strides = [1, 1]} : vector<16x2048xf32> to vector<1x2048xf32>
    %mul3A_1341 = arith.constant 5.000000e-01 : f32
    %mul3A_1342 = vector.broadcast %mul3A_1341 : f32 to vector<1x2048xf32>
    %mul3A_1343 = arith.mulf %slice3A_1337, %mul3A_1342 : vector<1x2048xf32>
    %sub3A_1344 = arith.subf %slice3A_1335, %mul3A_1343 : vector<1x2048xf32>
    %mul3A_1345 = arith.constant 5.000000e-01 : f32
    %mul3A_1346 = vector.broadcast %mul3A_1345 : f32 to vector<1x2048xf32>
    %mul3A_1347 = arith.mulf %slice3A_1337, %mul3A_1346 : vector<1x2048xf32>
    %add3A_1348 = arith.addf %slice3A_1335, %mul3A_1347 : vector<1x2048xf32>
    %mul3A_1349 = arith.constant 5.000000e-01 : f32
    %mul3A_1350 = vector.broadcast %mul3A_1349 : f32 to vector<1x2048xf32>
    %mul3A_1351 = arith.mulf %slice3A_1338, %mul3A_1350 : vector<1x2048xf32>
    %sub3A_1352 = arith.subf %slice3A_1336, %mul3A_1351 : vector<1x2048xf32>
    %mul3A_1353 = arith.constant 5.000000e-01 : f32
    %mul3A_1354 = vector.broadcast %mul3A_1353 : f32 to vector<1x2048xf32>
    %mul3A_1355 = arith.mulf %slice3A_1338, %mul3A_1354 : vector<1x2048xf32>
    %add3A_1356 = arith.addf %slice3A_1336, %mul3A_1355 : vector<1x2048xf32>
    %sub3A_1357 = arith.subf %add3A_1348, %sub3A_1344 : vector<1x2048xf32>
    %sub3A_1358 = arith.subf %add3A_1356, %sub3A_1352 : vector<1x2048xf32>
    %mul3A_1359 = arith.mulf %sub3A_1357, %sub3A_1358 : vector<1x2048xf32>
    %slice3A_1360 = vector.extract_strided_slice %concatenate3A_1334 {offsets = [0, 0], sizes = [256, 1], strides = [1, 1]} : vector<2048x6xf32> to vector<256x1xf32>
    %slice3A_1361 = vector.extract_strided_slice %concatenate3A_1334 {offsets = [0, 1], sizes = [256, 1], strides = [1, 1]} : vector<2048x6xf32> to vector<256x1xf32>
    %slice3A_1362 = vector.extract_strided_slice %concatenate3A_1334 {offsets = [0, 2], sizes = [256, 1], strides = [1, 1]} : vector<2048x6xf32> to vector<256x1xf32>
    %slice3A_1363 = vector.extract_strided_slice %concatenate3A_1334 {offsets = [0, 3], sizes = [256, 1], strides = [1, 1]} : vector<2048x6xf32> to vector<256x1xf32>
    %slice3A_1364 = vector.extract_strided_slice %concatenate3A_1334 {offsets = [0, 4], sizes = [256, 1], strides = [1, 1]} : vector<2048x6xf32> to vector<256x1xf32>
    %slice3A_1365 = vector.extract_strided_slice %concatenate3A_1334 {offsets = [0, 5], sizes = [256, 1], strides = [1, 1]} : vector<2048x6xf32> to vector<256x1xf32>
    %mul3A_1366 = arith.constant 5.000000e-01 : f32
    %mul3A_1367 = vector.broadcast %mul3A_1366 : f32 to vector<256x1xf32>
    %mul3A_1368 = arith.mulf %slice3A_1362, %mul3A_1367 : vector<256x1xf32>
    %sub3A_1369 = arith.subf %slice3A_1360, %mul3A_1368 : vector<256x1xf32>
    %mul3A_1370 = arith.constant 5.000000e-01 : f32
    %mul3A_1371 = vector.broadcast %mul3A_1370 : f32 to vector<256x1xf32>
    %mul3A_1372 = arith.mulf %slice3A_1362, %mul3A_1371 : vector<256x1xf32>
    %add3A_1373 = arith.addf %slice3A_1360, %mul3A_1372 : vector<256x1xf32>
    %mul3A_1374 = arith.constant 5.000000e-01 : f32
    %mul3A_1375 = vector.broadcast %mul3A_1374 : f32 to vector<256x1xf32>
    %mul3A_1376 = arith.mulf %slice3A_1363, %mul3A_1375 : vector<256x1xf32>
    %sub3A_1377 = arith.subf %slice3A_1361, %mul3A_1376 : vector<256x1xf32>
    %mul3A_1378 = arith.constant 5.000000e-01 : f32
    %mul3A_1379 = vector.broadcast %mul3A_1378 : f32 to vector<256x1xf32>
    %mul3A_1380 = arith.mulf %slice3A_1363, %mul3A_1379 : vector<256x1xf32>
    %add3A_1381 = arith.addf %slice3A_1361, %mul3A_1380 : vector<256x1xf32>
    %sub3A_1382 = arith.subf %add3A_1373, %sub3A_1369 : vector<256x1xf32>
    %sub3A_1383 = arith.subf %add3A_1381, %sub3A_1377 : vector<256x1xf32>
    %mul3A_1384 = arith.mulf %sub3A_1382, %sub3A_1383 : vector<256x1xf32>
    %max3A_1385 = vector.broadcast %sub3A_1369 : vector<256x1xf32> to vector<256x2048xf32>
    %max3A_1386 = vector.broadcast %sub3A_1344 : vector<1x2048xf32> to vector<256x2048xf32>
    %max3A_1387 = arith.maximumf %max3A_1385, %max3A_1386 : vector<256x2048xf32>
    %max3A_1388 = vector.broadcast %sub3A_1377 : vector<256x1xf32> to vector<256x2048xf32>
    %max3A_1389 = vector.broadcast %sub3A_1352 : vector<1x2048xf32> to vector<256x2048xf32>
    %max3A_1390 = arith.maximumf %max3A_1388, %max3A_1389 : vector<256x2048xf32>
    %min3A_1391 = vector.broadcast %add3A_1373 : vector<256x1xf32> to vector<256x2048xf32>
    %min3A_1392 = vector.broadcast %add3A_1348 : vector<1x2048xf32> to vector<256x2048xf32>
    %min3A_1393 = arith.minimumf %min3A_1391, %min3A_1392 : vector<256x2048xf32>
    %min3A_1394 = vector.broadcast %add3A_1381 : vector<256x1xf32> to vector<256x2048xf32>
    %min3A_1395 = vector.broadcast %add3A_1356 : vector<1x2048xf32> to vector<256x2048xf32>
    %min3A_1396 = arith.minimumf %min3A_1394, %min3A_1395 : vector<256x2048xf32>
    %sub3A_1397 = arith.subf %min3A_1393, %max3A_1387 : vector<256x2048xf32>
    %jit3A_1398 = arith.constant 0.000000e+00 : f32
    %max3A_1399 = vector.broadcast %jit3A_1398 : f32 to vector<256x2048xf32>
    %max3A_1400 = arith.maximumf %max3A_1399, %sub3A_1397 : vector<256x2048xf32>
    %sub3A_1401 = arith.subf %min3A_1396, %max3A_1390 : vector<256x2048xf32>
    %jit3A_1402 = arith.constant 0.000000e+00 : f32
    %max3A_1403 = vector.broadcast %jit3A_1402 : f32 to vector<256x2048xf32>
    %max3A_1404 = arith.maximumf %max3A_1403, %sub3A_1401 : vector<256x2048xf32>
    %mul3A_1405 = arith.mulf %max3A_1400, %max3A_1404 : vector<256x2048xf32>
    %add3A_1406 = vector.broadcast %mul3A_1384 : vector<256x1xf32> to vector<256x2048xf32>
    %add3A_1407 = vector.broadcast %mul3A_1359 : vector<1x2048xf32> to vector<256x2048xf32>
    %add3A_1408 = arith.addf %add3A_1406, %add3A_1407 : vector<256x2048xf32>
    %sub3A_1409 = arith.subf %add3A_1408, %mul3A_1405 : vector<256x2048xf32>
    %max3A_1410 = arith.constant 9.99999993E-9 : f32
    %max3A_1411 = vector.broadcast %max3A_1410 : f32 to vector<256x2048xf32>
    %max3A_1412 = arith.maximumf %sub3A_1409, %max3A_1411 : vector<256x2048xf32>
    %div3A_1413 = arith.divf %mul3A_1405, %max3A_1412 : vector<256x2048xf32>
    %gt3A_1414 = vector.broadcast %slice3A_1364 : vector<256x1xf32> to vector<256x2048xf32>
    %gt3A_1415 = vector.broadcast %slice3A_1339 : vector<1x2048xf32> to vector<256x2048xf32>
    %gt3A_1416 = arith.cmpf ogt, %gt3A_1414, %gt3A_1415 : vector<256x2048xf32>
    %eq3A_1417 = vector.broadcast %slice3A_1364 : vector<256x1xf32> to vector<256x2048xf32>
    %eq3A_1418 = vector.broadcast %slice3A_1339 : vector<1x2048xf32> to vector<256x2048xf32>
    %eq3A_1419 = arith.cmpf oeq, %eq3A_1417, %eq3A_1418 : vector<256x2048xf32>
    %lt3A_1420 = vector.broadcast %slice3A_1365 : vector<256x1xf32> to vector<256x2048xf32>
    %lt3A_1421 = vector.broadcast %slice3A_1340 : vector<1x2048xf32> to vector<256x2048xf32>
    %lt3A_1422 = arith.cmpf olt, %lt3A_1420, %lt3A_1421 : vector<256x2048xf32>
    %and3A_1423 = arith.andi %eq3A_1419, %lt3A_1422 : vector<256x2048xi1>
    %or3A_1424 = arith.ori %gt3A_1416, %and3A_1423 : vector<256x2048xi1>
    %iota3A_1425 = tpu.iota {dimensions = array<i32: 0>} : vector<256x1xi32>
    %add3A_1426 = arith.constant 0 : i32
    %add3A_1427 = vector.broadcast %add3A_1426 : i32 to vector<256x1xi32>
    %add3A_1428 = arith.addi %iota3A_1425, %add3A_1427 : vector<256x1xi32>
    %lt3A_1429 = arith.constant 2000 : i32
    %lt3A_1430 = vector.broadcast %lt3A_1429 : i32 to vector<256x1xi32>
    %lt3A_1431 = arith.cmpi slt, %add3A_1428, %lt3A_1430 : vector<256x1xi32>
    %gt3A_1432 = arith.constant 0.00999999977 : f32
    %gt3A_1433 = vector.broadcast %gt3A_1432 : f32 to vector<256x2048xf32>
    %gt3A_1434 = arith.cmpf ogt, %div3A_1413, %gt3A_1433 : vector<256x2048xf32>
    %and3A_1435 = arith.andi %gt3A_1434, %or3A_1424 : vector<256x2048xi1>
    %and3A_1436 = vector.broadcast %lt3A_1431 : vector<256x1xi1> to vector<256x2048xi1>
    %and3A_1437 = arith.andi %and3A_1435, %and3A_1436 : vector<256x2048xi1>
    %convert_element_type3A_1438 = arith.extui %and3A_1437 : vector<256x2048xi1> to vector<256x2048xi32>
    %convert_element_type3A_1439 = arith.sitofp %convert_element_type3A_1438 : vector<256x2048xi32> to vector<256x2048xf32>
    %convert_element_type3A_1440 = arith.truncf %convert_element_type3A_1439 : vector<256x2048xf32> to vector<256x2048xbf16>
    %swap3A_1441 = arith.constant 0 : index
    %swap3A_1442 = arith.constant 0 : index
    %swap3A_1443 = vector.load %arg5[%swap3A_1441, %swap3A_1442] : memref<2048x2048xbf16, #tpu.memory_space<vmem>>, vector<256x2048xbf16>
    tpu.vector_store %arg5[%swap3A_1441, %swap3A_1442], %convert_element_type3A_1440 {strides = array<i32>} : memref<2048x2048xbf16, #tpu.memory_space<vmem>>, vector<256x2048xbf16>,
    %slice3A_1444 = vector.extract_strided_slice %concatenate3A_1334 {offsets = [256, 0], sizes = [256, 1], strides = [1, 1]} : vector<2048x6xf32> to vector<256x1xf32>
    %slice3A_1445 = vector.extract_strided_slice %concatenate3A_1334 {offsets = [256, 1], sizes = [256, 1], strides = [1, 1]} : vector<2048x6xf32> to vector<256x1xf32>
    %slice3A_1446 = vector.extract_strided_slice %concatenate3A_1334 {offsets = [256, 2], sizes = [256, 1], strides = [1, 1]} : vector<2048x6xf32> to vector<256x1xf32>
    %slice3A_1447 = vector.extract_strided_slice %concatenate3A_1334 {offsets = [256, 3], sizes = [256, 1], strides = [1, 1]} : vector<2048x6xf32> to vector<256x1xf32>
    %slice3A_1448 = vector.extract_strided_slice %concatenate3A_1334 {offsets = [256, 4], sizes = [256, 1], strides = [1, 1]} : vector<2048x6xf32> to vector<256x1xf32>
    %slice3A_1449 = vector.extract_strided_slice %concatenate3A_1334 {offsets = [256, 5], sizes = [256, 1], strides = [1, 1]} : vector<2048x6xf32> to vector<256x1xf32>
    %mul3A_1450 = arith.constant 5.000000e-01 : f32
    %mul3A_1451 = vector.broadcast %mul3A_1450 : f32 to vector<256x1xf32>
    %mul3A_1452 = arith.mulf %slice3A_1446, %mul3A_1451 : vector<256x1xf32>
    %sub3A_1453 = arith.subf %slice3A_1444, %mul3A_1452 : vector<256x1xf32>
    %mul3A_1454 = arith.constant 5.000000e-01 : f32
    %mul3A_1455 = vector.broadcast %mul3A_1454 : f32 to vector<256x1xf32>
    %mul3A_1456 = arith.mulf %slice3A_1446, %mul3A_1455 : vector<256x1xf32>
    %add3A_1457 = arith.addf %slice3A_1444, %mul3A_1456 : vector<256x1xf32>
    %mul3A_1458 = arith.constant 5.000000e-01 : f32
    %mul3A_1459 = vector.broadcast %mul3A_1458 : f32 to vector<256x1xf32>
    %mul3A_1460 = arith.mulf %slice3A_1447, %mul3A_1459 : vector<256x1xf32>
    %sub3A_1461 = arith.subf %slice3A_1445, %mul3A_1460 : vector<256x1xf32>
    %mul3A_1462 = arith.constant 5.000000e-01 : f32
    %mul3A_1463 = vector.broadcast %mul3A_1462 : f32 to vector<256x1xf32>
    %mul3A_1464 = arith.mulf %slice3A_1447, %mul3A_1463 : vector<256x1xf32>
    %add3A_1465 = arith.addf %slice3A_1445, %mul3A_1464 : vector<256x1xf32>
    %sub3A_1466 = arith.subf %add3A_1457, %sub3A_1453 : vector<256x1xf32>
    %sub3A_1467 = arith.subf %add3A_1465, %sub3A_1461 : vector<256x1xf32>
    %mul3A_1468 = arith.mulf %sub3A_1466, %sub3A_1467 : vector<256x1xf32>
    %max3A_1469 = vector.broadcast %sub3A_1453 : vector<256x1xf32> to vector<256x2048xf32>
    %max3A_1470 = vector.broadcast %sub3A_1344 : vector<1x2048xf32> to vector<256x2048xf32>
    %max3A_1471 = arith.maximumf %max3A_1469, %max3A_1470 : vector<256x2048xf32>
    %max3A_1472 = vector.broadcast %sub3A_1461 : vector<256x1xf32> to vector<256x2048xf32>
    %max3A_1473 = vector.broadcast %sub3A_1352 : vector<1x2048xf32> to vector<256x2048xf32>
    %max3A_1474 = arith.maximumf %max3A_1472, %max3A_1473 : vector<256x2048xf32>
    %min3A_1475 = vector.broadcast %add3A_1457 : vector<256x1xf32> to vector<256x2048xf32>
    %min3A_1476 = vector.broadcast %add3A_1348 : vector<1x2048xf32> to vector<256x2048xf32>
    %min3A_1477 = arith.minimumf %min3A_1475, %min3A_1476 : vector<256x2048xf32>
    %min3A_1478 = vector.broadcast %add3A_1465 : vector<256x1xf32> to vector<256x2048xf32>
    %min3A_1479 = vector.broadcast %add3A_1356 : vector<1x2048xf32> to vector<256x2048xf32>
    %min3A_1480 = arith.minimumf %min3A_1478, %min3A_1479 : vector<256x2048xf32>
    %sub3A_1481 = arith.subf %min3A_1477, %max3A_1471 : vector<256x2048xf32>
    %jit3A_1482 = arith.constant 0.000000e+00 : f32
    %max3A_1483 = vector.broadcast %jit3A_1482 : f32 to vector<256x2048xf32>
    %max3A_1484 = arith.maximumf %max3A_1483, %sub3A_1481 : vector<256x2048xf32>
    %sub3A_1485 = arith.subf %min3A_1480, %max3A_1474 : vector<256x2048xf32>
    %jit3A_1486 = arith.constant 0.000000e+00 : f32
    %max3A_1487 = vector.broadcast %jit3A_1486 : f32 to vector<256x2048xf32>
    %max3A_1488 = arith.maximumf %max3A_1487, %sub3A_1485 : vector<256x2048xf32>
    %mul3A_1489 = arith.mulf %max3A_1484, %max3A_1488 : vector<256x2048xf32>
    %add3A_1490 = vector.broadcast %mul3A_1468 : vector<256x1xf32> to vector<256x2048xf32>
    %add3A_1491 = vector.broadcast %mul3A_1359 : vector<1x2048xf32> to vector<256x2048xf32>
    %add3A_1492 = arith.addf %add3A_1490, %add3A_1491 : vector<256x2048xf32>
    %sub3A_1493 = arith.subf %add3A_1492, %mul3A_1489 : vector<256x2048xf32>
    %max3A_1494 = arith.constant 9.99999993E-9 : f32
    %max3A_1495 = vector.broadcast %max3A_1494 : f32 to vector<256x2048xf32>
    %max3A_1496 = arith.maximumf %sub3A_1493, %max3A_1495 : vector<256x2048xf32>
    %div3A_1497 = arith.divf %mul3A_1489, %max3A_1496 : vector<256x2048xf32>
    %gt3A_1498 = vector.broadcast %slice3A_1448 : vector<256x1xf32> to vector<256x2048xf32>
    %gt3A_1499 = vector.broadcast %slice3A_1339 : vector<1x2048xf32> to vector<256x2048xf32>
    %gt3A_1500 = arith.cmpf ogt, %gt3A_1498, %gt3A_1499 : vector<256x2048xf32>
    %eq3A_1501 = vector.broadcast %slice3A_1448 : vector<256x1xf32> to vector<256x2048xf32>
    %eq3A_1502 = vector.broadcast %slice3A_1339 : vector<1x2048xf32> to vector<256x2048xf32>
    %eq3A_1503 = arith.cmpf oeq, %eq3A_1501, %eq3A_1502 : vector<256x2048xf32>
    %lt3A_1504 = vector.broadcast %slice3A_1449 : vector<256x1xf32> to vector<256x2048xf32>
    %lt3A_1505 = vector.broadcast %slice3A_1340 : vector<1x2048xf32> to vector<256x2048xf32>
    %lt3A_1506 = arith.cmpf olt, %lt3A_1504, %lt3A_1505 : vector<256x2048xf32>
    %and3A_1507 = arith.andi %eq3A_1503, %lt3A_1506 : vector<256x2048xi1>
    %or3A_1508 = arith.ori %gt3A_1500, %and3A_1507 : vector<256x2048xi1>
    %iota3A_1509 = tpu.iota {dimensions = array<i32: 0>} : vector<256x1xi32>
    %add3A_1510 = arith.constant 256 : i32
    %add3A_1511 = vector.broadcast %add3A_1510 : i32 to vector<256x1xi32>
    %add3A_1512 = arith.addi %iota3A_1509, %add3A_1511 : vector<256x1xi32>
    %lt3A_1513 = arith.constant 2000 : i32
    %lt3A_1514 = vector.broadcast %lt3A_1513 : i32 to vector<256x1xi32>
    %lt3A_1515 = arith.cmpi slt, %add3A_1512, %lt3A_1514 : vector<256x1xi32>
    %gt3A_1516 = arith.constant 0.00999999977 : f32
    %gt3A_1517 = vector.broadcast %gt3A_1516 : f32 to vector<256x2048xf32>
    %gt3A_1518 = arith.cmpf ogt, %div3A_1497, %gt3A_1517 : vector<256x2048xf32>
    %and3A_1519 = arith.andi %gt3A_1518, %or3A_1508 : vector<256x2048xi1>
    %and3A_1520 = vector.broadcast %lt3A_1515 : vector<256x1xi1> to vector<256x2048xi1>
    %and3A_1521 = arith.andi %and3A_1519, %and3A_1520 : vector<256x2048xi1>
    %convert_element_type3A_1522 = arith.extui %and3A_1521 : vector<256x2048xi1> to vector<256x2048xi32>
    %convert_element_type3A_1523 = arith.sitofp %convert_element_type3A_1522 : vector<256x2048xi32> to vector<256x2048xf32>
    %convert_element_type3A_1524 = arith.truncf %convert_element_type3A_1523 : vector<256x2048xf32> to vector<256x2048xbf16>
    %swap3A_1525 = arith.constant 256 : index
    %swap3A_1526 = arith.constant 0 : index
    %swap3A_1527 = vector.load %arg5[%swap3A_1525, %swap3A_1526] : memref<2048x2048xbf16, #tpu.memory_space<vmem>>, vector<256x2048xbf16>
    tpu.vector_store %arg5[%swap3A_1525, %swap3A_1526], %convert_element_type3A_1524 {strides = array<i32>} : memref<2048x2048xbf16, #tpu.memory_space<vmem>>, vector<256x2048xbf16>,
    %slice3A_1528 = vector.extract_strided_slice %concatenate3A_1334 {offsets = [512, 0], sizes = [256, 1], strides = [1, 1]} : vector<2048x6xf32> to vector<256x1xf32>
    %slice3A_1529 = vector.extract_strided_slice %concatenate3A_1334 {offsets = [512, 1], sizes = [256, 1], strides = [1, 1]} : vector<2048x6xf32> to vector<256x1xf32>
    %slice3A_1530 = vector.extract_strided_slice %concatenate3A_1334 {offsets = [512, 2], sizes = [256, 1], strides = [1, 1]} : vector<2048x6xf32> to vector<256x1xf32>
    %slice3A_1531 = vector.extract_strided_slice %concatenate3A_1334 {offsets = [512, 3], sizes = [256, 1], strides = [1, 1]} : vector<2048x6xf32> to vector<256x1xf32>
    %slice3A_1532 = vector.extract_strided_slice %concatenate3A_1334 {offsets = [512, 4], sizes = [256, 1], strides = [1, 1]} : vector<2048x6xf32> to vector<256x1xf32>
    %slice3A_1533 = vector.extract_strided_slice %concatenate3A_1334 {offsets = [512, 5], sizes = [256, 1], strides = [1, 1]} : vector<2048x6xf32> to vector<256x1xf32>
    %mul3A_1534 = arith.constant 5.000000e-01 : f32
    %mul3A_1535 = vector.broadcast %mul3A_1534 : f32 to vector<256x1xf32>
    %mul3A_1536 = arith.mulf %slice3A_1530, %mul3A_1535 : vector<256x1xf32>
    %sub3A_1537 = arith.subf %slice3A_1528, %mul3A_1536 : vector<256x1xf32>
    %mul3A_1538 = arith.constant 5.000000e-01 : f32
    %mul3A_1539 = vector.broadcast %mul3A_1538 : f32 to vector<256x1xf32>
    %mul3A_1540 = arith.mulf %slice3A_1530, %mul3A_1539 : vector<256x1xf32>
    %add3A_1541 = arith.addf %slice3A_1528, %mul3A_1540 : vector<256x1xf32>
    %mul3A_1542 = arith.constant 5.000000e-01 : f32
    %mul3A_1543 = vector.broadcast %mul3A_1542 : f32 to vector<256x1xf32>
    %mul3A_1544 = arith.mulf %slice3A_1531, %mul3A_1543 : vector<256x1xf32>
    %sub3A_1545 = arith.subf %slice3A_1529, %mul3A_1544 : vector<256x1xf32>
    %mul3A_1546 = arith.constant 5.000000e-01 : f32
    %mul3A_1547 = vector.broadcast %mul3A_1546 : f32 to vector<256x1xf32>
    %mul3A_1548 = arith.mulf %slice3A_1531, %mul3A_1547 : vector<256x1xf32>
    %add3A_1549 = arith.addf %slice3A_1529, %mul3A_1548 : vector<256x1xf32>
    %sub3A_1550 = arith.subf %add3A_1541, %sub3A_1537 : vector<256x1xf32>
    %sub3A_1551 = arith.subf %add3A_1549, %sub3A_1545 : vector<256x1xf32>
    %mul3A_1552 = arith.mulf %sub3A_1550, %sub3A_1551 : vector<256x1xf32>
    %max3A_1553 = vector.broadcast %sub3A_1537 : vector<256x1xf32> to vector<256x2048xf32>
    %max3A_1554 = vector.broadcast %sub3A_1344 : vector<1x2048xf32> to vector<256x2048xf32>
    %max3A_1555 = arith.maximumf %max3A_1553, %max3A_1554 : vector<256x2048xf32>
    %max3A_1556 = vector.broadcast %sub3A_1545 : vector<256x1xf32> to vector<256x2048xf32>
    %max3A_1557 = vector.broadcast %sub3A_1352 : vector<1x2048xf32> to vector<256x2048xf32>
    %max3A_1558 = arith.maximumf %max3A_1556, %max3A_1557 : vector<256x2048xf32>
    %min3A_1559 = vector.broadcast %add3A_1541 : vector<256x1xf32> to vector<256x2048xf32>
    %min3A_1560 = vector.broadcast %add3A_1348 : vector<1x2048xf32> to vector<256x2048xf32>
    %min3A_1561 = arith.minimumf %min3A_1559, %min3A_1560 : vector<256x2048xf32>
    %min3A_1562 = vector.broadcast %add3A_1549 : vector<256x1xf32> to vector<256x2048xf32>
    %min3A_1563 = vector.broadcast %add3A_1356 : vector<1x2048xf32> to vector<256x2048xf32>
    %min3A_1564 = arith.minimumf %min3A_1562, %min3A_1563 : vector<256x2048xf32>
    %sub3A_1565 = arith.subf %min3A_1561, %max3A_1555 : vector<256x2048xf32>
    %jit3A_1566 = arith.constant 0.000000e+00 : f32
    %max3A_1567 = vector.broadcast %jit3A_1566 : f32 to vector<256x2048xf32>
    %max3A_1568 = arith.maximumf %max3A_1567, %sub3A_1565 : vector<256x2048xf32>
    %sub3A_1569 = arith.subf %min3A_1564, %max3A_1558 : vector<256x2048xf32>
    %jit3A_1570 = arith.constant 0.000000e+00 : f32
    %max3A_1571 = vector.broadcast %jit3A_1570 : f32 to vector<256x2048xf32>
    %max3A_1572 = arith.maximumf %max3A_1571, %sub3A_1569 : vector<256x2048xf32>
    %mul3A_1573 = arith.mulf %max3A_1568, %max3A_1572 : vector<256x2048xf32>
    %add3A_1574 = vector.broadcast %mul3A_1552 : vector<256x1xf32> to vector<256x2048xf32>
    %add3A_1575 = vector.broadcast %mul3A_1359 : vector<1x2048xf32> to vector<256x2048xf32>
    %add3A_1576 = arith.addf %add3A_1574, %add3A_1575 : vector<256x2048xf32>
    %sub3A_1577 = arith.subf %add3A_1576, %mul3A_1573 : vector<256x2048xf32>
    %max3A_1578 = arith.constant 9.99999993E-9 : f32
    %max3A_1579 = vector.broadcast %max3A_1578 : f32 to vector<256x2048xf32>
    %max3A_1580 = arith.maximumf %sub3A_1577, %max3A_1579 : vector<256x2048xf32>
    %div3A_1581 = arith.divf %mul3A_1573, %max3A_1580 : vector<256x2048xf32>
    %gt3A_1582 = vector.broadcast %slice3A_1532 : vector<256x1xf32> to vector<256x2048xf32>
    %gt3A_1583 = vector.broadcast %slice3A_1339 : vector<1x2048xf32> to vector<256x2048xf32>
    %gt3A_1584 = arith.cmpf ogt, %gt3A_1582, %gt3A_1583 : vector<256x2048xf32>
    %eq3A_1585 = vector.broadcast %slice3A_1532 : vector<256x1xf32> to vector<256x2048xf32>
    %eq3A_1586 = vector.broadcast %slice3A_1339 : vector<1x2048xf32> to vector<256x2048xf32>
    %eq3A_1587 = arith.cmpf oeq, %eq3A_1585, %eq3A_1586 : vector<256x2048xf32>
    %lt3A_1588 = vector.broadcast %slice3A_1533 : vector<256x1xf32> to vector<256x2048xf32>
    %lt3A_1589 = vector.broadcast %slice3A_1340 : vector<1x2048xf32> to vector<256x2048xf32>
    %lt3A_1590 = arith.cmpf olt, %lt3A_1588, %lt3A_1589 : vector<256x2048xf32>
    %and3A_1591 = arith.andi %eq3A_1587, %lt3A_1590 : vector<256x2048xi1>
    %or3A_1592 = arith.ori %gt3A_1584, %and3A_1591 : vector<256x2048xi1>
    %iota3A_1593 = tpu.iota {dimensions = array<i32: 0>} : vector<256x1xi32>
    %add3A_1594 = arith.constant 512 : i32
    %add3A_1595 = vector.broadcast %add3A_1594 : i32 to vector<256x1xi32>
    %add3A_1596 = arith.addi %iota3A_1593, %add3A_1595 : vector<256x1xi32>
    %lt3A_1597 = arith.constant 2000 : i32
    %lt3A_1598 = vector.broadcast %lt3A_1597 : i32 to vector<256x1xi32>
    %lt3A_1599 = arith.cmpi slt, %add3A_1596, %lt3A_1598 : vector<256x1xi32>
    %gt3A_1600 = arith.constant 0.00999999977 : f32
    %gt3A_1601 = vector.broadcast %gt3A_1600 : f32 to vector<256x2048xf32>
    %gt3A_1602 = arith.cmpf ogt, %div3A_1581, %gt3A_1601 : vector<256x2048xf32>
    %and3A_1603 = arith.andi %gt3A_1602, %or3A_1592 : vector<256x2048xi1>
    %and3A_1604 = vector.broadcast %lt3A_1599 : vector<256x1xi1> to vector<256x2048xi1>
    %and3A_1605 = arith.andi %and3A_1603, %and3A_1604 : vector<256x2048xi1>
    %convert_element_type3A_1606 = arith.extui %and3A_1605 : vector<256x2048xi1> to vector<256x2048xi32>
    %convert_element_type3A_1607 = arith.sitofp %convert_element_type3A_1606 : vector<256x2048xi32> to vector<256x2048xf32>
    %convert_element_type3A_1608 = arith.truncf %convert_element_type3A_1607 : vector<256x2048xf32> to vector<256x2048xbf16>
    %swap3A_1609 = arith.constant 512 : index
    %swap3A_1610 = arith.constant 0 : index
    %swap3A_1611 = vector.load %arg5[%swap3A_1609, %swap3A_1610] : memref<2048x2048xbf16, #tpu.memory_space<vmem>>, vector<256x2048xbf16>
    tpu.vector_store %arg5[%swap3A_1609, %swap3A_1610], %convert_element_type3A_1608 {strides = array<i32>} : memref<2048x2048xbf16, #tpu.memory_space<vmem>>, vector<256x2048xbf16>,
    %slice3A_1612 = vector.extract_strided_slice %concatenate3A_1334 {offsets = [768, 0], sizes = [256, 1], strides = [1, 1]} : vector<2048x6xf32> to vector<256x1xf32>
    %slice3A_1613 = vector.extract_strided_slice %concatenate3A_1334 {offsets = [768, 1], sizes = [256, 1], strides = [1, 1]} : vector<2048x6xf32> to vector<256x1xf32>
    %slice3A_1614 = vector.extract_strided_slice %concatenate3A_1334 {offsets = [768, 2], sizes = [256, 1], strides = [1, 1]} : vector<2048x6xf32> to vector<256x1xf32>
    %slice3A_1615 = vector.extract_strided_slice %concatenate3A_1334 {offsets = [768, 3], sizes = [256, 1], strides = [1, 1]} : vector<2048x6xf32> to vector<256x1xf32>
    %slice3A_1616 = vector.extract_strided_slice %concatenate3A_1334 {offsets = [768, 4], sizes = [256, 1], strides = [1, 1]} : vector<2048x6xf32> to vector<256x1xf32>
    %slice3A_1617 = vector.extract_strided_slice %concatenate3A_1334 {offsets = [768, 5], sizes = [256, 1], strides = [1, 1]} : vector<2048x6xf32> to vector<256x1xf32>
    %mul3A_1618 = arith.constant 5.000000e-01 : f32
    %mul3A_1619 = vector.broadcast %mul3A_1618 : f32 to vector<256x1xf32>
    %mul3A_1620 = arith.mulf %slice3A_1614, %mul3A_1619 : vector<256x1xf32>
    %sub3A_1621 = arith.subf %slice3A_1612, %mul3A_1620 : vector<256x1xf32>
    %mul3A_1622 = arith.constant 5.000000e-01 : f32
    %mul3A_1623 = vector.broadcast %mul3A_1622 : f32 to vector<256x1xf32>
    %mul3A_1624 = arith.mulf %slice3A_1614, %mul3A_1623 : vector<256x1xf32>
    %add3A_1625 = arith.addf %slice3A_1612, %mul3A_1624 : vector<256x1xf32>
    %mul3A_1626 = arith.constant 5.000000e-01 : f32
    %mul3A_1627 = vector.broadcast %mul3A_1626 : f32 to vector<256x1xf32>
    %mul3A_1628 = arith.mulf %slice3A_1615, %mul3A_1627 : vector<256x1xf32>
    %sub3A_1629 = arith.subf %slice3A_1613, %mul3A_1628 : vector<256x1xf32>
    %mul3A_1630 = arith.constant 5.000000e-01 : f32
    %mul3A_1631 = vector.broadcast %mul3A_1630 : f32 to vector<256x1xf32>
    %mul3A_1632 = arith.mulf %slice3A_1615, %mul3A_1631 : vector<256x1xf32>
    %add3A_1633 = arith.addf %slice3A_1613, %mul3A_1632 : vector<256x1xf32>
    %sub3A_1634 = arith.subf %add3A_1625, %sub3A_1621 : vector<256x1xf32>
    %sub3A_1635 = arith.subf %add3A_1633, %sub3A_1629 : vector<256x1xf32>
    %mul3A_1636 = arith.mulf %sub3A_1634, %sub3A_1635 : vector<256x1xf32>
    %max3A_1637 = vector.broadcast %sub3A_1621 : vector<256x1xf32> to vector<256x2048xf32>
    %max3A_1638 = vector.broadcast %sub3A_1344 : vector<1x2048xf32> to vector<256x2048xf32>
    %max3A_1639 = arith.maximumf %max3A_1637, %max3A_1638 : vector<256x2048xf32>
    %max3A_1640 = vector.broadcast %sub3A_1629 : vector<256x1xf32> to vector<256x2048xf32>
    %max3A_1641 = vector.broadcast %sub3A_1352 : vector<1x2048xf32> to vector<256x2048xf32>
    %max3A_1642 = arith.maximumf %max3A_1640, %max3A_1641 : vector<256x2048xf32>
    %min3A_1643 = vector.broadcast %add3A_1625 : vector<256x1xf32> to vector<256x2048xf32>
    %min3A_1644 = vector.broadcast %add3A_1348 : vector<1x2048xf32> to vector<256x2048xf32>
    %min3A_1645 = arith.minimumf %min3A_1643, %min3A_1644 : vector<256x2048xf32>
    %min3A_1646 = vector.broadcast %add3A_1633 : vector<256x1xf32> to vector<256x2048xf32>
    %min3A_1647 = vector.broadcast %add3A_1356 : vector<1x2048xf32> to vector<256x2048xf32>
    %min3A_1648 = arith.minimumf %min3A_1646, %min3A_1647 : vector<256x2048xf32>
    %sub3A_1649 = arith.subf %min3A_1645, %max3A_1639 : vector<256x2048xf32>
    %jit3A_1650 = arith.constant 0.000000e+00 : f32
    %max3A_1651 = vector.broadcast %jit3A_1650 : f32 to vector<256x2048xf32>
    %max3A_1652 = arith.maximumf %max3A_1651, %sub3A_1649 : vector<256x2048xf32>
    %sub3A_1653 = arith.subf %min3A_1648, %max3A_1642 : vector<256x2048xf32>
    %jit3A_1654 = arith.constant 0.000000e+00 : f32
    %max3A_1655 = vector.broadcast %jit3A_1654 : f32 to vector<256x2048xf32>
    %max3A_1656 = arith.maximumf %max3A_1655, %sub3A_1653 : vector<256x2048xf32>
    %mul3A_1657 = arith.mulf %max3A_1652, %max3A_1656 : vector<256x2048xf32>
    %add3A_1658 = vector.broadcast %mul3A_1636 : vector<256x1xf32> to vector<256x2048xf32>
    %add3A_1659 = vector.broadcast %mul3A_1359 : vector<1x2048xf32> to vector<256x2048xf32>
    %add3A_1660 = arith.addf %add3A_1658, %add3A_1659 : vector<256x2048xf32>
    %sub3A_1661 = arith.subf %add3A_1660, %mul3A_1657 : vector<256x2048xf32>
    %max3A_1662 = arith.constant 9.99999993E-9 : f32
    %max3A_1663 = vector.broadcast %max3A_1662 : f32 to vector<256x2048xf32>
    %max3A_1664 = arith.maximumf %sub3A_1661, %max3A_1663 : vector<256x2048xf32>
    %div3A_1665 = arith.divf %mul3A_1657, %max3A_1664 : vector<256x2048xf32>
    %gt3A_1666 = vector.broadcast %slice3A_1616 : vector<256x1xf32> to vector<256x2048xf32>
    %gt3A_1667 = vector.broadcast %slice3A_1339 : vector<1x2048xf32> to vector<256x2048xf32>
    %gt3A_1668 = arith.cmpf ogt, %gt3A_1666, %gt3A_1667 : vector<256x2048xf32>
    %eq3A_1669 = vector.broadcast %slice3A_1616 : vector<256x1xf32> to vector<256x2048xf32>
    %eq3A_1670 = vector.broadcast %slice3A_1339 : vector<1x2048xf32> to vector<256x2048xf32>
    %eq3A_1671 = arith.cmpf oeq, %eq3A_1669, %eq3A_1670 : vector<256x2048xf32>
    %lt3A_1672 = vector.broadcast %slice3A_1617 : vector<256x1xf32> to vector<256x2048xf32>
    %lt3A_1673 = vector.broadcast %slice3A_1340 : vector<1x2048xf32> to vector<256x2048xf32>
    %lt3A_1674 = arith.cmpf olt, %lt3A_1672, %lt3A_1673 : vector<256x2048xf32>
    %and3A_1675 = arith.andi %eq3A_1671, %lt3A_1674 : vector<256x2048xi1>
    %or3A_1676 = arith.ori %gt3A_1668, %and3A_1675 : vector<256x2048xi1>
    %iota3A_1677 = tpu.iota {dimensions = array<i32: 0>} : vector<256x1xi32>
    %add3A_1678 = arith.constant 768 : i32
    %add3A_1679 = vector.broadcast %add3A_1678 : i32 to vector<256x1xi32>
    %add3A_1680 = arith.addi %iota3A_1677, %add3A_1679 : vector<256x1xi32>
    %lt3A_1681 = arith.constant 2000 : i32
    %lt3A_1682 = vector.broadcast %lt3A_1681 : i32 to vector<256x1xi32>
    %lt3A_1683 = arith.cmpi slt, %add3A_1680, %lt3A_1682 : vector<256x1xi32>
    %gt3A_1684 = arith.constant 0.00999999977 : f32
    %gt3A_1685 = vector.broadcast %gt3A_1684 : f32 to vector<256x2048xf32>
    %gt3A_1686 = arith.cmpf ogt, %div3A_1665, %gt3A_1685 : vector<256x2048xf32>
    %and3A_1687 = arith.andi %gt3A_1686, %or3A_1676 : vector<256x2048xi1>
    %and3A_1688 = vector.broadcast %lt3A_1683 : vector<256x1xi1> to vector<256x2048xi1>
    %and3A_1689 = arith.andi %and3A_1687, %and3A_1688 : vector<256x2048xi1>
    %convert_element_type3A_1690 = arith.extui %and3A_1689 : vector<256x2048xi1> to vector<256x2048xi32>
    %convert_element_type3A_1691 = arith.sitofp %convert_element_type3A_1690 : vector<256x2048xi32> to vector<256x2048xf32>
    %convert_element_type3A_1692 = arith.truncf %convert_element_type3A_1691 : vector<256x2048xf32> to vector<256x2048xbf16>
    %swap3A_1693 = arith.constant 768 : index
    %swap3A_1694 = arith.constant 0 : index
    %swap3A_1695 = vector.load %arg5[%swap3A_1693, %swap3A_1694] : memref<2048x2048xbf16, #tpu.memory_space<vmem>>, vector<256x2048xbf16>
    tpu.vector_store %arg5[%swap3A_1693, %swap3A_1694], %convert_element_type3A_1692 {strides = array<i32>} : memref<2048x2048xbf16, #tpu.memory_space<vmem>>, vector<256x2048xbf16>,
    %slice3A_1696 = vector.extract_strided_slice %concatenate3A_1334 {offsets = [1024, 0], sizes = [256, 1], strides = [1, 1]} : vector<2048x6xf32> to vector<256x1xf32>
    %slice3A_1697 = vector.extract_strided_slice %concatenate3A_1334 {offsets = [1024, 1], sizes = [256, 1], strides = [1, 1]} : vector<2048x6xf32> to vector<256x1xf32>
    %slice3A_1698 = vector.extract_strided_slice %concatenate3A_1334 {offsets = [1024, 2], sizes = [256, 1], strides = [1, 1]} : vector<2048x6xf32> to vector<256x1xf32>
    %slice3A_1699 = vector.extract_strided_slice %concatenate3A_1334 {offsets = [1024, 3], sizes = [256, 1], strides = [1, 1]} : vector<2048x6xf32> to vector<256x1xf32>
    %slice3A_1700 = vector.extract_strided_slice %concatenate3A_1334 {offsets = [1024, 4], sizes = [256, 1], strides = [1, 1]} : vector<2048x6xf32> to vector<256x1xf32>
    %slice3A_1701 = vector.extract_strided_slice %concatenate3A_1334 {offsets = [1024, 5], sizes = [256, 1], strides = [1, 1]} : vector<2048x6xf32> to vector<256x1xf32>
    %mul3A_1702 = arith.constant 5.000000e-01 : f32
    %mul3A_1703 = vector.broadcast %mul3A_1702 : f32 to vector<256x1xf32>
    %mul3A_1704 = arith.mulf %slice3A_1698, %mul3A_1703 : vector<256x1xf32>
    %sub3A_1705 = arith.subf %slice3A_1696, %mul3A_1704 : vector<256x1xf32>
    %mul3A_1706 = arith.constant 5.000000e-01 : f32
    %mul3A_1707 = vector.broadcast %mul3A_1706 : f32 to vector<256x1xf32>
    %mul3A_1708 = arith.mulf %slice3A_1698, %mul3A_1707 : vector<256x1xf32>
    %add3A_1709 = arith.addf %slice3A_1696, %mul3A_1708 : vector<256x1xf32>
    %mul3A_1710 = arith.constant 5.000000e-01 : f32
    %mul3A_1711 = vector.broadcast %mul3A_1710 : f32 to vector<256x1xf32>
    %mul3A_1712 = arith.mulf %slice3A_1699, %mul3A_1711 : vector<256x1xf32>
    %sub3A_1713 = arith.subf %slice3A_1697, %mul3A_1712 : vector<256x1xf32>
    %mul3A_1714 = arith.constant 5.000000e-01 : f32
    %mul3A_1715 = vector.broadcast %mul3A_1714 : f32 to vector<256x1xf32>
    %mul3A_1716 = arith.mulf %slice3A_1699, %mul3A_1715 : vector<256x1xf32>
    %add3A_1717 = arith.addf %slice3A_1697, %mul3A_1716 : vector<256x1xf32>
    %sub3A_1718 = arith.subf %add3A_1709, %sub3A_1705 : vector<256x1xf32>
    %sub3A_1719 = arith.subf %add3A_1717, %sub3A_1713 : vector<256x1xf32>
    %mul3A_1720 = arith.mulf %sub3A_1718, %sub3A_1719 : vector<256x1xf32>
    %max3A_1721 = vector.broadcast %sub3A_1705 : vector<256x1xf32> to vector<256x2048xf32>
    %max3A_1722 = vector.broadcast %sub3A_1344 : vector<1x2048xf32> to vector<256x2048xf32>
    %max3A_1723 = arith.maximumf %max3A_1721, %max3A_1722 : vector<256x2048xf32>
    %max3A_1724 = vector.broadcast %sub3A_1713 : vector<256x1xf32> to vector<256x2048xf32>
    %max3A_1725 = vector.broadcast %sub3A_1352 : vector<1x2048xf32> to vector<256x2048xf32>
    %max3A_1726 = arith.maximumf %max3A_1724, %max3A_1725 : vector<256x2048xf32>
    %min3A_1727 = vector.broadcast %add3A_1709 : vector<256x1xf32> to vector<256x2048xf32>
    %min3A_1728 = vector.broadcast %add3A_1348 : vector<1x2048xf32> to vector<256x2048xf32>
    %min3A_1729 = arith.minimumf %min3A_1727, %min3A_1728 : vector<256x2048xf32>
    %min3A_1730 = vector.broadcast %add3A_1717 : vector<256x1xf32> to vector<256x2048xf32>
    %min3A_1731 = vector.broadcast %add3A_1356 : vector<1x2048xf32> to vector<256x2048xf32>
    %min3A_1732 = arith.minimumf %min3A_1730, %min3A_1731 : vector<256x2048xf32>
    %sub3A_1733 = arith.subf %min3A_1729, %max3A_1723 : vector<256x2048xf32>
    %jit3A_1734 = arith.constant 0.000000e+00 : f32
    %max3A_1735 = vector.broadcast %jit3A_1734 : f32 to vector<256x2048xf32>
    %max3A_1736 = arith.maximumf %max3A_1735, %sub3A_1733 : vector<256x2048xf32>
    %sub3A_1737 = arith.subf %min3A_1732, %max3A_1726 : vector<256x2048xf32>
    %jit3A_1738 = arith.constant 0.000000e+00 : f32
    %max3A_1739 = vector.broadcast %jit3A_1738 : f32 to vector<256x2048xf32>
    %max3A_1740 = arith.maximumf %max3A_1739, %sub3A_1737 : vector<256x2048xf32>
    %mul3A_1741 = arith.mulf %max3A_1736, %max3A_1740 : vector<256x2048xf32>
    %add3A_1742 = vector.broadcast %mul3A_1720 : vector<256x1xf32> to vector<256x2048xf32>
    %add3A_1743 = vector.broadcast %mul3A_1359 : vector<1x2048xf32> to vector<256x2048xf32>
    %add3A_1744 = arith.addf %add3A_1742, %add3A_1743 : vector<256x2048xf32>
    %sub3A_1745 = arith.subf %add3A_1744, %mul3A_1741 : vector<256x2048xf32>
    %max3A_1746 = arith.constant 9.99999993E-9 : f32
    %max3A_1747 = vector.broadcast %max3A_1746 : f32 to vector<256x2048xf32>
    %max3A_1748 = arith.maximumf %sub3A_1745, %max3A_1747 : vector<256x2048xf32>
    %div3A_1749 = arith.divf %mul3A_1741, %max3A_1748 : vector<256x2048xf32>
    %gt3A_1750 = vector.broadcast %slice3A_1700 : vector<256x1xf32> to vector<256x2048xf32>
    %gt3A_1751 = vector.broadcast %slice3A_1339 : vector<1x2048xf32> to vector<256x2048xf32>
    %gt3A_1752 = arith.cmpf ogt, %gt3A_1750, %gt3A_1751 : vector<256x2048xf32>
    %eq3A_1753 = vector.broadcast %slice3A_1700 : vector<256x1xf32> to vector<256x2048xf32>
    %eq3A_1754 = vector.broadcast %slice3A_1339 : vector<1x2048xf32> to vector<256x2048xf32>
    %eq3A_1755 = arith.cmpf oeq, %eq3A_1753, %eq3A_1754 : vector<256x2048xf32>
    %lt3A_1756 = vector.broadcast %slice3A_1701 : vector<256x1xf32> to vector<256x2048xf32>
    %lt3A_1757 = vector.broadcast %slice3A_1340 : vector<1x2048xf32> to vector<256x2048xf32>
    %lt3A_1758 = arith.cmpf olt, %lt3A_1756, %lt3A_1757 : vector<256x2048xf32>
    %and3A_1759 = arith.andi %eq3A_1755, %lt3A_1758 : vector<256x2048xi1>
    %or3A_1760 = arith.ori %gt3A_1752, %and3A_1759 : vector<256x2048xi1>
    %iota3A_1761 = tpu.iota {dimensions = array<i32: 0>} : vector<256x1xi32>
    %add3A_1762 = arith.constant 1024 : i32
    %add3A_1763 = vector.broadcast %add3A_1762 : i32 to vector<256x1xi32>
    %add3A_1764 = arith.addi %iota3A_1761, %add3A_1763 : vector<256x1xi32>
    %lt3A_1765 = arith.constant 2000 : i32
    %lt3A_1766 = vector.broadcast %lt3A_1765 : i32 to vector<256x1xi32>
    %lt3A_1767 = arith.cmpi slt, %add3A_1764, %lt3A_1766 : vector<256x1xi32>
    %gt3A_1768 = arith.constant 0.00999999977 : f32
    %gt3A_1769 = vector.broadcast %gt3A_1768 : f32 to vector<256x2048xf32>
    %gt3A_1770 = arith.cmpf ogt, %div3A_1749, %gt3A_1769 : vector<256x2048xf32>
    %and3A_1771 = arith.andi %gt3A_1770, %or3A_1760 : vector<256x2048xi1>
    %and3A_1772 = vector.broadcast %lt3A_1767 : vector<256x1xi1> to vector<256x2048xi1>
    %and3A_1773 = arith.andi %and3A_1771, %and3A_1772 : vector<256x2048xi1>
    %convert_element_type3A_1774 = arith.extui %and3A_1773 : vector<256x2048xi1> to vector<256x2048xi32>
    %convert_element_type3A_1775 = arith.sitofp %convert_element_type3A_1774 : vector<256x2048xi32> to vector<256x2048xf32>
    %convert_element_type3A_1776 = arith.truncf %convert_element_type3A_1775 : vector<256x2048xf32> to vector<256x2048xbf16>
    %swap3A_1777 = arith.constant 1024 : index
    %swap3A_1778 = arith.constant 0 : index
    %swap3A_1779 = vector.load %arg5[%swap3A_1777, %swap3A_1778] : memref<2048x2048xbf16, #tpu.memory_space<vmem>>, vector<256x2048xbf16>
    tpu.vector_store %arg5[%swap3A_1777, %swap3A_1778], %convert_element_type3A_1776 {strides = array<i32>} : memref<2048x2048xbf16, #tpu.memory_space<vmem>>, vector<256x2048xbf16>,
    %slice3A_1780 = vector.extract_strided_slice %concatenate3A_1334 {offsets = [1280, 0], sizes = [256, 1], strides = [1, 1]} : vector<2048x6xf32> to vector<256x1xf32>
    %slice3A_1781 = vector.extract_strided_slice %concatenate3A_1334 {offsets = [1280, 1], sizes = [256, 1], strides = [1, 1]} : vector<2048x6xf32> to vector<256x1xf32>
    %slice3A_1782 = vector.extract_strided_slice %concatenate3A_1334 {offsets = [1280, 2], sizes = [256, 1], strides = [1, 1]} : vector<2048x6xf32> to vector<256x1xf32>
    %slice3A_1783 = vector.extract_strided_slice %concatenate3A_1334 {offsets = [1280, 3], sizes = [256, 1], strides = [1, 1]} : vector<2048x6xf32> to vector<256x1xf32>
    %slice3A_1784 = vector.extract_strided_slice %concatenate3A_1334 {offsets = [1280, 4], sizes = [256, 1], strides = [1, 1]} : vector<2048x6xf32> to vector<256x1xf32>
    %slice3A_1785 = vector.extract_strided_slice %concatenate3A_1334 {offsets = [1280, 5], sizes = [256, 1], strides = [1, 1]} : vector<2048x6xf32> to vector<256x1xf32>
    %mul3A_1786 = arith.constant 5.000000e-01 : f32
    %mul3A_1787 = vector.broadcast %mul3A_1786 : f32 to vector<256x1xf32>
    %mul3A_1788 = arith.mulf %slice3A_1782, %mul3A_1787 : vector<256x1xf32>
    %sub3A_1789 = arith.subf %slice3A_1780, %mul3A_1788 : vector<256x1xf32>
    %mul3A_1790 = arith.constant 5.000000e-01 : f32
    %mul3A_1791 = vector.broadcast %mul3A_1790 : f32 to vector<256x1xf32>
    %mul3A_1792 = arith.mulf %slice3A_1782, %mul3A_1791 : vector<256x1xf32>
    %add3A_1793 = arith.addf %slice3A_1780, %mul3A_1792 : vector<256x1xf32>
    %mul3A_1794 = arith.constant 5.000000e-01 : f32
    %mul3A_1795 = vector.broadcast %mul3A_1794 : f32 to vector<256x1xf32>
    %mul3A_1796 = arith.mulf %slice3A_1783, %mul3A_1795 : vector<256x1xf32>
    %sub3A_1797 = arith.subf %slice3A_1781, %mul3A_1796 : vector<256x1xf32>
    %mul3A_1798 = arith.constant 5.000000e-01 : f32
    %mul3A_1799 = vector.broadcast %mul3A_1798 : f32 to vector<256x1xf32>
    %mul3A_1800 = arith.mulf %slice3A_1783, %mul3A_1799 : vector<256x1xf32>
    %add3A_1801 = arith.addf %slice3A_1781, %mul3A_1800 : vector<256x1xf32>
    %sub3A_1802 = arith.subf %add3A_1793, %sub3A_1789 : vector<256x1xf32>
    %sub3A_1803 = arith.subf %add3A_1801, %sub3A_1797 : vector<256x1xf32>
    %mul3A_1804 = arith.mulf %sub3A_1802, %sub3A_1803 : vector<256x1xf32>
    %max3A_1805 = vector.broadcast %sub3A_1789 : vector<256x1xf32> to vector<256x2048xf32>
    %max3A_1806 = vector.broadcast %sub3A_1344 : vector<1x2048xf32> to vector<256x2048xf32>
    %max3A_1807 = arith.maximumf %max3A_1805, %max3A_1806 : vector<256x2048xf32>
    %max3A_1808 = vector.broadcast %sub3A_1797 : vector<256x1xf32> to vector<256x2048xf32>
    %max3A_1809 = vector.broadcast %sub3A_1352 : vector<1x2048xf32> to vector<256x2048xf32>
    %max3A_1810 = arith.maximumf %max3A_1808, %max3A_1809 : vector<256x2048xf32>
    %min3A_1811 = vector.broadcast %add3A_1793 : vector<256x1xf32> to vector<256x2048xf32>
    %min3A_1812 = vector.broadcast %add3A_1348 : vector<1x2048xf32> to vector<256x2048xf32>
    %min3A_1813 = arith.minimumf %min3A_1811, %min3A_1812 : vector<256x2048xf32>
    %min3A_1814 = vector.broadcast %add3A_1801 : vector<256x1xf32> to vector<256x2048xf32>
    %min3A_1815 = vector.broadcast %add3A_1356 : vector<1x2048xf32> to vector<256x2048xf32>
    %min3A_1816 = arith.minimumf %min3A_1814, %min3A_1815 : vector<256x2048xf32>
    %sub3A_1817 = arith.subf %min3A_1813, %max3A_1807 : vector<256x2048xf32>
    %jit3A_1818 = arith.constant 0.000000e+00 : f32
    %max3A_1819 = vector.broadcast %jit3A_1818 : f32 to vector<256x2048xf32>
    %max3A_1820 = arith.maximumf %max3A_1819, %sub3A_1817 : vector<256x2048xf32>
    %sub3A_1821 = arith.subf %min3A_1816, %max3A_1810 : vector<256x2048xf32>
    %jit3A_1822 = arith.constant 0.000000e+00 : f32
    %max3A_1823 = vector.broadcast %jit3A_1822 : f32 to vector<256x2048xf32>
    %max3A_1824 = arith.maximumf %max3A_1823, %sub3A_1821 : vector<256x2048xf32>
    %mul3A_1825 = arith.mulf %max3A_1820, %max3A_1824 : vector<256x2048xf32>
    %add3A_1826 = vector.broadcast %mul3A_1804 : vector<256x1xf32> to vector<256x2048xf32>
    %add3A_1827 = vector.broadcast %mul3A_1359 : vector<1x2048xf32> to vector<256x2048xf32>
    %add3A_1828 = arith.addf %add3A_1826, %add3A_1827 : vector<256x2048xf32>
    %sub3A_1829 = arith.subf %add3A_1828, %mul3A_1825 : vector<256x2048xf32>
    %max3A_1830 = arith.constant 9.99999993E-9 : f32
    %max3A_1831 = vector.broadcast %max3A_1830 : f32 to vector<256x2048xf32>
    %max3A_1832 = arith.maximumf %sub3A_1829, %max3A_1831 : vector<256x2048xf32>
    %div3A_1833 = arith.divf %mul3A_1825, %max3A_1832 : vector<256x2048xf32>
    %gt3A_1834 = vector.broadcast %slice3A_1784 : vector<256x1xf32> to vector<256x2048xf32>
    %gt3A_1835 = vector.broadcast %slice3A_1339 : vector<1x2048xf32> to vector<256x2048xf32>
    %gt3A_1836 = arith.cmpf ogt, %gt3A_1834, %gt3A_1835 : vector<256x2048xf32>
    %eq3A_1837 = vector.broadcast %slice3A_1784 : vector<256x1xf32> to vector<256x2048xf32>
    %eq3A_1838 = vector.broadcast %slice3A_1339 : vector<1x2048xf32> to vector<256x2048xf32>
    %eq3A_1839 = arith.cmpf oeq, %eq3A_1837, %eq3A_1838 : vector<256x2048xf32>
    %lt3A_1840 = vector.broadcast %slice3A_1785 : vector<256x1xf32> to vector<256x2048xf32>
    %lt3A_1841 = vector.broadcast %slice3A_1340 : vector<1x2048xf32> to vector<256x2048xf32>
    %lt3A_1842 = arith.cmpf olt, %lt3A_1840, %lt3A_1841 : vector<256x2048xf32>
    %and3A_1843 = arith.andi %eq3A_1839, %lt3A_1842 : vector<256x2048xi1>
    %or3A_1844 = arith.ori %gt3A_1836, %and3A_1843 : vector<256x2048xi1>
    %iota3A_1845 = tpu.iota {dimensions = array<i32: 0>} : vector<256x1xi32>
    %add3A_1846 = arith.constant 1280 : i32
    %add3A_1847 = vector.broadcast %add3A_1846 : i32 to vector<256x1xi32>
    %add3A_1848 = arith.addi %iota3A_1845, %add3A_1847 : vector<256x1xi32>
    %lt3A_1849 = arith.constant 2000 : i32
    %lt3A_1850 = vector.broadcast %lt3A_1849 : i32 to vector<256x1xi32>
    %lt3A_1851 = arith.cmpi slt, %add3A_1848, %lt3A_1850 : vector<256x1xi32>
    %gt3A_1852 = arith.constant 0.00999999977 : f32
    %gt3A_1853 = vector.broadcast %gt3A_1852 : f32 to vector<256x2048xf32>
    %gt3A_1854 = arith.cmpf ogt, %div3A_1833, %gt3A_1853 : vector<256x2048xf32>
    %and3A_1855 = arith.andi %gt3A_1854, %or3A_1844 : vector<256x2048xi1>
    %and3A_1856 = vector.broadcast %lt3A_1851 : vector<256x1xi1> to vector<256x2048xi1>
    %and3A_1857 = arith.andi %and3A_1855, %and3A_1856 : vector<256x2048xi1>
    %convert_element_type3A_1858 = arith.extui %and3A_1857 : vector<256x2048xi1> to vector<256x2048xi32>
    %convert_element_type3A_1859 = arith.sitofp %convert_element_type3A_1858 : vector<256x2048xi32> to vector<256x2048xf32>
    %convert_element_type3A_1860 = arith.truncf %convert_element_type3A_1859 : vector<256x2048xf32> to vector<256x2048xbf16>
    %swap3A_1861 = arith.constant 1280 : index
    %swap3A_1862 = arith.constant 0 : index
    %swap3A_1863 = vector.load %arg5[%swap3A_1861, %swap3A_1862] : memref<2048x2048xbf16, #tpu.memory_space<vmem>>, vector<256x2048xbf16>
    tpu.vector_store %arg5[%swap3A_1861, %swap3A_1862], %convert_element_type3A_1860 {strides = array<i32>} : memref<2048x2048xbf16, #tpu.memory_space<vmem>>, vector<256x2048xbf16>,
    %slice3A_1864 = vector.extract_strided_slice %concatenate3A_1334 {offsets = [1536, 0], sizes = [256, 1], strides = [1, 1]} : vector<2048x6xf32> to vector<256x1xf32>
    %slice3A_1865 = vector.extract_strided_slice %concatenate3A_1334 {offsets = [1536, 1], sizes = [256, 1], strides = [1, 1]} : vector<2048x6xf32> to vector<256x1xf32>
    %slice3A_1866 = vector.extract_strided_slice %concatenate3A_1334 {offsets = [1536, 2], sizes = [256, 1], strides = [1, 1]} : vector<2048x6xf32> to vector<256x1xf32>
    %slice3A_1867 = vector.extract_strided_slice %concatenate3A_1334 {offsets = [1536, 3], sizes = [256, 1], strides = [1, 1]} : vector<2048x6xf32> to vector<256x1xf32>
    %slice3A_1868 = vector.extract_strided_slice %concatenate3A_1334 {offsets = [1536, 4], sizes = [256, 1], strides = [1, 1]} : vector<2048x6xf32> to vector<256x1xf32>
    %slice3A_1869 = vector.extract_strided_slice %concatenate3A_1334 {offsets = [1536, 5], sizes = [256, 1], strides = [1, 1]} : vector<2048x6xf32> to vector<256x1xf32>
    %mul3A_1870 = arith.constant 5.000000e-01 : f32
    %mul3A_1871 = vector.broadcast %mul3A_1870 : f32 to vector<256x1xf32>
    %mul3A_1872 = arith.mulf %slice3A_1866, %mul3A_1871 : vector<256x1xf32>
    %sub3A_1873 = arith.subf %slice3A_1864, %mul3A_1872 : vector<256x1xf32>
    %mul3A_1874 = arith.constant 5.000000e-01 : f32
    %mul3A_1875 = vector.broadcast %mul3A_1874 : f32 to vector<256x1xf32>
    %mul3A_1876 = arith.mulf %slice3A_1866, %mul3A_1875 : vector<256x1xf32>
    %add3A_1877 = arith.addf %slice3A_1864, %mul3A_1876 : vector<256x1xf32>
    %mul3A_1878 = arith.constant 5.000000e-01 : f32
    %mul3A_1879 = vector.broadcast %mul3A_1878 : f32 to vector<256x1xf32>
    %mul3A_1880 = arith.mulf %slice3A_1867, %mul3A_1879 : vector<256x1xf32>
    %sub3A_1881 = arith.subf %slice3A_1865, %mul3A_1880 : vector<256x1xf32>
    %mul3A_1882 = arith.constant 5.000000e-01 : f32
    %mul3A_1883 = vector.broadcast %mul3A_1882 : f32 to vector<256x1xf32>
    %mul3A_1884 = arith.mulf %slice3A_1867, %mul3A_1883 : vector<256x1xf32>
    %add3A_1885 = arith.addf %slice3A_1865, %mul3A_1884 : vector<256x1xf32>
    %sub3A_1886 = arith.subf %add3A_1877, %sub3A_1873 : vector<256x1xf32>
    %sub3A_1887 = arith.subf %add3A_1885, %sub3A_1881 : vector<256x1xf32>
    %mul3A_1888 = arith.mulf %sub3A_1886, %sub3A_1887 : vector<256x1xf32>
    %max3A_1889 = vector.broadcast %sub3A_1873 : vector<256x1xf32> to vector<256x2048xf32>
    %max3A_1890 = vector.broadcast %sub3A_1344 : vector<1x2048xf32> to vector<256x2048xf32>
    %max3A_1891 = arith.maximumf %max3A_1889, %max3A_1890 : vector<256x2048xf32>
    %max3A_1892 = vector.broadcast %sub3A_1881 : vector<256x1xf32> to vector<256x2048xf32>
    %max3A_1893 = vector.broadcast %sub3A_1352 : vector<1x2048xf32> to vector<256x2048xf32>
    %max3A_1894 = arith.maximumf %max3A_1892, %max3A_1893 : vector<256x2048xf32>
    %min3A_1895 = vector.broadcast %add3A_1877 : vector<256x1xf32> to vector<256x2048xf32>
    %min3A_1896 = vector.broadcast %add3A_1348 : vector<1x2048xf32> to vector<256x2048xf32>
    %min3A_1897 = arith.minimumf %min3A_1895, %min3A_1896 : vector<256x2048xf32>
    %min3A_1898 = vector.broadcast %add3A_1885 : vector<256x1xf32> to vector<256x2048xf32>
    %min3A_1899 = vector.broadcast %add3A_1356 : vector<1x2048xf32> to vector<256x2048xf32>
    %min3A_1900 = arith.minimumf %min3A_1898, %min3A_1899 : vector<256x2048xf32>
    %sub3A_1901 = arith.subf %min3A_1897, %max3A_1891 : vector<256x2048xf32>
    %jit3A_1902 = arith.constant 0.000000e+00 : f32
    %max3A_1903 = vector.broadcast %jit3A_1902 : f32 to vector<256x2048xf32>
    %max3A_1904 = arith.maximumf %max3A_1903, %sub3A_1901 : vector<256x2048xf32>
    %sub3A_1905 = arith.subf %min3A_1900, %max3A_1894 : vector<256x2048xf32>
    %jit3A_1906 = arith.constant 0.000000e+00 : f32
    %max3A_1907 = vector.broadcast %jit3A_1906 : f32 to vector<256x2048xf32>
    %max3A_1908 = arith.maximumf %max3A_1907, %sub3A_1905 : vector<256x2048xf32>
    %mul3A_1909 = arith.mulf %max3A_1904, %max3A_1908 : vector<256x2048xf32>
    %add3A_1910 = vector.broadcast %mul3A_1888 : vector<256x1xf32> to vector<256x2048xf32>
    %add3A_1911 = vector.broadcast %mul3A_1359 : vector<1x2048xf32> to vector<256x2048xf32>
    %add3A_1912 = arith.addf %add3A_1910, %add3A_1911 : vector<256x2048xf32>
    %sub3A_1913 = arith.subf %add3A_1912, %mul3A_1909 : vector<256x2048xf32>
    %max3A_1914 = arith.constant 9.99999993E-9 : f32
    %max3A_1915 = vector.broadcast %max3A_1914 : f32 to vector<256x2048xf32>
    %max3A_1916 = arith.maximumf %sub3A_1913, %max3A_1915 : vector<256x2048xf32>
    %div3A_1917 = arith.divf %mul3A_1909, %max3A_1916 : vector<256x2048xf32>
    %gt3A_1918 = vector.broadcast %slice3A_1868 : vector<256x1xf32> to vector<256x2048xf32>
    %gt3A_1919 = vector.broadcast %slice3A_1339 : vector<1x2048xf32> to vector<256x2048xf32>
    %gt3A_1920 = arith.cmpf ogt, %gt3A_1918, %gt3A_1919 : vector<256x2048xf32>
    %eq3A_1921 = vector.broadcast %slice3A_1868 : vector<256x1xf32> to vector<256x2048xf32>
    %eq3A_1922 = vector.broadcast %slice3A_1339 : vector<1x2048xf32> to vector<256x2048xf32>
    %eq3A_1923 = arith.cmpf oeq, %eq3A_1921, %eq3A_1922 : vector<256x2048xf32>
    %lt3A_1924 = vector.broadcast %slice3A_1869 : vector<256x1xf32> to vector<256x2048xf32>
    %lt3A_1925 = vector.broadcast %slice3A_1340 : vector<1x2048xf32> to vector<256x2048xf32>
    %lt3A_1926 = arith.cmpf olt, %lt3A_1924, %lt3A_1925 : vector<256x2048xf32>
    %and3A_1927 = arith.andi %eq3A_1923, %lt3A_1926 : vector<256x2048xi1>
    %or3A_1928 = arith.ori %gt3A_1920, %and3A_1927 : vector<256x2048xi1>
    %iota3A_1929 = tpu.iota {dimensions = array<i32: 0>} : vector<256x1xi32>
    %add3A_1930 = arith.constant 1536 : i32
    %add3A_1931 = vector.broadcast %add3A_1930 : i32 to vector<256x1xi32>
    %add3A_1932 = arith.addi %iota3A_1929, %add3A_1931 : vector<256x1xi32>
    %lt3A_1933 = arith.constant 2000 : i32
    %lt3A_1934 = vector.broadcast %lt3A_1933 : i32 to vector<256x1xi32>
    %lt3A_1935 = arith.cmpi slt, %add3A_1932, %lt3A_1934 : vector<256x1xi32>
    %gt3A_1936 = arith.constant 0.00999999977 : f32
    %gt3A_1937 = vector.broadcast %gt3A_1936 : f32 to vector<256x2048xf32>
    %gt3A_1938 = arith.cmpf ogt, %div3A_1917, %gt3A_1937 : vector<256x2048xf32>
    %and3A_1939 = arith.andi %gt3A_1938, %or3A_1928 : vector<256x2048xi1>
    %and3A_1940 = vector.broadcast %lt3A_1935 : vector<256x1xi1> to vector<256x2048xi1>
    %and3A_1941 = arith.andi %and3A_1939, %and3A_1940 : vector<256x2048xi1>
    %convert_element_type3A_1942 = arith.extui %and3A_1941 : vector<256x2048xi1> to vector<256x2048xi32>
    %convert_element_type3A_1943 = arith.sitofp %convert_element_type3A_1942 : vector<256x2048xi32> to vector<256x2048xf32>
    %convert_element_type3A_1944 = arith.truncf %convert_element_type3A_1943 : vector<256x2048xf32> to vector<256x2048xbf16>
    %swap3A_1945 = arith.constant 1536 : index
    %swap3A_1946 = arith.constant 0 : index
    %swap3A_1947 = vector.load %arg5[%swap3A_1945, %swap3A_1946] : memref<2048x2048xbf16, #tpu.memory_space<vmem>>, vector<256x2048xbf16>
    tpu.vector_store %arg5[%swap3A_1945, %swap3A_1946], %convert_element_type3A_1944 {strides = array<i32>} : memref<2048x2048xbf16, #tpu.memory_space<vmem>>, vector<256x2048xbf16>,
    %slice3A_1948 = vector.extract_strided_slice %concatenate3A_1334 {offsets = [1792, 0], sizes = [256, 1], strides = [1, 1]} : vector<2048x6xf32> to vector<256x1xf32>
    %slice3A_1949 = vector.extract_strided_slice %concatenate3A_1334 {offsets = [1792, 1], sizes = [256, 1], strides = [1, 1]} : vector<2048x6xf32> to vector<256x1xf32>
    %slice3A_1950 = vector.extract_strided_slice %concatenate3A_1334 {offsets = [1792, 2], sizes = [256, 1], strides = [1, 1]} : vector<2048x6xf32> to vector<256x1xf32>
    %slice3A_1951 = vector.extract_strided_slice %concatenate3A_1334 {offsets = [1792, 3], sizes = [256, 1], strides = [1, 1]} : vector<2048x6xf32> to vector<256x1xf32>
    %slice3A_1952 = vector.extract_strided_slice %concatenate3A_1334 {offsets = [1792, 4], sizes = [256, 1], strides = [1, 1]} : vector<2048x6xf32> to vector<256x1xf32>
    %slice3A_1953 = vector.extract_strided_slice %concatenate3A_1334 {offsets = [1792, 5], sizes = [256, 1], strides = [1, 1]} : vector<2048x6xf32> to vector<256x1xf32>
    %mul3A_1954 = arith.constant 5.000000e-01 : f32
    %mul3A_1955 = vector.broadcast %mul3A_1954 : f32 to vector<256x1xf32>
    %mul3A_1956 = arith.mulf %slice3A_1950, %mul3A_1955 : vector<256x1xf32>
    %sub3A_1957 = arith.subf %slice3A_1948, %mul3A_1956 : vector<256x1xf32>
    %mul3A_1958 = arith.constant 5.000000e-01 : f32
    %mul3A_1959 = vector.broadcast %mul3A_1958 : f32 to vector<256x1xf32>
    %mul3A_1960 = arith.mulf %slice3A_1950, %mul3A_1959 : vector<256x1xf32>
    %add3A_1961 = arith.addf %slice3A_1948, %mul3A_1960 : vector<256x1xf32>
    %mul3A_1962 = arith.constant 5.000000e-01 : f32
    %mul3A_1963 = vector.broadcast %mul3A_1962 : f32 to vector<256x1xf32>
    %mul3A_1964 = arith.mulf %slice3A_1951, %mul3A_1963 : vector<256x1xf32>
    %sub3A_1965 = arith.subf %slice3A_1949, %mul3A_1964 : vector<256x1xf32>
    %mul3A_1966 = arith.constant 5.000000e-01 : f32
    %mul3A_1967 = vector.broadcast %mul3A_1966 : f32 to vector<256x1xf32>
    %mul3A_1968 = arith.mulf %slice3A_1951, %mul3A_1967 : vector<256x1xf32>
    %add3A_1969 = arith.addf %slice3A_1949, %mul3A_1968 : vector<256x1xf32>
    %sub3A_1970 = arith.subf %add3A_1961, %sub3A_1957 : vector<256x1xf32>
    %sub3A_1971 = arith.subf %add3A_1969, %sub3A_1965 : vector<256x1xf32>
    %mul3A_1972 = arith.mulf %sub3A_1970, %sub3A_1971 : vector<256x1xf32>
    %max3A_1973 = vector.broadcast %sub3A_1957 : vector<256x1xf32> to vector<256x2048xf32>
    %max3A_1974 = vector.broadcast %sub3A_1344 : vector<1x2048xf32> to vector<256x2048xf32>
    %max3A_1975 = arith.maximumf %max3A_1973, %max3A_1974 : vector<256x2048xf32>
    %max3A_1976 = vector.broadcast %sub3A_1965 : vector<256x1xf32> to vector<256x2048xf32>
    %max3A_1977 = vector.broadcast %sub3A_1352 : vector<1x2048xf32> to vector<256x2048xf32>
    %max3A_1978 = arith.maximumf %max3A_1976, %max3A_1977 : vector<256x2048xf32>
    %min3A_1979 = vector.broadcast %add3A_1961 : vector<256x1xf32> to vector<256x2048xf32>
    %min3A_1980 = vector.broadcast %add3A_1348 : vector<1x2048xf32> to vector<256x2048xf32>
    %min3A_1981 = arith.minimumf %min3A_1979, %min3A_1980 : vector<256x2048xf32>
    %min3A_1982 = vector.broadcast %add3A_1969 : vector<256x1xf32> to vector<256x2048xf32>
    %min3A_1983 = vector.broadcast %add3A_1356 : vector<1x2048xf32> to vector<256x2048xf32>
    %min3A_1984 = arith.minimumf %min3A_1982, %min3A_1983 : vector<256x2048xf32>
    %sub3A_1985 = arith.subf %min3A_1981, %max3A_1975 : vector<256x2048xf32>
    %jit3A_1986 = arith.constant 0.000000e+00 : f32
    %max3A_1987 = vector.broadcast %jit3A_1986 : f32 to vector<256x2048xf32>
    %max3A_1988 = arith.maximumf %max3A_1987, %sub3A_1985 : vector<256x2048xf32>
    %sub3A_1989 = arith.subf %min3A_1984, %max3A_1978 : vector<256x2048xf32>
    %jit3A_1990 = arith.constant 0.000000e+00 : f32
    %max3A_1991 = vector.broadcast %jit3A_1990 : f32 to vector<256x2048xf32>
    %max3A_1992 = arith.maximumf %max3A_1991, %sub3A_1989 : vector<256x2048xf32>
    %mul3A_1993 = arith.mulf %max3A_1988, %max3A_1992 : vector<256x2048xf32>
    %add3A_1994 = vector.broadcast %mul3A_1972 : vector<256x1xf32> to vector<256x2048xf32>
    %add3A_1995 = vector.broadcast %mul3A_1359 : vector<1x2048xf32> to vector<256x2048xf32>
    %add3A_1996 = arith.addf %add3A_1994, %add3A_1995 : vector<256x2048xf32>
    %sub3A_1997 = arith.subf %add3A_1996, %mul3A_1993 : vector<256x2048xf32>
    %max3A_1998 = arith.constant 9.99999993E-9 : f32
    %max3A_1999 = vector.broadcast %max3A_1998 : f32 to vector<256x2048xf32>
    %max3A_2000 = arith.maximumf %sub3A_1997, %max3A_1999 : vector<256x2048xf32>
    %div3A_2001 = arith.divf %mul3A_1993, %max3A_2000 : vector<256x2048xf32>
    %gt3A_2002 = vector.broadcast %slice3A_1952 : vector<256x1xf32> to vector<256x2048xf32>
    %gt3A_2003 = vector.broadcast %slice3A_1339 : vector<1x2048xf32> to vector<256x2048xf32>
    %gt3A_2004 = arith.cmpf ogt, %gt3A_2002, %gt3A_2003 : vector<256x2048xf32>
    %eq3A_2005 = vector.broadcast %slice3A_1952 : vector<256x1xf32> to vector<256x2048xf32>
    %eq3A_2006 = vector.broadcast %slice3A_1339 : vector<1x2048xf32> to vector<256x2048xf32>
    %eq3A_2007 = arith.cmpf oeq, %eq3A_2005, %eq3A_2006 : vector<256x2048xf32>
    %lt3A_2008 = vector.broadcast %slice3A_1953 : vector<256x1xf32> to vector<256x2048xf32>
    %lt3A_2009 = vector.broadcast %slice3A_1340 : vector<1x2048xf32> to vector<256x2048xf32>
    %lt3A_2010 = arith.cmpf olt, %lt3A_2008, %lt3A_2009 : vector<256x2048xf32>
    %and3A_2011 = arith.andi %eq3A_2007, %lt3A_2010 : vector<256x2048xi1>
    %or3A_2012 = arith.ori %gt3A_2004, %and3A_2011 : vector<256x2048xi1>
    %iota3A_2013 = tpu.iota {dimensions = array<i32: 0>} : vector<256x1xi32>
    %add3A_2014 = arith.constant 1792 : i32
    %add3A_2015 = vector.broadcast %add3A_2014 : i32 to vector<256x1xi32>
    %add3A_2016 = arith.addi %iota3A_2013, %add3A_2015 : vector<256x1xi32>
    %lt3A_2017 = arith.constant 2000 : i32
    %lt3A_2018 = vector.broadcast %lt3A_2017 : i32 to vector<256x1xi32>
    %lt3A_2019 = arith.cmpi slt, %add3A_2016, %lt3A_2018 : vector<256x1xi32>
    %gt3A_2020 = arith.constant 0.00999999977 : f32
    %gt3A_2021 = vector.broadcast %gt3A_2020 : f32 to vector<256x2048xf32>
    %gt3A_2022 = arith.cmpf ogt, %div3A_2001, %gt3A_2021 : vector<256x2048xf32>
    %and3A_2023 = arith.andi %gt3A_2022, %or3A_2012 : vector<256x2048xi1>
    %and3A_2024 = vector.broadcast %lt3A_2019 : vector<256x1xi1> to vector<256x2048xi1>
    %and3A_2025 = arith.andi %and3A_2023, %and3A_2024 : vector<256x2048xi1>
    %convert_element_type3A_2026 = arith.extui %and3A_2025 : vector<256x2048xi1> to vector<256x2048xi32>
    %convert_element_type3A_2027 = arith.sitofp %convert_element_type3A_2026 : vector<256x2048xi32> to vector<256x2048xf32>
    %convert_element_type3A_2028 = arith.truncf %convert_element_type3A_2027 : vector<256x2048xf32> to vector<256x2048xbf16>
    %swap3A_2029 = arith.constant 1792 : index
    %swap3A_2030 = arith.constant 0 : index
    %swap3A_2031 = vector.load %arg5[%swap3A_2029, %swap3A_2030] : memref<2048x2048xbf16, #tpu.memory_space<vmem>>, vector<256x2048xbf16>
    tpu.vector_store %arg5[%swap3A_2029, %swap3A_2030], %convert_element_type3A_2028 {strides = array<i32>} : memref<2048x2048xbf16, #tpu.memory_space<vmem>>, vector<256x2048xbf16>,
    %broadcast_in_dim3A_2032 = arith.constant 1.000000e+00 : bf16
    %broadcast_in_dim3A_2033 = vector.broadcast %broadcast_in_dim3A_2032 : bf16 to vector<1x2048xbf16>
    %swap3A_2034 = arith.constant 0 : index
    %swap3A_2035 = arith.constant 0 : index
    %swap3A_2036 = vector.load %arg6[%swap3A_2034, %swap3A_2035] : memref<1x2048xbf16, #tpu.memory_space<vmem>>, vector<1x2048xbf16>
    tpu.vector_store %arg6[%swap3A_2034, %swap3A_2035], %broadcast_in_dim3A_2033 {strides = array<i32>} : memref<1x2048xbf16, #tpu.memory_space<vmem>>, vector<1x2048xbf16>,
    %while3A_2037 = arith.constant 1 : i32
    %while3A_2038 = scf.while (%while3A_3785 = %while3A_2037) : (i32) -> i32 {
      %gt3A_3786 = arith.constant 0 : i32
      %gt3A_3787 = arith.cmpi sgt, %while3A_3785, %gt3A_3786 : i32
      scf.condition(%gt3A_3787) %while3A_3785 : i32
    } do {
    ^bb0(%while3A_3785: i32):
      %get3A_3786 = arith.constant 0 : index
      %get3A_3787 = arith.constant 0 : index
      %get3A_3788 = vector.load %arg6[%get3A_3786, %get3A_3787] : memref<1x2048xbf16, #tpu.memory_space<vmem>>, vector<1x2048xbf16>
      %get3A_3789 = arith.constant 0 : index
      %get3A_3790 = arith.constant 0 : index
      %get3A_3791 = vector.load %arg5[%get3A_3789, %get3A_3790] : memref<2048x2048xbf16, #tpu.memory_space<vmem>>, vector<2048x2048xbf16>
      %dot_general3A = arith.constant dense<0.000000e+00> : vector<1x2048xf32>
      %dot_general3A_3792 = tpu.matmul %get3A_3788, %get3A_3791, %dot_general3A {dimension_numbers = #tpu.dot_dimension_numbers<[1], [0], [0], [1], [0, 0, 1, 1], [], []>, transpose_lhs_hint = false} : vector<1x2048xbf16>, vector<2048x2048xbf16>, vector<1x2048xf32> -> vector<1x2048xf32>
      %lt3A_3793 = arith.constant 5.000000e-01 : f32
      %lt3A_3794 = vector.broadcast %lt3A_3793 : f32 to vector<1x2048xf32>
      %lt3A_3795 = arith.cmpf olt, %dot_general3A_3792, %lt3A_3794 : vector<1x2048xf32>
      %convert_element_type3A_3796 = arith.extui %lt3A_3795 : vector<1x2048xi1> to vector<1x2048xi32>
      %convert_element_type3A_3797 = arith.sitofp %convert_element_type3A_3796 : vector<1x2048xi32> to vector<1x2048xf32>
      %convert_element_type3A_3798 = arith.truncf %convert_element_type3A_3797 : vector<1x2048xf32> to vector<1x2048xbf16>
      %sub3A_3799 = arith.subf %convert_element_type3A_3798, %get3A_3788 : vector<1x2048xbf16>
      %convert_element_type3A_3800 = arith.extf %sub3A_3799 : vector<1x2048xbf16> to vector<1x2048xf32>
      %abs3A = math.absf %convert_element_type3A_3800 : vector<1x2048xf32>
      %reduce_sum3A_3801 = vector.shape_cast %abs3A : vector<1x2048xf32> to vector<1x1x2048xf32>
      %reduce_sum3A_3802 = arith.constant dense<0.000000e+00> : vector<1xf32>
      %reduce_sum3A_3803 = vector.multi_reduction <add>, %reduce_sum3A_3801, %reduce_sum3A_3802 [1, 2] : vector<1x1x2048xf32> to vector<1xf32>
      %reduce_sum3A_3804 = vector.shape_cast %reduce_sum3A_3803 : vector<1xf32> to vector<1x1x1xf32>
      %reduce_sum3A_3805 = vector.extract %reduce_sum3A_3804[0, 0, 0] : f32 from vector<1x1x1xf32>
      %swap3A_3806 = arith.constant 0 : index
      %swap3A_3807 = arith.constant 0 : index
      %swap3A_3808 = vector.load %arg6[%swap3A_3806, %swap3A_3807] : memref<1x2048xbf16, #tpu.memory_space<vmem>>, vector<1x2048xbf16>
      tpu.vector_store %arg6[%swap3A_3806, %swap3A_3807], %convert_element_type3A_3798 {strides = array<i32>} : memref<1x2048xbf16, #tpu.memory_space<vmem>>, vector<1x2048xbf16>,
      %gt3A_3809 = arith.constant 0.000000e+00 : f32
      %gt3A_3810 = arith.cmpf ogt, %reduce_sum3A_3805, %gt3A_3809 : f32
      %convert_element_type3A_3811 = arith.extui %gt3A_3810 : i1 to i32
      scf.yield %convert_element_type3A_3811 : i32
    }
    %get3A_2039 = arith.constant 0 : index
    %get3A_2040 = arith.constant 0 : index
    %get3A_2041 = vector.load %arg6[%get3A_2039, %get3A_2040] : memref<1x2048xbf16, #tpu.memory_space<vmem>>, vector<1x2048xbf16>
    %convert_element_type3A_2042 = arith.extf %get3A_2041 : vector<1x2048xbf16> to vector<1x2048xf32>
    %slice3A_2043 = vector.extract_strided_slice %get3A_3 {offsets = [0, 11], sizes = [2048, 1], strides = [1, 1]} : vector<2048x16xf32> to vector<2048x1xf32>
    %slice3A_2044 = vector.extract_strided_slice %get3A_3 {offsets = [0, 13], sizes = [2048, 1], strides = [1, 1]} : vector<2048x16xf32> to vector<2048x1xf32>
    %concatenate3A_2045 = tpu.concatenate %slice3A_2043, %slice3A_2044 in 1 : vector<2048x1xf32>, vector<2048x1xf32> -> vector<2048x2xf32>
    %gt3A_2046 = arith.constant 5.000000e-01 : f32
    %gt3A_2047 = vector.broadcast %gt3A_2046 : f32 to vector<1x2048xf32>
    %gt3A_2048 = arith.cmpf ogt, %convert_element_type3A_2042, %gt3A_2047 : vector<1x2048xf32>
    %and3A_2049 = arith.andi %gt3A_2048, %lt3A_1 : vector<1x2048xi1>
    %jit3A_2050 = arith.constant -3.000000e+38 : f32
    %broadcast_in_dim3A_2051 = vector.broadcast %jit3A_2050 : f32 to vector<1x2048xf32>
    %select_n3A_2052 = arith.select %and3A_2049, %slice3A_1339, %broadcast_in_dim3A_2051 : vector<1x2048xi1>, vector<1x2048xf32>
    %broadcast_in_dim3A_2053 = arith.constant 0.000000e+00 : f32
    %broadcast_in_dim3A_2054 = vector.broadcast %broadcast_in_dim3A_2053 : f32 to vector<1x2048xf32>
    %iota3A_2055 = tpu.iota {dimensions = array<i32: 0>} : vector<256x256xi32>
    %iota3A_2056 = tpu.iota {dimensions = array<i32: 1>} : vector<256x256xi32>
    %eq3A_2057 = arith.cmpi eq, %iota3A_2055, %iota3A_2056 : vector<256x256xi32>
    %slice3A_2058 = vector.extract_strided_slice %convert_element_type3A_2042 {offsets = [0, 0], sizes = [1, 256], strides = [1, 1]} : vector<1x2048xf32> to vector<1x256xf32>
    %jit3A_2059 = arith.constant 0.000000e+00 : f32
    %broadcast_in_dim3A_2060 = vector.shape_cast %slice3A_2058 : vector<1x256xf32> to vector<1x256xf32>
    %broadcast_in_dim3A_2061 = vector.broadcast %broadcast_in_dim3A_2060 : vector<1x256xf32> to vector<256x256xf32>
    %broadcast_in_dim3A_2062 = vector.broadcast %jit3A_2059 : f32 to vector<256x256xf32>
    %select_n3A_2063 = arith.select %eq3A_2057, %broadcast_in_dim3A_2061, %broadcast_in_dim3A_2062 : vector<256x256xi1>, vector<256x256xf32>
    %reduce_sum3A_2064 = arith.constant dense<0.000000e+00> : vector<256xf32>
    %reduce_sum3A_2065 = vector.multi_reduction <add>, %select_n3A_2063, %reduce_sum3A_2064 [1] : vector<256x256xf32> to vector<256xf32>
    %broadcast_in_dim3A_2066 = vector.shape_cast %reduce_sum3A_2065 : vector<256xf32> to vector<256x1xf32>
    %iota3A_2067 = tpu.iota {dimensions = array<i32: 0>} : vector<256x1xi32>
    %add3A_2068 = arith.constant 0 : i32
    %add3A_2069 = vector.broadcast %add3A_2068 : i32 to vector<256x1xi32>
    %add3A_2070 = arith.addi %iota3A_2067, %add3A_2069 : vector<256x1xi32>
    %lt3A_2071 = arith.constant 2000 : i32
    %lt3A_2072 = vector.broadcast %lt3A_2071 : i32 to vector<256x1xi32>
    %lt3A_2073 = arith.cmpi slt, %add3A_2070, %lt3A_2072 : vector<256x1xi32>
    %slice3A_2074 = vector.extract_strided_slice %concatenate3A_2045 {offsets = [0, 0], sizes = [256, 1], strides = [1, 1]} : vector<2048x2xf32> to vector<256x1xf32>
    %slice3A_2075 = vector.extract_strided_slice %concatenate3A_2045 {offsets = [0, 1], sizes = [256, 1], strides = [1, 1]} : vector<2048x2xf32> to vector<256x1xf32>
    %gt3A_2076 = arith.constant 5.000000e-01 : f32
    %gt3A_2077 = vector.broadcast %gt3A_2076 : f32 to vector<256x1xf32>
    %gt3A_2078 = arith.cmpf ogt, %broadcast_in_dim3A_2066, %gt3A_2077 : vector<256x1xf32>
    %and3A_2079 = arith.andi %gt3A_2078, %lt3A_2073 : vector<256x1xi1>
    %jit3A_2080 = arith.constant -3.000000e+38 : f32
    %broadcast_in_dim3A_2081 = vector.broadcast %jit3A_2080 : f32 to vector<256x1xf32>
    %select_n3A_2082 = arith.select %and3A_2079, %slice3A_2074, %broadcast_in_dim3A_2081 : vector<256x1xi1>, vector<256x1xf32>
    %gt3A_2083 = vector.broadcast %select_n3A_2082 : vector<256x1xf32> to vector<256x2048xf32>
    %gt3A_2084 = vector.broadcast %select_n3A_2052 : vector<1x2048xf32> to vector<256x2048xf32>
    %gt3A_2085 = arith.cmpf ogt, %gt3A_2083, %gt3A_2084 : vector<256x2048xf32>
    %eq3A_2086 = vector.broadcast %select_n3A_2082 : vector<256x1xf32> to vector<256x2048xf32>
    %eq3A_2087 = vector.broadcast %select_n3A_2052 : vector<1x2048xf32> to vector<256x2048xf32>
    %eq3A_2088 = arith.cmpf oeq, %eq3A_2086, %eq3A_2087 : vector<256x2048xf32>
    %lt3A_2089 = vector.broadcast %slice3A_2075 : vector<256x1xf32> to vector<256x2048xf32>
    %lt3A_2090 = vector.broadcast %slice3A_1340 : vector<1x2048xf32> to vector<256x2048xf32>
    %lt3A_2091 = arith.cmpf olt, %lt3A_2089, %lt3A_2090 : vector<256x2048xf32>
    %and3A_2092 = arith.andi %eq3A_2088, %lt3A_2091 : vector<256x2048xi1>
    %or3A_2093 = arith.ori %gt3A_2085, %and3A_2092 : vector<256x2048xi1>
    %convert_element_type3A_2094 = arith.extui %or3A_2093 : vector<256x2048xi1> to vector<256x2048xi32>
    %convert_element_type3A_2095 = arith.sitofp %convert_element_type3A_2094 : vector<256x2048xi32> to vector<256x2048xf32>
    %reduce_sum3A_2096 = arith.constant dense<0.000000e+00> : vector<2048xf32>
    %reduce_sum3A_2097 = vector.multi_reduction <add>, %convert_element_type3A_2095, %reduce_sum3A_2096 [0] : vector<256x2048xf32> to vector<2048xf32>
    %broadcast_in_dim3A_2098 = vector.shape_cast %reduce_sum3A_2097 : vector<2048xf32> to vector<1x2048xf32>
    %add3A_2099 = arith.addf %broadcast_in_dim3A_2054, %broadcast_in_dim3A_2098 : vector<1x2048xf32>
    %iota3A_2100 = tpu.iota {dimensions = array<i32: 0>} : vector<256x256xi32>
    %iota3A_2101 = tpu.iota {dimensions = array<i32: 1>} : vector<256x256xi32>
    %eq3A_2102 = arith.cmpi eq, %iota3A_2100, %iota3A_2101 : vector<256x256xi32>
    %slice3A_2103 = vector.extract_strided_slice %convert_element_type3A_2042 {offsets = [0, 256], sizes = [1, 256], strides = [1, 1]} : vector<1x2048xf32> to vector<1x256xf32>
    %jit3A_2104 = arith.constant 0.000000e+00 : f32
    %broadcast_in_dim3A_2105 = vector.shape_cast %slice3A_2103 : vector<1x256xf32> to vector<1x256xf32>
    %broadcast_in_dim3A_2106 = vector.broadcast %broadcast_in_dim3A_2105 : vector<1x256xf32> to vector<256x256xf32>
    %broadcast_in_dim3A_2107 = vector.broadcast %jit3A_2104 : f32 to vector<256x256xf32>
    %select_n3A_2108 = arith.select %eq3A_2102, %broadcast_in_dim3A_2106, %broadcast_in_dim3A_2107 : vector<256x256xi1>, vector<256x256xf32>
    %reduce_sum3A_2109 = arith.constant dense<0.000000e+00> : vector<256xf32>
    %reduce_sum3A_2110 = vector.multi_reduction <add>, %select_n3A_2108, %reduce_sum3A_2109 [1] : vector<256x256xf32> to vector<256xf32>
    %broadcast_in_dim3A_2111 = vector.shape_cast %reduce_sum3A_2110 : vector<256xf32> to vector<256x1xf32>
    %iota3A_2112 = tpu.iota {dimensions = array<i32: 0>} : vector<256x1xi32>
    %add3A_2113 = arith.constant 256 : i32
    %add3A_2114 = vector.broadcast %add3A_2113 : i32 to vector<256x1xi32>
    %add3A_2115 = arith.addi %iota3A_2112, %add3A_2114 : vector<256x1xi32>
    %lt3A_2116 = arith.constant 2000 : i32
    %lt3A_2117 = vector.broadcast %lt3A_2116 : i32 to vector<256x1xi32>
    %lt3A_2118 = arith.cmpi slt, %add3A_2115, %lt3A_2117 : vector<256x1xi32>
    %slice3A_2119 = vector.extract_strided_slice %concatenate3A_2045 {offsets = [256, 0], sizes = [256, 1], strides = [1, 1]} : vector<2048x2xf32> to vector<256x1xf32>
    %slice3A_2120 = vector.extract_strided_slice %concatenate3A_2045 {offsets = [256, 1], sizes = [256, 1], strides = [1, 1]} : vector<2048x2xf32> to vector<256x1xf32>
    %gt3A_2121 = arith.constant 5.000000e-01 : f32
    %gt3A_2122 = vector.broadcast %gt3A_2121 : f32 to vector<256x1xf32>
    %gt3A_2123 = arith.cmpf ogt, %broadcast_in_dim3A_2111, %gt3A_2122 : vector<256x1xf32>
    %and3A_2124 = arith.andi %gt3A_2123, %lt3A_2118 : vector<256x1xi1>
    %jit3A_2125 = arith.constant -3.000000e+38 : f32
    %broadcast_in_dim3A_2126 = vector.broadcast %jit3A_2125 : f32 to vector<256x1xf32>
    %select_n3A_2127 = arith.select %and3A_2124, %slice3A_2119, %broadcast_in_dim3A_2126 : vector<256x1xi1>, vector<256x1xf32>
    %gt3A_2128 = vector.broadcast %select_n3A_2127 : vector<256x1xf32> to vector<256x2048xf32>
    %gt3A_2129 = vector.broadcast %select_n3A_2052 : vector<1x2048xf32> to vector<256x2048xf32>
    %gt3A_2130 = arith.cmpf ogt, %gt3A_2128, %gt3A_2129 : vector<256x2048xf32>
    %eq3A_2131 = vector.broadcast %select_n3A_2127 : vector<256x1xf32> to vector<256x2048xf32>
    %eq3A_2132 = vector.broadcast %select_n3A_2052 : vector<1x2048xf32> to vector<256x2048xf32>
    %eq3A_2133 = arith.cmpf oeq, %eq3A_2131, %eq3A_2132 : vector<256x2048xf32>
    %lt3A_2134 = vector.broadcast %slice3A_2120 : vector<256x1xf32> to vector<256x2048xf32>
    %lt3A_2135 = vector.broadcast %slice3A_1340 : vector<1x2048xf32> to vector<256x2048xf32>
    %lt3A_2136 = arith.cmpf olt, %lt3A_2134, %lt3A_2135 : vector<256x2048xf32>
    %and3A_2137 = arith.andi %eq3A_2133, %lt3A_2136 : vector<256x2048xi1>
    %or3A_2138 = arith.ori %gt3A_2130, %and3A_2137 : vector<256x2048xi1>
    %convert_element_type3A_2139 = arith.extui %or3A_2138 : vector<256x2048xi1> to vector<256x2048xi32>
    %convert_element_type3A_2140 = arith.sitofp %convert_element_type3A_2139 : vector<256x2048xi32> to vector<256x2048xf32>
    %reduce_sum3A_2141 = arith.constant dense<0.000000e+00> : vector<2048xf32>
    %reduce_sum3A_2142 = vector.multi_reduction <add>, %convert_element_type3A_2140, %reduce_sum3A_2141 [0] : vector<256x2048xf32> to vector<2048xf32>
    %broadcast_in_dim3A_2143 = vector.shape_cast %reduce_sum3A_2142 : vector<2048xf32> to vector<1x2048xf32>
    %add3A_2144 = arith.addf %add3A_2099, %broadcast_in_dim3A_2143 : vector<1x2048xf32>
    %iota3A_2145 = tpu.iota {dimensions = array<i32: 0>} : vector<256x256xi32>
    %iota3A_2146 = tpu.iota {dimensions = array<i32: 1>} : vector<256x256xi32>
    %eq3A_2147 = arith.cmpi eq, %iota3A_2145, %iota3A_2146 : vector<256x256xi32>
    %slice3A_2148 = vector.extract_strided_slice %convert_element_type3A_2042 {offsets = [0, 512], sizes = [1, 256], strides = [1, 1]} : vector<1x2048xf32> to vector<1x256xf32>
    %jit3A_2149 = arith.constant 0.000000e+00 : f32
    %broadcast_in_dim3A_2150 = vector.shape_cast %slice3A_2148 : vector<1x256xf32> to vector<1x256xf32>
    %broadcast_in_dim3A_2151 = vector.broadcast %broadcast_in_dim3A_2150 : vector<1x256xf32> to vector<256x256xf32>
    %broadcast_in_dim3A_2152 = vector.broadcast %jit3A_2149 : f32 to vector<256x256xf32>
    %select_n3A_2153 = arith.select %eq3A_2147, %broadcast_in_dim3A_2151, %broadcast_in_dim3A_2152 : vector<256x256xi1>, vector<256x256xf32>
    %reduce_sum3A_2154 = arith.constant dense<0.000000e+00> : vector<256xf32>
    %reduce_sum3A_2155 = vector.multi_reduction <add>, %select_n3A_2153, %reduce_sum3A_2154 [1] : vector<256x256xf32> to vector<256xf32>
    %broadcast_in_dim3A_2156 = vector.shape_cast %reduce_sum3A_2155 : vector<256xf32> to vector<256x1xf32>
    %iota3A_2157 = tpu.iota {dimensions = array<i32: 0>} : vector<256x1xi32>
    %add3A_2158 = arith.constant 512 : i32
    %add3A_2159 = vector.broadcast %add3A_2158 : i32 to vector<256x1xi32>
    %add3A_2160 = arith.addi %iota3A_2157, %add3A_2159 : vector<256x1xi32>
    %lt3A_2161 = arith.constant 2000 : i32
    %lt3A_2162 = vector.broadcast %lt3A_2161 : i32 to vector<256x1xi32>
    %lt3A_2163 = arith.cmpi slt, %add3A_2160, %lt3A_2162 : vector<256x1xi32>
    %slice3A_2164 = vector.extract_strided_slice %concatenate3A_2045 {offsets = [512, 0], sizes = [256, 1], strides = [1, 1]} : vector<2048x2xf32> to vector<256x1xf32>
    %slice3A_2165 = vector.extract_strided_slice %concatenate3A_2045 {offsets = [512, 1], sizes = [256, 1], strides = [1, 1]} : vector<2048x2xf32> to vector<256x1xf32>
    %gt3A_2166 = arith.constant 5.000000e-01 : f32
    %gt3A_2167 = vector.broadcast %gt3A_2166 : f32 to vector<256x1xf32>
    %gt3A_2168 = arith.cmpf ogt, %broadcast_in_dim3A_2156, %gt3A_2167 : vector<256x1xf32>
    %and3A_2169 = arith.andi %gt3A_2168, %lt3A_2163 : vector<256x1xi1>
    %jit3A_2170 = arith.constant -3.000000e+38 : f32
    %broadcast_in_dim3A_2171 = vector.broadcast %jit3A_2170 : f32 to vector<256x1xf32>
    %select_n3A_2172 = arith.select %and3A_2169, %slice3A_2164, %broadcast_in_dim3A_2171 : vector<256x1xi1>, vector<256x1xf32>
    %gt3A_2173 = vector.broadcast %select_n3A_2172 : vector<256x1xf32> to vector<256x2048xf32>
    %gt3A_2174 = vector.broadcast %select_n3A_2052 : vector<1x2048xf32> to vector<256x2048xf32>
    %gt3A_2175 = arith.cmpf ogt, %gt3A_2173, %gt3A_2174 : vector<256x2048xf32>
    %eq3A_2176 = vector.broadcast %select_n3A_2172 : vector<256x1xf32> to vector<256x2048xf32>
    %eq3A_2177 = vector.broadcast %select_n3A_2052 : vector<1x2048xf32> to vector<256x2048xf32>
    %eq3A_2178 = arith.cmpf oeq, %eq3A_2176, %eq3A_2177 : vector<256x2048xf32>
    %lt3A_2179 = vector.broadcast %slice3A_2165 : vector<256x1xf32> to vector<256x2048xf32>
    %lt3A_2180 = vector.broadcast %slice3A_1340 : vector<1x2048xf32> to vector<256x2048xf32>
    %lt3A_2181 = arith.cmpf olt, %lt3A_2179, %lt3A_2180 : vector<256x2048xf32>
    %and3A_2182 = arith.andi %eq3A_2178, %lt3A_2181 : vector<256x2048xi1>
    %or3A_2183 = arith.ori %gt3A_2175, %and3A_2182 : vector<256x2048xi1>
    %convert_element_type3A_2184 = arith.extui %or3A_2183 : vector<256x2048xi1> to vector<256x2048xi32>
    %convert_element_type3A_2185 = arith.sitofp %convert_element_type3A_2184 : vector<256x2048xi32> to vector<256x2048xf32>
    %reduce_sum3A_2186 = arith.constant dense<0.000000e+00> : vector<2048xf32>
    %reduce_sum3A_2187 = vector.multi_reduction <add>, %convert_element_type3A_2185, %reduce_sum3A_2186 [0] : vector<256x2048xf32> to vector<2048xf32>
    %broadcast_in_dim3A_2188 = vector.shape_cast %reduce_sum3A_2187 : vector<2048xf32> to vector<1x2048xf32>
    %add3A_2189 = arith.addf %add3A_2144, %broadcast_in_dim3A_2188 : vector<1x2048xf32>
    %iota3A_2190 = tpu.iota {dimensions = array<i32: 0>} : vector<256x256xi32>
    %iota3A_2191 = tpu.iota {dimensions = array<i32: 1>} : vector<256x256xi32>
    %eq3A_2192 = arith.cmpi eq, %iota3A_2190, %iota3A_2191 : vector<256x256xi32>
    %slice3A_2193 = vector.extract_strided_slice %convert_element_type3A_2042 {offsets = [0, 768], sizes = [1, 256], strides = [1, 1]} : vector<1x2048xf32> to vector<1x256xf32>
    %jit3A_2194 = arith.constant 0.000000e+00 : f32
    %broadcast_in_dim3A_2195 = vector.shape_cast %slice3A_2193 : vector<1x256xf32> to vector<1x256xf32>
    %broadcast_in_dim3A_2196 = vector.broadcast %broadcast_in_dim3A_2195 : vector<1x256xf32> to vector<256x256xf32>
    %broadcast_in_dim3A_2197 = vector.broadcast %jit3A_2194 : f32 to vector<256x256xf32>
    %select_n3A_2198 = arith.select %eq3A_2192, %broadcast_in_dim3A_2196, %broadcast_in_dim3A_2197 : vector<256x256xi1>, vector<256x256xf32>
    %reduce_sum3A_2199 = arith.constant dense<0.000000e+00> : vector<256xf32>
    %reduce_sum3A_2200 = vector.multi_reduction <add>, %select_n3A_2198, %reduce_sum3A_2199 [1] : vector<256x256xf32> to vector<256xf32>
    %broadcast_in_dim3A_2201 = vector.shape_cast %reduce_sum3A_2200 : vector<256xf32> to vector<256x1xf32>
    %iota3A_2202 = tpu.iota {dimensions = array<i32: 0>} : vector<256x1xi32>
    %add3A_2203 = arith.constant 768 : i32
    %add3A_2204 = vector.broadcast %add3A_2203 : i32 to vector<256x1xi32>
    %add3A_2205 = arith.addi %iota3A_2202, %add3A_2204 : vector<256x1xi32>
    %lt3A_2206 = arith.constant 2000 : i32
    %lt3A_2207 = vector.broadcast %lt3A_2206 : i32 to vector<256x1xi32>
    %lt3A_2208 = arith.cmpi slt, %add3A_2205, %lt3A_2207 : vector<256x1xi32>
    %slice3A_2209 = vector.extract_strided_slice %concatenate3A_2045 {offsets = [768, 0], sizes = [256, 1], strides = [1, 1]} : vector<2048x2xf32> to vector<256x1xf32>
    %slice3A_2210 = vector.extract_strided_slice %concatenate3A_2045 {offsets = [768, 1], sizes = [256, 1], strides = [1, 1]} : vector<2048x2xf32> to vector<256x1xf32>
    %gt3A_2211 = arith.constant 5.000000e-01 : f32
    %gt3A_2212 = vector.broadcast %gt3A_2211 : f32 to vector<256x1xf32>
    %gt3A_2213 = arith.cmpf ogt, %broadcast_in_dim3A_2201, %gt3A_2212 : vector<256x1xf32>
    %and3A_2214 = arith.andi %gt3A_2213, %lt3A_2208 : vector<256x1xi1>
    %jit3A_2215 = arith.constant -3.000000e+38 : f32
    %broadcast_in_dim3A_2216 = vector.broadcast %jit3A_2215 : f32 to vector<256x1xf32>
    %select_n3A_2217 = arith.select %and3A_2214, %slice3A_2209, %broadcast_in_dim3A_2216 : vector<256x1xi1>, vector<256x1xf32>
    %gt3A_2218 = vector.broadcast %select_n3A_2217 : vector<256x1xf32> to vector<256x2048xf32>
    %gt3A_2219 = vector.broadcast %select_n3A_2052 : vector<1x2048xf32> to vector<256x2048xf32>
    %gt3A_2220 = arith.cmpf ogt, %gt3A_2218, %gt3A_2219 : vector<256x2048xf32>
    %eq3A_2221 = vector.broadcast %select_n3A_2217 : vector<256x1xf32> to vector<256x2048xf32>
    %eq3A_2222 = vector.broadcast %select_n3A_2052 : vector<1x2048xf32> to vector<256x2048xf32>
    %eq3A_2223 = arith.cmpf oeq, %eq3A_2221, %eq3A_2222 : vector<256x2048xf32>
    %lt3A_2224 = vector.broadcast %slice3A_2210 : vector<256x1xf32> to vector<256x2048xf32>
    %lt3A_2225 = vector.broadcast %slice3A_1340 : vector<1x2048xf32> to vector<256x2048xf32>
    %lt3A_2226 = arith.cmpf olt, %lt3A_2224, %lt3A_2225 : vector<256x2048xf32>
    %and3A_2227 = arith.andi %eq3A_2223, %lt3A_2226 : vector<256x2048xi1>
    %or3A_2228 = arith.ori %gt3A_2220, %and3A_2227 : vector<256x2048xi1>
    %convert_element_type3A_2229 = arith.extui %or3A_2228 : vector<256x2048xi1> to vector<256x2048xi32>
    %convert_element_type3A_2230 = arith.sitofp %convert_element_type3A_2229 : vector<256x2048xi32> to vector<256x2048xf32>
    %reduce_sum3A_2231 = arith.constant dense<0.000000e+00> : vector<2048xf32>
    %reduce_sum3A_2232 = vector.multi_reduction <add>, %convert_element_type3A_2230, %reduce_sum3A_2231 [0] : vector<256x2048xf32> to vector<2048xf32>
    %broadcast_in_dim3A_2233 = vector.shape_cast %reduce_sum3A_2232 : vector<2048xf32> to vector<1x2048xf32>
    %add3A_2234 = arith.addf %add3A_2189, %broadcast_in_dim3A_2233 : vector<1x2048xf32>
    %iota3A_2235 = tpu.iota {dimensions = array<i32: 0>} : vector<256x256xi32>
    %iota3A_2236 = tpu.iota {dimensions = array<i32: 1>} : vector<256x256xi32>
    %eq3A_2237 = arith.cmpi eq, %iota3A_2235, %iota3A_2236 : vector<256x256xi32>
    %slice3A_2238 = vector.extract_strided_slice %convert_element_type3A_2042 {offsets = [0, 1024], sizes = [1, 256], strides = [1, 1]} : vector<1x2048xf32> to vector<1x256xf32>
    %jit3A_2239 = arith.constant 0.000000e+00 : f32
    %broadcast_in_dim3A_2240 = vector.shape_cast %slice3A_2238 : vector<1x256xf32> to vector<1x256xf32>
    %broadcast_in_dim3A_2241 = vector.broadcast %broadcast_in_dim3A_2240 : vector<1x256xf32> to vector<256x256xf32>
    %broadcast_in_dim3A_2242 = vector.broadcast %jit3A_2239 : f32 to vector<256x256xf32>
    %select_n3A_2243 = arith.select %eq3A_2237, %broadcast_in_dim3A_2241, %broadcast_in_dim3A_2242 : vector<256x256xi1>, vector<256x256xf32>
    %reduce_sum3A_2244 = arith.constant dense<0.000000e+00> : vector<256xf32>
    %reduce_sum3A_2245 = vector.multi_reduction <add>, %select_n3A_2243, %reduce_sum3A_2244 [1] : vector<256x256xf32> to vector<256xf32>
    %broadcast_in_dim3A_2246 = vector.shape_cast %reduce_sum3A_2245 : vector<256xf32> to vector<256x1xf32>
    %iota3A_2247 = tpu.iota {dimensions = array<i32: 0>} : vector<256x1xi32>
    %add3A_2248 = arith.constant 1024 : i32
    %add3A_2249 = vector.broadcast %add3A_2248 : i32 to vector<256x1xi32>
    %add3A_2250 = arith.addi %iota3A_2247, %add3A_2249 : vector<256x1xi32>
    %lt3A_2251 = arith.constant 2000 : i32
    %lt3A_2252 = vector.broadcast %lt3A_2251 : i32 to vector<256x1xi32>
    %lt3A_2253 = arith.cmpi slt, %add3A_2250, %lt3A_2252 : vector<256x1xi32>
    %slice3A_2254 = vector.extract_strided_slice %concatenate3A_2045 {offsets = [1024, 0], sizes = [256, 1], strides = [1, 1]} : vector<2048x2xf32> to vector<256x1xf32>
    %slice3A_2255 = vector.extract_strided_slice %concatenate3A_2045 {offsets = [1024, 1], sizes = [256, 1], strides = [1, 1]} : vector<2048x2xf32> to vector<256x1xf32>
    %gt3A_2256 = arith.constant 5.000000e-01 : f32
    %gt3A_2257 = vector.broadcast %gt3A_2256 : f32 to vector<256x1xf32>
    %gt3A_2258 = arith.cmpf ogt, %broadcast_in_dim3A_2246, %gt3A_2257 : vector<256x1xf32>
    %and3A_2259 = arith.andi %gt3A_2258, %lt3A_2253 : vector<256x1xi1>
    %jit3A_2260 = arith.constant -3.000000e+38 : f32
    %broadcast_in_dim3A_2261 = vector.broadcast %jit3A_2260 : f32 to vector<256x1xf32>
    %select_n3A_2262 = arith.select %and3A_2259, %slice3A_2254, %broadcast_in_dim3A_2261 : vector<256x1xi1>, vector<256x1xf32>
    %gt3A_2263 = vector.broadcast %select_n3A_2262 : vector<256x1xf32> to vector<256x2048xf32>
    %gt3A_2264 = vector.broadcast %select_n3A_2052 : vector<1x2048xf32> to vector<256x2048xf32>
    %gt3A_2265 = arith.cmpf ogt, %gt3A_2263, %gt3A_2264 : vector<256x2048xf32>
    %eq3A_2266 = vector.broadcast %select_n3A_2262 : vector<256x1xf32> to vector<256x2048xf32>
    %eq3A_2267 = vector.broadcast %select_n3A_2052 : vector<1x2048xf32> to vector<256x2048xf32>
    %eq3A_2268 = arith.cmpf oeq, %eq3A_2266, %eq3A_2267 : vector<256x2048xf32>
    %lt3A_2269 = vector.broadcast %slice3A_2255 : vector<256x1xf32> to vector<256x2048xf32>
    %lt3A_2270 = vector.broadcast %slice3A_1340 : vector<1x2048xf32> to vector<256x2048xf32>
    %lt3A_2271 = arith.cmpf olt, %lt3A_2269, %lt3A_2270 : vector<256x2048xf32>
    %and3A_2272 = arith.andi %eq3A_2268, %lt3A_2271 : vector<256x2048xi1>
    %or3A_2273 = arith.ori %gt3A_2265, %and3A_2272 : vector<256x2048xi1>
    %convert_element_type3A_2274 = arith.extui %or3A_2273 : vector<256x2048xi1> to vector<256x2048xi32>
    %convert_element_type3A_2275 = arith.sitofp %convert_element_type3A_2274 : vector<256x2048xi32> to vector<256x2048xf32>
    %reduce_sum3A_2276 = arith.constant dense<0.000000e+00> : vector<2048xf32>
    %reduce_sum3A_2277 = vector.multi_reduction <add>, %convert_element_type3A_2275, %reduce_sum3A_2276 [0] : vector<256x2048xf32> to vector<2048xf32>
    %broadcast_in_dim3A_2278 = vector.shape_cast %reduce_sum3A_2277 : vector<2048xf32> to vector<1x2048xf32>
    %add3A_2279 = arith.addf %add3A_2234, %broadcast_in_dim3A_2278 : vector<1x2048xf32>
    %iota3A_2280 = tpu.iota {dimensions = array<i32: 0>} : vector<256x256xi32>
    %iota3A_2281 = tpu.iota {dimensions = array<i32: 1>} : vector<256x256xi32>
    %eq3A_2282 = arith.cmpi eq, %iota3A_2280, %iota3A_2281 : vector<256x256xi32>
    %slice3A_2283 = vector.extract_strided_slice %convert_element_type3A_2042 {offsets = [0, 1280], sizes = [1, 256], strides = [1, 1]} : vector<1x2048xf32> to vector<1x256xf32>
    %jit3A_2284 = arith.constant 0.000000e+00 : f32
    %broadcast_in_dim3A_2285 = vector.shape_cast %slice3A_2283 : vector<1x256xf32> to vector<1x256xf32>
    %broadcast_in_dim3A_2286 = vector.broadcast %broadcast_in_dim3A_2285 : vector<1x256xf32> to vector<256x256xf32>
    %broadcast_in_dim3A_2287 = vector.broadcast %jit3A_2284 : f32 to vector<256x256xf32>
    %select_n3A_2288 = arith.select %eq3A_2282, %broadcast_in_dim3A_2286, %broadcast_in_dim3A_2287 : vector<256x256xi1>, vector<256x256xf32>
    %reduce_sum3A_2289 = arith.constant dense<0.000000e+00> : vector<256xf32>
    %reduce_sum3A_2290 = vector.multi_reduction <add>, %select_n3A_2288, %reduce_sum3A_2289 [1] : vector<256x256xf32> to vector<256xf32>
    %broadcast_in_dim3A_2291 = vector.shape_cast %reduce_sum3A_2290 : vector<256xf32> to vector<256x1xf32>
    %iota3A_2292 = tpu.iota {dimensions = array<i32: 0>} : vector<256x1xi32>
    %add3A_2293 = arith.constant 1280 : i32
    %add3A_2294 = vector.broadcast %add3A_2293 : i32 to vector<256x1xi32>
    %add3A_2295 = arith.addi %iota3A_2292, %add3A_2294 : vector<256x1xi32>
    %lt3A_2296 = arith.constant 2000 : i32
    %lt3A_2297 = vector.broadcast %lt3A_2296 : i32 to vector<256x1xi32>
    %lt3A_2298 = arith.cmpi slt, %add3A_2295, %lt3A_2297 : vector<256x1xi32>
    %slice3A_2299 = vector.extract_strided_slice %concatenate3A_2045 {offsets = [1280, 0], sizes = [256, 1], strides = [1, 1]} : vector<2048x2xf32> to vector<256x1xf32>
    %slice3A_2300 = vector.extract_strided_slice %concatenate3A_2045 {offsets = [1280, 1], sizes = [256, 1], strides = [1, 1]} : vector<2048x2xf32> to vector<256x1xf32>
    %gt3A_2301 = arith.constant 5.000000e-01 : f32
    %gt3A_2302 = vector.broadcast %gt3A_2301 : f32 to vector<256x1xf32>
    %gt3A_2303 = arith.cmpf ogt, %broadcast_in_dim3A_2291, %gt3A_2302 : vector<256x1xf32>
    %and3A_2304 = arith.andi %gt3A_2303, %lt3A_2298 : vector<256x1xi1>
    %jit3A_2305 = arith.constant -3.000000e+38 : f32
    %broadcast_in_dim3A_2306 = vector.broadcast %jit3A_2305 : f32 to vector<256x1xf32>
    %select_n3A_2307 = arith.select %and3A_2304, %slice3A_2299, %broadcast_in_dim3A_2306 : vector<256x1xi1>, vector<256x1xf32>
    %gt3A_2308 = vector.broadcast %select_n3A_2307 : vector<256x1xf32> to vector<256x2048xf32>
    %gt3A_2309 = vector.broadcast %select_n3A_2052 : vector<1x2048xf32> to vector<256x2048xf32>
    %gt3A_2310 = arith.cmpf ogt, %gt3A_2308, %gt3A_2309 : vector<256x2048xf32>
    %eq3A_2311 = vector.broadcast %select_n3A_2307 : vector<256x1xf32> to vector<256x2048xf32>
    %eq3A_2312 = vector.broadcast %select_n3A_2052 : vector<1x2048xf32> to vector<256x2048xf32>
    %eq3A_2313 = arith.cmpf oeq, %eq3A_2311, %eq3A_2312 : vector<256x2048xf32>
    %lt3A_2314 = vector.broadcast %slice3A_2300 : vector<256x1xf32> to vector<256x2048xf32>
    %lt3A_2315 = vector.broadcast %slice3A_1340 : vector<1x2048xf32> to vector<256x2048xf32>
    %lt3A_2316 = arith.cmpf olt, %lt3A_2314, %lt3A_2315 : vector<256x2048xf32>
    %and3A_2317 = arith.andi %eq3A_2313, %lt3A_2316 : vector<256x2048xi1>
    %or3A_2318 = arith.ori %gt3A_2310, %and3A_2317 : vector<256x2048xi1>
    %convert_element_type3A_2319 = arith.extui %or3A_2318 : vector<256x2048xi1> to vector<256x2048xi32>
    %convert_element_type3A_2320 = arith.sitofp %convert_element_type3A_2319 : vector<256x2048xi32> to vector<256x2048xf32>
    %reduce_sum3A_2321 = arith.constant dense<0.000000e+00> : vector<2048xf32>
    %reduce_sum3A_2322 = vector.multi_reduction <add>, %convert_element_type3A_2320, %reduce_sum3A_2321 [0] : vector<256x2048xf32> to vector<2048xf32>
    %broadcast_in_dim3A_2323 = vector.shape_cast %reduce_sum3A_2322 : vector<2048xf32> to vector<1x2048xf32>
    %add3A_2324 = arith.addf %add3A_2279, %broadcast_in_dim3A_2323 : vector<1x2048xf32>
    %iota3A_2325 = tpu.iota {dimensions = array<i32: 0>} : vector<256x256xi32>
    %iota3A_2326 = tpu.iota {dimensions = array<i32: 1>} : vector<256x256xi32>
    %eq3A_2327 = arith.cmpi eq, %iota3A_2325, %iota3A_2326 : vector<256x256xi32>
    %slice3A_2328 = vector.extract_strided_slice %convert_element_type3A_2042 {offsets = [0, 1536], sizes = [1, 256], strides = [1, 1]} : vector<1x2048xf32> to vector<1x256xf32>
    %jit3A_2329 = arith.constant 0.000000e+00 : f32
    %broadcast_in_dim3A_2330 = vector.shape_cast %slice3A_2328 : vector<1x256xf32> to vector<1x256xf32>
    %broadcast_in_dim3A_2331 = vector.broadcast %broadcast_in_dim3A_2330 : vector<1x256xf32> to vector<256x256xf32>
    %broadcast_in_dim3A_2332 = vector.broadcast %jit3A_2329 : f32 to vector<256x256xf32>
    %select_n3A_2333 = arith.select %eq3A_2327, %broadcast_in_dim3A_2331, %broadcast_in_dim3A_2332 : vector<256x256xi1>, vector<256x256xf32>
    %reduce_sum3A_2334 = arith.constant dense<0.000000e+00> : vector<256xf32>
    %reduce_sum3A_2335 = vector.multi_reduction <add>, %select_n3A_2333, %reduce_sum3A_2334 [1] : vector<256x256xf32> to vector<256xf32>
    %broadcast_in_dim3A_2336 = vector.shape_cast %reduce_sum3A_2335 : vector<256xf32> to vector<256x1xf32>
    %iota3A_2337 = tpu.iota {dimensions = array<i32: 0>} : vector<256x1xi32>
    %add3A_2338 = arith.constant 1536 : i32
    %add3A_2339 = vector.broadcast %add3A_2338 : i32 to vector<256x1xi32>
    %add3A_2340 = arith.addi %iota3A_2337, %add3A_2339 : vector<256x1xi32>
    %lt3A_2341 = arith.constant 2000 : i32
    %lt3A_2342 = vector.broadcast %lt3A_2341 : i32 to vector<256x1xi32>
    %lt3A_2343 = arith.cmpi slt, %add3A_2340, %lt3A_2342 : vector<256x1xi32>
    %slice3A_2344 = vector.extract_strided_slice %concatenate3A_2045 {offsets = [1536, 0], sizes = [256, 1], strides = [1, 1]} : vector<2048x2xf32> to vector<256x1xf32>
    %slice3A_2345 = vector.extract_strided_slice %concatenate3A_2045 {offsets = [1536, 1], sizes = [256, 1], strides = [1, 1]} : vector<2048x2xf32> to vector<256x1xf32>
    %gt3A_2346 = arith.constant 5.000000e-01 : f32
    %gt3A_2347 = vector.broadcast %gt3A_2346 : f32 to vector<256x1xf32>
    %gt3A_2348 = arith.cmpf ogt, %broadcast_in_dim3A_2336, %gt3A_2347 : vector<256x1xf32>
    %and3A_2349 = arith.andi %gt3A_2348, %lt3A_2343 : vector<256x1xi1>
    %jit3A_2350 = arith.constant -3.000000e+38 : f32
    %broadcast_in_dim3A_2351 = vector.broadcast %jit3A_2350 : f32 to vector<256x1xf32>
    %select_n3A_2352 = arith.select %and3A_2349, %slice3A_2344, %broadcast_in_dim3A_2351 : vector<256x1xi1>, vector<256x1xf32>
    %gt3A_2353 = vector.broadcast %select_n3A_2352 : vector<256x1xf32> to vector<256x2048xf32>
    %gt3A_2354 = vector.broadcast %select_n3A_2052 : vector<1x2048xf32> to vector<256x2048xf32>
    %gt3A_2355 = arith.cmpf ogt, %gt3A_2353, %gt3A_2354 : vector<256x2048xf32>
    %eq3A_2356 = vector.broadcast %select_n3A_2352 : vector<256x1xf32> to vector<256x2048xf32>
    %eq3A_2357 = vector.broadcast %select_n3A_2052 : vector<1x2048xf32> to vector<256x2048xf32>
    %eq3A_2358 = arith.cmpf oeq, %eq3A_2356, %eq3A_2357 : vector<256x2048xf32>
    %lt3A_2359 = vector.broadcast %slice3A_2345 : vector<256x1xf32> to vector<256x2048xf32>
    %lt3A_2360 = vector.broadcast %slice3A_1340 : vector<1x2048xf32> to vector<256x2048xf32>
    %lt3A_2361 = arith.cmpf olt, %lt3A_2359, %lt3A_2360 : vector<256x2048xf32>
    %and3A_2362 = arith.andi %eq3A_2358, %lt3A_2361 : vector<256x2048xi1>
    %or3A_2363 = arith.ori %gt3A_2355, %and3A_2362 : vector<256x2048xi1>
    %convert_element_type3A_2364 = arith.extui %or3A_2363 : vector<256x2048xi1> to vector<256x2048xi32>
    %convert_element_type3A_2365 = arith.sitofp %convert_element_type3A_2364 : vector<256x2048xi32> to vector<256x2048xf32>
    %reduce_sum3A_2366 = arith.constant dense<0.000000e+00> : vector<2048xf32>
    %reduce_sum3A_2367 = vector.multi_reduction <add>, %convert_element_type3A_2365, %reduce_sum3A_2366 [0] : vector<256x2048xf32> to vector<2048xf32>
    %broadcast_in_dim3A_2368 = vector.shape_cast %reduce_sum3A_2367 : vector<2048xf32> to vector<1x2048xf32>
    %add3A_2369 = arith.addf %add3A_2324, %broadcast_in_dim3A_2368 : vector<1x2048xf32>
    %iota3A_2370 = tpu.iota {dimensions = array<i32: 0>} : vector<256x256xi32>
    %iota3A_2371 = tpu.iota {dimensions = array<i32: 1>} : vector<256x256xi32>
    %eq3A_2372 = arith.cmpi eq, %iota3A_2370, %iota3A_2371 : vector<256x256xi32>
    %slice3A_2373 = vector.extract_strided_slice %convert_element_type3A_2042 {offsets = [0, 1792], sizes = [1, 256], strides = [1, 1]} : vector<1x2048xf32> to vector<1x256xf32>
    %jit3A_2374 = arith.constant 0.000000e+00 : f32
    %broadcast_in_dim3A_2375 = vector.shape_cast %slice3A_2373 : vector<1x256xf32> to vector<1x256xf32>
    %broadcast_in_dim3A_2376 = vector.broadcast %broadcast_in_dim3A_2375 : vector<1x256xf32> to vector<256x256xf32>
    %broadcast_in_dim3A_2377 = vector.broadcast %jit3A_2374 : f32 to vector<256x256xf32>
    %select_n3A_2378 = arith.select %eq3A_2372, %broadcast_in_dim3A_2376, %broadcast_in_dim3A_2377 : vector<256x256xi1>, vector<256x256xf32>
    %reduce_sum3A_2379 = arith.constant dense<0.000000e+00> : vector<256xf32>
    %reduce_sum3A_2380 = vector.multi_reduction <add>, %select_n3A_2378, %reduce_sum3A_2379 [1] : vector<256x256xf32> to vector<256xf32>
    %broadcast_in_dim3A_2381 = vector.shape_cast %reduce_sum3A_2380 : vector<256xf32> to vector<256x1xf32>
    %iota3A_2382 = tpu.iota {dimensions = array<i32: 0>} : vector<256x1xi32>
    %add3A_2383 = arith.constant 1792 : i32
    %add3A_2384 = vector.broadcast %add3A_2383 : i32 to vector<256x1xi32>
    %add3A_2385 = arith.addi %iota3A_2382, %add3A_2384 : vector<256x1xi32>
    %lt3A_2386 = arith.constant 2000 : i32
    %lt3A_2387 = vector.broadcast %lt3A_2386 : i32 to vector<256x1xi32>
    %lt3A_2388 = arith.cmpi slt, %add3A_2385, %lt3A_2387 : vector<256x1xi32>
    %slice3A_2389 = vector.extract_strided_slice %concatenate3A_2045 {offsets = [1792, 0], sizes = [256, 1], strides = [1, 1]} : vector<2048x2xf32> to vector<256x1xf32>
    %slice3A_2390 = vector.extract_strided_slice %concatenate3A_2045 {offsets = [1792, 1], sizes = [256, 1], strides = [1, 1]} : vector<2048x2xf32> to vector<256x1xf32>
    %gt3A_2391 = arith.constant 5.000000e-01 : f32
    %gt3A_2392 = vector.broadcast %gt3A_2391 : f32 to vector<256x1xf32>
    %gt3A_2393 = arith.cmpf ogt, %broadcast_in_dim3A_2381, %gt3A_2392 : vector<256x1xf32>
    %and3A_2394 = arith.andi %gt3A_2393, %lt3A_2388 : vector<256x1xi1>
    %jit3A_2395 = arith.constant -3.000000e+38 : f32
    %broadcast_in_dim3A_2396 = vector.broadcast %jit3A_2395 : f32 to vector<256x1xf32>
    %select_n3A_2397 = arith.select %and3A_2394, %slice3A_2389, %broadcast_in_dim3A_2396 : vector<256x1xi1>, vector<256x1xf32>
    %gt3A_2398 = vector.broadcast %select_n3A_2397 : vector<256x1xf32> to vector<256x2048xf32>
    %gt3A_2399 = vector.broadcast %select_n3A_2052 : vector<1x2048xf32> to vector<256x2048xf32>
    %gt3A_2400 = arith.cmpf ogt, %gt3A_2398, %gt3A_2399 : vector<256x2048xf32>
    %eq3A_2401 = vector.broadcast %select_n3A_2397 : vector<256x1xf32> to vector<256x2048xf32>
    %eq3A_2402 = vector.broadcast %select_n3A_2052 : vector<1x2048xf32> to vector<256x2048xf32>
    %eq3A_2403 = arith.cmpf oeq, %eq3A_2401, %eq3A_2402 : vector<256x2048xf32>
    %lt3A_2404 = vector.broadcast %slice3A_2390 : vector<256x1xf32> to vector<256x2048xf32>
    %lt3A_2405 = vector.broadcast %slice3A_1340 : vector<1x2048xf32> to vector<256x2048xf32>
    %lt3A_2406 = arith.cmpf olt, %lt3A_2404, %lt3A_2405 : vector<256x2048xf32>
    %and3A_2407 = arith.andi %eq3A_2403, %lt3A_2406 : vector<256x2048xi1>
    %or3A_2408 = arith.ori %gt3A_2400, %and3A_2407 : vector<256x2048xi1>
    %convert_element_type3A_2409 = arith.extui %or3A_2408 : vector<256x2048xi1> to vector<256x2048xi32>
    %convert_element_type3A_2410 = arith.sitofp %convert_element_type3A_2409 : vector<256x2048xi32> to vector<256x2048xf32>
    %reduce_sum3A_2411 = arith.constant dense<0.000000e+00> : vector<2048xf32>
    %reduce_sum3A_2412 = vector.multi_reduction <add>, %convert_element_type3A_2410, %reduce_sum3A_2411 [0] : vector<256x2048xf32> to vector<2048xf32>
    %broadcast_in_dim3A_2413 = vector.shape_cast %reduce_sum3A_2412 : vector<2048xf32> to vector<1x2048xf32>
    %add3A_2414 = arith.addf %add3A_2369, %broadcast_in_dim3A_2413 : vector<1x2048xf32>
    %slice3A_2415 = vector.extract_strided_slice %get3A_1327 {offsets = [2, 0], sizes = [1, 2048], strides = [1, 1]} : vector<16x2048xf32> to vector<1x2048xf32>
    %ge3A_2416 = arith.constant 0.000000e+00 : f32
    %ge3A_2417 = vector.broadcast %ge3A_2416 : f32 to vector<1x2048xf32>
    %ge3A_2418 = arith.cmpf oge, %slice3A_1335, %ge3A_2417 : vector<1x2048xf32>
    %le3A_2419 = arith.constant 7.040000e+01 : f32
    %le3A_2420 = vector.broadcast %le3A_2419 : f32 to vector<1x2048xf32>
    %le3A_2421 = arith.cmpf ole, %slice3A_1335, %le3A_2420 : vector<1x2048xf32>
    %and3A_2422 = arith.andi %ge3A_2418, %le3A_2421 : vector<1x2048xi1>
    %ge3A_2423 = arith.constant -4.000000e+01 : f32
    %ge3A_2424 = vector.broadcast %ge3A_2423 : f32 to vector<1x2048xf32>
    %ge3A_2425 = arith.cmpf oge, %slice3A_1336, %ge3A_2424 : vector<1x2048xf32>
    %and3A_2426 = arith.andi %and3A_2422, %ge3A_2425 : vector<1x2048xi1>
    %le3A_2427 = arith.constant 4.000000e+01 : f32
    %le3A_2428 = vector.broadcast %le3A_2427 : f32 to vector<1x2048xf32>
    %le3A_2429 = arith.cmpf ole, %slice3A_1336, %le3A_2428 : vector<1x2048xf32>
    %and3A_2430 = arith.andi %and3A_2426, %le3A_2429 : vector<1x2048xi1>
    %ge3A_2431 = arith.constant -2.200000e+00 : f32
    %ge3A_2432 = vector.broadcast %ge3A_2431 : f32 to vector<1x2048xf32>
    %ge3A_2433 = arith.cmpf oge, %slice3A_2415, %ge3A_2432 : vector<1x2048xf32>
    %and3A_2434 = arith.andi %and3A_2430, %ge3A_2433 : vector<1x2048xi1>
    %le3A_2435 = arith.constant 8.000000e-01 : f32
    %le3A_2436 = vector.broadcast %le3A_2435 : f32 to vector<1x2048xf32>
    %le3A_2437 = arith.cmpf ole, %slice3A_2415, %le3A_2436 : vector<1x2048xf32>
    %and3A_2438 = arith.andi %and3A_2434, %le3A_2437 : vector<1x2048xi1>
    %gt3A_2439 = arith.constant 5.000000e-01 : f32
    %gt3A_2440 = vector.broadcast %gt3A_2439 : f32 to vector<1x2048xf32>
    %gt3A_2441 = arith.cmpf ogt, %convert_element_type3A_2042, %gt3A_2440 : vector<1x2048xf32>
    %and3A_2442 = arith.andi %and3A_2438, %gt3A_2441 : vector<1x2048xi1>
    %and3A_2443 = arith.andi %and3A_2442, %lt3A_1 : vector<1x2048xi1>
    %convert_element_type3A_2444 = arith.extui %and3A_2443 : vector<1x2048xi1> to vector<1x2048xi32>
    %convert_element_type3A_2445 = arith.sitofp %convert_element_type3A_2444 : vector<1x2048xi32> to vector<1x2048xf32>
    %iota3A_2446 = tpu.iota {dimensions = array<i32: 0>} : vector<128x2048xi32>
    %convert_element_type3A_2447 = arith.sitofp %iota3A_2446 : vector<128x2048xi32> to vector<128x2048xf32>
    %eq3A_2448 = vector.broadcast %add3A_2414 : vector<1x2048xf32> to vector<128x2048xf32>
    %eq3A_2449 = arith.cmpf oeq, %convert_element_type3A_2447, %eq3A_2448 : vector<128x2048xf32>
    %convert_element_type3A_2450 = arith.extui %eq3A_2449 : vector<128x2048xi1> to vector<128x2048xi32>
    %convert_element_type3A_2451 = arith.sitofp %convert_element_type3A_2450 : vector<128x2048xi32> to vector<128x2048xf32>
    %gt3A_2452 = arith.constant 5.000000e-01 : f32
    %gt3A_2453 = vector.broadcast %gt3A_2452 : f32 to vector<1x2048xf32>
    %gt3A_2454 = arith.cmpf ogt, %convert_element_type3A_2445, %gt3A_2453 : vector<1x2048xf32>
    %slice3A_2455 = vector.extract_strided_slice %get3A_1327 {offsets = [8, 0], sizes = [1, 2048], strides = [1, 1]} : vector<16x2048xf32> to vector<1x2048xf32>
    %jit3A_2456 = arith.constant 0.000000e+00 : f32
    %broadcast_in_dim3A_2457 = vector.broadcast %jit3A_2456 : f32 to vector<1x2048xf32>
    %select_n3A_2458 = arith.select %gt3A_2454, %slice3A_2455, %broadcast_in_dim3A_2457 : vector<1x2048xi1>, vector<1x2048xf32>
    %mul3A_2459 = vector.broadcast %select_n3A_2458 : vector<1x2048xf32> to vector<128x2048xf32>
    %mul3A_2460 = arith.mulf %convert_element_type3A_2451, %mul3A_2459 : vector<128x2048xf32>
    %reduce_sum3A_2461 = arith.constant dense<0.000000e+00> : vector<128xf32>
    %reduce_sum3A_2462 = vector.multi_reduction <add>, %mul3A_2460, %reduce_sum3A_2461 [1] : vector<128x2048xf32> to vector<128xf32>
    %broadcast_in_dim3A_2463 = vector.shape_cast %reduce_sum3A_2462 : vector<128xf32> to vector<128x1xf32>
    %gt3A_2464 = arith.constant 5.000000e-01 : f32
    %gt3A_2465 = vector.broadcast %gt3A_2464 : f32 to vector<1x2048xf32>
    %gt3A_2466 = arith.cmpf ogt, %convert_element_type3A_2445, %gt3A_2465 : vector<1x2048xf32>
    %slice3A_2467 = vector.extract_strided_slice %get3A_1327 {offsets = [9, 0], sizes = [1, 2048], strides = [1, 1]} : vector<16x2048xf32> to vector<1x2048xf32>
    %jit3A_2468 = arith.constant 0.000000e+00 : f32
    %broadcast_in_dim3A_2469 = vector.broadcast %jit3A_2468 : f32 to vector<1x2048xf32>
    %select_n3A_2470 = arith.select %gt3A_2466, %slice3A_2467, %broadcast_in_dim3A_2469 : vector<1x2048xi1>, vector<1x2048xf32>
    %mul3A_2471 = vector.broadcast %select_n3A_2470 : vector<1x2048xf32> to vector<128x2048xf32>
    %mul3A_2472 = arith.mulf %convert_element_type3A_2451, %mul3A_2471 : vector<128x2048xf32>
    %reduce_sum3A_2473 = arith.constant dense<0.000000e+00> : vector<128xf32>
    %reduce_sum3A_2474 = vector.multi_reduction <add>, %mul3A_2472, %reduce_sum3A_2473 [1] : vector<128x2048xf32> to vector<128xf32>
    %broadcast_in_dim3A_2475 = vector.shape_cast %reduce_sum3A_2474 : vector<128xf32> to vector<128x1xf32>
    %gt3A_2476 = arith.constant 5.000000e-01 : f32
    %gt3A_2477 = vector.broadcast %gt3A_2476 : f32 to vector<1x2048xf32>
    %gt3A_2478 = arith.cmpf ogt, %convert_element_type3A_2445, %gt3A_2477 : vector<1x2048xf32>
    %slice3A_2479 = vector.extract_strided_slice %get3A_1327 {offsets = [2, 0], sizes = [1, 2048], strides = [1, 1]} : vector<16x2048xf32> to vector<1x2048xf32>
    %jit3A_2480 = arith.constant 0.000000e+00 : f32
    %broadcast_in_dim3A_2481 = vector.broadcast %jit3A_2480 : f32 to vector<1x2048xf32>
    %select_n3A_2482 = arith.select %gt3A_2478, %slice3A_2479, %broadcast_in_dim3A_2481 : vector<1x2048xi1>, vector<1x2048xf32>
    %mul3A_2483 = vector.broadcast %select_n3A_2482 : vector<1x2048xf32> to vector<128x2048xf32>
    %mul3A_2484 = arith.mulf %convert_element_type3A_2451, %mul3A_2483 : vector<128x2048xf32>
    %reduce_sum3A_2485 = arith.constant dense<0.000000e+00> : vector<128xf32>
    %reduce_sum3A_2486 = vector.multi_reduction <add>, %mul3A_2484, %reduce_sum3A_2485 [1] : vector<128x2048xf32> to vector<128xf32>
    %broadcast_in_dim3A_2487 = vector.shape_cast %reduce_sum3A_2486 : vector<128xf32> to vector<128x1xf32>
    %gt3A_2488 = arith.constant 5.000000e-01 : f32
    %gt3A_2489 = vector.broadcast %gt3A_2488 : f32 to vector<1x2048xf32>
    %gt3A_2490 = arith.cmpf ogt, %convert_element_type3A_2445, %gt3A_2489 : vector<1x2048xf32>
    %slice3A_2491 = vector.extract_strided_slice %get3A_1327 {offsets = [3, 0], sizes = [1, 2048], strides = [1, 1]} : vector<16x2048xf32> to vector<1x2048xf32>
    %jit3A_2492 = arith.constant 0.000000e+00 : f32
    %broadcast_in_dim3A_2493 = vector.broadcast %jit3A_2492 : f32 to vector<1x2048xf32>
    %select_n3A_2494 = arith.select %gt3A_2490, %slice3A_2491, %broadcast_in_dim3A_2493 : vector<1x2048xi1>, vector<1x2048xf32>
    %mul3A_2495 = vector.broadcast %select_n3A_2494 : vector<1x2048xf32> to vector<128x2048xf32>
    %mul3A_2496 = arith.mulf %convert_element_type3A_2451, %mul3A_2495 : vector<128x2048xf32>
    %reduce_sum3A_2497 = arith.constant dense<0.000000e+00> : vector<128xf32>
    %reduce_sum3A_2498 = vector.multi_reduction <add>, %mul3A_2496, %reduce_sum3A_2497 [1] : vector<128x2048xf32> to vector<128xf32>
    %broadcast_in_dim3A_2499 = vector.shape_cast %reduce_sum3A_2498 : vector<128xf32> to vector<128x1xf32>
    %gt3A_2500 = arith.constant 5.000000e-01 : f32
    %gt3A_2501 = vector.broadcast %gt3A_2500 : f32 to vector<1x2048xf32>
    %gt3A_2502 = arith.cmpf ogt, %convert_element_type3A_2445, %gt3A_2501 : vector<1x2048xf32>
    %slice3A_2503 = vector.extract_strided_slice %get3A_1327 {offsets = [4, 0], sizes = [1, 2048], strides = [1, 1]} : vector<16x2048xf32> to vector<1x2048xf32>
    %jit3A_2504 = arith.constant 0.000000e+00 : f32
    %broadcast_in_dim3A_2505 = vector.broadcast %jit3A_2504 : f32 to vector<1x2048xf32>
    %select_n3A_2506 = arith.select %gt3A_2502, %slice3A_2503, %broadcast_in_dim3A_2505 : vector<1x2048xi1>, vector<1x2048xf32>
    %mul3A_2507 = vector.broadcast %select_n3A_2506 : vector<1x2048xf32> to vector<128x2048xf32>
    %mul3A_2508 = arith.mulf %convert_element_type3A_2451, %mul3A_2507 : vector<128x2048xf32>
    %reduce_sum3A_2509 = arith.constant dense<0.000000e+00> : vector<128xf32>
    %reduce_sum3A_2510 = vector.multi_reduction <add>, %mul3A_2508, %reduce_sum3A_2509 [1] : vector<128x2048xf32> to vector<128xf32>
    %broadcast_in_dim3A_2511 = vector.shape_cast %reduce_sum3A_2510 : vector<128xf32> to vector<128x1xf32>
    %gt3A_2512 = arith.constant 5.000000e-01 : f32
    %gt3A_2513 = vector.broadcast %gt3A_2512 : f32 to vector<1x2048xf32>
    %gt3A_2514 = arith.cmpf ogt, %convert_element_type3A_2445, %gt3A_2513 : vector<1x2048xf32>
    %slice3A_2515 = vector.extract_strided_slice %get3A_1327 {offsets = [5, 0], sizes = [1, 2048], strides = [1, 1]} : vector<16x2048xf32> to vector<1x2048xf32>
    %jit3A_2516 = arith.constant 0.000000e+00 : f32
    %broadcast_in_dim3A_2517 = vector.broadcast %jit3A_2516 : f32 to vector<1x2048xf32>
    %select_n3A_2518 = arith.select %gt3A_2514, %slice3A_2515, %broadcast_in_dim3A_2517 : vector<1x2048xi1>, vector<1x2048xf32>
    %mul3A_2519 = vector.broadcast %select_n3A_2518 : vector<1x2048xf32> to vector<128x2048xf32>
    %mul3A_2520 = arith.mulf %convert_element_type3A_2451, %mul3A_2519 : vector<128x2048xf32>
    %reduce_sum3A_2521 = arith.constant dense<0.000000e+00> : vector<128xf32>
    %reduce_sum3A_2522 = vector.multi_reduction <add>, %mul3A_2520, %reduce_sum3A_2521 [1] : vector<128x2048xf32> to vector<128xf32>
    %broadcast_in_dim3A_2523 = vector.shape_cast %reduce_sum3A_2522 : vector<128xf32> to vector<128x1xf32>
    %gt3A_2524 = arith.constant 5.000000e-01 : f32
    %gt3A_2525 = vector.broadcast %gt3A_2524 : f32 to vector<1x2048xf32>
    %gt3A_2526 = arith.cmpf ogt, %convert_element_type3A_2445, %gt3A_2525 : vector<1x2048xf32>
    %slice3A_2527 = vector.extract_strided_slice %get3A_1327 {offsets = [10, 0], sizes = [1, 2048], strides = [1, 1]} : vector<16x2048xf32> to vector<1x2048xf32>
    %jit3A_2528 = arith.constant 0.000000e+00 : f32
    %broadcast_in_dim3A_2529 = vector.broadcast %jit3A_2528 : f32 to vector<1x2048xf32>
    %select_n3A_2530 = arith.select %gt3A_2526, %slice3A_2527, %broadcast_in_dim3A_2529 : vector<1x2048xi1>, vector<1x2048xf32>
    %mul3A_2531 = vector.broadcast %select_n3A_2530 : vector<1x2048xf32> to vector<128x2048xf32>
    %mul3A_2532 = arith.mulf %convert_element_type3A_2451, %mul3A_2531 : vector<128x2048xf32>
    %reduce_sum3A_2533 = arith.constant dense<0.000000e+00> : vector<128xf32>
    %reduce_sum3A_2534 = vector.multi_reduction <add>, %mul3A_2532, %reduce_sum3A_2533 [1] : vector<128x2048xf32> to vector<128xf32>
    %broadcast_in_dim3A_2535 = vector.shape_cast %reduce_sum3A_2534 : vector<128xf32> to vector<128x1xf32>
    %gt3A_2536 = arith.constant 5.000000e-01 : f32
    %gt3A_2537 = vector.broadcast %gt3A_2536 : f32 to vector<1x2048xf32>
    %gt3A_2538 = arith.cmpf ogt, %convert_element_type3A_2445, %gt3A_2537 : vector<1x2048xf32>
    %slice3A_2539 = vector.extract_strided_slice %get3A_1327 {offsets = [11, 0], sizes = [1, 2048], strides = [1, 1]} : vector<16x2048xf32> to vector<1x2048xf32>
    %jit3A_2540 = arith.constant 0.000000e+00 : f32
    %broadcast_in_dim3A_2541 = vector.broadcast %jit3A_2540 : f32 to vector<1x2048xf32>
    %select_n3A_2542 = arith.select %gt3A_2538, %slice3A_2539, %broadcast_in_dim3A_2541 : vector<1x2048xi1>, vector<1x2048xf32>
    %mul3A_2543 = vector.broadcast %select_n3A_2542 : vector<1x2048xf32> to vector<128x2048xf32>
    %mul3A_2544 = arith.mulf %convert_element_type3A_2451, %mul3A_2543 : vector<128x2048xf32>
    %reduce_sum3A_2545 = arith.constant dense<0.000000e+00> : vector<128xf32>
    %reduce_sum3A_2546 = vector.multi_reduction <add>, %mul3A_2544, %reduce_sum3A_2545 [1] : vector<128x2048xf32> to vector<128xf32>
    %broadcast_in_dim3A_2547 = vector.shape_cast %reduce_sum3A_2546 : vector<128xf32> to vector<128x1xf32>
    %concatenate3A_2548 = tpu.concatenate %broadcast_in_dim3A_2463, %broadcast_in_dim3A_2475, %broadcast_in_dim3A_2487, %broadcast_in_dim3A_2499, %broadcast_in_dim3A_2511, %broadcast_in_dim3A_2523, %broadcast_in_dim3A_2535, %broadcast_in_dim3A_2547 in 1 : vector<128x1xf32>, vector<128x1xf32>, vector<128x1xf32>, vector<128x1xf32>, vector<128x1xf32>, vector<128x1xf32>, vector<128x1xf32>, vector<128x1xf32> -> vector<128x8xf32>
    %swap3A_2549 = arith.constant 1 : index
    %swap3A_2550 = arith.constant 0 : index
    %swap3A_2551 = arith.constant 0 : index
    %swap3A_2552 = vector.load %arg4[%swap3A_2549, %swap3A_2550, %swap3A_2551] : memref<4x128x8xf32, #tpu.memory_space<vmem>>, vector<1x128x8xf32>
    %swap3A_2553 = vector.shape_cast %swap3A_2552 : vector<1x128x8xf32> to vector<128x8xf32>
    %swap3A_2554 = vector.shape_cast %concatenate3A_2548 : vector<128x8xf32> to vector<1x128x8xf32>
    tpu.vector_store %arg4[%swap3A_2549, %swap3A_2550, %swap3A_2551], %swap3A_2554 {strides = array<i32>} : memref<4x128x8xf32, #tpu.memory_space<vmem>>, vector<1x128x8xf32>,
    %get3A_2555 = arith.constant 0 : index
    %get3A_2556 = arith.constant 0 : index
    %get3A_2557 = vector.load %arg3[%get3A_2555, %get3A_2556] : memref<16x2048xf32, #tpu.memory_space<vmem>>, vector<16x2048xf32>
    %slice3A_2558 = vector.extract_strided_slice %get3A_6 {offsets = [0, 0], sizes = [2048, 1], strides = [1, 1]} : vector<2048x16xf32> to vector<2048x1xf32>
    %slice3A_2559 = vector.extract_strided_slice %get3A_6 {offsets = [0, 1], sizes = [2048, 1], strides = [1, 1]} : vector<2048x16xf32> to vector<2048x1xf32>
    %slice3A_2560 = vector.extract_strided_slice %get3A_6 {offsets = [0, 3], sizes = [2048, 1], strides = [1, 1]} : vector<2048x16xf32> to vector<2048x1xf32>
    %slice3A_2561 = vector.extract_strided_slice %get3A_6 {offsets = [0, 4], sizes = [2048, 1], strides = [1, 1]} : vector<2048x16xf32> to vector<2048x1xf32>
    %slice3A_2562 = vector.extract_strided_slice %get3A_6 {offsets = [0, 12], sizes = [2048, 1], strides = [1, 1]} : vector<2048x16xf32> to vector<2048x1xf32>
    %slice3A_2563 = vector.extract_strided_slice %get3A_6 {offsets = [0, 13], sizes = [2048, 1], strides = [1, 1]} : vector<2048x16xf32> to vector<2048x1xf32>
    %concatenate3A_2564 = tpu.concatenate %slice3A_2558, %slice3A_2559, %slice3A_2560, %slice3A_2561, %slice3A_2562, %slice3A_2563 in 1 : vector<2048x1xf32>, vector<2048x1xf32>, vector<2048x1xf32>, vector<2048x1xf32>, vector<2048x1xf32>, vector<2048x1xf32> -> vector<2048x6xf32>
    %slice3A_2565 = vector.extract_strided_slice %get3A_2557 {offsets = [0, 0], sizes = [1, 2048], strides = [1, 1]} : vector<16x2048xf32> to vector<1x2048xf32>
    %slice3A_2566 = vector.extract_strided_slice %get3A_2557 {offsets = [1, 0], sizes = [1, 2048], strides = [1, 1]} : vector<16x2048xf32> to vector<1x2048xf32>
    %slice3A_2567 = vector.extract_strided_slice %get3A_2557 {offsets = [3, 0], sizes = [1, 2048], strides = [1, 1]} : vector<16x2048xf32> to vector<1x2048xf32>
    %slice3A_2568 = vector.extract_strided_slice %get3A_2557 {offsets = [4, 0], sizes = [1, 2048], strides = [1, 1]} : vector<16x2048xf32> to vector<1x2048xf32>
    %slice3A_2569 = vector.extract_strided_slice %get3A_2557 {offsets = [12, 0], sizes = [1, 2048], strides = [1, 1]} : vector<16x2048xf32> to vector<1x2048xf32>
    %slice3A_2570 = vector.extract_strided_slice %get3A_2557 {offsets = [13, 0], sizes = [1, 2048], strides = [1, 1]} : vector<16x2048xf32> to vector<1x2048xf32>
    %mul3A_2571 = arith.constant 5.000000e-01 : f32
    %mul3A_2572 = vector.broadcast %mul3A_2571 : f32 to vector<1x2048xf32>
    %mul3A_2573 = arith.mulf %slice3A_2567, %mul3A_2572 : vector<1x2048xf32>
    %sub3A_2574 = arith.subf %slice3A_2565, %mul3A_2573 : vector<1x2048xf32>
    %mul3A_2575 = arith.constant 5.000000e-01 : f32
    %mul3A_2576 = vector.broadcast %mul3A_2575 : f32 to vector<1x2048xf32>
    %mul3A_2577 = arith.mulf %slice3A_2567, %mul3A_2576 : vector<1x2048xf32>
    %add3A_2578 = arith.addf %slice3A_2565, %mul3A_2577 : vector<1x2048xf32>
    %mul3A_2579 = arith.constant 5.000000e-01 : f32
    %mul3A_2580 = vector.broadcast %mul3A_2579 : f32 to vector<1x2048xf32>
    %mul3A_2581 = arith.mulf %slice3A_2568, %mul3A_2580 : vector<1x2048xf32>
    %sub3A_2582 = arith.subf %slice3A_2566, %mul3A_2581 : vector<1x2048xf32>
    %mul3A_2583 = arith.constant 5.000000e-01 : f32
    %mul3A_2584 = vector.broadcast %mul3A_2583 : f32 to vector<1x2048xf32>
    %mul3A_2585 = arith.mulf %slice3A_2568, %mul3A_2584 : vector<1x2048xf32>
    %add3A_2586 = arith.addf %slice3A_2566, %mul3A_2585 : vector<1x2048xf32>
    %sub3A_2587 = arith.subf %add3A_2578, %sub3A_2574 : vector<1x2048xf32>
    %sub3A_2588 = arith.subf %add3A_2586, %sub3A_2582 : vector<1x2048xf32>
    %mul3A_2589 = arith.mulf %sub3A_2587, %sub3A_2588 : vector<1x2048xf32>
    %slice3A_2590 = vector.extract_strided_slice %concatenate3A_2564 {offsets = [0, 0], sizes = [256, 1], strides = [1, 1]} : vector<2048x6xf32> to vector<256x1xf32>
    %slice3A_2591 = vector.extract_strided_slice %concatenate3A_2564 {offsets = [0, 1], sizes = [256, 1], strides = [1, 1]} : vector<2048x6xf32> to vector<256x1xf32>
    %slice3A_2592 = vector.extract_strided_slice %concatenate3A_2564 {offsets = [0, 2], sizes = [256, 1], strides = [1, 1]} : vector<2048x6xf32> to vector<256x1xf32>
    %slice3A_2593 = vector.extract_strided_slice %concatenate3A_2564 {offsets = [0, 3], sizes = [256, 1], strides = [1, 1]} : vector<2048x6xf32> to vector<256x1xf32>
    %slice3A_2594 = vector.extract_strided_slice %concatenate3A_2564 {offsets = [0, 4], sizes = [256, 1], strides = [1, 1]} : vector<2048x6xf32> to vector<256x1xf32>
    %slice3A_2595 = vector.extract_strided_slice %concatenate3A_2564 {offsets = [0, 5], sizes = [256, 1], strides = [1, 1]} : vector<2048x6xf32> to vector<256x1xf32>
    %mul3A_2596 = arith.constant 5.000000e-01 : f32
    %mul3A_2597 = vector.broadcast %mul3A_2596 : f32 to vector<256x1xf32>
    %mul3A_2598 = arith.mulf %slice3A_2592, %mul3A_2597 : vector<256x1xf32>
    %sub3A_2599 = arith.subf %slice3A_2590, %mul3A_2598 : vector<256x1xf32>
    %mul3A_2600 = arith.constant 5.000000e-01 : f32
    %mul3A_2601 = vector.broadcast %mul3A_2600 : f32 to vector<256x1xf32>
    %mul3A_2602 = arith.mulf %slice3A_2592, %mul3A_2601 : vector<256x1xf32>
    %add3A_2603 = arith.addf %slice3A_2590, %mul3A_2602 : vector<256x1xf32>
    %mul3A_2604 = arith.constant 5.000000e-01 : f32
    %mul3A_2605 = vector.broadcast %mul3A_2604 : f32 to vector<256x1xf32>
    %mul3A_2606 = arith.mulf %slice3A_2593, %mul3A_2605 : vector<256x1xf32>
    %sub3A_2607 = arith.subf %slice3A_2591, %mul3A_2606 : vector<256x1xf32>
    %mul3A_2608 = arith.constant 5.000000e-01 : f32
    %mul3A_2609 = vector.broadcast %mul3A_2608 : f32 to vector<256x1xf32>
    %mul3A_2610 = arith.mulf %slice3A_2593, %mul3A_2609 : vector<256x1xf32>
    %add3A_2611 = arith.addf %slice3A_2591, %mul3A_2610 : vector<256x1xf32>
    %sub3A_2612 = arith.subf %add3A_2603, %sub3A_2599 : vector<256x1xf32>
    %sub3A_2613 = arith.subf %add3A_2611, %sub3A_2607 : vector<256x1xf32>
    %mul3A_2614 = arith.mulf %sub3A_2612, %sub3A_2613 : vector<256x1xf32>
    %max3A_2615 = vector.broadcast %sub3A_2599 : vector<256x1xf32> to vector<256x2048xf32>
    %max3A_2616 = vector.broadcast %sub3A_2574 : vector<1x2048xf32> to vector<256x2048xf32>
    %max3A_2617 = arith.maximumf %max3A_2615, %max3A_2616 : vector<256x2048xf32>
    %max3A_2618 = vector.broadcast %sub3A_2607 : vector<256x1xf32> to vector<256x2048xf32>
    %max3A_2619 = vector.broadcast %sub3A_2582 : vector<1x2048xf32> to vector<256x2048xf32>
    %max3A_2620 = arith.maximumf %max3A_2618, %max3A_2619 : vector<256x2048xf32>
    %min3A_2621 = vector.broadcast %add3A_2603 : vector<256x1xf32> to vector<256x2048xf32>
    %min3A_2622 = vector.broadcast %add3A_2578 : vector<1x2048xf32> to vector<256x2048xf32>
    %min3A_2623 = arith.minimumf %min3A_2621, %min3A_2622 : vector<256x2048xf32>
    %min3A_2624 = vector.broadcast %add3A_2611 : vector<256x1xf32> to vector<256x2048xf32>
    %min3A_2625 = vector.broadcast %add3A_2586 : vector<1x2048xf32> to vector<256x2048xf32>
    %min3A_2626 = arith.minimumf %min3A_2624, %min3A_2625 : vector<256x2048xf32>
    %sub3A_2627 = arith.subf %min3A_2623, %max3A_2617 : vector<256x2048xf32>
    %jit3A_2628 = arith.constant 0.000000e+00 : f32
    %max3A_2629 = vector.broadcast %jit3A_2628 : f32 to vector<256x2048xf32>
    %max3A_2630 = arith.maximumf %max3A_2629, %sub3A_2627 : vector<256x2048xf32>
    %sub3A_2631 = arith.subf %min3A_2626, %max3A_2620 : vector<256x2048xf32>
    %jit3A_2632 = arith.constant 0.000000e+00 : f32
    %max3A_2633 = vector.broadcast %jit3A_2632 : f32 to vector<256x2048xf32>
    %max3A_2634 = arith.maximumf %max3A_2633, %sub3A_2631 : vector<256x2048xf32>
    %mul3A_2635 = arith.mulf %max3A_2630, %max3A_2634 : vector<256x2048xf32>
    %add3A_2636 = vector.broadcast %mul3A_2614 : vector<256x1xf32> to vector<256x2048xf32>
    %add3A_2637 = vector.broadcast %mul3A_2589 : vector<1x2048xf32> to vector<256x2048xf32>
    %add3A_2638 = arith.addf %add3A_2636, %add3A_2637 : vector<256x2048xf32>
    %sub3A_2639 = arith.subf %add3A_2638, %mul3A_2635 : vector<256x2048xf32>
    %max3A_2640 = arith.constant 9.99999993E-9 : f32
    %max3A_2641 = vector.broadcast %max3A_2640 : f32 to vector<256x2048xf32>
    %max3A_2642 = arith.maximumf %sub3A_2639, %max3A_2641 : vector<256x2048xf32>
    %div3A_2643 = arith.divf %mul3A_2635, %max3A_2642 : vector<256x2048xf32>
    %gt3A_2644 = vector.broadcast %slice3A_2594 : vector<256x1xf32> to vector<256x2048xf32>
    %gt3A_2645 = vector.broadcast %slice3A_2569 : vector<1x2048xf32> to vector<256x2048xf32>
    %gt3A_2646 = arith.cmpf ogt, %gt3A_2644, %gt3A_2645 : vector<256x2048xf32>
    %eq3A_2647 = vector.broadcast %slice3A_2594 : vector<256x1xf32> to vector<256x2048xf32>
    %eq3A_2648 = vector.broadcast %slice3A_2569 : vector<1x2048xf32> to vector<256x2048xf32>
    %eq3A_2649 = arith.cmpf oeq, %eq3A_2647, %eq3A_2648 : vector<256x2048xf32>
    %lt3A_2650 = vector.broadcast %slice3A_2595 : vector<256x1xf32> to vector<256x2048xf32>
    %lt3A_2651 = vector.broadcast %slice3A_2570 : vector<1x2048xf32> to vector<256x2048xf32>
    %lt3A_2652 = arith.cmpf olt, %lt3A_2650, %lt3A_2651 : vector<256x2048xf32>
    %and3A_2653 = arith.andi %eq3A_2649, %lt3A_2652 : vector<256x2048xi1>
    %or3A_2654 = arith.ori %gt3A_2646, %and3A_2653 : vector<256x2048xi1>
    %iota3A_2655 = tpu.iota {dimensions = array<i32: 0>} : vector<256x1xi32>
    %add3A_2656 = arith.constant 0 : i32
    %add3A_2657 = vector.broadcast %add3A_2656 : i32 to vector<256x1xi32>
    %add3A_2658 = arith.addi %iota3A_2655, %add3A_2657 : vector<256x1xi32>
    %lt3A_2659 = arith.constant 2000 : i32
    %lt3A_2660 = vector.broadcast %lt3A_2659 : i32 to vector<256x1xi32>
    %lt3A_2661 = arith.cmpi slt, %add3A_2658, %lt3A_2660 : vector<256x1xi32>
    %gt3A_2662 = arith.constant 0.00999999977 : f32
    %gt3A_2663 = vector.broadcast %gt3A_2662 : f32 to vector<256x2048xf32>
    %gt3A_2664 = arith.cmpf ogt, %div3A_2643, %gt3A_2663 : vector<256x2048xf32>
    %and3A_2665 = arith.andi %gt3A_2664, %or3A_2654 : vector<256x2048xi1>
    %and3A_2666 = vector.broadcast %lt3A_2661 : vector<256x1xi1> to vector<256x2048xi1>
    %and3A_2667 = arith.andi %and3A_2665, %and3A_2666 : vector<256x2048xi1>
    %convert_element_type3A_2668 = arith.extui %and3A_2667 : vector<256x2048xi1> to vector<256x2048xi32>
    %convert_element_type3A_2669 = arith.sitofp %convert_element_type3A_2668 : vector<256x2048xi32> to vector<256x2048xf32>
    %convert_element_type3A_2670 = arith.truncf %convert_element_type3A_2669 : vector<256x2048xf32> to vector<256x2048xbf16>
    %swap3A_2671 = arith.constant 0 : index
    %swap3A_2672 = arith.constant 0 : index
    %swap3A_2673 = vector.load %arg5[%swap3A_2671, %swap3A_2672] : memref<2048x2048xbf16, #tpu.memory_space<vmem>>, vector<256x2048xbf16>
    tpu.vector_store %arg5[%swap3A_2671, %swap3A_2672], %convert_element_type3A_2670 {strides = array<i32>} : memref<2048x2048xbf16, #tpu.memory_space<vmem>>, vector<256x2048xbf16>,
    %slice3A_2674 = vector.extract_strided_slice %concatenate3A_2564 {offsets = [256, 0], sizes = [256, 1], strides = [1, 1]} : vector<2048x6xf32> to vector<256x1xf32>
    %slice3A_2675 = vector.extract_strided_slice %concatenate3A_2564 {offsets = [256, 1], sizes = [256, 1], strides = [1, 1]} : vector<2048x6xf32> to vector<256x1xf32>
    %slice3A_2676 = vector.extract_strided_slice %concatenate3A_2564 {offsets = [256, 2], sizes = [256, 1], strides = [1, 1]} : vector<2048x6xf32> to vector<256x1xf32>
    %slice3A_2677 = vector.extract_strided_slice %concatenate3A_2564 {offsets = [256, 3], sizes = [256, 1], strides = [1, 1]} : vector<2048x6xf32> to vector<256x1xf32>
    %slice3A_2678 = vector.extract_strided_slice %concatenate3A_2564 {offsets = [256, 4], sizes = [256, 1], strides = [1, 1]} : vector<2048x6xf32> to vector<256x1xf32>
    %slice3A_2679 = vector.extract_strided_slice %concatenate3A_2564 {offsets = [256, 5], sizes = [256, 1], strides = [1, 1]} : vector<2048x6xf32> to vector<256x1xf32>
    %mul3A_2680 = arith.constant 5.000000e-01 : f32
    %mul3A_2681 = vector.broadcast %mul3A_2680 : f32 to vector<256x1xf32>
    %mul3A_2682 = arith.mulf %slice3A_2676, %mul3A_2681 : vector<256x1xf32>
    %sub3A_2683 = arith.subf %slice3A_2674, %mul3A_2682 : vector<256x1xf32>
    %mul3A_2684 = arith.constant 5.000000e-01 : f32
    %mul3A_2685 = vector.broadcast %mul3A_2684 : f32 to vector<256x1xf32>
    %mul3A_2686 = arith.mulf %slice3A_2676, %mul3A_2685 : vector<256x1xf32>
    %add3A_2687 = arith.addf %slice3A_2674, %mul3A_2686 : vector<256x1xf32>
    %mul3A_2688 = arith.constant 5.000000e-01 : f32
    %mul3A_2689 = vector.broadcast %mul3A_2688 : f32 to vector<256x1xf32>
    %mul3A_2690 = arith.mulf %slice3A_2677, %mul3A_2689 : vector<256x1xf32>
    %sub3A_2691 = arith.subf %slice3A_2675, %mul3A_2690 : vector<256x1xf32>
    %mul3A_2692 = arith.constant 5.000000e-01 : f32
    %mul3A_2693 = vector.broadcast %mul3A_2692 : f32 to vector<256x1xf32>
    %mul3A_2694 = arith.mulf %slice3A_2677, %mul3A_2693 : vector<256x1xf32>
    %add3A_2695 = arith.addf %slice3A_2675, %mul3A_2694 : vector<256x1xf32>
    %sub3A_2696 = arith.subf %add3A_2687, %sub3A_2683 : vector<256x1xf32>
    %sub3A_2697 = arith.subf %add3A_2695, %sub3A_2691 : vector<256x1xf32>
    %mul3A_2698 = arith.mulf %sub3A_2696, %sub3A_2697 : vector<256x1xf32>
    %max3A_2699 = vector.broadcast %sub3A_2683 : vector<256x1xf32> to vector<256x2048xf32>
    %max3A_2700 = vector.broadcast %sub3A_2574 : vector<1x2048xf32> to vector<256x2048xf32>
    %max3A_2701 = arith.maximumf %max3A_2699, %max3A_2700 : vector<256x2048xf32>
    %max3A_2702 = vector.broadcast %sub3A_2691 : vector<256x1xf32> to vector<256x2048xf32>
    %max3A_2703 = vector.broadcast %sub3A_2582 : vector<1x2048xf32> to vector<256x2048xf32>
    %max3A_2704 = arith.maximumf %max3A_2702, %max3A_2703 : vector<256x2048xf32>
    %min3A_2705 = vector.broadcast %add3A_2687 : vector<256x1xf32> to vector<256x2048xf32>
    %min3A_2706 = vector.broadcast %add3A_2578 : vector<1x2048xf32> to vector<256x2048xf32>
    %min3A_2707 = arith.minimumf %min3A_2705, %min3A_2706 : vector<256x2048xf32>
    %min3A_2708 = vector.broadcast %add3A_2695 : vector<256x1xf32> to vector<256x2048xf32>
    %min3A_2709 = vector.broadcast %add3A_2586 : vector<1x2048xf32> to vector<256x2048xf32>
    %min3A_2710 = arith.minimumf %min3A_2708, %min3A_2709 : vector<256x2048xf32>
    %sub3A_2711 = arith.subf %min3A_2707, %max3A_2701 : vector<256x2048xf32>
    %jit3A_2712 = arith.constant 0.000000e+00 : f32
    %max3A_2713 = vector.broadcast %jit3A_2712 : f32 to vector<256x2048xf32>
    %max3A_2714 = arith.maximumf %max3A_2713, %sub3A_2711 : vector<256x2048xf32>
    %sub3A_2715 = arith.subf %min3A_2710, %max3A_2704 : vector<256x2048xf32>
    %jit3A_2716 = arith.constant 0.000000e+00 : f32
    %max3A_2717 = vector.broadcast %jit3A_2716 : f32 to vector<256x2048xf32>
    %max3A_2718 = arith.maximumf %max3A_2717, %sub3A_2715 : vector<256x2048xf32>
    %mul3A_2719 = arith.mulf %max3A_2714, %max3A_2718 : vector<256x2048xf32>
    %add3A_2720 = vector.broadcast %mul3A_2698 : vector<256x1xf32> to vector<256x2048xf32>
    %add3A_2721 = vector.broadcast %mul3A_2589 : vector<1x2048xf32> to vector<256x2048xf32>
    %add3A_2722 = arith.addf %add3A_2720, %add3A_2721 : vector<256x2048xf32>
    %sub3A_2723 = arith.subf %add3A_2722, %mul3A_2719 : vector<256x2048xf32>
    %max3A_2724 = arith.constant 9.99999993E-9 : f32
    %max3A_2725 = vector.broadcast %max3A_2724 : f32 to vector<256x2048xf32>
    %max3A_2726 = arith.maximumf %sub3A_2723, %max3A_2725 : vector<256x2048xf32>
    %div3A_2727 = arith.divf %mul3A_2719, %max3A_2726 : vector<256x2048xf32>
    %gt3A_2728 = vector.broadcast %slice3A_2678 : vector<256x1xf32> to vector<256x2048xf32>
    %gt3A_2729 = vector.broadcast %slice3A_2569 : vector<1x2048xf32> to vector<256x2048xf32>
    %gt3A_2730 = arith.cmpf ogt, %gt3A_2728, %gt3A_2729 : vector<256x2048xf32>
    %eq3A_2731 = vector.broadcast %slice3A_2678 : vector<256x1xf32> to vector<256x2048xf32>
    %eq3A_2732 = vector.broadcast %slice3A_2569 : vector<1x2048xf32> to vector<256x2048xf32>
    %eq3A_2733 = arith.cmpf oeq, %eq3A_2731, %eq3A_2732 : vector<256x2048xf32>
    %lt3A_2734 = vector.broadcast %slice3A_2679 : vector<256x1xf32> to vector<256x2048xf32>
    %lt3A_2735 = vector.broadcast %slice3A_2570 : vector<1x2048xf32> to vector<256x2048xf32>
    %lt3A_2736 = arith.cmpf olt, %lt3A_2734, %lt3A_2735 : vector<256x2048xf32>
    %and3A_2737 = arith.andi %eq3A_2733, %lt3A_2736 : vector<256x2048xi1>
    %or3A_2738 = arith.ori %gt3A_2730, %and3A_2737 : vector<256x2048xi1>
    %iota3A_2739 = tpu.iota {dimensions = array<i32: 0>} : vector<256x1xi32>
    %add3A_2740 = arith.constant 256 : i32
    %add3A_2741 = vector.broadcast %add3A_2740 : i32 to vector<256x1xi32>
    %add3A_2742 = arith.addi %iota3A_2739, %add3A_2741 : vector<256x1xi32>
    %lt3A_2743 = arith.constant 2000 : i32
    %lt3A_2744 = vector.broadcast %lt3A_2743 : i32 to vector<256x1xi32>
    %lt3A_2745 = arith.cmpi slt, %add3A_2742, %lt3A_2744 : vector<256x1xi32>
    %gt3A_2746 = arith.constant 0.00999999977 : f32
    %gt3A_2747 = vector.broadcast %gt3A_2746 : f32 to vector<256x2048xf32>
    %gt3A_2748 = arith.cmpf ogt, %div3A_2727, %gt3A_2747 : vector<256x2048xf32>
    %and3A_2749 = arith.andi %gt3A_2748, %or3A_2738 : vector<256x2048xi1>
    %and3A_2750 = vector.broadcast %lt3A_2745 : vector<256x1xi1> to vector<256x2048xi1>
    %and3A_2751 = arith.andi %and3A_2749, %and3A_2750 : vector<256x2048xi1>
    %convert_element_type3A_2752 = arith.extui %and3A_2751 : vector<256x2048xi1> to vector<256x2048xi32>
    %convert_element_type3A_2753 = arith.sitofp %convert_element_type3A_2752 : vector<256x2048xi32> to vector<256x2048xf32>
    %convert_element_type3A_2754 = arith.truncf %convert_element_type3A_2753 : vector<256x2048xf32> to vector<256x2048xbf16>
    %swap3A_2755 = arith.constant 256 : index
    %swap3A_2756 = arith.constant 0 : index
    %swap3A_2757 = vector.load %arg5[%swap3A_2755, %swap3A_2756] : memref<2048x2048xbf16, #tpu.memory_space<vmem>>, vector<256x2048xbf16>
    tpu.vector_store %arg5[%swap3A_2755, %swap3A_2756], %convert_element_type3A_2754 {strides = array<i32>} : memref<2048x2048xbf16, #tpu.memory_space<vmem>>, vector<256x2048xbf16>,
    %slice3A_2758 = vector.extract_strided_slice %concatenate3A_2564 {offsets = [512, 0], sizes = [256, 1], strides = [1, 1]} : vector<2048x6xf32> to vector<256x1xf32>
    %slice3A_2759 = vector.extract_strided_slice %concatenate3A_2564 {offsets = [512, 1], sizes = [256, 1], strides = [1, 1]} : vector<2048x6xf32> to vector<256x1xf32>
    %slice3A_2760 = vector.extract_strided_slice %concatenate3A_2564 {offsets = [512, 2], sizes = [256, 1], strides = [1, 1]} : vector<2048x6xf32> to vector<256x1xf32>
    %slice3A_2761 = vector.extract_strided_slice %concatenate3A_2564 {offsets = [512, 3], sizes = [256, 1], strides = [1, 1]} : vector<2048x6xf32> to vector<256x1xf32>
    %slice3A_2762 = vector.extract_strided_slice %concatenate3A_2564 {offsets = [512, 4], sizes = [256, 1], strides = [1, 1]} : vector<2048x6xf32> to vector<256x1xf32>
    %slice3A_2763 = vector.extract_strided_slice %concatenate3A_2564 {offsets = [512, 5], sizes = [256, 1], strides = [1, 1]} : vector<2048x6xf32> to vector<256x1xf32>
    %mul3A_2764 = arith.constant 5.000000e-01 : f32
    %mul3A_2765 = vector.broadcast %mul3A_2764 : f32 to vector<256x1xf32>
    %mul3A_2766 = arith.mulf %slice3A_2760, %mul3A_2765 : vector<256x1xf32>
    %sub3A_2767 = arith.subf %slice3A_2758, %mul3A_2766 : vector<256x1xf32>
    %mul3A_2768 = arith.constant 5.000000e-01 : f32
    %mul3A_2769 = vector.broadcast %mul3A_2768 : f32 to vector<256x1xf32>
    %mul3A_2770 = arith.mulf %slice3A_2760, %mul3A_2769 : vector<256x1xf32>
    %add3A_2771 = arith.addf %slice3A_2758, %mul3A_2770 : vector<256x1xf32>
    %mul3A_2772 = arith.constant 5.000000e-01 : f32
    %mul3A_2773 = vector.broadcast %mul3A_2772 : f32 to vector<256x1xf32>
    %mul3A_2774 = arith.mulf %slice3A_2761, %mul3A_2773 : vector<256x1xf32>
    %sub3A_2775 = arith.subf %slice3A_2759, %mul3A_2774 : vector<256x1xf32>
    %mul3A_2776 = arith.constant 5.000000e-01 : f32
    %mul3A_2777 = vector.broadcast %mul3A_2776 : f32 to vector<256x1xf32>
    %mul3A_2778 = arith.mulf %slice3A_2761, %mul3A_2777 : vector<256x1xf32>
    %add3A_2779 = arith.addf %slice3A_2759, %mul3A_2778 : vector<256x1xf32>
    %sub3A_2780 = arith.subf %add3A_2771, %sub3A_2767 : vector<256x1xf32>
    %sub3A_2781 = arith.subf %add3A_2779, %sub3A_2775 : vector<256x1xf32>
    %mul3A_2782 = arith.mulf %sub3A_2780, %sub3A_2781 : vector<256x1xf32>
    %max3A_2783 = vector.broadcast %sub3A_2767 : vector<256x1xf32> to vector<256x2048xf32>
    %max3A_2784 = vector.broadcast %sub3A_2574 : vector<1x2048xf32> to vector<256x2048xf32>
    %max3A_2785 = arith.maximumf %max3A_2783, %max3A_2784 : vector<256x2048xf32>
    %max3A_2786 = vector.broadcast %sub3A_2775 : vector<256x1xf32> to vector<256x2048xf32>
    %max3A_2787 = vector.broadcast %sub3A_2582 : vector<1x2048xf32> to vector<256x2048xf32>
    %max3A_2788 = arith.maximumf %max3A_2786, %max3A_2787 : vector<256x2048xf32>
    %min3A_2789 = vector.broadcast %add3A_2771 : vector<256x1xf32> to vector<256x2048xf32>
    %min3A_2790 = vector.broadcast %add3A_2578 : vector<1x2048xf32> to vector<256x2048xf32>
    %min3A_2791 = arith.minimumf %min3A_2789, %min3A_2790 : vector<256x2048xf32>
    %min3A_2792 = vector.broadcast %add3A_2779 : vector<256x1xf32> to vector<256x2048xf32>
    %min3A_2793 = vector.broadcast %add3A_2586 : vector<1x2048xf32> to vector<256x2048xf32>
    %min3A_2794 = arith.minimumf %min3A_2792, %min3A_2793 : vector<256x2048xf32>
    %sub3A_2795 = arith.subf %min3A_2791, %max3A_2785 : vector<256x2048xf32>
    %jit3A_2796 = arith.constant 0.000000e+00 : f32
    %max3A_2797 = vector.broadcast %jit3A_2796 : f32 to vector<256x2048xf32>
    %max3A_2798 = arith.maximumf %max3A_2797, %sub3A_2795 : vector<256x2048xf32>
    %sub3A_2799 = arith.subf %min3A_2794, %max3A_2788 : vector<256x2048xf32>
    %jit3A_2800 = arith.constant 0.000000e+00 : f32
    %max3A_2801 = vector.broadcast %jit3A_2800 : f32 to vector<256x2048xf32>
    %max3A_2802 = arith.maximumf %max3A_2801, %sub3A_2799 : vector<256x2048xf32>
    %mul3A_2803 = arith.mulf %max3A_2798, %max3A_2802 : vector<256x2048xf32>
    %add3A_2804 = vector.broadcast %mul3A_2782 : vector<256x1xf32> to vector<256x2048xf32>
    %add3A_2805 = vector.broadcast %mul3A_2589 : vector<1x2048xf32> to vector<256x2048xf32>
    %add3A_2806 = arith.addf %add3A_2804, %add3A_2805 : vector<256x2048xf32>
    %sub3A_2807 = arith.subf %add3A_2806, %mul3A_2803 : vector<256x2048xf32>
    %max3A_2808 = arith.constant 9.99999993E-9 : f32
    %max3A_2809 = vector.broadcast %max3A_2808 : f32 to vector<256x2048xf32>
    %max3A_2810 = arith.maximumf %sub3A_2807, %max3A_2809 : vector<256x2048xf32>
    %div3A_2811 = arith.divf %mul3A_2803, %max3A_2810 : vector<256x2048xf32>
    %gt3A_2812 = vector.broadcast %slice3A_2762 : vector<256x1xf32> to vector<256x2048xf32>
    %gt3A_2813 = vector.broadcast %slice3A_2569 : vector<1x2048xf32> to vector<256x2048xf32>
    %gt3A_2814 = arith.cmpf ogt, %gt3A_2812, %gt3A_2813 : vector<256x2048xf32>
    %eq3A_2815 = vector.broadcast %slice3A_2762 : vector<256x1xf32> to vector<256x2048xf32>
    %eq3A_2816 = vector.broadcast %slice3A_2569 : vector<1x2048xf32> to vector<256x2048xf32>
    %eq3A_2817 = arith.cmpf oeq, %eq3A_2815, %eq3A_2816 : vector<256x2048xf32>
    %lt3A_2818 = vector.broadcast %slice3A_2763 : vector<256x1xf32> to vector<256x2048xf32>
    %lt3A_2819 = vector.broadcast %slice3A_2570 : vector<1x2048xf32> to vector<256x2048xf32>
    %lt3A_2820 = arith.cmpf olt, %lt3A_2818, %lt3A_2819 : vector<256x2048xf32>
    %and3A_2821 = arith.andi %eq3A_2817, %lt3A_2820 : vector<256x2048xi1>
    %or3A_2822 = arith.ori %gt3A_2814, %and3A_2821 : vector<256x2048xi1>
    %iota3A_2823 = tpu.iota {dimensions = array<i32: 0>} : vector<256x1xi32>
    %add3A_2824 = arith.constant 512 : i32
    %add3A_2825 = vector.broadcast %add3A_2824 : i32 to vector<256x1xi32>
    %add3A_2826 = arith.addi %iota3A_2823, %add3A_2825 : vector<256x1xi32>
    %lt3A_2827 = arith.constant 2000 : i32
    %lt3A_2828 = vector.broadcast %lt3A_2827 : i32 to vector<256x1xi32>
    %lt3A_2829 = arith.cmpi slt, %add3A_2826, %lt3A_2828 : vector<256x1xi32>
    %gt3A_2830 = arith.constant 0.00999999977 : f32
    %gt3A_2831 = vector.broadcast %gt3A_2830 : f32 to vector<256x2048xf32>
    %gt3A_2832 = arith.cmpf ogt, %div3A_2811, %gt3A_2831 : vector<256x2048xf32>
    %and3A_2833 = arith.andi %gt3A_2832, %or3A_2822 : vector<256x2048xi1>
    %and3A_2834 = vector.broadcast %lt3A_2829 : vector<256x1xi1> to vector<256x2048xi1>
    %and3A_2835 = arith.andi %and3A_2833, %and3A_2834 : vector<256x2048xi1>
    %convert_element_type3A_2836 = arith.extui %and3A_2835 : vector<256x2048xi1> to vector<256x2048xi32>
    %convert_element_type3A_2837 = arith.sitofp %convert_element_type3A_2836 : vector<256x2048xi32> to vector<256x2048xf32>
    %convert_element_type3A_2838 = arith.truncf %convert_element_type3A_2837 : vector<256x2048xf32> to vector<256x2048xbf16>
    %swap3A_2839 = arith.constant 512 : index
    %swap3A_2840 = arith.constant 0 : index
    %swap3A_2841 = vector.load %arg5[%swap3A_2839, %swap3A_2840] : memref<2048x2048xbf16, #tpu.memory_space<vmem>>, vector<256x2048xbf16>
    tpu.vector_store %arg5[%swap3A_2839, %swap3A_2840], %convert_element_type3A_2838 {strides = array<i32>} : memref<2048x2048xbf16, #tpu.memory_space<vmem>>, vector<256x2048xbf16>,
    %slice3A_2842 = vector.extract_strided_slice %concatenate3A_2564 {offsets = [768, 0], sizes = [256, 1], strides = [1, 1]} : vector<2048x6xf32> to vector<256x1xf32>
    %slice3A_2843 = vector.extract_strided_slice %concatenate3A_2564 {offsets = [768, 1], sizes = [256, 1], strides = [1, 1]} : vector<2048x6xf32> to vector<256x1xf32>
    %slice3A_2844 = vector.extract_strided_slice %concatenate3A_2564 {offsets = [768, 2], sizes = [256, 1], strides = [1, 1]} : vector<2048x6xf32> to vector<256x1xf32>
    %slice3A_2845 = vector.extract_strided_slice %concatenate3A_2564 {offsets = [768, 3], sizes = [256, 1], strides = [1, 1]} : vector<2048x6xf32> to vector<256x1xf32>
    %slice3A_2846 = vector.extract_strided_slice %concatenate3A_2564 {offsets = [768, 4], sizes = [256, 1], strides = [1, 1]} : vector<2048x6xf32> to vector<256x1xf32>
    %slice3A_2847 = vector.extract_strided_slice %concatenate3A_2564 {offsets = [768, 5], sizes = [256, 1], strides = [1, 1]} : vector<2048x6xf32> to vector<256x1xf32>
    %mul3A_2848 = arith.constant 5.000000e-01 : f32
    %mul3A_2849 = vector.broadcast %mul3A_2848 : f32 to vector<256x1xf32>
    %mul3A_2850 = arith.mulf %slice3A_2844, %mul3A_2849 : vector<256x1xf32>
    %sub3A_2851 = arith.subf %slice3A_2842, %mul3A_2850 : vector<256x1xf32>
    %mul3A_2852 = arith.constant 5.000000e-01 : f32
    %mul3A_2853 = vector.broadcast %mul3A_2852 : f32 to vector<256x1xf32>
    %mul3A_2854 = arith.mulf %slice3A_2844, %mul3A_2853 : vector<256x1xf32>
    %add3A_2855 = arith.addf %slice3A_2842, %mul3A_2854 : vector<256x1xf32>
    %mul3A_2856 = arith.constant 5.000000e-01 : f32
    %mul3A_2857 = vector.broadcast %mul3A_2856 : f32 to vector<256x1xf32>
    %mul3A_2858 = arith.mulf %slice3A_2845, %mul3A_2857 : vector<256x1xf32>
    %sub3A_2859 = arith.subf %slice3A_2843, %mul3A_2858 : vector<256x1xf32>
    %mul3A_2860 = arith.constant 5.000000e-01 : f32
    %mul3A_2861 = vector.broadcast %mul3A_2860 : f32 to vector<256x1xf32>
    %mul3A_2862 = arith.mulf %slice3A_2845, %mul3A_2861 : vector<256x1xf32>
    %add3A_2863 = arith.addf %slice3A_2843, %mul3A_2862 : vector<256x1xf32>
    %sub3A_2864 = arith.subf %add3A_2855, %sub3A_2851 : vector<256x1xf32>
    %sub3A_2865 = arith.subf %add3A_2863, %sub3A_2859 : vector<256x1xf32>
    %mul3A_2866 = arith.mulf %sub3A_2864, %sub3A_2865 : vector<256x1xf32>
    %max3A_2867 = vector.broadcast %sub3A_2851 : vector<256x1xf32> to vector<256x2048xf32>
    %max3A_2868 = vector.broadcast %sub3A_2574 : vector<1x2048xf32> to vector<256x2048xf32>
    %max3A_2869 = arith.maximumf %max3A_2867, %max3A_2868 : vector<256x2048xf32>
    %max3A_2870 = vector.broadcast %sub3A_2859 : vector<256x1xf32> to vector<256x2048xf32>
    %max3A_2871 = vector.broadcast %sub3A_2582 : vector<1x2048xf32> to vector<256x2048xf32>
    %max3A_2872 = arith.maximumf %max3A_2870, %max3A_2871 : vector<256x2048xf32>
    %min3A_2873 = vector.broadcast %add3A_2855 : vector<256x1xf32> to vector<256x2048xf32>
    %min3A_2874 = vector.broadcast %add3A_2578 : vector<1x2048xf32> to vector<256x2048xf32>
    %min3A_2875 = arith.minimumf %min3A_2873, %min3A_2874 : vector<256x2048xf32>
    %min3A_2876 = vector.broadcast %add3A_2863 : vector<256x1xf32> to vector<256x2048xf32>
    %min3A_2877 = vector.broadcast %add3A_2586 : vector<1x2048xf32> to vector<256x2048xf32>
    %min3A_2878 = arith.minimumf %min3A_2876, %min3A_2877 : vector<256x2048xf32>
    %sub3A_2879 = arith.subf %min3A_2875, %max3A_2869 : vector<256x2048xf32>
    %jit3A_2880 = arith.constant 0.000000e+00 : f32
    %max3A_2881 = vector.broadcast %jit3A_2880 : f32 to vector<256x2048xf32>
    %max3A_2882 = arith.maximumf %max3A_2881, %sub3A_2879 : vector<256x2048xf32>
    %sub3A_2883 = arith.subf %min3A_2878, %max3A_2872 : vector<256x2048xf32>
    %jit3A_2884 = arith.constant 0.000000e+00 : f32
    %max3A_2885 = vector.broadcast %jit3A_2884 : f32 to vector<256x2048xf32>
    %max3A_2886 = arith.maximumf %max3A_2885, %sub3A_2883 : vector<256x2048xf32>
    %mul3A_2887 = arith.mulf %max3A_2882, %max3A_2886 : vector<256x2048xf32>
    %add3A_2888 = vector.broadcast %mul3A_2866 : vector<256x1xf32> to vector<256x2048xf32>
    %add3A_2889 = vector.broadcast %mul3A_2589 : vector<1x2048xf32> to vector<256x2048xf32>
    %add3A_2890 = arith.addf %add3A_2888, %add3A_2889 : vector<256x2048xf32>
    %sub3A_2891 = arith.subf %add3A_2890, %mul3A_2887 : vector<256x2048xf32>
    %max3A_2892 = arith.constant 9.99999993E-9 : f32
    %max3A_2893 = vector.broadcast %max3A_2892 : f32 to vector<256x2048xf32>
    %max3A_2894 = arith.maximumf %sub3A_2891, %max3A_2893 : vector<256x2048xf32>
    %div3A_2895 = arith.divf %mul3A_2887, %max3A_2894 : vector<256x2048xf32>
    %gt3A_2896 = vector.broadcast %slice3A_2846 : vector<256x1xf32> to vector<256x2048xf32>
    %gt3A_2897 = vector.broadcast %slice3A_2569 : vector<1x2048xf32> to vector<256x2048xf32>
    %gt3A_2898 = arith.cmpf ogt, %gt3A_2896, %gt3A_2897 : vector<256x2048xf32>
    %eq3A_2899 = vector.broadcast %slice3A_2846 : vector<256x1xf32> to vector<256x2048xf32>
    %eq3A_2900 = vector.broadcast %slice3A_2569 : vector<1x2048xf32> to vector<256x2048xf32>
    %eq3A_2901 = arith.cmpf oeq, %eq3A_2899, %eq3A_2900 : vector<256x2048xf32>
    %lt3A_2902 = vector.broadcast %slice3A_2847 : vector<256x1xf32> to vector<256x2048xf32>
    %lt3A_2903 = vector.broadcast %slice3A_2570 : vector<1x2048xf32> to vector<256x2048xf32>
    %lt3A_2904 = arith.cmpf olt, %lt3A_2902, %lt3A_2903 : vector<256x2048xf32>
    %and3A_2905 = arith.andi %eq3A_2901, %lt3A_2904 : vector<256x2048xi1>
    %or3A_2906 = arith.ori %gt3A_2898, %and3A_2905 : vector<256x2048xi1>
    %iota3A_2907 = tpu.iota {dimensions = array<i32: 0>} : vector<256x1xi32>
    %add3A_2908 = arith.constant 768 : i32
    %add3A_2909 = vector.broadcast %add3A_2908 : i32 to vector<256x1xi32>
    %add3A_2910 = arith.addi %iota3A_2907, %add3A_2909 : vector<256x1xi32>
    %lt3A_2911 = arith.constant 2000 : i32
    %lt3A_2912 = vector.broadcast %lt3A_2911 : i32 to vector<256x1xi32>
    %lt3A_2913 = arith.cmpi slt, %add3A_2910, %lt3A_2912 : vector<256x1xi32>
    %gt3A_2914 = arith.constant 0.00999999977 : f32
    %gt3A_2915 = vector.broadcast %gt3A_2914 : f32 to vector<256x2048xf32>
    %gt3A_2916 = arith.cmpf ogt, %div3A_2895, %gt3A_2915 : vector<256x2048xf32>
    %and3A_2917 = arith.andi %gt3A_2916, %or3A_2906 : vector<256x2048xi1>
    %and3A_2918 = vector.broadcast %lt3A_2913 : vector<256x1xi1> to vector<256x2048xi1>
    %and3A_2919 = arith.andi %and3A_2917, %and3A_2918 : vector<256x2048xi1>
    %convert_element_type3A_2920 = arith.extui %and3A_2919 : vector<256x2048xi1> to vector<256x2048xi32>
    %convert_element_type3A_2921 = arith.sitofp %convert_element_type3A_2920 : vector<256x2048xi32> to vector<256x2048xf32>
    %convert_element_type3A_2922 = arith.truncf %convert_element_type3A_2921 : vector<256x2048xf32> to vector<256x2048xbf16>
    %swap3A_2923 = arith.constant 768 : index
    %swap3A_2924 = arith.constant 0 : index
    %swap3A_2925 = vector.load %arg5[%swap3A_2923, %swap3A_2924] : memref<2048x2048xbf16, #tpu.memory_space<vmem>>, vector<256x2048xbf16>
    tpu.vector_store %arg5[%swap3A_2923, %swap3A_2924], %convert_element_type3A_2922 {strides = array<i32>} : memref<2048x2048xbf16, #tpu.memory_space<vmem>>, vector<256x2048xbf16>,
    %slice3A_2926 = vector.extract_strided_slice %concatenate3A_2564 {offsets = [1024, 0], sizes = [256, 1], strides = [1, 1]} : vector<2048x6xf32> to vector<256x1xf32>
    %slice3A_2927 = vector.extract_strided_slice %concatenate3A_2564 {offsets = [1024, 1], sizes = [256, 1], strides = [1, 1]} : vector<2048x6xf32> to vector<256x1xf32>
    %slice3A_2928 = vector.extract_strided_slice %concatenate3A_2564 {offsets = [1024, 2], sizes = [256, 1], strides = [1, 1]} : vector<2048x6xf32> to vector<256x1xf32>
    %slice3A_2929 = vector.extract_strided_slice %concatenate3A_2564 {offsets = [1024, 3], sizes = [256, 1], strides = [1, 1]} : vector<2048x6xf32> to vector<256x1xf32>
    %slice3A_2930 = vector.extract_strided_slice %concatenate3A_2564 {offsets = [1024, 4], sizes = [256, 1], strides = [1, 1]} : vector<2048x6xf32> to vector<256x1xf32>
    %slice3A_2931 = vector.extract_strided_slice %concatenate3A_2564 {offsets = [1024, 5], sizes = [256, 1], strides = [1, 1]} : vector<2048x6xf32> to vector<256x1xf32>
    %mul3A_2932 = arith.constant 5.000000e-01 : f32
    %mul3A_2933 = vector.broadcast %mul3A_2932 : f32 to vector<256x1xf32>
    %mul3A_2934 = arith.mulf %slice3A_2928, %mul3A_2933 : vector<256x1xf32>
    %sub3A_2935 = arith.subf %slice3A_2926, %mul3A_2934 : vector<256x1xf32>
    %mul3A_2936 = arith.constant 5.000000e-01 : f32
    %mul3A_2937 = vector.broadcast %mul3A_2936 : f32 to vector<256x1xf32>
    %mul3A_2938 = arith.mulf %slice3A_2928, %mul3A_2937 : vector<256x1xf32>
    %add3A_2939 = arith.addf %slice3A_2926, %mul3A_2938 : vector<256x1xf32>
    %mul3A_2940 = arith.constant 5.000000e-01 : f32
    %mul3A_2941 = vector.broadcast %mul3A_2940 : f32 to vector<256x1xf32>
    %mul3A_2942 = arith.mulf %slice3A_2929, %mul3A_2941 : vector<256x1xf32>
    %sub3A_2943 = arith.subf %slice3A_2927, %mul3A_2942 : vector<256x1xf32>
    %mul3A_2944 = arith.constant 5.000000e-01 : f32
    %mul3A_2945 = vector.broadcast %mul3A_2944 : f32 to vector<256x1xf32>
    %mul3A_2946 = arith.mulf %slice3A_2929, %mul3A_2945 : vector<256x1xf32>
    %add3A_2947 = arith.addf %slice3A_2927, %mul3A_2946 : vector<256x1xf32>
    %sub3A_2948 = arith.subf %add3A_2939, %sub3A_2935 : vector<256x1xf32>
    %sub3A_2949 = arith.subf %add3A_2947, %sub3A_2943 : vector<256x1xf32>
    %mul3A_2950 = arith.mulf %sub3A_2948, %sub3A_2949 : vector<256x1xf32>
    %max3A_2951 = vector.broadcast %sub3A_2935 : vector<256x1xf32> to vector<256x2048xf32>
    %max3A_2952 = vector.broadcast %sub3A_2574 : vector<1x2048xf32> to vector<256x2048xf32>
    %max3A_2953 = arith.maximumf %max3A_2951, %max3A_2952 : vector<256x2048xf32>
    %max3A_2954 = vector.broadcast %sub3A_2943 : vector<256x1xf32> to vector<256x2048xf32>
    %max3A_2955 = vector.broadcast %sub3A_2582 : vector<1x2048xf32> to vector<256x2048xf32>
    %max3A_2956 = arith.maximumf %max3A_2954, %max3A_2955 : vector<256x2048xf32>
    %min3A_2957 = vector.broadcast %add3A_2939 : vector<256x1xf32> to vector<256x2048xf32>
    %min3A_2958 = vector.broadcast %add3A_2578 : vector<1x2048xf32> to vector<256x2048xf32>
    %min3A_2959 = arith.minimumf %min3A_2957, %min3A_2958 : vector<256x2048xf32>
    %min3A_2960 = vector.broadcast %add3A_2947 : vector<256x1xf32> to vector<256x2048xf32>
    %min3A_2961 = vector.broadcast %add3A_2586 : vector<1x2048xf32> to vector<256x2048xf32>
    %min3A_2962 = arith.minimumf %min3A_2960, %min3A_2961 : vector<256x2048xf32>
    %sub3A_2963 = arith.subf %min3A_2959, %max3A_2953 : vector<256x2048xf32>
    %jit3A_2964 = arith.constant 0.000000e+00 : f32
    %max3A_2965 = vector.broadcast %jit3A_2964 : f32 to vector<256x2048xf32>
    %max3A_2966 = arith.maximumf %max3A_2965, %sub3A_2963 : vector<256x2048xf32>
    %sub3A_2967 = arith.subf %min3A_2962, %max3A_2956 : vector<256x2048xf32>
    %jit3A_2968 = arith.constant 0.000000e+00 : f32
    %max3A_2969 = vector.broadcast %jit3A_2968 : f32 to vector<256x2048xf32>
    %max3A_2970 = arith.maximumf %max3A_2969, %sub3A_2967 : vector<256x2048xf32>
    %mul3A_2971 = arith.mulf %max3A_2966, %max3A_2970 : vector<256x2048xf32>
    %add3A_2972 = vector.broadcast %mul3A_2950 : vector<256x1xf32> to vector<256x2048xf32>
    %add3A_2973 = vector.broadcast %mul3A_2589 : vector<1x2048xf32> to vector<256x2048xf32>
    %add3A_2974 = arith.addf %add3A_2972, %add3A_2973 : vector<256x2048xf32>
    %sub3A_2975 = arith.subf %add3A_2974, %mul3A_2971 : vector<256x2048xf32>
    %max3A_2976 = arith.constant 9.99999993E-9 : f32
    %max3A_2977 = vector.broadcast %max3A_2976 : f32 to vector<256x2048xf32>
    %max3A_2978 = arith.maximumf %sub3A_2975, %max3A_2977 : vector<256x2048xf32>
    %div3A_2979 = arith.divf %mul3A_2971, %max3A_2978 : vector<256x2048xf32>
    %gt3A_2980 = vector.broadcast %slice3A_2930 : vector<256x1xf32> to vector<256x2048xf32>
    %gt3A_2981 = vector.broadcast %slice3A_2569 : vector<1x2048xf32> to vector<256x2048xf32>
    %gt3A_2982 = arith.cmpf ogt, %gt3A_2980, %gt3A_2981 : vector<256x2048xf32>
    %eq3A_2983 = vector.broadcast %slice3A_2930 : vector<256x1xf32> to vector<256x2048xf32>
    %eq3A_2984 = vector.broadcast %slice3A_2569 : vector<1x2048xf32> to vector<256x2048xf32>
    %eq3A_2985 = arith.cmpf oeq, %eq3A_2983, %eq3A_2984 : vector<256x2048xf32>
    %lt3A_2986 = vector.broadcast %slice3A_2931 : vector<256x1xf32> to vector<256x2048xf32>
    %lt3A_2987 = vector.broadcast %slice3A_2570 : vector<1x2048xf32> to vector<256x2048xf32>
    %lt3A_2988 = arith.cmpf olt, %lt3A_2986, %lt3A_2987 : vector<256x2048xf32>
    %and3A_2989 = arith.andi %eq3A_2985, %lt3A_2988 : vector<256x2048xi1>
    %or3A_2990 = arith.ori %gt3A_2982, %and3A_2989 : vector<256x2048xi1>
    %iota3A_2991 = tpu.iota {dimensions = array<i32: 0>} : vector<256x1xi32>
    %add3A_2992 = arith.constant 1024 : i32
    %add3A_2993 = vector.broadcast %add3A_2992 : i32 to vector<256x1xi32>
    %add3A_2994 = arith.addi %iota3A_2991, %add3A_2993 : vector<256x1xi32>
    %lt3A_2995 = arith.constant 2000 : i32
    %lt3A_2996 = vector.broadcast %lt3A_2995 : i32 to vector<256x1xi32>
    %lt3A_2997 = arith.cmpi slt, %add3A_2994, %lt3A_2996 : vector<256x1xi32>
    %gt3A_2998 = arith.constant 0.00999999977 : f32
    %gt3A_2999 = vector.broadcast %gt3A_2998 : f32 to vector<256x2048xf32>
    %gt3A_3000 = arith.cmpf ogt, %div3A_2979, %gt3A_2999 : vector<256x2048xf32>
    %and3A_3001 = arith.andi %gt3A_3000, %or3A_2990 : vector<256x2048xi1>
    %and3A_3002 = vector.broadcast %lt3A_2997 : vector<256x1xi1> to vector<256x2048xi1>
    %and3A_3003 = arith.andi %and3A_3001, %and3A_3002 : vector<256x2048xi1>
    %convert_element_type3A_3004 = arith.extui %and3A_3003 : vector<256x2048xi1> to vector<256x2048xi32>
    %convert_element_type3A_3005 = arith.sitofp %convert_element_type3A_3004 : vector<256x2048xi32> to vector<256x2048xf32>
    %convert_element_type3A_3006 = arith.truncf %convert_element_type3A_3005 : vector<256x2048xf32> to vector<256x2048xbf16>
    %swap3A_3007 = arith.constant 1024 : index
    %swap3A_3008 = arith.constant 0 : index
    %swap3A_3009 = vector.load %arg5[%swap3A_3007, %swap3A_3008] : memref<2048x2048xbf16, #tpu.memory_space<vmem>>, vector<256x2048xbf16>
    tpu.vector_store %arg5[%swap3A_3007, %swap3A_3008], %convert_element_type3A_3006 {strides = array<i32>} : memref<2048x2048xbf16, #tpu.memory_space<vmem>>, vector<256x2048xbf16>,
    %slice3A_3010 = vector.extract_strided_slice %concatenate3A_2564 {offsets = [1280, 0], sizes = [256, 1], strides = [1, 1]} : vector<2048x6xf32> to vector<256x1xf32>
    %slice3A_3011 = vector.extract_strided_slice %concatenate3A_2564 {offsets = [1280, 1], sizes = [256, 1], strides = [1, 1]} : vector<2048x6xf32> to vector<256x1xf32>
    %slice3A_3012 = vector.extract_strided_slice %concatenate3A_2564 {offsets = [1280, 2], sizes = [256, 1], strides = [1, 1]} : vector<2048x6xf32> to vector<256x1xf32>
    %slice3A_3013 = vector.extract_strided_slice %concatenate3A_2564 {offsets = [1280, 3], sizes = [256, 1], strides = [1, 1]} : vector<2048x6xf32> to vector<256x1xf32>
    %slice3A_3014 = vector.extract_strided_slice %concatenate3A_2564 {offsets = [1280, 4], sizes = [256, 1], strides = [1, 1]} : vector<2048x6xf32> to vector<256x1xf32>
    %slice3A_3015 = vector.extract_strided_slice %concatenate3A_2564 {offsets = [1280, 5], sizes = [256, 1], strides = [1, 1]} : vector<2048x6xf32> to vector<256x1xf32>
    %mul3A_3016 = arith.constant 5.000000e-01 : f32
    %mul3A_3017 = vector.broadcast %mul3A_3016 : f32 to vector<256x1xf32>
    %mul3A_3018 = arith.mulf %slice3A_3012, %mul3A_3017 : vector<256x1xf32>
    %sub3A_3019 = arith.subf %slice3A_3010, %mul3A_3018 : vector<256x1xf32>
    %mul3A_3020 = arith.constant 5.000000e-01 : f32
    %mul3A_3021 = vector.broadcast %mul3A_3020 : f32 to vector<256x1xf32>
    %mul3A_3022 = arith.mulf %slice3A_3012, %mul3A_3021 : vector<256x1xf32>
    %add3A_3023 = arith.addf %slice3A_3010, %mul3A_3022 : vector<256x1xf32>
    %mul3A_3024 = arith.constant 5.000000e-01 : f32
    %mul3A_3025 = vector.broadcast %mul3A_3024 : f32 to vector<256x1xf32>
    %mul3A_3026 = arith.mulf %slice3A_3013, %mul3A_3025 : vector<256x1xf32>
    %sub3A_3027 = arith.subf %slice3A_3011, %mul3A_3026 : vector<256x1xf32>
    %mul3A_3028 = arith.constant 5.000000e-01 : f32
    %mul3A_3029 = vector.broadcast %mul3A_3028 : f32 to vector<256x1xf32>
    %mul3A_3030 = arith.mulf %slice3A_3013, %mul3A_3029 : vector<256x1xf32>
    %add3A_3031 = arith.addf %slice3A_3011, %mul3A_3030 : vector<256x1xf32>
    %sub3A_3032 = arith.subf %add3A_3023, %sub3A_3019 : vector<256x1xf32>
    %sub3A_3033 = arith.subf %add3A_3031, %sub3A_3027 : vector<256x1xf32>
    %mul3A_3034 = arith.mulf %sub3A_3032, %sub3A_3033 : vector<256x1xf32>
    %max3A_3035 = vector.broadcast %sub3A_3019 : vector<256x1xf32> to vector<256x2048xf32>
    %max3A_3036 = vector.broadcast %sub3A_2574 : vector<1x2048xf32> to vector<256x2048xf32>
    %max3A_3037 = arith.maximumf %max3A_3035, %max3A_3036 : vector<256x2048xf32>
    %max3A_3038 = vector.broadcast %sub3A_3027 : vector<256x1xf32> to vector<256x2048xf32>
    %max3A_3039 = vector.broadcast %sub3A_2582 : vector<1x2048xf32> to vector<256x2048xf32>
    %max3A_3040 = arith.maximumf %max3A_3038, %max3A_3039 : vector<256x2048xf32>
    %min3A_3041 = vector.broadcast %add3A_3023 : vector<256x1xf32> to vector<256x2048xf32>
    %min3A_3042 = vector.broadcast %add3A_2578 : vector<1x2048xf32> to vector<256x2048xf32>
    %min3A_3043 = arith.minimumf %min3A_3041, %min3A_3042 : vector<256x2048xf32>
    %min3A_3044 = vector.broadcast %add3A_3031 : vector<256x1xf32> to vector<256x2048xf32>
    %min3A_3045 = vector.broadcast %add3A_2586 : vector<1x2048xf32> to vector<256x2048xf32>
    %min3A_3046 = arith.minimumf %min3A_3044, %min3A_3045 : vector<256x2048xf32>
    %sub3A_3047 = arith.subf %min3A_3043, %max3A_3037 : vector<256x2048xf32>
    %jit3A_3048 = arith.constant 0.000000e+00 : f32
    %max3A_3049 = vector.broadcast %jit3A_3048 : f32 to vector<256x2048xf32>
    %max3A_3050 = arith.maximumf %max3A_3049, %sub3A_3047 : vector<256x2048xf32>
    %sub3A_3051 = arith.subf %min3A_3046, %max3A_3040 : vector<256x2048xf32>
    %jit3A_3052 = arith.constant 0.000000e+00 : f32
    %max3A_3053 = vector.broadcast %jit3A_3052 : f32 to vector<256x2048xf32>
    %max3A_3054 = arith.maximumf %max3A_3053, %sub3A_3051 : vector<256x2048xf32>
    %mul3A_3055 = arith.mulf %max3A_3050, %max3A_3054 : vector<256x2048xf32>
    %add3A_3056 = vector.broadcast %mul3A_3034 : vector<256x1xf32> to vector<256x2048xf32>
    %add3A_3057 = vector.broadcast %mul3A_2589 : vector<1x2048xf32> to vector<256x2048xf32>
    %add3A_3058 = arith.addf %add3A_3056, %add3A_3057 : vector<256x2048xf32>
    %sub3A_3059 = arith.subf %add3A_3058, %mul3A_3055 : vector<256x2048xf32>
    %max3A_3060 = arith.constant 9.99999993E-9 : f32
    %max3A_3061 = vector.broadcast %max3A_3060 : f32 to vector<256x2048xf32>
    %max3A_3062 = arith.maximumf %sub3A_3059, %max3A_3061 : vector<256x2048xf32>
    %div3A_3063 = arith.divf %mul3A_3055, %max3A_3062 : vector<256x2048xf32>
    %gt3A_3064 = vector.broadcast %slice3A_3014 : vector<256x1xf32> to vector<256x2048xf32>
    %gt3A_3065 = vector.broadcast %slice3A_2569 : vector<1x2048xf32> to vector<256x2048xf32>
    %gt3A_3066 = arith.cmpf ogt, %gt3A_3064, %gt3A_3065 : vector<256x2048xf32>
    %eq3A_3067 = vector.broadcast %slice3A_3014 : vector<256x1xf32> to vector<256x2048xf32>
    %eq3A_3068 = vector.broadcast %slice3A_2569 : vector<1x2048xf32> to vector<256x2048xf32>
    %eq3A_3069 = arith.cmpf oeq, %eq3A_3067, %eq3A_3068 : vector<256x2048xf32>
    %lt3A_3070 = vector.broadcast %slice3A_3015 : vector<256x1xf32> to vector<256x2048xf32>
    %lt3A_3071 = vector.broadcast %slice3A_2570 : vector<1x2048xf32> to vector<256x2048xf32>
    %lt3A_3072 = arith.cmpf olt, %lt3A_3070, %lt3A_3071 : vector<256x2048xf32>
    %and3A_3073 = arith.andi %eq3A_3069, %lt3A_3072 : vector<256x2048xi1>
    %or3A_3074 = arith.ori %gt3A_3066, %and3A_3073 : vector<256x2048xi1>
    %iota3A_3075 = tpu.iota {dimensions = array<i32: 0>} : vector<256x1xi32>
    %add3A_3076 = arith.constant 1280 : i32
    %add3A_3077 = vector.broadcast %add3A_3076 : i32 to vector<256x1xi32>
    %add3A_3078 = arith.addi %iota3A_3075, %add3A_3077 : vector<256x1xi32>
    %lt3A_3079 = arith.constant 2000 : i32
    %lt3A_3080 = vector.broadcast %lt3A_3079 : i32 to vector<256x1xi32>
    %lt3A_3081 = arith.cmpi slt, %add3A_3078, %lt3A_3080 : vector<256x1xi32>
    %gt3A_3082 = arith.constant 0.00999999977 : f32
    %gt3A_3083 = vector.broadcast %gt3A_3082 : f32 to vector<256x2048xf32>
    %gt3A_3084 = arith.cmpf ogt, %div3A_3063, %gt3A_3083 : vector<256x2048xf32>
    %and3A_3085 = arith.andi %gt3A_3084, %or3A_3074 : vector<256x2048xi1>
    %and3A_3086 = vector.broadcast %lt3A_3081 : vector<256x1xi1> to vector<256x2048xi1>
    %and3A_3087 = arith.andi %and3A_3085, %and3A_3086 : vector<256x2048xi1>
    %convert_element_type3A_3088 = arith.extui %and3A_3087 : vector<256x2048xi1> to vector<256x2048xi32>
    %convert_element_type3A_3089 = arith.sitofp %convert_element_type3A_3088 : vector<256x2048xi32> to vector<256x2048xf32>
    %convert_element_type3A_3090 = arith.truncf %convert_element_type3A_3089 : vector<256x2048xf32> to vector<256x2048xbf16>
    %swap3A_3091 = arith.constant 1280 : index
    %swap3A_3092 = arith.constant 0 : index
    %swap3A_3093 = vector.load %arg5[%swap3A_3091, %swap3A_3092] : memref<2048x2048xbf16, #tpu.memory_space<vmem>>, vector<256x2048xbf16>
    tpu.vector_store %arg5[%swap3A_3091, %swap3A_3092], %convert_element_type3A_3090 {strides = array<i32>} : memref<2048x2048xbf16, #tpu.memory_space<vmem>>, vector<256x2048xbf16>,
    %slice3A_3094 = vector.extract_strided_slice %concatenate3A_2564 {offsets = [1536, 0], sizes = [256, 1], strides = [1, 1]} : vector<2048x6xf32> to vector<256x1xf32>
    %slice3A_3095 = vector.extract_strided_slice %concatenate3A_2564 {offsets = [1536, 1], sizes = [256, 1], strides = [1, 1]} : vector<2048x6xf32> to vector<256x1xf32>
    %slice3A_3096 = vector.extract_strided_slice %concatenate3A_2564 {offsets = [1536, 2], sizes = [256, 1], strides = [1, 1]} : vector<2048x6xf32> to vector<256x1xf32>
    %slice3A_3097 = vector.extract_strided_slice %concatenate3A_2564 {offsets = [1536, 3], sizes = [256, 1], strides = [1, 1]} : vector<2048x6xf32> to vector<256x1xf32>
    %slice3A_3098 = vector.extract_strided_slice %concatenate3A_2564 {offsets = [1536, 4], sizes = [256, 1], strides = [1, 1]} : vector<2048x6xf32> to vector<256x1xf32>
    %slice3A_3099 = vector.extract_strided_slice %concatenate3A_2564 {offsets = [1536, 5], sizes = [256, 1], strides = [1, 1]} : vector<2048x6xf32> to vector<256x1xf32>
    %mul3A_3100 = arith.constant 5.000000e-01 : f32
    %mul3A_3101 = vector.broadcast %mul3A_3100 : f32 to vector<256x1xf32>
    %mul3A_3102 = arith.mulf %slice3A_3096, %mul3A_3101 : vector<256x1xf32>
    %sub3A_3103 = arith.subf %slice3A_3094, %mul3A_3102 : vector<256x1xf32>
    %mul3A_3104 = arith.constant 5.000000e-01 : f32
    %mul3A_3105 = vector.broadcast %mul3A_3104 : f32 to vector<256x1xf32>
    %mul3A_3106 = arith.mulf %slice3A_3096, %mul3A_3105 : vector<256x1xf32>
    %add3A_3107 = arith.addf %slice3A_3094, %mul3A_3106 : vector<256x1xf32>
    %mul3A_3108 = arith.constant 5.000000e-01 : f32
    %mul3A_3109 = vector.broadcast %mul3A_3108 : f32 to vector<256x1xf32>
    %mul3A_3110 = arith.mulf %slice3A_3097, %mul3A_3109 : vector<256x1xf32>
    %sub3A_3111 = arith.subf %slice3A_3095, %mul3A_3110 : vector<256x1xf32>
    %mul3A_3112 = arith.constant 5.000000e-01 : f32
    %mul3A_3113 = vector.broadcast %mul3A_3112 : f32 to vector<256x1xf32>
    %mul3A_3114 = arith.mulf %slice3A_3097, %mul3A_3113 : vector<256x1xf32>
    %add3A_3115 = arith.addf %slice3A_3095, %mul3A_3114 : vector<256x1xf32>
    %sub3A_3116 = arith.subf %add3A_3107, %sub3A_3103 : vector<256x1xf32>
    %sub3A_3117 = arith.subf %add3A_3115, %sub3A_3111 : vector<256x1xf32>
    %mul3A_3118 = arith.mulf %sub3A_3116, %sub3A_3117 : vector<256x1xf32>
    %max3A_3119 = vector.broadcast %sub3A_3103 : vector<256x1xf32> to vector<256x2048xf32>
    %max3A_3120 = vector.broadcast %sub3A_2574 : vector<1x2048xf32> to vector<256x2048xf32>
    %max3A_3121 = arith.maximumf %max3A_3119, %max3A_3120 : vector<256x2048xf32>
    %max3A_3122 = vector.broadcast %sub3A_3111 : vector<256x1xf32> to vector<256x2048xf32>
    %max3A_3123 = vector.broadcast %sub3A_2582 : vector<1x2048xf32> to vector<256x2048xf32>
    %max3A_3124 = arith.maximumf %max3A_3122, %max3A_3123 : vector<256x2048xf32>
    %min3A_3125 = vector.broadcast %add3A_3107 : vector<256x1xf32> to vector<256x2048xf32>
    %min3A_3126 = vector.broadcast %add3A_2578 : vector<1x2048xf32> to vector<256x2048xf32>
    %min3A_3127 = arith.minimumf %min3A_3125, %min3A_3126 : vector<256x2048xf32>
    %min3A_3128 = vector.broadcast %add3A_3115 : vector<256x1xf32> to vector<256x2048xf32>
    %min3A_3129 = vector.broadcast %add3A_2586 : vector<1x2048xf32> to vector<256x2048xf32>
    %min3A_3130 = arith.minimumf %min3A_3128, %min3A_3129 : vector<256x2048xf32>
    %sub3A_3131 = arith.subf %min3A_3127, %max3A_3121 : vector<256x2048xf32>
    %jit3A_3132 = arith.constant 0.000000e+00 : f32
    %max3A_3133 = vector.broadcast %jit3A_3132 : f32 to vector<256x2048xf32>
    %max3A_3134 = arith.maximumf %max3A_3133, %sub3A_3131 : vector<256x2048xf32>
    %sub3A_3135 = arith.subf %min3A_3130, %max3A_3124 : vector<256x2048xf32>
    %jit3A_3136 = arith.constant 0.000000e+00 : f32
    %max3A_3137 = vector.broadcast %jit3A_3136 : f32 to vector<256x2048xf32>
    %max3A_3138 = arith.maximumf %max3A_3137, %sub3A_3135 : vector<256x2048xf32>
    %mul3A_3139 = arith.mulf %max3A_3134, %max3A_3138 : vector<256x2048xf32>
    %add3A_3140 = vector.broadcast %mul3A_3118 : vector<256x1xf32> to vector<256x2048xf32>
    %add3A_3141 = vector.broadcast %mul3A_2589 : vector<1x2048xf32> to vector<256x2048xf32>
    %add3A_3142 = arith.addf %add3A_3140, %add3A_3141 : vector<256x2048xf32>
    %sub3A_3143 = arith.subf %add3A_3142, %mul3A_3139 : vector<256x2048xf32>
    %max3A_3144 = arith.constant 9.99999993E-9 : f32
    %max3A_3145 = vector.broadcast %max3A_3144 : f32 to vector<256x2048xf32>
    %max3A_3146 = arith.maximumf %sub3A_3143, %max3A_3145 : vector<256x2048xf32>
    %div3A_3147 = arith.divf %mul3A_3139, %max3A_3146 : vector<256x2048xf32>
    %gt3A_3148 = vector.broadcast %slice3A_3098 : vector<256x1xf32> to vector<256x2048xf32>
    %gt3A_3149 = vector.broadcast %slice3A_2569 : vector<1x2048xf32> to vector<256x2048xf32>
    %gt3A_3150 = arith.cmpf ogt, %gt3A_3148, %gt3A_3149 : vector<256x2048xf32>
    %eq3A_3151 = vector.broadcast %slice3A_3098 : vector<256x1xf32> to vector<256x2048xf32>
    %eq3A_3152 = vector.broadcast %slice3A_2569 : vector<1x2048xf32> to vector<256x2048xf32>
    %eq3A_3153 = arith.cmpf oeq, %eq3A_3151, %eq3A_3152 : vector<256x2048xf32>
    %lt3A_3154 = vector.broadcast %slice3A_3099 : vector<256x1xf32> to vector<256x2048xf32>
    %lt3A_3155 = vector.broadcast %slice3A_2570 : vector<1x2048xf32> to vector<256x2048xf32>
    %lt3A_3156 = arith.cmpf olt, %lt3A_3154, %lt3A_3155 : vector<256x2048xf32>
    %and3A_3157 = arith.andi %eq3A_3153, %lt3A_3156 : vector<256x2048xi1>
    %or3A_3158 = arith.ori %gt3A_3150, %and3A_3157 : vector<256x2048xi1>
    %iota3A_3159 = tpu.iota {dimensions = array<i32: 0>} : vector<256x1xi32>
    %add3A_3160 = arith.constant 1536 : i32
    %add3A_3161 = vector.broadcast %add3A_3160 : i32 to vector<256x1xi32>
    %add3A_3162 = arith.addi %iota3A_3159, %add3A_3161 : vector<256x1xi32>
    %lt3A_3163 = arith.constant 2000 : i32
    %lt3A_3164 = vector.broadcast %lt3A_3163 : i32 to vector<256x1xi32>
    %lt3A_3165 = arith.cmpi slt, %add3A_3162, %lt3A_3164 : vector<256x1xi32>
    %gt3A_3166 = arith.constant 0.00999999977 : f32
    %gt3A_3167 = vector.broadcast %gt3A_3166 : f32 to vector<256x2048xf32>
    %gt3A_3168 = arith.cmpf ogt, %div3A_3147, %gt3A_3167 : vector<256x2048xf32>
    %and3A_3169 = arith.andi %gt3A_3168, %or3A_3158 : vector<256x2048xi1>
    %and3A_3170 = vector.broadcast %lt3A_3165 : vector<256x1xi1> to vector<256x2048xi1>
    %and3A_3171 = arith.andi %and3A_3169, %and3A_3170 : vector<256x2048xi1>
    %convert_element_type3A_3172 = arith.extui %and3A_3171 : vector<256x2048xi1> to vector<256x2048xi32>
    %convert_element_type3A_3173 = arith.sitofp %convert_element_type3A_3172 : vector<256x2048xi32> to vector<256x2048xf32>
    %convert_element_type3A_3174 = arith.truncf %convert_element_type3A_3173 : vector<256x2048xf32> to vector<256x2048xbf16>
    %swap3A_3175 = arith.constant 1536 : index
    %swap3A_3176 = arith.constant 0 : index
    %swap3A_3177 = vector.load %arg5[%swap3A_3175, %swap3A_3176] : memref<2048x2048xbf16, #tpu.memory_space<vmem>>, vector<256x2048xbf16>
    tpu.vector_store %arg5[%swap3A_3175, %swap3A_3176], %convert_element_type3A_3174 {strides = array<i32>} : memref<2048x2048xbf16, #tpu.memory_space<vmem>>, vector<256x2048xbf16>,
    %slice3A_3178 = vector.extract_strided_slice %concatenate3A_2564 {offsets = [1792, 0], sizes = [256, 1], strides = [1, 1]} : vector<2048x6xf32> to vector<256x1xf32>
    %slice3A_3179 = vector.extract_strided_slice %concatenate3A_2564 {offsets = [1792, 1], sizes = [256, 1], strides = [1, 1]} : vector<2048x6xf32> to vector<256x1xf32>
    %slice3A_3180 = vector.extract_strided_slice %concatenate3A_2564 {offsets = [1792, 2], sizes = [256, 1], strides = [1, 1]} : vector<2048x6xf32> to vector<256x1xf32>
    %slice3A_3181 = vector.extract_strided_slice %concatenate3A_2564 {offsets = [1792, 3], sizes = [256, 1], strides = [1, 1]} : vector<2048x6xf32> to vector<256x1xf32>
    %slice3A_3182 = vector.extract_strided_slice %concatenate3A_2564 {offsets = [1792, 4], sizes = [256, 1], strides = [1, 1]} : vector<2048x6xf32> to vector<256x1xf32>
    %slice3A_3183 = vector.extract_strided_slice %concatenate3A_2564 {offsets = [1792, 5], sizes = [256, 1], strides = [1, 1]} : vector<2048x6xf32> to vector<256x1xf32>
    %mul3A_3184 = arith.constant 5.000000e-01 : f32
    %mul3A_3185 = vector.broadcast %mul3A_3184 : f32 to vector<256x1xf32>
    %mul3A_3186 = arith.mulf %slice3A_3180, %mul3A_3185 : vector<256x1xf32>
    %sub3A_3187 = arith.subf %slice3A_3178, %mul3A_3186 : vector<256x1xf32>
    %mul3A_3188 = arith.constant 5.000000e-01 : f32
    %mul3A_3189 = vector.broadcast %mul3A_3188 : f32 to vector<256x1xf32>
    %mul3A_3190 = arith.mulf %slice3A_3180, %mul3A_3189 : vector<256x1xf32>
    %add3A_3191 = arith.addf %slice3A_3178, %mul3A_3190 : vector<256x1xf32>
    %mul3A_3192 = arith.constant 5.000000e-01 : f32
    %mul3A_3193 = vector.broadcast %mul3A_3192 : f32 to vector<256x1xf32>
    %mul3A_3194 = arith.mulf %slice3A_3181, %mul3A_3193 : vector<256x1xf32>
    %sub3A_3195 = arith.subf %slice3A_3179, %mul3A_3194 : vector<256x1xf32>
    %mul3A_3196 = arith.constant 5.000000e-01 : f32
    %mul3A_3197 = vector.broadcast %mul3A_3196 : f32 to vector<256x1xf32>
    %mul3A_3198 = arith.mulf %slice3A_3181, %mul3A_3197 : vector<256x1xf32>
    %add3A_3199 = arith.addf %slice3A_3179, %mul3A_3198 : vector<256x1xf32>
    %sub3A_3200 = arith.subf %add3A_3191, %sub3A_3187 : vector<256x1xf32>
    %sub3A_3201 = arith.subf %add3A_3199, %sub3A_3195 : vector<256x1xf32>
    %mul3A_3202 = arith.mulf %sub3A_3200, %sub3A_3201 : vector<256x1xf32>
    %max3A_3203 = vector.broadcast %sub3A_3187 : vector<256x1xf32> to vector<256x2048xf32>
    %max3A_3204 = vector.broadcast %sub3A_2574 : vector<1x2048xf32> to vector<256x2048xf32>
    %max3A_3205 = arith.maximumf %max3A_3203, %max3A_3204 : vector<256x2048xf32>
    %max3A_3206 = vector.broadcast %sub3A_3195 : vector<256x1xf32> to vector<256x2048xf32>
    %max3A_3207 = vector.broadcast %sub3A_2582 : vector<1x2048xf32> to vector<256x2048xf32>
    %max3A_3208 = arith.maximumf %max3A_3206, %max3A_3207 : vector<256x2048xf32>
    %min3A_3209 = vector.broadcast %add3A_3191 : vector<256x1xf32> to vector<256x2048xf32>
    %min3A_3210 = vector.broadcast %add3A_2578 : vector<1x2048xf32> to vector<256x2048xf32>
    %min3A_3211 = arith.minimumf %min3A_3209, %min3A_3210 : vector<256x2048xf32>
    %min3A_3212 = vector.broadcast %add3A_3199 : vector<256x1xf32> to vector<256x2048xf32>
    %min3A_3213 = vector.broadcast %add3A_2586 : vector<1x2048xf32> to vector<256x2048xf32>
    %min3A_3214 = arith.minimumf %min3A_3212, %min3A_3213 : vector<256x2048xf32>
    %sub3A_3215 = arith.subf %min3A_3211, %max3A_3205 : vector<256x2048xf32>
    %jit3A_3216 = arith.constant 0.000000e+00 : f32
    %max3A_3217 = vector.broadcast %jit3A_3216 : f32 to vector<256x2048xf32>
    %max3A_3218 = arith.maximumf %max3A_3217, %sub3A_3215 : vector<256x2048xf32>
    %sub3A_3219 = arith.subf %min3A_3214, %max3A_3208 : vector<256x2048xf32>
    %jit3A_3220 = arith.constant 0.000000e+00 : f32
    %max3A_3221 = vector.broadcast %jit3A_3220 : f32 to vector<256x2048xf32>
    %max3A_3222 = arith.maximumf %max3A_3221, %sub3A_3219 : vector<256x2048xf32>
    %mul3A_3223 = arith.mulf %max3A_3218, %max3A_3222 : vector<256x2048xf32>
    %add3A_3224 = vector.broadcast %mul3A_3202 : vector<256x1xf32> to vector<256x2048xf32>
    %add3A_3225 = vector.broadcast %mul3A_2589 : vector<1x2048xf32> to vector<256x2048xf32>
    %add3A_3226 = arith.addf %add3A_3224, %add3A_3225 : vector<256x2048xf32>
    %sub3A_3227 = arith.subf %add3A_3226, %mul3A_3223 : vector<256x2048xf32>
    %max3A_3228 = arith.constant 9.99999993E-9 : f32
    %max3A_3229 = vector.broadcast %max3A_3228 : f32 to vector<256x2048xf32>
    %max3A_3230 = arith.maximumf %sub3A_3227, %max3A_3229 : vector<256x2048xf32>
    %div3A_3231 = arith.divf %mul3A_3223, %max3A_3230 : vector<256x2048xf32>
    %gt3A_3232 = vector.broadcast %slice3A_3182 : vector<256x1xf32> to vector<256x2048xf32>
    %gt3A_3233 = vector.broadcast %slice3A_2569 : vector<1x2048xf32> to vector<256x2048xf32>
    %gt3A_3234 = arith.cmpf ogt, %gt3A_3232, %gt3A_3233 : vector<256x2048xf32>
    %eq3A_3235 = vector.broadcast %slice3A_3182 : vector<256x1xf32> to vector<256x2048xf32>
    %eq3A_3236 = vector.broadcast %slice3A_2569 : vector<1x2048xf32> to vector<256x2048xf32>
    %eq3A_3237 = arith.cmpf oeq, %eq3A_3235, %eq3A_3236 : vector<256x2048xf32>
    %lt3A_3238 = vector.broadcast %slice3A_3183 : vector<256x1xf32> to vector<256x2048xf32>
    %lt3A_3239 = vector.broadcast %slice3A_2570 : vector<1x2048xf32> to vector<256x2048xf32>
    %lt3A_3240 = arith.cmpf olt, %lt3A_3238, %lt3A_3239 : vector<256x2048xf32>
    %and3A_3241 = arith.andi %eq3A_3237, %lt3A_3240 : vector<256x2048xi1>
    %or3A_3242 = arith.ori %gt3A_3234, %and3A_3241 : vector<256x2048xi1>
    %iota3A_3243 = tpu.iota {dimensions = array<i32: 0>} : vector<256x1xi32>
    %add3A_3244 = arith.constant 1792 : i32
    %add3A_3245 = vector.broadcast %add3A_3244 : i32 to vector<256x1xi32>
    %add3A_3246 = arith.addi %iota3A_3243, %add3A_3245 : vector<256x1xi32>
    %lt3A_3247 = arith.constant 2000 : i32
    %lt3A_3248 = vector.broadcast %lt3A_3247 : i32 to vector<256x1xi32>
    %lt3A_3249 = arith.cmpi slt, %add3A_3246, %lt3A_3248 : vector<256x1xi32>
    %gt3A_3250 = arith.constant 0.00999999977 : f32
    %gt3A_3251 = vector.broadcast %gt3A_3250 : f32 to vector<256x2048xf32>
    %gt3A_3252 = arith.cmpf ogt, %div3A_3231, %gt3A_3251 : vector<256x2048xf32>
    %and3A_3253 = arith.andi %gt3A_3252, %or3A_3242 : vector<256x2048xi1>
    %and3A_3254 = vector.broadcast %lt3A_3249 : vector<256x1xi1> to vector<256x2048xi1>
    %and3A_3255 = arith.andi %and3A_3253, %and3A_3254 : vector<256x2048xi1>
    %convert_element_type3A_3256 = arith.extui %and3A_3255 : vector<256x2048xi1> to vector<256x2048xi32>
    %convert_element_type3A_3257 = arith.sitofp %convert_element_type3A_3256 : vector<256x2048xi32> to vector<256x2048xf32>
    %convert_element_type3A_3258 = arith.truncf %convert_element_type3A_3257 : vector<256x2048xf32> to vector<256x2048xbf16>
    %swap3A_3259 = arith.constant 1792 : index
    %swap3A_3260 = arith.constant 0 : index
    %swap3A_3261 = vector.load %arg5[%swap3A_3259, %swap3A_3260] : memref<2048x2048xbf16, #tpu.memory_space<vmem>>, vector<256x2048xbf16>
    tpu.vector_store %arg5[%swap3A_3259, %swap3A_3260], %convert_element_type3A_3258 {strides = array<i32>} : memref<2048x2048xbf16, #tpu.memory_space<vmem>>, vector<256x2048xbf16>,
    %broadcast_in_dim3A_3262 = arith.constant 1.000000e+00 : bf16
    %broadcast_in_dim3A_3263 = vector.broadcast %broadcast_in_dim3A_3262 : bf16 to vector<1x2048xbf16>
    %swap3A_3264 = arith.constant 0 : index
    %swap3A_3265 = arith.constant 0 : index
    %swap3A_3266 = vector.load %arg6[%swap3A_3264, %swap3A_3265] : memref<1x2048xbf16, #tpu.memory_space<vmem>>, vector<1x2048xbf16>
    tpu.vector_store %arg6[%swap3A_3264, %swap3A_3265], %broadcast_in_dim3A_3263 {strides = array<i32>} : memref<1x2048xbf16, #tpu.memory_space<vmem>>, vector<1x2048xbf16>,
    %while3A_3267 = arith.constant 1 : i32
    %while3A_3268 = scf.while (%while3A_3785 = %while3A_3267) : (i32) -> i32 {
      %gt3A_3786 = arith.constant 0 : i32
      %gt3A_3787 = arith.cmpi sgt, %while3A_3785, %gt3A_3786 : i32
      scf.condition(%gt3A_3787) %while3A_3785 : i32
    } do {
    ^bb0(%while3A_3785: i32):
      %get3A_3786 = arith.constant 0 : index
      %get3A_3787 = arith.constant 0 : index
      %get3A_3788 = vector.load %arg6[%get3A_3786, %get3A_3787] : memref<1x2048xbf16, #tpu.memory_space<vmem>>, vector<1x2048xbf16>
      %get3A_3789 = arith.constant 0 : index
      %get3A_3790 = arith.constant 0 : index
      %get3A_3791 = vector.load %arg5[%get3A_3789, %get3A_3790] : memref<2048x2048xbf16, #tpu.memory_space<vmem>>, vector<2048x2048xbf16>
      %dot_general3A = arith.constant dense<0.000000e+00> : vector<1x2048xf32>
      %dot_general3A_3792 = tpu.matmul %get3A_3788, %get3A_3791, %dot_general3A {dimension_numbers = #tpu.dot_dimension_numbers<[1], [0], [0], [1], [0, 0, 1, 1], [], []>, transpose_lhs_hint = false} : vector<1x2048xbf16>, vector<2048x2048xbf16>, vector<1x2048xf32> -> vector<1x2048xf32>
      %lt3A_3793 = arith.constant 5.000000e-01 : f32
      %lt3A_3794 = vector.broadcast %lt3A_3793 : f32 to vector<1x2048xf32>
      %lt3A_3795 = arith.cmpf olt, %dot_general3A_3792, %lt3A_3794 : vector<1x2048xf32>
      %convert_element_type3A_3796 = arith.extui %lt3A_3795 : vector<1x2048xi1> to vector<1x2048xi32>
      %convert_element_type3A_3797 = arith.sitofp %convert_element_type3A_3796 : vector<1x2048xi32> to vector<1x2048xf32>
      %convert_element_type3A_3798 = arith.truncf %convert_element_type3A_3797 : vector<1x2048xf32> to vector<1x2048xbf16>
      %sub3A_3799 = arith.subf %convert_element_type3A_3798, %get3A_3788 : vector<1x2048xbf16>
      %convert_element_type3A_3800 = arith.extf %sub3A_3799 : vector<1x2048xbf16> to vector<1x2048xf32>
      %abs3A = math.absf %convert_element_type3A_3800 : vector<1x2048xf32>
      %reduce_sum3A_3801 = vector.shape_cast %abs3A : vector<1x2048xf32> to vector<1x1x2048xf32>
      %reduce_sum3A_3802 = arith.constant dense<0.000000e+00> : vector<1xf32>
      %reduce_sum3A_3803 = vector.multi_reduction <add>, %reduce_sum3A_3801, %reduce_sum3A_3802 [1, 2] : vector<1x1x2048xf32> to vector<1xf32>
      %reduce_sum3A_3804 = vector.shape_cast %reduce_sum3A_3803 : vector<1xf32> to vector<1x1x1xf32>
      %reduce_sum3A_3805 = vector.extract %reduce_sum3A_3804[0, 0, 0] : f32 from vector<1x1x1xf32>
      %swap3A_3806 = arith.constant 0 : index
      %swap3A_3807 = arith.constant 0 : index
      %swap3A_3808 = vector.load %arg6[%swap3A_3806, %swap3A_3807] : memref<1x2048xbf16, #tpu.memory_space<vmem>>, vector<1x2048xbf16>
      tpu.vector_store %arg6[%swap3A_3806, %swap3A_3807], %convert_element_type3A_3798 {strides = array<i32>} : memref<1x2048xbf16, #tpu.memory_space<vmem>>, vector<1x2048xbf16>,
      %gt3A_3809 = arith.constant 0.000000e+00 : f32
      %gt3A_3810 = arith.cmpf ogt, %reduce_sum3A_3805, %gt3A_3809 : f32
      %convert_element_type3A_3811 = arith.extui %gt3A_3810 : i1 to i32
      scf.yield %convert_element_type3A_3811 : i32
    }
    %get3A_3269 = arith.constant 0 : index
    %get3A_3270 = arith.constant 0 : index
    %get3A_3271 = vector.load %arg6[%get3A_3269, %get3A_3270] : memref<1x2048xbf16, #tpu.memory_space<vmem>>, vector<1x2048xbf16>
    %convert_element_type3A_3272 = arith.extf %get3A_3271 : vector<1x2048xbf16> to vector<1x2048xf32>
    %slice3A_3273 = vector.extract_strided_slice %get3A_6 {offsets = [0, 12], sizes = [2048, 1], strides = [1, 1]} : vector<2048x16xf32> to vector<2048x1xf32>
    %slice3A_3274 = vector.extract_strided_slice %get3A_6 {offsets = [0, 13], sizes = [2048, 1], strides = [1, 1]} : vector<2048x16xf32> to vector<2048x1xf32>
    %concatenate3A_3275 = tpu.concatenate %slice3A_3273, %slice3A_3274 in 1 : vector<2048x1xf32>, vector<2048x1xf32> -> vector<2048x2xf32>
    %gt3A_3276 = arith.constant 5.000000e-01 : f32
    %gt3A_3277 = vector.broadcast %gt3A_3276 : f32 to vector<1x2048xf32>
    %gt3A_3278 = arith.cmpf ogt, %convert_element_type3A_3272, %gt3A_3277 : vector<1x2048xf32>
    %and3A_3279 = arith.andi %gt3A_3278, %lt3A_1 : vector<1x2048xi1>
    %jit3A_3280 = arith.constant -3.000000e+38 : f32
    %broadcast_in_dim3A_3281 = vector.broadcast %jit3A_3280 : f32 to vector<1x2048xf32>
    %select_n3A_3282 = arith.select %and3A_3279, %slice3A_2569, %broadcast_in_dim3A_3281 : vector<1x2048xi1>, vector<1x2048xf32>
    %broadcast_in_dim3A_3283 = arith.constant 0.000000e+00 : f32
    %broadcast_in_dim3A_3284 = vector.broadcast %broadcast_in_dim3A_3283 : f32 to vector<1x2048xf32>
    %iota3A_3285 = tpu.iota {dimensions = array<i32: 0>} : vector<256x256xi32>
    %iota3A_3286 = tpu.iota {dimensions = array<i32: 1>} : vector<256x256xi32>
    %eq3A_3287 = arith.cmpi eq, %iota3A_3285, %iota3A_3286 : vector<256x256xi32>
    %slice3A_3288 = vector.extract_strided_slice %convert_element_type3A_3272 {offsets = [0, 0], sizes = [1, 256], strides = [1, 1]} : vector<1x2048xf32> to vector<1x256xf32>
    %jit3A_3289 = arith.constant 0.000000e+00 : f32
    %broadcast_in_dim3A_3290 = vector.shape_cast %slice3A_3288 : vector<1x256xf32> to vector<1x256xf32>
    %broadcast_in_dim3A_3291 = vector.broadcast %broadcast_in_dim3A_3290 : vector<1x256xf32> to vector<256x256xf32>
    %broadcast_in_dim3A_3292 = vector.broadcast %jit3A_3289 : f32 to vector<256x256xf32>
    %select_n3A_3293 = arith.select %eq3A_3287, %broadcast_in_dim3A_3291, %broadcast_in_dim3A_3292 : vector<256x256xi1>, vector<256x256xf32>
    %reduce_sum3A_3294 = arith.constant dense<0.000000e+00> : vector<256xf32>
    %reduce_sum3A_3295 = vector.multi_reduction <add>, %select_n3A_3293, %reduce_sum3A_3294 [1] : vector<256x256xf32> to vector<256xf32>
    %broadcast_in_dim3A_3296 = vector.shape_cast %reduce_sum3A_3295 : vector<256xf32> to vector<256x1xf32>
    %iota3A_3297 = tpu.iota {dimensions = array<i32: 0>} : vector<256x1xi32>
    %add3A_3298 = arith.constant 0 : i32
    %add3A_3299 = vector.broadcast %add3A_3298 : i32 to vector<256x1xi32>
    %add3A_3300 = arith.addi %iota3A_3297, %add3A_3299 : vector<256x1xi32>
    %lt3A_3301 = arith.constant 2000 : i32
    %lt3A_3302 = vector.broadcast %lt3A_3301 : i32 to vector<256x1xi32>
    %lt3A_3303 = arith.cmpi slt, %add3A_3300, %lt3A_3302 : vector<256x1xi32>
    %slice3A_3304 = vector.extract_strided_slice %concatenate3A_3275 {offsets = [0, 0], sizes = [256, 1], strides = [1, 1]} : vector<2048x2xf32> to vector<256x1xf32>
    %slice3A_3305 = vector.extract_strided_slice %concatenate3A_3275 {offsets = [0, 1], sizes = [256, 1], strides = [1, 1]} : vector<2048x2xf32> to vector<256x1xf32>
    %gt3A_3306 = arith.constant 5.000000e-01 : f32
    %gt3A_3307 = vector.broadcast %gt3A_3306 : f32 to vector<256x1xf32>
    %gt3A_3308 = arith.cmpf ogt, %broadcast_in_dim3A_3296, %gt3A_3307 : vector<256x1xf32>
    %and3A_3309 = arith.andi %gt3A_3308, %lt3A_3303 : vector<256x1xi1>
    %jit3A_3310 = arith.constant -3.000000e+38 : f32
    %broadcast_in_dim3A_3311 = vector.broadcast %jit3A_3310 : f32 to vector<256x1xf32>
    %select_n3A_3312 = arith.select %and3A_3309, %slice3A_3304, %broadcast_in_dim3A_3311 : vector<256x1xi1>, vector<256x1xf32>
    %gt3A_3313 = vector.broadcast %select_n3A_3312 : vector<256x1xf32> to vector<256x2048xf32>
    %gt3A_3314 = vector.broadcast %select_n3A_3282 : vector<1x2048xf32> to vector<256x2048xf32>
    %gt3A_3315 = arith.cmpf ogt, %gt3A_3313, %gt3A_3314 : vector<256x2048xf32>
    %eq3A_3316 = vector.broadcast %select_n3A_3312 : vector<256x1xf32> to vector<256x2048xf32>
    %eq3A_3317 = vector.broadcast %select_n3A_3282 : vector<1x2048xf32> to vector<256x2048xf32>
    %eq3A_3318 = arith.cmpf oeq, %eq3A_3316, %eq3A_3317 : vector<256x2048xf32>
    %lt3A_3319 = vector.broadcast %slice3A_3305 : vector<256x1xf32> to vector<256x2048xf32>
    %lt3A_3320 = vector.broadcast %slice3A_2570 : vector<1x2048xf32> to vector<256x2048xf32>
    %lt3A_3321 = arith.cmpf olt, %lt3A_3319, %lt3A_3320 : vector<256x2048xf32>
    %and3A_3322 = arith.andi %eq3A_3318, %lt3A_3321 : vector<256x2048xi1>
    %or3A_3323 = arith.ori %gt3A_3315, %and3A_3322 : vector<256x2048xi1>
    %convert_element_type3A_3324 = arith.extui %or3A_3323 : vector<256x2048xi1> to vector<256x2048xi32>
    %convert_element_type3A_3325 = arith.sitofp %convert_element_type3A_3324 : vector<256x2048xi32> to vector<256x2048xf32>
    %reduce_sum3A_3326 = arith.constant dense<0.000000e+00> : vector<2048xf32>
    %reduce_sum3A_3327 = vector.multi_reduction <add>, %convert_element_type3A_3325, %reduce_sum3A_3326 [0] : vector<256x2048xf32> to vector<2048xf32>
    %broadcast_in_dim3A_3328 = vector.shape_cast %reduce_sum3A_3327 : vector<2048xf32> to vector<1x2048xf32>
    %add3A_3329 = arith.addf %broadcast_in_dim3A_3284, %broadcast_in_dim3A_3328 : vector<1x2048xf32>
    %iota3A_3330 = tpu.iota {dimensions = array<i32: 0>} : vector<256x256xi32>
    %iota3A_3331 = tpu.iota {dimensions = array<i32: 1>} : vector<256x256xi32>
    %eq3A_3332 = arith.cmpi eq, %iota3A_3330, %iota3A_3331 : vector<256x256xi32>
    %slice3A_3333 = vector.extract_strided_slice %convert_element_type3A_3272 {offsets = [0, 256], sizes = [1, 256], strides = [1, 1]} : vector<1x2048xf32> to vector<1x256xf32>
    %jit3A_3334 = arith.constant 0.000000e+00 : f32
    %broadcast_in_dim3A_3335 = vector.shape_cast %slice3A_3333 : vector<1x256xf32> to vector<1x256xf32>
    %broadcast_in_dim3A_3336 = vector.broadcast %broadcast_in_dim3A_3335 : vector<1x256xf32> to vector<256x256xf32>
    %broadcast_in_dim3A_3337 = vector.broadcast %jit3A_3334 : f32 to vector<256x256xf32>
    %select_n3A_3338 = arith.select %eq3A_3332, %broadcast_in_dim3A_3336, %broadcast_in_dim3A_3337 : vector<256x256xi1>, vector<256x256xf32>
    %reduce_sum3A_3339 = arith.constant dense<0.000000e+00> : vector<256xf32>
    %reduce_sum3A_3340 = vector.multi_reduction <add>, %select_n3A_3338, %reduce_sum3A_3339 [1] : vector<256x256xf32> to vector<256xf32>
    %broadcast_in_dim3A_3341 = vector.shape_cast %reduce_sum3A_3340 : vector<256xf32> to vector<256x1xf32>
    %iota3A_3342 = tpu.iota {dimensions = array<i32: 0>} : vector<256x1xi32>
    %add3A_3343 = arith.constant 256 : i32
    %add3A_3344 = vector.broadcast %add3A_3343 : i32 to vector<256x1xi32>
    %add3A_3345 = arith.addi %iota3A_3342, %add3A_3344 : vector<256x1xi32>
    %lt3A_3346 = arith.constant 2000 : i32
    %lt3A_3347 = vector.broadcast %lt3A_3346 : i32 to vector<256x1xi32>
    %lt3A_3348 = arith.cmpi slt, %add3A_3345, %lt3A_3347 : vector<256x1xi32>
    %slice3A_3349 = vector.extract_strided_slice %concatenate3A_3275 {offsets = [256, 0], sizes = [256, 1], strides = [1, 1]} : vector<2048x2xf32> to vector<256x1xf32>
    %slice3A_3350 = vector.extract_strided_slice %concatenate3A_3275 {offsets = [256, 1], sizes = [256, 1], strides = [1, 1]} : vector<2048x2xf32> to vector<256x1xf32>
    %gt3A_3351 = arith.constant 5.000000e-01 : f32
    %gt3A_3352 = vector.broadcast %gt3A_3351 : f32 to vector<256x1xf32>
    %gt3A_3353 = arith.cmpf ogt, %broadcast_in_dim3A_3341, %gt3A_3352 : vector<256x1xf32>
    %and3A_3354 = arith.andi %gt3A_3353, %lt3A_3348 : vector<256x1xi1>
    %jit3A_3355 = arith.constant -3.000000e+38 : f32
    %broadcast_in_dim3A_3356 = vector.broadcast %jit3A_3355 : f32 to vector<256x1xf32>
    %select_n3A_3357 = arith.select %and3A_3354, %slice3A_3349, %broadcast_in_dim3A_3356 : vector<256x1xi1>, vector<256x1xf32>
    %gt3A_3358 = vector.broadcast %select_n3A_3357 : vector<256x1xf32> to vector<256x2048xf32>
    %gt3A_3359 = vector.broadcast %select_n3A_3282 : vector<1x2048xf32> to vector<256x2048xf32>
    %gt3A_3360 = arith.cmpf ogt, %gt3A_3358, %gt3A_3359 : vector<256x2048xf32>
    %eq3A_3361 = vector.broadcast %select_n3A_3357 : vector<256x1xf32> to vector<256x2048xf32>
    %eq3A_3362 = vector.broadcast %select_n3A_3282 : vector<1x2048xf32> to vector<256x2048xf32>
    %eq3A_3363 = arith.cmpf oeq, %eq3A_3361, %eq3A_3362 : vector<256x2048xf32>
    %lt3A_3364 = vector.broadcast %slice3A_3350 : vector<256x1xf32> to vector<256x2048xf32>
    %lt3A_3365 = vector.broadcast %slice3A_2570 : vector<1x2048xf32> to vector<256x2048xf32>
    %lt3A_3366 = arith.cmpf olt, %lt3A_3364, %lt3A_3365 : vector<256x2048xf32>
    %and3A_3367 = arith.andi %eq3A_3363, %lt3A_3366 : vector<256x2048xi1>
    %or3A_3368 = arith.ori %gt3A_3360, %and3A_3367 : vector<256x2048xi1>
    %convert_element_type3A_3369 = arith.extui %or3A_3368 : vector<256x2048xi1> to vector<256x2048xi32>
    %convert_element_type3A_3370 = arith.sitofp %convert_element_type3A_3369 : vector<256x2048xi32> to vector<256x2048xf32>
    %reduce_sum3A_3371 = arith.constant dense<0.000000e+00> : vector<2048xf32>
    %reduce_sum3A_3372 = vector.multi_reduction <add>, %convert_element_type3A_3370, %reduce_sum3A_3371 [0] : vector<256x2048xf32> to vector<2048xf32>
    %broadcast_in_dim3A_3373 = vector.shape_cast %reduce_sum3A_3372 : vector<2048xf32> to vector<1x2048xf32>
    %add3A_3374 = arith.addf %add3A_3329, %broadcast_in_dim3A_3373 : vector<1x2048xf32>
    %iota3A_3375 = tpu.iota {dimensions = array<i32: 0>} : vector<256x256xi32>
    %iota3A_3376 = tpu.iota {dimensions = array<i32: 1>} : vector<256x256xi32>
    %eq3A_3377 = arith.cmpi eq, %iota3A_3375, %iota3A_3376 : vector<256x256xi32>
    %slice3A_3378 = vector.extract_strided_slice %convert_element_type3A_3272 {offsets = [0, 512], sizes = [1, 256], strides = [1, 1]} : vector<1x2048xf32> to vector<1x256xf32>
    %jit3A_3379 = arith.constant 0.000000e+00 : f32
    %broadcast_in_dim3A_3380 = vector.shape_cast %slice3A_3378 : vector<1x256xf32> to vector<1x256xf32>
    %broadcast_in_dim3A_3381 = vector.broadcast %broadcast_in_dim3A_3380 : vector<1x256xf32> to vector<256x256xf32>
    %broadcast_in_dim3A_3382 = vector.broadcast %jit3A_3379 : f32 to vector<256x256xf32>
    %select_n3A_3383 = arith.select %eq3A_3377, %broadcast_in_dim3A_3381, %broadcast_in_dim3A_3382 : vector<256x256xi1>, vector<256x256xf32>
    %reduce_sum3A_3384 = arith.constant dense<0.000000e+00> : vector<256xf32>
    %reduce_sum3A_3385 = vector.multi_reduction <add>, %select_n3A_3383, %reduce_sum3A_3384 [1] : vector<256x256xf32> to vector<256xf32>
    %broadcast_in_dim3A_3386 = vector.shape_cast %reduce_sum3A_3385 : vector<256xf32> to vector<256x1xf32>
    %iota3A_3387 = tpu.iota {dimensions = array<i32: 0>} : vector<256x1xi32>
    %add3A_3388 = arith.constant 512 : i32
    %add3A_3389 = vector.broadcast %add3A_3388 : i32 to vector<256x1xi32>
    %add3A_3390 = arith.addi %iota3A_3387, %add3A_3389 : vector<256x1xi32>
    %lt3A_3391 = arith.constant 2000 : i32
    %lt3A_3392 = vector.broadcast %lt3A_3391 : i32 to vector<256x1xi32>
    %lt3A_3393 = arith.cmpi slt, %add3A_3390, %lt3A_3392 : vector<256x1xi32>
    %slice3A_3394 = vector.extract_strided_slice %concatenate3A_3275 {offsets = [512, 0], sizes = [256, 1], strides = [1, 1]} : vector<2048x2xf32> to vector<256x1xf32>
    %slice3A_3395 = vector.extract_strided_slice %concatenate3A_3275 {offsets = [512, 1], sizes = [256, 1], strides = [1, 1]} : vector<2048x2xf32> to vector<256x1xf32>
    %gt3A_3396 = arith.constant 5.000000e-01 : f32
    %gt3A_3397 = vector.broadcast %gt3A_3396 : f32 to vector<256x1xf32>
    %gt3A_3398 = arith.cmpf ogt, %broadcast_in_dim3A_3386, %gt3A_3397 : vector<256x1xf32>
    %and3A_3399 = arith.andi %gt3A_3398, %lt3A_3393 : vector<256x1xi1>
    %jit3A_3400 = arith.constant -3.000000e+38 : f32
    %broadcast_in_dim3A_3401 = vector.broadcast %jit3A_3400 : f32 to vector<256x1xf32>
    %select_n3A_3402 = arith.select %and3A_3399, %slice3A_3394, %broadcast_in_dim3A_3401 : vector<256x1xi1>, vector<256x1xf32>
    %gt3A_3403 = vector.broadcast %select_n3A_3402 : vector<256x1xf32> to vector<256x2048xf32>
    %gt3A_3404 = vector.broadcast %select_n3A_3282 : vector<1x2048xf32> to vector<256x2048xf32>
    %gt3A_3405 = arith.cmpf ogt, %gt3A_3403, %gt3A_3404 : vector<256x2048xf32>
    %eq3A_3406 = vector.broadcast %select_n3A_3402 : vector<256x1xf32> to vector<256x2048xf32>
    %eq3A_3407 = vector.broadcast %select_n3A_3282 : vector<1x2048xf32> to vector<256x2048xf32>
    %eq3A_3408 = arith.cmpf oeq, %eq3A_3406, %eq3A_3407 : vector<256x2048xf32>
    %lt3A_3409 = vector.broadcast %slice3A_3395 : vector<256x1xf32> to vector<256x2048xf32>
    %lt3A_3410 = vector.broadcast %slice3A_2570 : vector<1x2048xf32> to vector<256x2048xf32>
    %lt3A_3411 = arith.cmpf olt, %lt3A_3409, %lt3A_3410 : vector<256x2048xf32>
    %and3A_3412 = arith.andi %eq3A_3408, %lt3A_3411 : vector<256x2048xi1>
    %or3A_3413 = arith.ori %gt3A_3405, %and3A_3412 : vector<256x2048xi1>
    %convert_element_type3A_3414 = arith.extui %or3A_3413 : vector<256x2048xi1> to vector<256x2048xi32>
    %convert_element_type3A_3415 = arith.sitofp %convert_element_type3A_3414 : vector<256x2048xi32> to vector<256x2048xf32>
    %reduce_sum3A_3416 = arith.constant dense<0.000000e+00> : vector<2048xf32>
    %reduce_sum3A_3417 = vector.multi_reduction <add>, %convert_element_type3A_3415, %reduce_sum3A_3416 [0] : vector<256x2048xf32> to vector<2048xf32>
    %broadcast_in_dim3A_3418 = vector.shape_cast %reduce_sum3A_3417 : vector<2048xf32> to vector<1x2048xf32>
    %add3A_3419 = arith.addf %add3A_3374, %broadcast_in_dim3A_3418 : vector<1x2048xf32>
    %iota3A_3420 = tpu.iota {dimensions = array<i32: 0>} : vector<256x256xi32>
    %iota3A_3421 = tpu.iota {dimensions = array<i32: 1>} : vector<256x256xi32>
    %eq3A_3422 = arith.cmpi eq, %iota3A_3420, %iota3A_3421 : vector<256x256xi32>
    %slice3A_3423 = vector.extract_strided_slice %convert_element_type3A_3272 {offsets = [0, 768], sizes = [1, 256], strides = [1, 1]} : vector<1x2048xf32> to vector<1x256xf32>
    %jit3A_3424 = arith.constant 0.000000e+00 : f32
    %broadcast_in_dim3A_3425 = vector.shape_cast %slice3A_3423 : vector<1x256xf32> to vector<1x256xf32>
    %broadcast_in_dim3A_3426 = vector.broadcast %broadcast_in_dim3A_3425 : vector<1x256xf32> to vector<256x256xf32>
    %broadcast_in_dim3A_3427 = vector.broadcast %jit3A_3424 : f32 to vector<256x256xf32>
    %select_n3A_3428 = arith.select %eq3A_3422, %broadcast_in_dim3A_3426, %broadcast_in_dim3A_3427 : vector<256x256xi1>, vector<256x256xf32>
    %reduce_sum3A_3429 = arith.constant dense<0.000000e+00> : vector<256xf32>
    %reduce_sum3A_3430 = vector.multi_reduction <add>, %select_n3A_3428, %reduce_sum3A_3429 [1] : vector<256x256xf32> to vector<256xf32>
    %broadcast_in_dim3A_3431 = vector.shape_cast %reduce_sum3A_3430 : vector<256xf32> to vector<256x1xf32>
    %iota3A_3432 = tpu.iota {dimensions = array<i32: 0>} : vector<256x1xi32>
    %add3A_3433 = arith.constant 768 : i32
    %add3A_3434 = vector.broadcast %add3A_3433 : i32 to vector<256x1xi32>
    %add3A_3435 = arith.addi %iota3A_3432, %add3A_3434 : vector<256x1xi32>
    %lt3A_3436 = arith.constant 2000 : i32
    %lt3A_3437 = vector.broadcast %lt3A_3436 : i32 to vector<256x1xi32>
    %lt3A_3438 = arith.cmpi slt, %add3A_3435, %lt3A_3437 : vector<256x1xi32>
    %slice3A_3439 = vector.extract_strided_slice %concatenate3A_3275 {offsets = [768, 0], sizes = [256, 1], strides = [1, 1]} : vector<2048x2xf32> to vector<256x1xf32>
    %slice3A_3440 = vector.extract_strided_slice %concatenate3A_3275 {offsets = [768, 1], sizes = [256, 1], strides = [1, 1]} : vector<2048x2xf32> to vector<256x1xf32>
    %gt3A_3441 = arith.constant 5.000000e-01 : f32
    %gt3A_3442 = vector.broadcast %gt3A_3441 : f32 to vector<256x1xf32>
    %gt3A_3443 = arith.cmpf ogt, %broadcast_in_dim3A_3431, %gt3A_3442 : vector<256x1xf32>
    %and3A_3444 = arith.andi %gt3A_3443, %lt3A_3438 : vector<256x1xi1>
    %jit3A_3445 = arith.constant -3.000000e+38 : f32
    %broadcast_in_dim3A_3446 = vector.broadcast %jit3A_3445 : f32 to vector<256x1xf32>
    %select_n3A_3447 = arith.select %and3A_3444, %slice3A_3439, %broadcast_in_dim3A_3446 : vector<256x1xi1>, vector<256x1xf32>
    %gt3A_3448 = vector.broadcast %select_n3A_3447 : vector<256x1xf32> to vector<256x2048xf32>
    %gt3A_3449 = vector.broadcast %select_n3A_3282 : vector<1x2048xf32> to vector<256x2048xf32>
    %gt3A_3450 = arith.cmpf ogt, %gt3A_3448, %gt3A_3449 : vector<256x2048xf32>
    %eq3A_3451 = vector.broadcast %select_n3A_3447 : vector<256x1xf32> to vector<256x2048xf32>
    %eq3A_3452 = vector.broadcast %select_n3A_3282 : vector<1x2048xf32> to vector<256x2048xf32>
    %eq3A_3453 = arith.cmpf oeq, %eq3A_3451, %eq3A_3452 : vector<256x2048xf32>
    %lt3A_3454 = vector.broadcast %slice3A_3440 : vector<256x1xf32> to vector<256x2048xf32>
    %lt3A_3455 = vector.broadcast %slice3A_2570 : vector<1x2048xf32> to vector<256x2048xf32>
    %lt3A_3456 = arith.cmpf olt, %lt3A_3454, %lt3A_3455 : vector<256x2048xf32>
    %and3A_3457 = arith.andi %eq3A_3453, %lt3A_3456 : vector<256x2048xi1>
    %or3A_3458 = arith.ori %gt3A_3450, %and3A_3457 : vector<256x2048xi1>
    %convert_element_type3A_3459 = arith.extui %or3A_3458 : vector<256x2048xi1> to vector<256x2048xi32>
    %convert_element_type3A_3460 = arith.sitofp %convert_element_type3A_3459 : vector<256x2048xi32> to vector<256x2048xf32>
    %reduce_sum3A_3461 = arith.constant dense<0.000000e+00> : vector<2048xf32>
    %reduce_sum3A_3462 = vector.multi_reduction <add>, %convert_element_type3A_3460, %reduce_sum3A_3461 [0] : vector<256x2048xf32> to vector<2048xf32>
    %broadcast_in_dim3A_3463 = vector.shape_cast %reduce_sum3A_3462 : vector<2048xf32> to vector<1x2048xf32>
    %add3A_3464 = arith.addf %add3A_3419, %broadcast_in_dim3A_3463 : vector<1x2048xf32>
    %iota3A_3465 = tpu.iota {dimensions = array<i32: 0>} : vector<256x256xi32>
    %iota3A_3466 = tpu.iota {dimensions = array<i32: 1>} : vector<256x256xi32>
    %eq3A_3467 = arith.cmpi eq, %iota3A_3465, %iota3A_3466 : vector<256x256xi32>
    %slice3A_3468 = vector.extract_strided_slice %convert_element_type3A_3272 {offsets = [0, 1024], sizes = [1, 256], strides = [1, 1]} : vector<1x2048xf32> to vector<1x256xf32>
    %jit3A_3469 = arith.constant 0.000000e+00 : f32
    %broadcast_in_dim3A_3470 = vector.shape_cast %slice3A_3468 : vector<1x256xf32> to vector<1x256xf32>
    %broadcast_in_dim3A_3471 = vector.broadcast %broadcast_in_dim3A_3470 : vector<1x256xf32> to vector<256x256xf32>
    %broadcast_in_dim3A_3472 = vector.broadcast %jit3A_3469 : f32 to vector<256x256xf32>
    %select_n3A_3473 = arith.select %eq3A_3467, %broadcast_in_dim3A_3471, %broadcast_in_dim3A_3472 : vector<256x256xi1>, vector<256x256xf32>
    %reduce_sum3A_3474 = arith.constant dense<0.000000e+00> : vector<256xf32>
    %reduce_sum3A_3475 = vector.multi_reduction <add>, %select_n3A_3473, %reduce_sum3A_3474 [1] : vector<256x256xf32> to vector<256xf32>
    %broadcast_in_dim3A_3476 = vector.shape_cast %reduce_sum3A_3475 : vector<256xf32> to vector<256x1xf32>
    %iota3A_3477 = tpu.iota {dimensions = array<i32: 0>} : vector<256x1xi32>
    %add3A_3478 = arith.constant 1024 : i32
    %add3A_3479 = vector.broadcast %add3A_3478 : i32 to vector<256x1xi32>
    %add3A_3480 = arith.addi %iota3A_3477, %add3A_3479 : vector<256x1xi32>
    %lt3A_3481 = arith.constant 2000 : i32
    %lt3A_3482 = vector.broadcast %lt3A_3481 : i32 to vector<256x1xi32>
    %lt3A_3483 = arith.cmpi slt, %add3A_3480, %lt3A_3482 : vector<256x1xi32>
    %slice3A_3484 = vector.extract_strided_slice %concatenate3A_3275 {offsets = [1024, 0], sizes = [256, 1], strides = [1, 1]} : vector<2048x2xf32> to vector<256x1xf32>
    %slice3A_3485 = vector.extract_strided_slice %concatenate3A_3275 {offsets = [1024, 1], sizes = [256, 1], strides = [1, 1]} : vector<2048x2xf32> to vector<256x1xf32>
    %gt3A_3486 = arith.constant 5.000000e-01 : f32
    %gt3A_3487 = vector.broadcast %gt3A_3486 : f32 to vector<256x1xf32>
    %gt3A_3488 = arith.cmpf ogt, %broadcast_in_dim3A_3476, %gt3A_3487 : vector<256x1xf32>
    %and3A_3489 = arith.andi %gt3A_3488, %lt3A_3483 : vector<256x1xi1>
    %jit3A_3490 = arith.constant -3.000000e+38 : f32
    %broadcast_in_dim3A_3491 = vector.broadcast %jit3A_3490 : f32 to vector<256x1xf32>
    %select_n3A_3492 = arith.select %and3A_3489, %slice3A_3484, %broadcast_in_dim3A_3491 : vector<256x1xi1>, vector<256x1xf32>
    %gt3A_3493 = vector.broadcast %select_n3A_3492 : vector<256x1xf32> to vector<256x2048xf32>
    %gt3A_3494 = vector.broadcast %select_n3A_3282 : vector<1x2048xf32> to vector<256x2048xf32>
    %gt3A_3495 = arith.cmpf ogt, %gt3A_3493, %gt3A_3494 : vector<256x2048xf32>
    %eq3A_3496 = vector.broadcast %select_n3A_3492 : vector<256x1xf32> to vector<256x2048xf32>
    %eq3A_3497 = vector.broadcast %select_n3A_3282 : vector<1x2048xf32> to vector<256x2048xf32>
    %eq3A_3498 = arith.cmpf oeq, %eq3A_3496, %eq3A_3497 : vector<256x2048xf32>
    %lt3A_3499 = vector.broadcast %slice3A_3485 : vector<256x1xf32> to vector<256x2048xf32>
    %lt3A_3500 = vector.broadcast %slice3A_2570 : vector<1x2048xf32> to vector<256x2048xf32>
    %lt3A_3501 = arith.cmpf olt, %lt3A_3499, %lt3A_3500 : vector<256x2048xf32>
    %and3A_3502 = arith.andi %eq3A_3498, %lt3A_3501 : vector<256x2048xi1>
    %or3A_3503 = arith.ori %gt3A_3495, %and3A_3502 : vector<256x2048xi1>
    %convert_element_type3A_3504 = arith.extui %or3A_3503 : vector<256x2048xi1> to vector<256x2048xi32>
    %convert_element_type3A_3505 = arith.sitofp %convert_element_type3A_3504 : vector<256x2048xi32> to vector<256x2048xf32>
    %reduce_sum3A_3506 = arith.constant dense<0.000000e+00> : vector<2048xf32>
    %reduce_sum3A_3507 = vector.multi_reduction <add>, %convert_element_type3A_3505, %reduce_sum3A_3506 [0] : vector<256x2048xf32> to vector<2048xf32>
    %broadcast_in_dim3A_3508 = vector.shape_cast %reduce_sum3A_3507 : vector<2048xf32> to vector<1x2048xf32>
    %add3A_3509 = arith.addf %add3A_3464, %broadcast_in_dim3A_3508 : vector<1x2048xf32>
    %iota3A_3510 = tpu.iota {dimensions = array<i32: 0>} : vector<256x256xi32>
    %iota3A_3511 = tpu.iota {dimensions = array<i32: 1>} : vector<256x256xi32>
    %eq3A_3512 = arith.cmpi eq, %iota3A_3510, %iota3A_3511 : vector<256x256xi32>
    %slice3A_3513 = vector.extract_strided_slice %convert_element_type3A_3272 {offsets = [0, 1280], sizes = [1, 256], strides = [1, 1]} : vector<1x2048xf32> to vector<1x256xf32>
    %jit3A_3514 = arith.constant 0.000000e+00 : f32
    %broadcast_in_dim3A_3515 = vector.shape_cast %slice3A_3513 : vector<1x256xf32> to vector<1x256xf32>
    %broadcast_in_dim3A_3516 = vector.broadcast %broadcast_in_dim3A_3515 : vector<1x256xf32> to vector<256x256xf32>
    %broadcast_in_dim3A_3517 = vector.broadcast %jit3A_3514 : f32 to vector<256x256xf32>
    %select_n3A_3518 = arith.select %eq3A_3512, %broadcast_in_dim3A_3516, %broadcast_in_dim3A_3517 : vector<256x256xi1>, vector<256x256xf32>
    %reduce_sum3A_3519 = arith.constant dense<0.000000e+00> : vector<256xf32>
    %reduce_sum3A_3520 = vector.multi_reduction <add>, %select_n3A_3518, %reduce_sum3A_3519 [1] : vector<256x256xf32> to vector<256xf32>
    %broadcast_in_dim3A_3521 = vector.shape_cast %reduce_sum3A_3520 : vector<256xf32> to vector<256x1xf32>
    %iota3A_3522 = tpu.iota {dimensions = array<i32: 0>} : vector<256x1xi32>
    %add3A_3523 = arith.constant 1280 : i32
    %add3A_3524 = vector.broadcast %add3A_3523 : i32 to vector<256x1xi32>
    %add3A_3525 = arith.addi %iota3A_3522, %add3A_3524 : vector<256x1xi32>
    %lt3A_3526 = arith.constant 2000 : i32
    %lt3A_3527 = vector.broadcast %lt3A_3526 : i32 to vector<256x1xi32>
    %lt3A_3528 = arith.cmpi slt, %add3A_3525, %lt3A_3527 : vector<256x1xi32>
    %slice3A_3529 = vector.extract_strided_slice %concatenate3A_3275 {offsets = [1280, 0], sizes = [256, 1], strides = [1, 1]} : vector<2048x2xf32> to vector<256x1xf32>
    %slice3A_3530 = vector.extract_strided_slice %concatenate3A_3275 {offsets = [1280, 1], sizes = [256, 1], strides = [1, 1]} : vector<2048x2xf32> to vector<256x1xf32>
    %gt3A_3531 = arith.constant 5.000000e-01 : f32
    %gt3A_3532 = vector.broadcast %gt3A_3531 : f32 to vector<256x1xf32>
    %gt3A_3533 = arith.cmpf ogt, %broadcast_in_dim3A_3521, %gt3A_3532 : vector<256x1xf32>
    %and3A_3534 = arith.andi %gt3A_3533, %lt3A_3528 : vector<256x1xi1>
    %jit3A_3535 = arith.constant -3.000000e+38 : f32
    %broadcast_in_dim3A_3536 = vector.broadcast %jit3A_3535 : f32 to vector<256x1xf32>
    %select_n3A_3537 = arith.select %and3A_3534, %slice3A_3529, %broadcast_in_dim3A_3536 : vector<256x1xi1>, vector<256x1xf32>
    %gt3A_3538 = vector.broadcast %select_n3A_3537 : vector<256x1xf32> to vector<256x2048xf32>
    %gt3A_3539 = vector.broadcast %select_n3A_3282 : vector<1x2048xf32> to vector<256x2048xf32>
    %gt3A_3540 = arith.cmpf ogt, %gt3A_3538, %gt3A_3539 : vector<256x2048xf32>
    %eq3A_3541 = vector.broadcast %select_n3A_3537 : vector<256x1xf32> to vector<256x2048xf32>
    %eq3A_3542 = vector.broadcast %select_n3A_3282 : vector<1x2048xf32> to vector<256x2048xf32>
    %eq3A_3543 = arith.cmpf oeq, %eq3A_3541, %eq3A_3542 : vector<256x2048xf32>
    %lt3A_3544 = vector.broadcast %slice3A_3530 : vector<256x1xf32> to vector<256x2048xf32>
    %lt3A_3545 = vector.broadcast %slice3A_2570 : vector<1x2048xf32> to vector<256x2048xf32>
    %lt3A_3546 = arith.cmpf olt, %lt3A_3544, %lt3A_3545 : vector<256x2048xf32>
    %and3A_3547 = arith.andi %eq3A_3543, %lt3A_3546 : vector<256x2048xi1>
    %or3A_3548 = arith.ori %gt3A_3540, %and3A_3547 : vector<256x2048xi1>
    %convert_element_type3A_3549 = arith.extui %or3A_3548 : vector<256x2048xi1> to vector<256x2048xi32>
    %convert_element_type3A_3550 = arith.sitofp %convert_element_type3A_3549 : vector<256x2048xi32> to vector<256x2048xf32>
    %reduce_sum3A_3551 = arith.constant dense<0.000000e+00> : vector<2048xf32>
    %reduce_sum3A_3552 = vector.multi_reduction <add>, %convert_element_type3A_3550, %reduce_sum3A_3551 [0] : vector<256x2048xf32> to vector<2048xf32>
    %broadcast_in_dim3A_3553 = vector.shape_cast %reduce_sum3A_3552 : vector<2048xf32> to vector<1x2048xf32>
    %add3A_3554 = arith.addf %add3A_3509, %broadcast_in_dim3A_3553 : vector<1x2048xf32>
    %iota3A_3555 = tpu.iota {dimensions = array<i32: 0>} : vector<256x256xi32>
    %iota3A_3556 = tpu.iota {dimensions = array<i32: 1>} : vector<256x256xi32>
    %eq3A_3557 = arith.cmpi eq, %iota3A_3555, %iota3A_3556 : vector<256x256xi32>
    %slice3A_3558 = vector.extract_strided_slice %convert_element_type3A_3272 {offsets = [0, 1536], sizes = [1, 256], strides = [1, 1]} : vector<1x2048xf32> to vector<1x256xf32>
    %jit3A_3559 = arith.constant 0.000000e+00 : f32
    %broadcast_in_dim3A_3560 = vector.shape_cast %slice3A_3558 : vector<1x256xf32> to vector<1x256xf32>
    %broadcast_in_dim3A_3561 = vector.broadcast %broadcast_in_dim3A_3560 : vector<1x256xf32> to vector<256x256xf32>
    %broadcast_in_dim3A_3562 = vector.broadcast %jit3A_3559 : f32 to vector<256x256xf32>
    %select_n3A_3563 = arith.select %eq3A_3557, %broadcast_in_dim3A_3561, %broadcast_in_dim3A_3562 : vector<256x256xi1>, vector<256x256xf32>
    %reduce_sum3A_3564 = arith.constant dense<0.000000e+00> : vector<256xf32>
    %reduce_sum3A_3565 = vector.multi_reduction <add>, %select_n3A_3563, %reduce_sum3A_3564 [1] : vector<256x256xf32> to vector<256xf32>
    %broadcast_in_dim3A_3566 = vector.shape_cast %reduce_sum3A_3565 : vector<256xf32> to vector<256x1xf32>
    %iota3A_3567 = tpu.iota {dimensions = array<i32: 0>} : vector<256x1xi32>
    %add3A_3568 = arith.constant 1536 : i32
    %add3A_3569 = vector.broadcast %add3A_3568 : i32 to vector<256x1xi32>
    %add3A_3570 = arith.addi %iota3A_3567, %add3A_3569 : vector<256x1xi32>
    %lt3A_3571 = arith.constant 2000 : i32
    %lt3A_3572 = vector.broadcast %lt3A_3571 : i32 to vector<256x1xi32>
    %lt3A_3573 = arith.cmpi slt, %add3A_3570, %lt3A_3572 : vector<256x1xi32>
    %slice3A_3574 = vector.extract_strided_slice %concatenate3A_3275 {offsets = [1536, 0], sizes = [256, 1], strides = [1, 1]} : vector<2048x2xf32> to vector<256x1xf32>
    %slice3A_3575 = vector.extract_strided_slice %concatenate3A_3275 {offsets = [1536, 1], sizes = [256, 1], strides = [1, 1]} : vector<2048x2xf32> to vector<256x1xf32>
    %gt3A_3576 = arith.constant 5.000000e-01 : f32
    %gt3A_3577 = vector.broadcast %gt3A_3576 : f32 to vector<256x1xf32>
    %gt3A_3578 = arith.cmpf ogt, %broadcast_in_dim3A_3566, %gt3A_3577 : vector<256x1xf32>
    %and3A_3579 = arith.andi %gt3A_3578, %lt3A_3573 : vector<256x1xi1>
    %jit3A_3580 = arith.constant -3.000000e+38 : f32
    %broadcast_in_dim3A_3581 = vector.broadcast %jit3A_3580 : f32 to vector<256x1xf32>
    %select_n3A_3582 = arith.select %and3A_3579, %slice3A_3574, %broadcast_in_dim3A_3581 : vector<256x1xi1>, vector<256x1xf32>
    %gt3A_3583 = vector.broadcast %select_n3A_3582 : vector<256x1xf32> to vector<256x2048xf32>
    %gt3A_3584 = vector.broadcast %select_n3A_3282 : vector<1x2048xf32> to vector<256x2048xf32>
    %gt3A_3585 = arith.cmpf ogt, %gt3A_3583, %gt3A_3584 : vector<256x2048xf32>
    %eq3A_3586 = vector.broadcast %select_n3A_3582 : vector<256x1xf32> to vector<256x2048xf32>
    %eq3A_3587 = vector.broadcast %select_n3A_3282 : vector<1x2048xf32> to vector<256x2048xf32>
    %eq3A_3588 = arith.cmpf oeq, %eq3A_3586, %eq3A_3587 : vector<256x2048xf32>
    %lt3A_3589 = vector.broadcast %slice3A_3575 : vector<256x1xf32> to vector<256x2048xf32>
    %lt3A_3590 = vector.broadcast %slice3A_2570 : vector<1x2048xf32> to vector<256x2048xf32>
    %lt3A_3591 = arith.cmpf olt, %lt3A_3589, %lt3A_3590 : vector<256x2048xf32>
    %and3A_3592 = arith.andi %eq3A_3588, %lt3A_3591 : vector<256x2048xi1>
    %or3A_3593 = arith.ori %gt3A_3585, %and3A_3592 : vector<256x2048xi1>
    %convert_element_type3A_3594 = arith.extui %or3A_3593 : vector<256x2048xi1> to vector<256x2048xi32>
    %convert_element_type3A_3595 = arith.sitofp %convert_element_type3A_3594 : vector<256x2048xi32> to vector<256x2048xf32>
    %reduce_sum3A_3596 = arith.constant dense<0.000000e+00> : vector<2048xf32>
    %reduce_sum3A_3597 = vector.multi_reduction <add>, %convert_element_type3A_3595, %reduce_sum3A_3596 [0] : vector<256x2048xf32> to vector<2048xf32>
    %broadcast_in_dim3A_3598 = vector.shape_cast %reduce_sum3A_3597 : vector<2048xf32> to vector<1x2048xf32>
    %add3A_3599 = arith.addf %add3A_3554, %broadcast_in_dim3A_3598 : vector<1x2048xf32>
    %iota3A_3600 = tpu.iota {dimensions = array<i32: 0>} : vector<256x256xi32>
    %iota3A_3601 = tpu.iota {dimensions = array<i32: 1>} : vector<256x256xi32>
    %eq3A_3602 = arith.cmpi eq, %iota3A_3600, %iota3A_3601 : vector<256x256xi32>
    %slice3A_3603 = vector.extract_strided_slice %convert_element_type3A_3272 {offsets = [0, 1792], sizes = [1, 256], strides = [1, 1]} : vector<1x2048xf32> to vector<1x256xf32>
    %jit3A_3604 = arith.constant 0.000000e+00 : f32
    %broadcast_in_dim3A_3605 = vector.shape_cast %slice3A_3603 : vector<1x256xf32> to vector<1x256xf32>
    %broadcast_in_dim3A_3606 = vector.broadcast %broadcast_in_dim3A_3605 : vector<1x256xf32> to vector<256x256xf32>
    %broadcast_in_dim3A_3607 = vector.broadcast %jit3A_3604 : f32 to vector<256x256xf32>
    %select_n3A_3608 = arith.select %eq3A_3602, %broadcast_in_dim3A_3606, %broadcast_in_dim3A_3607 : vector<256x256xi1>, vector<256x256xf32>
    %reduce_sum3A_3609 = arith.constant dense<0.000000e+00> : vector<256xf32>
    %reduce_sum3A_3610 = vector.multi_reduction <add>, %select_n3A_3608, %reduce_sum3A_3609 [1] : vector<256x256xf32> to vector<256xf32>
    %broadcast_in_dim3A_3611 = vector.shape_cast %reduce_sum3A_3610 : vector<256xf32> to vector<256x1xf32>
    %iota3A_3612 = tpu.iota {dimensions = array<i32: 0>} : vector<256x1xi32>
    %add3A_3613 = arith.constant 1792 : i32
    %add3A_3614 = vector.broadcast %add3A_3613 : i32 to vector<256x1xi32>
    %add3A_3615 = arith.addi %iota3A_3612, %add3A_3614 : vector<256x1xi32>
    %lt3A_3616 = arith.constant 2000 : i32
    %lt3A_3617 = vector.broadcast %lt3A_3616 : i32 to vector<256x1xi32>
    %lt3A_3618 = arith.cmpi slt, %add3A_3615, %lt3A_3617 : vector<256x1xi32>
    %slice3A_3619 = vector.extract_strided_slice %concatenate3A_3275 {offsets = [1792, 0], sizes = [256, 1], strides = [1, 1]} : vector<2048x2xf32> to vector<256x1xf32>
    %slice3A_3620 = vector.extract_strided_slice %concatenate3A_3275 {offsets = [1792, 1], sizes = [256, 1], strides = [1, 1]} : vector<2048x2xf32> to vector<256x1xf32>
    %gt3A_3621 = arith.constant 5.000000e-01 : f32
    %gt3A_3622 = vector.broadcast %gt3A_3621 : f32 to vector<256x1xf32>
    %gt3A_3623 = arith.cmpf ogt, %broadcast_in_dim3A_3611, %gt3A_3622 : vector<256x1xf32>
    %and3A_3624 = arith.andi %gt3A_3623, %lt3A_3618 : vector<256x1xi1>
    %jit3A_3625 = arith.constant -3.000000e+38 : f32
    %broadcast_in_dim3A_3626 = vector.broadcast %jit3A_3625 : f32 to vector<256x1xf32>
    %select_n3A_3627 = arith.select %and3A_3624, %slice3A_3619, %broadcast_in_dim3A_3626 : vector<256x1xi1>, vector<256x1xf32>
    %gt3A_3628 = vector.broadcast %select_n3A_3627 : vector<256x1xf32> to vector<256x2048xf32>
    %gt3A_3629 = vector.broadcast %select_n3A_3282 : vector<1x2048xf32> to vector<256x2048xf32>
    %gt3A_3630 = arith.cmpf ogt, %gt3A_3628, %gt3A_3629 : vector<256x2048xf32>
    %eq3A_3631 = vector.broadcast %select_n3A_3627 : vector<256x1xf32> to vector<256x2048xf32>
    %eq3A_3632 = vector.broadcast %select_n3A_3282 : vector<1x2048xf32> to vector<256x2048xf32>
    %eq3A_3633 = arith.cmpf oeq, %eq3A_3631, %eq3A_3632 : vector<256x2048xf32>
    %lt3A_3634 = vector.broadcast %slice3A_3620 : vector<256x1xf32> to vector<256x2048xf32>
    %lt3A_3635 = vector.broadcast %slice3A_2570 : vector<1x2048xf32> to vector<256x2048xf32>
    %lt3A_3636 = arith.cmpf olt, %lt3A_3634, %lt3A_3635 : vector<256x2048xf32>
    %and3A_3637 = arith.andi %eq3A_3633, %lt3A_3636 : vector<256x2048xi1>
    %or3A_3638 = arith.ori %gt3A_3630, %and3A_3637 : vector<256x2048xi1>
    %convert_element_type3A_3639 = arith.extui %or3A_3638 : vector<256x2048xi1> to vector<256x2048xi32>
    %convert_element_type3A_3640 = arith.sitofp %convert_element_type3A_3639 : vector<256x2048xi32> to vector<256x2048xf32>
    %reduce_sum3A_3641 = arith.constant dense<0.000000e+00> : vector<2048xf32>
    %reduce_sum3A_3642 = vector.multi_reduction <add>, %convert_element_type3A_3640, %reduce_sum3A_3641 [0] : vector<256x2048xf32> to vector<2048xf32>
    %broadcast_in_dim3A_3643 = vector.shape_cast %reduce_sum3A_3642 : vector<2048xf32> to vector<1x2048xf32>
    %add3A_3644 = arith.addf %add3A_3599, %broadcast_in_dim3A_3643 : vector<1x2048xf32>
    %slice3A_3645 = vector.extract_strided_slice %get3A_2557 {offsets = [2, 0], sizes = [1, 2048], strides = [1, 1]} : vector<16x2048xf32> to vector<1x2048xf32>
    %ge3A_3646 = arith.constant 0.000000e+00 : f32
    %ge3A_3647 = vector.broadcast %ge3A_3646 : f32 to vector<1x2048xf32>
    %ge3A_3648 = arith.cmpf oge, %slice3A_2565, %ge3A_3647 : vector<1x2048xf32>
    %le3A_3649 = arith.constant 7.040000e+01 : f32
    %le3A_3650 = vector.broadcast %le3A_3649 : f32 to vector<1x2048xf32>
    %le3A_3651 = arith.cmpf ole, %slice3A_2565, %le3A_3650 : vector<1x2048xf32>
    %and3A_3652 = arith.andi %ge3A_3648, %le3A_3651 : vector<1x2048xi1>
    %ge3A_3653 = arith.constant -4.000000e+01 : f32
    %ge3A_3654 = vector.broadcast %ge3A_3653 : f32 to vector<1x2048xf32>
    %ge3A_3655 = arith.cmpf oge, %slice3A_2566, %ge3A_3654 : vector<1x2048xf32>
    %and3A_3656 = arith.andi %and3A_3652, %ge3A_3655 : vector<1x2048xi1>
    %le3A_3657 = arith.constant 4.000000e+01 : f32
    %le3A_3658 = vector.broadcast %le3A_3657 : f32 to vector<1x2048xf32>
    %le3A_3659 = arith.cmpf ole, %slice3A_2566, %le3A_3658 : vector<1x2048xf32>
    %and3A_3660 = arith.andi %and3A_3656, %le3A_3659 : vector<1x2048xi1>
    %ge3A_3661 = arith.constant -2.200000e+00 : f32
    %ge3A_3662 = vector.broadcast %ge3A_3661 : f32 to vector<1x2048xf32>
    %ge3A_3663 = arith.cmpf oge, %slice3A_3645, %ge3A_3662 : vector<1x2048xf32>
    %and3A_3664 = arith.andi %and3A_3660, %ge3A_3663 : vector<1x2048xi1>
    %le3A_3665 = arith.constant 8.000000e-01 : f32
    %le3A_3666 = vector.broadcast %le3A_3665 : f32 to vector<1x2048xf32>
    %le3A_3667 = arith.cmpf ole, %slice3A_3645, %le3A_3666 : vector<1x2048xf32>
    %and3A_3668 = arith.andi %and3A_3664, %le3A_3667 : vector<1x2048xi1>
    %gt3A_3669 = arith.constant 5.000000e-01 : f32
    %gt3A_3670 = vector.broadcast %gt3A_3669 : f32 to vector<1x2048xf32>
    %gt3A_3671 = arith.cmpf ogt, %convert_element_type3A_3272, %gt3A_3670 : vector<1x2048xf32>
    %and3A_3672 = arith.andi %and3A_3668, %gt3A_3671 : vector<1x2048xi1>
    %and3A_3673 = arith.andi %and3A_3672, %lt3A_1 : vector<1x2048xi1>
    %convert_element_type3A_3674 = arith.extui %and3A_3673 : vector<1x2048xi1> to vector<1x2048xi32>
    %convert_element_type3A_3675 = arith.sitofp %convert_element_type3A_3674 : vector<1x2048xi32> to vector<1x2048xf32>
    %iota3A_3676 = tpu.iota {dimensions = array<i32: 0>} : vector<128x2048xi32>
    %convert_element_type3A_3677 = arith.sitofp %iota3A_3676 : vector<128x2048xi32> to vector<128x2048xf32>
    %eq3A_3678 = vector.broadcast %add3A_3644 : vector<1x2048xf32> to vector<128x2048xf32>
    %eq3A_3679 = arith.cmpf oeq, %convert_element_type3A_3677, %eq3A_3678 : vector<128x2048xf32>
    %convert_element_type3A_3680 = arith.extui %eq3A_3679 : vector<128x2048xi1> to vector<128x2048xi32>
    %convert_element_type3A_3681 = arith.sitofp %convert_element_type3A_3680 : vector<128x2048xi32> to vector<128x2048xf32>
    %gt3A_3682 = arith.constant 5.000000e-01 : f32
    %gt3A_3683 = vector.broadcast %gt3A_3682 : f32 to vector<1x2048xf32>
    %gt3A_3684 = arith.cmpf ogt, %convert_element_type3A_3675, %gt3A_3683 : vector<1x2048xf32>
    %slice3A_3685 = vector.extract_strided_slice %get3A_2557 {offsets = [0, 0], sizes = [1, 2048], strides = [1, 1]} : vector<16x2048xf32> to vector<1x2048xf32>
    %jit3A_3686 = arith.constant 0.000000e+00 : f32
    %broadcast_in_dim3A_3687 = vector.broadcast %jit3A_3686 : f32 to vector<1x2048xf32>
    %select_n3A_3688 = arith.select %gt3A_3684, %slice3A_3685, %broadcast_in_dim3A_3687 : vector<1x2048xi1>, vector<1x2048xf32>
    %mul3A_3689 = vector.broadcast %select_n3A_3688 : vector<1x2048xf32> to vector<128x2048xf32>
    %mul3A_3690 = arith.mulf %convert_element_type3A_3681, %mul3A_3689 : vector<128x2048xf32>
    %reduce_sum3A_3691 = arith.constant dense<0.000000e+00> : vector<128xf32>
    %reduce_sum3A_3692 = vector.multi_reduction <add>, %mul3A_3690, %reduce_sum3A_3691 [1] : vector<128x2048xf32> to vector<128xf32>
    %broadcast_in_dim3A_3693 = vector.shape_cast %reduce_sum3A_3692 : vector<128xf32> to vector<128x1xf32>
    %gt3A_3694 = arith.constant 5.000000e-01 : f32
    %gt3A_3695 = vector.broadcast %gt3A_3694 : f32 to vector<1x2048xf32>
    %gt3A_3696 = arith.cmpf ogt, %convert_element_type3A_3675, %gt3A_3695 : vector<1x2048xf32>
    %slice3A_3697 = vector.extract_strided_slice %get3A_2557 {offsets = [1, 0], sizes = [1, 2048], strides = [1, 1]} : vector<16x2048xf32> to vector<1x2048xf32>
    %jit3A_3698 = arith.constant 0.000000e+00 : f32
    %broadcast_in_dim3A_3699 = vector.broadcast %jit3A_3698 : f32 to vector<1x2048xf32>
    %select_n3A_3700 = arith.select %gt3A_3696, %slice3A_3697, %broadcast_in_dim3A_3699 : vector<1x2048xi1>, vector<1x2048xf32>
    %mul3A_3701 = vector.broadcast %select_n3A_3700 : vector<1x2048xf32> to vector<128x2048xf32>
    %mul3A_3702 = arith.mulf %convert_element_type3A_3681, %mul3A_3701 : vector<128x2048xf32>
    %reduce_sum3A_3703 = arith.constant dense<0.000000e+00> : vector<128xf32>
    %reduce_sum3A_3704 = vector.multi_reduction <add>, %mul3A_3702, %reduce_sum3A_3703 [1] : vector<128x2048xf32> to vector<128xf32>
    %broadcast_in_dim3A_3705 = vector.shape_cast %reduce_sum3A_3704 : vector<128xf32> to vector<128x1xf32>
    %gt3A_3706 = arith.constant 5.000000e-01 : f32
    %gt3A_3707 = vector.broadcast %gt3A_3706 : f32 to vector<1x2048xf32>
    %gt3A_3708 = arith.cmpf ogt, %convert_element_type3A_3675, %gt3A_3707 : vector<1x2048xf32>
    %slice3A_3709 = vector.extract_strided_slice %get3A_2557 {offsets = [2, 0], sizes = [1, 2048], strides = [1, 1]} : vector<16x2048xf32> to vector<1x2048xf32>
    %jit3A_3710 = arith.constant 0.000000e+00 : f32
    %broadcast_in_dim3A_3711 = vector.broadcast %jit3A_3710 : f32 to vector<1x2048xf32>
    %select_n3A_3712 = arith.select %gt3A_3708, %slice3A_3709, %broadcast_in_dim3A_3711 : vector<1x2048xi1>, vector<1x2048xf32>
    %mul3A_3713 = vector.broadcast %select_n3A_3712 : vector<1x2048xf32> to vector<128x2048xf32>
    %mul3A_3714 = arith.mulf %convert_element_type3A_3681, %mul3A_3713 : vector<128x2048xf32>
    %reduce_sum3A_3715 = arith.constant dense<0.000000e+00> : vector<128xf32>
    %reduce_sum3A_3716 = vector.multi_reduction <add>, %mul3A_3714, %reduce_sum3A_3715 [1] : vector<128x2048xf32> to vector<128xf32>
    %broadcast_in_dim3A_3717 = vector.shape_cast %reduce_sum3A_3716 : vector<128xf32> to vector<128x1xf32>
    %gt3A_3718 = arith.constant 5.000000e-01 : f32
    %gt3A_3719 = vector.broadcast %gt3A_3718 : f32 to vector<1x2048xf32>
    %gt3A_3720 = arith.cmpf ogt, %convert_element_type3A_3675, %gt3A_3719 : vector<1x2048xf32>
    %slice3A_3721 = vector.extract_strided_slice %get3A_2557 {offsets = [3, 0], sizes = [1, 2048], strides = [1, 1]} : vector<16x2048xf32> to vector<1x2048xf32>
    %jit3A_3722 = arith.constant 0.000000e+00 : f32
    %broadcast_in_dim3A_3723 = vector.broadcast %jit3A_3722 : f32 to vector<1x2048xf32>
    %select_n3A_3724 = arith.select %gt3A_3720, %slice3A_3721, %broadcast_in_dim3A_3723 : vector<1x2048xi1>, vector<1x2048xf32>
    %mul3A_3725 = vector.broadcast %select_n3A_3724 : vector<1x2048xf32> to vector<128x2048xf32>
    %mul3A_3726 = arith.mulf %convert_element_type3A_3681, %mul3A_3725 : vector<128x2048xf32>
    %reduce_sum3A_3727 = arith.constant dense<0.000000e+00> : vector<128xf32>
    %reduce_sum3A_3728 = vector.multi_reduction <add>, %mul3A_3726, %reduce_sum3A_3727 [1] : vector<128x2048xf32> to vector<128xf32>
    %broadcast_in_dim3A_3729 = vector.shape_cast %reduce_sum3A_3728 : vector<128xf32> to vector<128x1xf32>
    %gt3A_3730 = arith.constant 5.000000e-01 : f32
    %gt3A_3731 = vector.broadcast %gt3A_3730 : f32 to vector<1x2048xf32>
    %gt3A_3732 = arith.cmpf ogt, %convert_element_type3A_3675, %gt3A_3731 : vector<1x2048xf32>
    %slice3A_3733 = vector.extract_strided_slice %get3A_2557 {offsets = [4, 0], sizes = [1, 2048], strides = [1, 1]} : vector<16x2048xf32> to vector<1x2048xf32>
    %jit3A_3734 = arith.constant 0.000000e+00 : f32
    %broadcast_in_dim3A_3735 = vector.broadcast %jit3A_3734 : f32 to vector<1x2048xf32>
    %select_n3A_3736 = arith.select %gt3A_3732, %slice3A_3733, %broadcast_in_dim3A_3735 : vector<1x2048xi1>, vector<1x2048xf32>
    %mul3A_3737 = vector.broadcast %select_n3A_3736 : vector<1x2048xf32> to vector<128x2048xf32>
    %mul3A_3738 = arith.mulf %convert_element_type3A_3681, %mul3A_3737 : vector<128x2048xf32>
    %reduce_sum3A_3739 = arith.constant dense<0.000000e+00> : vector<128xf32>
    %reduce_sum3A_3740 = vector.multi_reduction <add>, %mul3A_3738, %reduce_sum3A_3739 [1] : vector<128x2048xf32> to vector<128xf32>
    %broadcast_in_dim3A_3741 = vector.shape_cast %reduce_sum3A_3740 : vector<128xf32> to vector<128x1xf32>
    %gt3A_3742 = arith.constant 5.000000e-01 : f32
    %gt3A_3743 = vector.broadcast %gt3A_3742 : f32 to vector<1x2048xf32>
    %gt3A_3744 = arith.cmpf ogt, %convert_element_type3A_3675, %gt3A_3743 : vector<1x2048xf32>
    %slice3A_3745 = vector.extract_strided_slice %get3A_2557 {offsets = [5, 0], sizes = [1, 2048], strides = [1, 1]} : vector<16x2048xf32> to vector<1x2048xf32>
    %jit3A_3746 = arith.constant 0.000000e+00 : f32
    %broadcast_in_dim3A_3747 = vector.broadcast %jit3A_3746 : f32 to vector<1x2048xf32>
    %select_n3A_3748 = arith.select %gt3A_3744, %slice3A_3745, %broadcast_in_dim3A_3747 : vector<1x2048xi1>, vector<1x2048xf32>
    %mul3A_3749 = vector.broadcast %select_n3A_3748 : vector<1x2048xf32> to vector<128x2048xf32>
    %mul3A_3750 = arith.mulf %convert_element_type3A_3681, %mul3A_3749 : vector<128x2048xf32>
    %reduce_sum3A_3751 = arith.constant dense<0.000000e+00> : vector<128xf32>
    %reduce_sum3A_3752 = vector.multi_reduction <add>, %mul3A_3750, %reduce_sum3A_3751 [1] : vector<128x2048xf32> to vector<128xf32>
    %broadcast_in_dim3A_3753 = vector.shape_cast %reduce_sum3A_3752 : vector<128xf32> to vector<128x1xf32>
    %gt3A_3754 = arith.constant 5.000000e-01 : f32
    %gt3A_3755 = vector.broadcast %gt3A_3754 : f32 to vector<1x2048xf32>
    %gt3A_3756 = arith.cmpf ogt, %convert_element_type3A_3675, %gt3A_3755 : vector<1x2048xf32>
    %slice3A_3757 = vector.extract_strided_slice %get3A_2557 {offsets = [7, 0], sizes = [1, 2048], strides = [1, 1]} : vector<16x2048xf32> to vector<1x2048xf32>
    %jit3A_3758 = arith.constant 0.000000e+00 : f32
    %broadcast_in_dim3A_3759 = vector.broadcast %jit3A_3758 : f32 to vector<1x2048xf32>
    %select_n3A_3760 = arith.select %gt3A_3756, %slice3A_3757, %broadcast_in_dim3A_3759 : vector<1x2048xi1>, vector<1x2048xf32>
    %mul3A_3761 = vector.broadcast %select_n3A_3760 : vector<1x2048xf32> to vector<128x2048xf32>
    %mul3A_3762 = arith.mulf %convert_element_type3A_3681, %mul3A_3761 : vector<128x2048xf32>
    %reduce_sum3A_3763 = arith.constant dense<0.000000e+00> : vector<128xf32>
    %reduce_sum3A_3764 = vector.multi_reduction <add>, %mul3A_3762, %reduce_sum3A_3763 [1] : vector<128x2048xf32> to vector<128xf32>
    %broadcast_in_dim3A_3765 = vector.shape_cast %reduce_sum3A_3764 : vector<128xf32> to vector<128x1xf32>
    %gt3A_3766 = arith.constant 5.000000e-01 : f32
    %gt3A_3767 = vector.broadcast %gt3A_3766 : f32 to vector<1x2048xf32>
    %gt3A_3768 = arith.cmpf ogt, %convert_element_type3A_3675, %gt3A_3767 : vector<1x2048xf32>
    %slice3A_3769 = vector.extract_strided_slice %get3A_2557 {offsets = [12, 0], sizes = [1, 2048], strides = [1, 1]} : vector<16x2048xf32> to vector<1x2048xf32>
    %jit3A_3770 = arith.constant 0.000000e+00 : f32
    %broadcast_in_dim3A_3771 = vector.broadcast %jit3A_3770 : f32 to vector<1x2048xf32>
    %select_n3A_3772 = arith.select %gt3A_3768, %slice3A_3769, %broadcast_in_dim3A_3771 : vector<1x2048xi1>, vector<1x2048xf32>
    %mul3A_3773 = vector.broadcast %select_n3A_3772 : vector<1x2048xf32> to vector<128x2048xf32>
    %mul3A_3774 = arith.mulf %convert_element_type3A_3681, %mul3A_3773 : vector<128x2048xf32>
    %reduce_sum3A_3775 = arith.constant dense<0.000000e+00> : vector<128xf32>
    %reduce_sum3A_3776 = vector.multi_reduction <add>, %mul3A_3774, %reduce_sum3A_3775 [1] : vector<128x2048xf32> to vector<128xf32>
    %broadcast_in_dim3A_3777 = vector.shape_cast %reduce_sum3A_3776 : vector<128xf32> to vector<128x1xf32>
    %concatenate3A_3778 = tpu.concatenate %broadcast_in_dim3A_3693, %broadcast_in_dim3A_3705, %broadcast_in_dim3A_3717, %broadcast_in_dim3A_3729, %broadcast_in_dim3A_3741, %broadcast_in_dim3A_3753, %broadcast_in_dim3A_3765, %broadcast_in_dim3A_3777 in 1 : vector<128x1xf32>, vector<128x1xf32>, vector<128x1xf32>, vector<128x1xf32>, vector<128x1xf32>, vector<128x1xf32>, vector<128x1xf32>, vector<128x1xf32> -> vector<128x8xf32>
    %swap3A_3779 = arith.constant 3 : index
    %swap3A_3780 = arith.constant 0 : index
    %swap3A_3781 = arith.constant 0 : index
    %swap3A_3782 = vector.load %arg4[%swap3A_3779, %swap3A_3780, %swap3A_3781] : memref<4x128x8xf32, #tpu.memory_space<vmem>>, vector<1x128x8xf32>
    %swap3A_3783 = vector.shape_cast %swap3A_3782 : vector<1x128x8xf32> to vector<128x8xf32>
    %swap3A_3784 = vector.shape_cast %concatenate3A_3778 : vector<128x8xf32> to vector<1x128x8xf32>
    tpu.vector_store %arg4[%swap3A_3779, %swap3A_3780, %swap3A_3781], %swap3A_3784 {strides = array<i32>} : memref<4x128x8xf32, #tpu.memory_space<vmem>>, vector<1x128x8xf32>,
    return
  }
}

</mosaic_0001>

<sc_bundles>
// kernel: kernel.5.cloned.1.call-start
scs
__scs_entry_jumppad:
0x0: {  	(pc) =	sbr.rel $0x88, $3  }
0x1: {  	(tag) =	ssettag $0x0;
	lr =	simm.s32 $0x1  }
0x2: {  	[smem:$0x3F9C] =	sst lr;
	_ =	strace $0xD0000000  }
0x3: {  	_ = 	snop  }
0x4: {  	_ = 	snop  }
0x5: {  	_ = 	snop  }
0x6: {  	_ = 	snop  }
0x7: {  	_ = 	snop  }
__scs_overlays_trampoline_lowered:
0x8: {  	[smem:$0x3FAB] =	sst s0  }
0x9: {  	[smem:$0x3FAC] =	sst s1  }
0xa: {  	[smem:$0x3FAD] =	sst s2  }
0xb: {  	[smem:$0x3FAE] =	sst s3  }
0xc: {  	[smem:$0x3FAF] =	sst s4  }
0xd: {  	[smem:$0x3FB0] =	sst s5  }
0xe: {  	[smem:$0x3FB1] =	sst s6  }
0xf: {  	[smem:$0x3FB2] =	sst s7  }
0x10: {  	[smem:$0x3FB3] =	sst s8  }
0x11: {  	[smem:$0x3FB4] =	sst s9;
	s0 =	simm.s32 @!p0 $0x0  }
0x12: {  	s1 =	sld [smem:$0x3F9A];
	s0 =	simm.s32 @p0 $0x1  }
0x13: {  	[smem:$0x3FB5] =	sst s0;
	s0 =	simm.s32 @!p1 $0x0  }
0x14: {  	s2 =	sld [smem:$0x3F99];
	s0 =	simm.s32 @p1 $0x1  }
0x15: {  	[smem:$0x3FB6] =	sst s0;
	s0 =	simm.s32 @!p2 $0x0  }
0x16: {  	s3 =	sld [smem:$0x3FDB];
	s0 =	simm.s32 @p2 $0x1  }
0x17: {  	s4 =	simm.s32 $0x1BF5;
	[smem:$0x3FB8] =	sst s0  }
0x18: {  	s0 =	sld [smem:$0x3F9B];
	_ =	swait.ge [sflag:s4], $0x0  }
0x19: {  	s7 =	sld [smem:$0x3F9C]  }
0x1a: {  	s8 =	sadd.s32 $0xFFFFE003, lr  }
0x1b: {  	s9 =	sadd.s32 $0xFFFFFEF7, lr;
	s5 =	simm.s32 $0xFFFFFFFF;
	p2 =	slt.u32 s8, $0xFFFFF086  }
0x1c: {  	p1 =	slt.u32 s9, $0xF7A;
	s5 =	simm.s32 @!p2 $0x0  }
0x1d: {  	s5 =	simm.s32 @p1 $0x1;
	p0 =	seq.s32 s7, s2  }
0x1e: {  	s7 =	smul.u32 @!p0 $0xF7A, s2;
	p2 =	seq.s32 @!p0 s5, $0x0  }
0x1f: {  	s9 =	smul.u32 $0xF7A, s1;
	s8 =	simm.s32 @!p0 $0x1BF5;
	p2 =	por !p2, p0  }
0x20: {  	[sflag:s8] =	ssyncset.s32 @!p0 $0xFFFFF086;
	s6 =	sadd.s32 @!p0 s3, s7;
	s7 =	simm.s32 @!p0 $0x108  }
0x21: {  	s3 =	sadd.s32 s3, s9;
	s6 =	sadd.s32 @!p0 $0x88, s6;
	s7 =	simm.s32 @p2 $0x1082  }
0x22: {  	[simem:s7], [sflag:s8] =	dma.local @!p0 [hbm:s6], $0xF7A  }
0x23: {  	s9 =	sor.u32 $0xD0000000, s2;
	s6 =	simm.s32 $0x108;
	_ =	swait.ge @!p0 [sflag:s8], $0x0  }
0x24: {  	s3 =	sadd.s32 $0x88, s3;
	s6 =	simm.s32 @!p1 $0x1082;
	[sflag:s4] =	ssyncset.s32 $0xFFFFF086  }
0x25: {  	[simem:s6], [sflag:s4] =	dma.local [hbm:s3], $0xF7A  }
0x26: {  	[smem:$0x3F9C] =	sst s1;
	(tag) =	ssettag s2;
	_ =	strace s9  }
0x27: {  	s1 =	sld [smem:$0x3FAC]  }
0x28: {  	s2 =	sld [smem:$0x3FAD]  }
0x29: {  	s4 =	sld [smem:$0x3FAF]  }
0x2a: {  	p0 =	seq.s32 s5, $0x0;
	s5 =	sld [smem:$0x3FB0]  }
0x2b: {  	s6 =	sld [smem:$0x3FB1]  }
0x2c: {  	s7 =	sld [smem:$0x3FB2]  }
0x2d: {  	s3 =	simm.s32 $0x108;
	s8 =	sld [smem:$0x3FB3]  }
0x2e: {  	s3 =	simm.s32 @!p0 $0x1082;
	s9 =	sld [smem:$0x3FB4]  }
0x2f: {  	lr =	sadd.s32 s0, s3;
	s0 =	sld [smem:$0x3FAB]  }
0x30: {  	s3 =	sld [smem:$0x3FAE]  }
0x31: {  	[smem:$0x3FB7] =	sst s10  }
0x32: {  	s10 =	sld [smem:$0x3FB5];
	_ =	sdelay $0x3  }
0x33: {  	p0 =	seq.s32 s10, $0x1;
	s10 =	sld [smem:$0x3FB7];
	_ =	sdelay $0x3  }
0x34: {  	[smem:$0x3FB7] =	sst s10  }
0x35: {  	s10 =	sld [smem:$0x3FB6];
	_ =	sdelay $0x3  }
0x36: {  	p1 =	seq.s32 s10, $0x1;
	s10 =	sld [smem:$0x3FB7];
	_ =	sdelay $0x3  }
0x37: {  	[smem:$0x3FB7] =	sst s10  }
0x38: {  	s10 =	sld [smem:$0x3FB8]  }
0x39: {  	_ = 	snop;
	(pc) =	sbr.ind lr, $3  }
0x3a: {  	_ = 	snop  }
0x3b: {  	_ = 	snop  }
0x3c: {  	p2 =	seq.s32 s10, $0x1;
	s10 =	sld [smem:$0x3FB7]  }
0x3d: {  	_ =	shalt  }
0x3e: {  	_ =	shalt  }
0x3f: {  	_ =	shalt  }
0x40: {  	_ =	shalt  }
0x41: {  	_ =	shalt  }
0x42: {  	_ =	shalt  }
0x43: {  	_ =	shalt  }
0x44: {  	_ =	shalt  }
0x45: {  	_ =	shalt  }
0x46: {  	_ =	shalt  }
0x47: {  	_ =	shalt  }
0x48: {  	_ =	shalt  }
0x49: {  	_ =	shalt  }
0x4a: {  	_ =	shalt  }
0x4b: {  	_ =	shalt  }
0x4c: {  	_ =	shalt  }
0x4d: {  	_ =	shalt  }
0x4e: {  	_ =	shalt  }
0x4f: {  	_ =	shalt  }
0x50: {  	_ =	shalt  }
0x51: {  	_ =	shalt  }
0x52: {  	_ =	shalt  }
0x53: {  	_ =	shalt  }
0x54: {  	_ =	shalt  }
0x55: {  	_ =	shalt  }
0x56: {  	_ =	shalt  }
0x57: {  	_ =	shalt  }
0x58: {  	_ =	shalt  }
0x59: {  	_ =	shalt  }
0x5a: {  	_ =	shalt  }
0x5b: {  	_ =	shalt  }
0x5c: {  	_ =	shalt  }
0x5d: {  	_ =	shalt  }
0x5e: {  	_ =	shalt  }
0x5f: {  	_ =	shalt  }
0x60: {  	_ =	shalt  }
0x61: {  	_ =	shalt  }
0x62: {  	_ =	shalt  }
0x63: {  	_ =	shalt  }
0x64: {  	_ =	shalt  }
0x65: {  	_ =	shalt  }
0x66: {  	_ =	shalt  }
0x67: {  	_ =	shalt  }
0x68: {  	_ =	shalt  }
0x69: {  	_ =	shalt  }
0x6a: {  	_ =	shalt  }
0x6b: {  	_ =	shalt  }
0x6c: {  	_ =	shalt  }
0x6d: {  	_ =	shalt  }
0x6e: {  	_ =	shalt  }
0x6f: {  	_ =	shalt  }
0x70: {  	_ =	shalt  }
0x71: {  	_ =	shalt  }
0x72: {  	_ =	shalt  }
0x73: {  	_ =	shalt  }
0x74: {  	_ =	shalt  }
0x75: {  	_ =	shalt  }
0x76: {  	_ =	shalt  }
0x77: {  	_ =	shalt  }
0x78: {  	_ =	shalt  }
0x79: {  	_ =	shalt  }
0x7a: {  	_ =	shalt  }
0x7b: {  	_ =	shalt  }
0x7c: {  	_ =	shalt  }
0x7d: {  	_ =	shalt  }
0x7e: {  	_ =	shalt  }
0x7f: {  	_ =	shalt  }
0x80: {  	_ =	shalt  }
0x81: {  	_ =	shalt  }
0x82: {  	_ =	shalt  }
0x83: {  	_ =	shalt  }
0x84: {  	_ =	shalt  }
0x85: {  	_ =	shalt  }
0x86: {  	_ =	shalt  }
0x87: {  	_ =	shalt  }
.Lfunc_end0:
.L_simem_size_0:
called_computation_lowered:
.L_overlay_start_0:
0x88: {  	s2 =	sld [smem:$0x3FD9]  }
0x89: {  	s3 =	sld [smem:$0x3FFE];
	_ =	sdelay $0x1  }
0x8a: {  	s1 =	srdreg.scid  }
0x8b: {  	s0 =	sand.u32 $0x1, s1  }
0x8c: {  	s16 =	sshll.u32 s0, $0xA;
	s2 =	sadd.s32 s3, s2  }
0x8d: {  	s2 =	sadd.s32 s2, s16  }
0x8e: {  	[smem:$0x3FC3] =	sst s2  }
0x8f: {  	_ = 	snop  }
0x90: {  	(tm) =	ssettm $0x1  }
0x91: {  	s17 =	sld [smem:$0x3FFB];
	_ =	sdelay $0x3  }
0x92: {  	_ =	strace s17  }
0x93: {  	s2 =	sld [smem:$0x3FFC];
	_ =	sdelay $0x3  }
0x94: {  	_ =	strace s2  }
0x95: {  	s2 =	sld [smem:$0x3FFD];
	_ =	sdelay $0x3  }
0x96: {  	_ =	strace s2  }
0x97: {  	_ =	strace $0x8FFFFFFF  }
0x98: {  	s18 =	sld [smem:$0x3FDB];
	_ =	sdelay $0x1  }
0x99: {  	s19 =	simm.s32 $_scs_section_size  }
0x9a: {  	s4 =	simm.s32 $_size__tile_overlayer_lowered;
	s5 =	simm.s32 $_tile_overlayer_lowered  }
0x9b: {  	s22 =	simm.s32 $0x1BFF;
	s21 =	sshll.u32 s5, $0x1;
	s2 =	sadd.s32 s19, s18  }
0x9c: {  	s6 =	simm.s32 $0x0;
	s20 =	sshll.u32 s4, $0x1;
	s4 =	sadd.s32 s21, s2  }
0x9d: {  	[timem:s6], [sflag:s22] =	dma.local [hbm:s4], s20  }
0x9e: {  	_ =	swait.ge [sflag:s22], s20  }
0x9f: {  	s3 =	ssub.s32 $0x0, s20;
	[sflag:s22] =	ssyncset.done $0x0  }
0xa0: {  	[sflag:s22] =	ssyncadd.s32 s3;
	_ =	sdelay $0x1  }
0xa1: {  	s23 =	simm.s32 $0x1B8B  }
0xa2: {  	_ =	swait.ge [sflag:s23], $0x1  }
0xa3: {  	[sflag:s23] =	ssyncset.done $0x0  }
0xa4: {  	s25 =	simm.s32 $0x1B8E;
	s24 =	sld [smem:$0x3FFE];
	[sflag:s23] =	ssyncadd.s32 $0xFFFFFFFF  }
0xa5: {  	s26 =	simm.s32 $execute0_lowered;
	[smem:$0x3FD2] =	sst s25  }
0xa6: {  	s4 =	sshll.u32 s26, $0x1;
	_ =	strace $0x80000046;
	[dreg:$0x1] =	wrdreg $0xFFFFFFFF  }
0xa7: {  	s28 =	simm.s32 $_size_execute0_lowered;
	s2 =	sadd.s32 s2, s4;
	[dreg:$0x0] =	wrdreg $0x0  }
0xa8: {  	s4 =	sshll.u32 s28, $0x1;
	[dreg:$0x2] =	wrdreg s2  }
0xa9: {  	[dreg:$0x3] =	wrdreg s4  }
0xaa: {  	[dreg:$0x4] =	wrdreg $0xC0  }
0xab: {  	_ =	task [dreg:s6], $0x5FFFF  }
0xac: {  	[dreg:$0x1] =	wrdreg $0xFFFFFFFF  }
0xad: {  	[dreg:$0x0] =	wrdreg $0x60  }
0xae: {  	[dreg:$0x2] =	wrdreg s24  }
0xaf: {  	[dreg:$0x3] =	wrdreg $0x9  }
0xb0: {  	_ =	task.clear_ibuf [dreg:s6], $0x4FFFF;
	_ =	strace $0x90000046  }
0xb1: {  	s29 =	simm.s32 $0x9;
	_ =	strace $0x80000048  }
0xb2: {  	_ =	swait.ge [sflag:s29], $0x1  }
0xb3: {  	[sflag:s29] =	ssyncadd.s32 $0xFFFFFFFF  }
0xb4: {  	_ =	strace $0x90000048  }
0xb5: {  	_ =	sfence  }
0xb6: {  	s30 =	sld [smem:$0x0];
	_ =	sdelay $0x2  }
0xb7: {  	s31 =	sshll.u32 s1, $0xD;
	s1 =	sshrl.u32 s1, $0x2  }
0xb8: {  	s3 =	sand.u32 $0x4000, s31;
	s1 =	sadd.s32 s1, s30  }
0xb9: {  	s0 =	sor.u32 s3, s0;
	s1 =	sshll.u32 s1, $0x11  }
0xba: {  	s0 =	sor.u32 s1, s0  }
0xbb: {  	s0 =	sadd.s32 $0x8F2B, s0  }
0xbc: {  	[sflag:s0] =	ssyncadd.remote.s32 $0x1  }
0xbd: {  	_ =	sfence.sel $0xFFFF  }
0xbe: {  	[dreg:$0x0] =	wrdreg $0xFFFFFFFF;
	(pc) =	sbr.abs _section_cstart, $3  }
0xbf: {  	[dreg:$0x1] =	wrdreg $0xFFFFFFFF  }
0xc0: {  	_ =	task.clear_ibuf [dreg:s6], $0x2FFFF;
	_ =	strace $0x9FFFFFFF  }
0xc1: {  	(tm) =	ssettm $0x7FFFFFFF  }
tec
execute0_lowered:
.L_overlay_start_1:
0x0: {  	(tag) =	ssettag $0x1  }
0x1: {  	s1 =	srdreg.scid;
	s0 =	stileid.u32  }
0x2: {  	s24 =	sand.u32 $0x1, s1;
	s31 =	sshll.u32 s0, $0x1  }
0x3: {  	s3 =	sor.u32 s24, s31  }
0x4: {  	s9 =	rddreg [dreg:$0x0];
	s2 =	simm.s32 $0x0;
	s4 =	smul.u32 $0x500, s3  }
0x5: {  	[smem:$0x7FF] =	sst s2  }
0x6: {  	s1 =	rddreg [dreg:$0x1];
	_ =	strace $0x80000047;
	s4 =	sadd.s32 s4, s9  }
0x7: {  	s5 =	smul.u32 $0x50, s3;
	s3 =	sadd.s32 $0x2000, s4;
	s4 =	simm.s32 $0x2  }
0x8: {  	[tilespmem:s2], [sflag:$0x2] =	stream.linear.gather [hbm4b:s3+s2], $0x2800, $0x38;
	[tilespmem:$0x2D00] =	vst v63  }
0x9: {  	_ =	swait.ge [sflag:s4], $0x2800  }
0xa: {  	s7 =	sadd.s32 s5, s9;
	[sflag:s4] =	ssyncset.done $0x0  }
0xb: {  	s6 =	simm.s32 $0x2800;
	s5 =	sadd.s32 $0xC00, s7;
	[sflag:s4] =	ssyncadd.s32 $0xFFFFD800  }
0xc: {  	[tilespmem:s6], [sflag:$0x2] =	stream.linear.gather [hbm4b:s5+s2], $0x280, $0x38;
	[tilespmem:$0x2D00] =	vst v63  }
0xd: {  	_ =	swait.ge [sflag:s4], $0x280  }
0xe: {  	[sflag:s4] =	ssyncset.done $0x0  }
0xf: {  	s8 =	simm.s32 $0x2A80;
	s7 =	sadd.s32 $0x1600, s7;
	[sflag:s4] =	ssyncadd.s32 $0xFFFFFD80  }
0x10: {  	[tilespmem:s8], [sflag:$0x2] =	stream.linear.gather [hbm4b:s7+s2], $0x280, $0x38;
	[tilespmem:$0x2D00] =	vst v63  }
0x11: {  	_ =	swait.ge [sflag:s4], $0x280  }
0x12: {  	[sflag:s4] =	ssyncset.done $0x0  }
0x13: {  	s10 =	simm.s32 $0x80;
	s9 =	sadd.s32 $0xC000, s9;
	[sflag:s4] =	ssyncadd.s32 $0xFFFFFD80  }
0x14: {  	[hbm4b:s9+s10] =	stream.indirect.scatter [tilespmem:s2], [sflag:$0x1], $0x10, s6, s10, $0xb8;
	[tilespmem:$0x2D00] =	vst v63  }
0x15: {  	_ = 	snop  }
0x16: {  	[hbm4b:s9+s10] =	stream.indirect.scatter [tilespmem:s2], [sflag:$0x1], $0x10, s8, s10, $0xb8;
	[tilespmem:$0x2D00] =	vst v63  }
0x17: {  	s11 =	simm.s32 $0x2880;
	s12 =	simm.s32 $0x800  }
0x18: {  	[hbm4b:s9+s10] =	stream.indirect.scatter [tilespmem:s12], [sflag:$0x1], $0x10, s11, s10, $0xb8;
	[tilespmem:$0x2D00] =	vst v63  }
0x19: {  	s13 =	simm.s32 $0x2B00  }
0x1a: {  	[hbm4b:s9+s10] =	stream.indirect.scatter [tilespmem:s12], [sflag:$0x1], $0x10, s13, s10, $0xb8;
	[tilespmem:$0x2D00] =	vst v63  }
0x1b: {  	s14 =	simm.s32 $0x2900;
	s15 =	simm.s32 $0x1000  }
0x1c: {  	[hbm4b:s9+s10] =	stream.indirect.scatter [tilespmem:s15], [sflag:$0x1], $0x10, s14, s10, $0xb8;
	[tilespmem:$0x2D00] =	vst v63  }
0x1d: {  	s16 =	simm.s32 $0x2B80  }
0x1e: {  	[hbm4b:s9+s10] =	stream.indirect.scatter [tilespmem:s15], [sflag:$0x1], $0x10, s16, s10, $0xb8;
	[tilespmem:$0x2D00] =	vst v63  }
0x1f: {  	s17 =	simm.s32 $0x2980;
	s18 =	simm.s32 $0x1800  }
0x20: {  	[hbm4b:s9+s10] =	stream.indirect.scatter [tilespmem:s18], [sflag:$0x1], $0x10, s17, s10, $0xb8;
	[tilespmem:$0x2D00] =	vst v63  }
0x21: {  	s19 =	simm.s32 $0x2C00  }
0x22: {  	[hbm4b:s9+s10] =	stream.indirect.scatter [tilespmem:s18], [sflag:$0x1], $0x10, s19, s10, $0xb8;
	[tilespmem:$0x2D00] =	vst v63  }
0x23: {  	s20 =	simm.s32 $0x2A00;
	s21 =	simm.s32 $0x2000  }
0x24: {  	[hbm4b:s9+s10] =	stream.indirect.scatter [tilespmem:s21], [sflag:$0x1], $0x10, s20, s10, $0xb8;
	[tilespmem:$0x2D00] =	vst v63  }
0x25: {  	s23 =	simm.s32 $0x2C80;
	s22 =	simm.s32 $0x1  }
0x26: {  	[hbm4b:s9+s10] =	stream.indirect.scatter [tilespmem:s21], [sflag:$0x1], $0x10, s23, s10, $0xb8;
	[tilespmem:$0x2D00] =	vst v63  }
0x27: {  	_ =	swait.ge [sflag:s22], $0x800  }
0x28: {  	[sflag:s22] =	ssyncset.done $0x0  }
0x29: {  	[sflag:s22] =	ssyncadd.s32 $0xFFFFF800  }
0x2a: {  	_ =	swait.ge [sflag:s22], $0x800  }
0x2b: {  	[sflag:s22] =	ssyncset.done $0x0  }
0x2c: {  	[sflag:s22] =	ssyncadd.s32 $0xFFFFF800  }
0x2d: {  	_ =	swait.ge [sflag:s22], $0x800  }
0x2e: {  	[sflag:s22] =	ssyncset.done $0x0  }
0x2f: {  	[sflag:s22] =	ssyncadd.s32 $0xFFFFF800  }
0x30: {  	_ =	swait.ge [sflag:s22], $0x800  }
0x31: {  	[sflag:s22] =	ssyncset.done $0x0  }
0x32: {  	[sflag:s22] =	ssyncadd.s32 $0xFFFFF800  }
0x33: {  	_ =	swait.ge [sflag:s22], $0x800  }
0x34: {  	[sflag:s22] =	ssyncset.done $0x0  }
0x35: {  	[sflag:s22] =	ssyncadd.s32 $0xFFFFF800  }
0x36: {  	_ =	swait.ge [sflag:s22], $0x800  }
0x37: {  	[sflag:s22] =	ssyncset.done $0x0  }
0x38: {  	[sflag:s22] =	ssyncadd.s32 $0xFFFFF800  }
0x39: {  	_ =	swait.ge [sflag:s22], $0x800  }
0x3a: {  	s24 =	ssub.s32 $0x2, s24;
	[sflag:s22] =	ssyncset.done $0x0  }
0x3b: {  	s25 =	sshrl.u32 s24, $0x1;
	[sflag:s22] =	ssyncadd.s32 $0xFFFFF800  }
0x3c: {  	s24 =	ssub.s32 s24, s25;
	_ =	swait.ge [sflag:s22], $0x800  }
0x3d: {  	s24 =	smax.u32 s24, $0x1;
	[sflag:s22] =	ssyncset.done $0x0  }
0x3e: {  	p0 =	sne.s32 s24, $0x1;
	[sflag:s22] =	ssyncadd.s32 $0xFFFFF800  }
.Ltmp0:
0x3f: {  	_ =	swait.ge [sflag:s22], $0x800;
	(pc) =	sbr.rel @!p0 .LBB2_2-.Ltmp0, $4  }
0x40: {  	[sflag:s22] =	ssyncset.done $0x0  }
0x41: {  	[sflag:s22] =	ssyncadd.s32 $0xFFFFF800  }
0x42: {  	_ =	swait.ge [sflag:s22], $0x800  }
0x43: {  	s24 =	sadd.s32 $0xFFFFFFFF, s24;
	[sflag:s22] =	ssyncset.done $0x0  }
.LBB2_1:
0x44: {  	p0 =	sne.s32 s24, $0x1;
	s24 =	sadd.s32 $0xFFFFFFFF, s24;
	[sflag:s22] =	ssyncadd.s32 $0xFFFFF800  }
0x45: {  	[tilespmem:s2], [sflag:$0x2] =	stream.linear.gather [hbm4b:s3+s2], $0x2800, $0x38;
	[tilespmem:$0x2D00] =	vst v63  }
0x46: {  	_ =	swait.ge [sflag:s4], $0x2800  }
0x47: {  	[sflag:s4] =	ssyncset.done $0x0  }
0x48: {  	[sflag:s4] =	ssyncadd.s32 $0xFFFFD800  }
0x49: {  	[tilespmem:s6], [sflag:$0x2] =	stream.linear.gather [hbm4b:s5+s2], $0x280, $0x38;
	[tilespmem:$0x2D00] =	vst v63  }
0x4a: {  	_ =	swait.ge [sflag:s4], $0x280  }
0x4b: {  	[sflag:s4] =	ssyncset.done $0x0  }
0x4c: {  	[sflag:s4] =	ssyncadd.s32 $0xFFFFFD80  }
0x4d: {  	[tilespmem:s8], [sflag:$0x2] =	stream.linear.gather [hbm4b:s7+s2], $0x280, $0x38;
	[tilespmem:$0x2D00] =	vst v63  }
0x4e: {  	_ =	swait.ge [sflag:s4], $0x280  }
0x4f: {  	[sflag:s4] =	ssyncset.done $0x0  }
0x50: {  	[sflag:s4] =	ssyncadd.s32 $0xFFFFFD80  }
0x51: {  	[hbm4b:s9+s10] =	stream.indirect.scatter [tilespmem:s2], [sflag:$0x1], $0x10, s6, s10, $0xb8;
	[tilespmem:$0x2D00] =	vst v63  }
0x52: {  	_ = 	snop  }
0x53: {  	[hbm4b:s9+s10] =	stream.indirect.scatter [tilespmem:s2], [sflag:$0x1], $0x10, s8, s10, $0xb8;
	[tilespmem:$0x2D00] =	vst v63  }
0x54: {  	_ = 	snop  }
0x55: {  	[hbm4b:s9+s10] =	stream.indirect.scatter [tilespmem:s12], [sflag:$0x1], $0x10, s11, s10, $0xb8;
	[tilespmem:$0x2D00] =	vst v63  }
0x56: {  	_ = 	snop  }
0x57: {  	[hbm4b:s9+s10] =	stream.indirect.scatter [tilespmem:s12], [sflag:$0x1], $0x10, s13, s10, $0xb8;
	[tilespmem:$0x2D00] =	vst v63  }
0x58: {  	_ = 	snop  }
0x59: {  	[hbm4b:s9+s10] =	stream.indirect.scatter [tilespmem:s15], [sflag:$0x1], $0x10, s14, s10, $0xb8;
	[tilespmem:$0x2D00] =	vst v63  }
0x5a: {  	_ = 	snop  }
0x5b: {  	[hbm4b:s9+s10] =	stream.indirect.scatter [tilespmem:s15], [sflag:$0x1], $0x10, s16, s10, $0xb8;
	[tilespmem:$0x2D00] =	vst v63  }
0x5c: {  	_ = 	snop  }
0x5d: {  	[hbm4b:s9+s10] =	stream.indirect.scatter [tilespmem:s18], [sflag:$0x1], $0x10, s17, s10, $0xb8;
	[tilespmem:$0x2D00] =	vst v63  }
0x5e: {  	_ = 	snop  }
0x5f: {  	[hbm4b:s9+s10] =	stream.indirect.scatter [tilespmem:s18], [sflag:$0x1], $0x10, s19, s10, $0xb8;
	[tilespmem:$0x2D00] =	vst v63  }
0x60: {  	_ = 	snop  }
0x61: {  	[hbm4b:s9+s10] =	stream.indirect.scatter [tilespmem:s21], [sflag:$0x1], $0x10, s20, s10, $0xb8;
	[tilespmem:$0x2D00] =	vst v63  }
0x62: {  	_ = 	snop  }
0x63: {  	[hbm4b:s9+s10] =	stream.indirect.scatter [tilespmem:s21], [sflag:$0x1], $0x10, s23, s10, $0xb8;
	[tilespmem:$0x2D00] =	vst v63  }
0x64: {  	_ =	swait.ge [sflag:s22], $0x800  }
0x65: {  	[sflag:s22] =	ssyncset.done $0x0  }
0x66: {  	[sflag:s22] =	ssyncadd.s32 $0xFFFFF800  }
0x67: {  	_ =	swait.ge [sflag:s22], $0x800  }
0x68: {  	[sflag:s22] =	ssyncset.done $0x0  }
0x69: {  	[sflag:s22] =	ssyncadd.s32 $0xFFFFF800  }
0x6a: {  	_ =	swait.ge [sflag:s22], $0x800  }
0x6b: {  	[sflag:s22] =	ssyncset.done $0x0  }
0x6c: {  	[sflag:s22] =	ssyncadd.s32 $0xFFFFF800  }
0x6d: {  	_ =	swait.ge [sflag:s22], $0x800  }
0x6e: {  	[sflag:s22] =	ssyncset.done $0x0  }
0x6f: {  	[sflag:s22] =	ssyncadd.s32 $0xFFFFF800  }
0x70: {  	_ =	swait.ge [sflag:s22], $0x800  }
0x71: {  	[sflag:s22] =	ssyncset.done $0x0  }
0x72: {  	[sflag:s22] =	ssyncadd.s32 $0xFFFFF800  }
0x73: {  	_ =	swait.ge [sflag:s22], $0x800  }
0x74: {  	[sflag:s22] =	ssyncset.done $0x0  }
0x75: {  	[sflag:s22] =	ssyncadd.s32 $0xFFFFF800  }
0x76: {  	_ =	swait.ge [sflag:s22], $0x800  }
0x77: {  	[sflag:s22] =	ssyncset.done $0x0  }
0x78: {  	[sflag:s22] =	ssyncadd.s32 $0xFFFFF800  }
0x79: {  	_ =	swait.ge [sflag:s22], $0x800  }
0x7a: {  	[sflag:s22] =	ssyncset.done $0x0  }
0x7b: {  	[sflag:s22] =	ssyncadd.s32 $0xFFFFF800  }
.Ltmp1:
0x7c: {  	_ =	swait.ge [sflag:s22], $0x800;
	(pc) =	sbr.rel @p0 .LBB2_1-.Ltmp1, $4  }
0x7d: {  	[sflag:s22] =	ssyncset.done $0x0  }
0x7e: {  	[sflag:s22] =	ssyncadd.s32 $0xFFFFF800  }
0x7f: {  	_ =	swait.ge [sflag:s22], $0x800  }
0x80: {  	[sflag:s22] =	ssyncset.done $0x0  }
.LBB2_2:
0x81: {  	[sflag:s22] =	ssyncadd.s32 $0xFFFFF800  }
0x82: {  	_ =	sfence.sel $0x180000  }
0x83: {  	[bflag:$0x0] =	sbarrier.arrive $0xFFFF  }
0x84: {  	p0 =	sne.s32 s0, $0x0;
	_ =	strace $0x90000047  }
0x85: {  	s0 =	sadd.s32 @!p0 $0x100000, s1;
	[bflag:$0x2] =	sbarrier.arrive $0xFFFF  }
0x86: {  	[sflag:s0] =	ssyncadd.tile.s32 @!p0 $0x1;
	_ =	shalt  }
.Lfunc_end2:
_tile_overlayer_lowered:
.L_overlay_start_2:
0x87: {  	(tag) =	ssettag $0x2  }
0x88: {  	s0 =	rddreg [dreg:$0x0];
	s2 =	stileid.u32  }
0x89: {  	s1 =	rddreg [dreg:$0x1];
	p0 =	sne.s32 s2, $0x0  }
0x8a: {  	s3 =	rddreg [dreg:$0x2];
	[bflag:$0x3] =	sbarrier.arrive $0xFFFF;
	s2 =	simm.s32 @!p0 $0x1C02  }
0x8b: {  	[timem:s3], [sflag:s2] =	dma.local @!p0 [hbm:s0], s1  }
0x8c: {  	s0 =	simm.s32 @!p0 $0x2  }
0x8d: {  	_ =	swait.ge @!p0 [sflag:s0], s1  }
0x8e: {  	s1 =	ssub.s32 @!p0 $0x0, s1;
	[sflag:s0] =	ssyncset.done @!p0 $0x0  }
0x8f: {  	[sflag:s0] =	ssyncadd.s32 @!p0 s1  }
0x90: {  	[bflag:$0x3] =	sbarrier.arrive $0xFFFF  }
0x91: {  	_ =	shalt  }

</sc_bundles>
